<compile_context>
chip_gen: v7x
topology: tpu7x:2x2x1
jax: 0.10.2.dev20260603
libtpu: 0.0.44.dev20260713+nightly
codegen_flags: <defaults>
</compile_context>

<pallas_src>
import functools
import math

import jax
import jax.numpy as jnp
from jax import lax
from jax.experimental import pallas as pl
from jax.experimental.pallas import tpu as pltpu
from jax.experimental.pallas import tpu_sc as plsc

VOCAB = 1_000_000
DIM = 64
BATCH = 4096
SEQ = 200
NC, NS = 2, 16
NW = NC * NS
BBLK = BATCH // NW
NBUF = 4
SCALE = math.sqrt(DIM)

_mesh = plsc.VectorSubcoreMesh(
    core_axis_name="c", subcore_axis_name="s", num_cores=NC, num_subcores=NS
)


PADB = BBLK + 9


@functools.partial(
    pl.kernel,
    out_type=jax.ShapeDtypeStruct((SEQ, DIM // 8, NW, 8, BBLK), jnp.float32),
    mesh=_mesh,
    compiler_params=pltpu.CompilerParams(
        use_tc_tiling_on_sc=False,
        needs_layout_passes=False,
        disable_bounds_checks=True,
    ),
    scratch_types=[
        pltpu.VMEM((SEQ, BBLK), jnp.int32),
        pltpu.VMEM((NBUF, BBLK, DIM), jnp.float32),
        pltpu.VMEM((NBUF, DIM // 8, 8, PADB), jnp.float32),
        [pltpu.SemaphoreType.DMA] * NBUF,
        [pltpu.SemaphoreType.DMA] * NBUF,
    ],
)
def _embed(ids_hbm, tab_hbm, out_hbm, idx_v, gbuf, obuf, gsem, osem):
    wid = lax.axis_index("s") * NC + lax.axis_index("c")
    pltpu.sync_copy(ids_hbm.at[:, pl.ds(wid * BBLK, BBLK)], idx_v)

    lane = lax.broadcasted_iota(jnp.int32, (16,), 0)
    dh_idx = [lax.shift_right_logical(lane, 3) + 2 * g for g in range(DIM // 16)]
    dl_idx = lax.bitwise_and(lane, 7)

    for b in range(NBUF):
        pltpu.async_copy(tab_hbm.at[idx_v.at[b]], gbuf.at[b], gsem[b])

    def transpose_scale(b):
        def t_body(tok, carry):
            tokv = jnp.full((16,), tok, jnp.int32)
            for g in range(DIM // 16):
                vals = gbuf[b, tok, pl.ds(g * 16, 16)]
                plsc.store_scatter(
                    obuf.at[b], [dh_idx[g], dl_idx, tokv], vals * SCALE
                )
            return carry

        lax.fori_loop(0, BBLK, t_body, 0, unroll=8)

    def chunk_body(t, carry):
        for b in range(NBUF):
            s = t * NBUF + b
            pltpu.make_async_copy(
                tab_hbm.at[pl.ds(0, BBLK)], gbuf.at[b], gsem[b]
            ).wait()

            @pl.when(t > 0)
            def _():
                pltpu.make_async_copy(
                    obuf.at[b, :, :, pl.ds(0, BBLK)], out_hbm.at[0, :, 0], osem[b]
                ).wait()

            transpose_scale(b)

            pltpu.async_copy(
                obuf.at[b, :, :, pl.ds(0, BBLK)], out_hbm.at[s, :, wid], osem[b]
            )

            @pl.when(t < SEQ // NBUF - 1)
            def _():
                pltpu.async_copy(
                    tab_hbm.at[idx_v.at[s + NBUF]], gbuf.at[b], gsem[b]
                )
        return carry

    lax.fori_loop(0, SEQ // NBUF, chunk_body, 0)

    for b in range(NBUF):
        pltpu.make_async_copy(
            obuf.at[b, :, :, pl.ds(0, BBLK)], out_hbm.at[0, :, 0], osem[b]
        ).wait()


def kernel(token_ids_batch, embeddings_table):
    ids_t = token_ids_batch.astype(jnp.int32).T
    out5 = _embed(ids_t, embeddings_table)
    out = (
        out5.reshape(SEQ, DIM // 8, NW, 8, BBLK)
        .transpose(2, 4, 0, 1, 3)
        .reshape(BATCH, SEQ, DIM)
    )
    return out

# --- scband reference (transcript-rebuilt; emitter-appended) ---
"""Pipeline reference for scband-embedding-24498493456582 (READ-ONLY COPY).

The authoritative reference and input builder live on the scoring server;
editing this copy changes nothing except your own understanding.
"""

import math
import jax, jax.numpy as jnp
import numpy as np

VOCAB_SIZE = 1000000
MODEL_DIM = 64
BATCH = 4096
SEQ_LEN = 200


def setup_inputs(seed: int = 0) -> dict:
    key = jax.random.key(seed)
    k_idx, k_tab = jax.random.split(key)
    token_ids_batch = jax.random.randint(k_idx, (BATCH, SEQ_LEN), 0, VOCAB_SIZE, dtype=jnp.int64 if jax.config.jax_enable_x64 else jnp.int32)
    embeddings_table = jax.random.normal(k_tab, (VOCAB_SIZE, MODEL_DIM), dtype=jnp.float32)
    return {"token_ids_batch": token_ids_batch, "embeddings_table": embeddings_table}


def reference(token_ids_batch, embeddings_table):
    assert token_ids_batch.ndim == 2
    emb = jnp.take(embeddings_table, token_ids_batch, axis=0)
    return emb * math.sqrt(MODEL_DIM)

if __name__ == "__main__":
    import jax
    _d = setup_inputs()
    print(jax.jit(kernel)(*tuple(_d.values())))

</pallas_src>

<mosaic_0001>
#map = affine_map<(d0, d1) -> (0, 0)>
#map1 = affine_map<(d0, d1) -> (0, 0, 0, 0, 0)>
module attributes {stable_mosaic.version = 14 : i64} {
  func.func @_embed(%arg0: i32, %arg1: i32, %arg2: memref<200x4096xi32, #tpu.memory_space<hbm>>, %arg3: memref<1000000x64xf32, #tpu.memory_space<hbm>>, %arg4: memref<200x8x32x8x128xf32, #tpu.memory_space<hbm>>, %arg5: memref<200x128xi32, #tpu.memory_space<vmem>>, %arg6: memref<4x128x64xf32, #tpu.memory_space<vmem>>, %arg7: memref<4x8x8x137xf32, #tpu.memory_space<vmem>>, %arg8: memref<!tpu.dma_semaphore, #tpu.memory_space<semaphore_mem>>, %arg9: memref<!tpu.dma_semaphore, #tpu.memory_space<semaphore_mem>>, %arg10: memref<!tpu.dma_semaphore, #tpu.memory_space<semaphore_mem>>, %arg11: memref<!tpu.dma_semaphore, #tpu.memory_space<semaphore_mem>>, %arg12: memref<!tpu.dma_semaphore, #tpu.memory_space<semaphore_mem>>, %arg13: memref<!tpu.dma_semaphore, #tpu.memory_space<semaphore_mem>>, %arg14: memref<!tpu.dma_semaphore, #tpu.memory_space<semaphore_mem>>, %arg15: memref<!tpu.dma_semaphore, #tpu.memory_space<semaphore_mem>>) attributes {dimension_semantics = [#tpu.dimension_semantics<core_parallel>, #tpu.dimension_semantics<subcore_parallel>], iteration_bounds = array<i64: 2, 16>, scalar_prefetch = 0 : i64, scratch_operands = 11 : i64, tpu.core_type = #tpu.core_type<sc_vector_subcore>, window_params = [{transform_indices = #map}, {transform_indices = #map}, {transform_indices = #map1}]} {
    %mul3A = arith.constant 2 : i32
    %mul3A_0 = arith.muli %arg1, %mul3A : i32
    %add3A = arith.addi %mul3A_0, %arg0 : i32
    %mul3A_1 = arith.constant 128 : i32
    %mul3A_2 = arith.muli %add3A, %mul3A_1 : i32
    "tpu.region"() ({
      %run_scoped3A = tpu.sem_alloc : memref<!tpu.dma_semaphore, #tpu.memory_space<semaphore_mem>>
      %dma_start3A_171 = arith.constant 0 : i32
      %dma_start3A_172 = tpu.memref_slice %arg2[%dma_start3A_171, %mul3A_2] : memref<200x4096xi32, #tpu.memory_space<hbm>> -> memref<200x128xi32, #tpu.memory_space<hbm>>
      %dma_start3A_173 = arith.constant 0 : i32
      %dma_start3A_174 = tpu.memref_slice %arg2[%dma_start3A_173, %mul3A_2] : memref<200x4096xi32, #tpu.memory_space<hbm>> -> memref<200x128xi32, #tpu.memory_space<hbm>>
      tpu.enqueue_dma source(%dma_start3A_174 : memref<200x128xi32, #tpu.memory_space<hbm>>) target(%arg5 : memref<200x128xi32, #tpu.memory_space<vmem>>) target_semaphore(%run_scoped3A : memref<!tpu.dma_semaphore, #tpu.memory_space<semaphore_mem>>)
      %dma_wait3A_175 = arith.constant 0 : i32
      %dma_wait3A_176 = tpu.memref_slice %arg2[%dma_wait3A_175, %mul3A_2] : memref<200x4096xi32, #tpu.memory_space<hbm>> -> memref<200x128xi32, #tpu.memory_space<hbm>>
      %dma_wait3A_177 = arith.constant 0 : i32
      %dma_wait3A_178 = tpu.memref_slice %arg2[%dma_wait3A_177, %mul3A_2] : memref<200x4096xi32, #tpu.memory_space<hbm>> -> memref<200x128xi32, #tpu.memory_space<hbm>>
      tpu.wait_dma2 semaphore(%run_scoped3A : memref<!tpu.dma_semaphore, #tpu.memory_space<semaphore_mem>>) src(%dma_wait3A_178 : memref<200x128xi32, #tpu.memory_space<hbm>>) dst(%arg5 : memref<200x128xi32, #tpu.memory_space<vmem>>)
      tpu.yield
    }) : () -> ()
    %iota3A = tpu.iota {dimensions = array<i32: 0>} : vector<16xi32>
    %shift_right_logical3A = arith.constant 3 : i32
    %shift_right_logical3A_3 = vector.broadcast %shift_right_logical3A : i32 to vector<16xi32>
    %shift_right_logical3A_4 = arith.shrui %iota3A, %shift_right_logical3A_3 : vector<16xi32>
    %add3A_5 = arith.constant 0 : i32
    %add3A_6 = vector.broadcast %add3A_5 : i32 to vector<16xi32>
    %add3A_7 = arith.addi %shift_right_logical3A_4, %add3A_6 : vector<16xi32>
    %shift_right_logical3A_8 = arith.constant 3 : i32
    %shift_right_logical3A_9 = vector.broadcast %shift_right_logical3A_8 : i32 to vector<16xi32>
    %shift_right_logical3A_10 = arith.shrui %iota3A, %shift_right_logical3A_9 : vector<16xi32>
    %add3A_11 = arith.constant 2 : i32
    %add3A_12 = vector.broadcast %add3A_11 : i32 to vector<16xi32>
    %add3A_13 = arith.addi %shift_right_logical3A_10, %add3A_12 : vector<16xi32>
    %shift_right_logical3A_14 = arith.constant 3 : i32
    %shift_right_logical3A_15 = vector.broadcast %shift_right_logical3A_14 : i32 to vector<16xi32>
    %shift_right_logical3A_16 = arith.shrui %iota3A, %shift_right_logical3A_15 : vector<16xi32>
    %add3A_17 = arith.constant 4 : i32
    %add3A_18 = vector.broadcast %add3A_17 : i32 to vector<16xi32>
    %add3A_19 = arith.addi %shift_right_logical3A_16, %add3A_18 : vector<16xi32>
    %shift_right_logical3A_20 = arith.constant 3 : i32
    %shift_right_logical3A_21 = vector.broadcast %shift_right_logical3A_20 : i32 to vector<16xi32>
    %shift_right_logical3A_22 = arith.shrui %iota3A, %shift_right_logical3A_21 : vector<16xi32>
    %add3A_23 = arith.constant 6 : i32
    %add3A_24 = vector.broadcast %add3A_23 : i32 to vector<16xi32>
    %add3A_25 = arith.addi %shift_right_logical3A_22, %add3A_24 : vector<16xi32>
    %and3A = arith.constant 7 : i32
    %and3A_26 = vector.broadcast %and3A : i32 to vector<16xi32>
    %and3A_27 = arith.andi %iota3A, %and3A_26 : vector<16xi32>
    %dma_start3A = arith.constant 0 : i32
    %dma_start3A_28 = arith.constant 0 : i32
    %dma_start3A_29 = arith.constant 0 : i32
    %dma_start3A_30 = arith.constant 0 : i32
    %dma_start3A_31 = tpu.memref_slice %arg6[%dma_start3A_28, %dma_start3A_29, %dma_start3A_30] : memref<4x128x64xf32, #tpu.memory_space<vmem>> -> memref<1x128x64xf32, #tpu.memory_space<vmem>>
    %dma_start3A_32 = tpu.memref_squeeze %dma_start3A_31 : memref<1x128x64xf32, #tpu.memory_space<vmem>> -> memref<128x64xf32, #tpu.memory_space<vmem>>
    %dma_start3A_33 = arith.constant 0 : i32
    %dma_start3A_34 = tpu.memref_slice %arg5[%dma_start3A, %dma_start3A_33] : memref<200x128xi32, #tpu.memory_space<vmem>> -> memref<1x128xi32, #tpu.memory_space<vmem>>
    %dma_start3A_35 = tpu.memref_squeeze %dma_start3A_34 : memref<1x128xi32, #tpu.memory_space<vmem>> -> memref<128xi32, #tpu.memory_space<vmem>>
    %dma_start3A_36 = arith.constant 0 : i32
    %dma_start3A_37 = arith.constant 0 : i32
    %dma_start3A_38 = tpu.memref_slice %arg3[%dma_start3A_36, %dma_start3A_37] : memref<1000000x64xf32, #tpu.memory_space<hbm>> -> memref<1000000x64xf32, #tpu.memory_space<hbm>>
    tpu.enqueue_indirect_dma source(%dma_start3A_38 : memref<1000000x64xf32, #tpu.memory_space<hbm>>) target(%dma_start3A_32 : memref<128x64xf32, #tpu.memory_space<vmem>>) offsets(%dma_start3A_35 : memref<128xi32, #tpu.memory_space<vmem>>) semaphore(%arg8 : memref<!tpu.dma_semaphore, #tpu.memory_space<semaphore_mem>>)
    %dma_start3A_39 = arith.constant 1 : i32
    %dma_start3A_40 = arith.constant 1 : i32
    %dma_start3A_41 = arith.constant 0 : i32
    %dma_start3A_42 = arith.constant 0 : i32
    %dma_start3A_43 = tpu.memref_slice %arg6[%dma_start3A_40, %dma_start3A_41, %dma_start3A_42] : memref<4x128x64xf32, #tpu.memory_space<vmem>> -> memref<1x128x64xf32, #tpu.memory_space<vmem>>
    %dma_start3A_44 = tpu.memref_squeeze %dma_start3A_43 : memref<1x128x64xf32, #tpu.memory_space<vmem>> -> memref<128x64xf32, #tpu.memory_space<vmem>>
    %dma_start3A_45 = arith.constant 0 : i32
    %dma_start3A_46 = tpu.memref_slice %arg5[%dma_start3A_39, %dma_start3A_45] : memref<200x128xi32, #tpu.memory_space<vmem>> -> memref<1x128xi32, #tpu.memory_space<vmem>>
    %dma_start3A_47 = tpu.memref_squeeze %dma_start3A_46 : memref<1x128xi32, #tpu.memory_space<vmem>> -> memref<128xi32, #tpu.memory_space<vmem>>
    %dma_start3A_48 = arith.constant 0 : i32
    %dma_start3A_49 = arith.constant 0 : i32
    %dma_start3A_50 = tpu.memref_slice %arg3[%dma_start3A_48, %dma_start3A_49] : memref<1000000x64xf32, #tpu.memory_space<hbm>> -> memref<1000000x64xf32, #tpu.memory_space<hbm>>
    tpu.enqueue_indirect_dma source(%dma_start3A_50 : memref<1000000x64xf32, #tpu.memory_space<hbm>>) target(%dma_start3A_44 : memref<128x64xf32, #tpu.memory_space<vmem>>) offsets(%dma_start3A_47 : memref<128xi32, #tpu.memory_space<vmem>>) semaphore(%arg9 : memref<!tpu.dma_semaphore, #tpu.memory_space<semaphore_mem>>)
    %dma_start3A_51 = arith.constant 2 : i32
    %dma_start3A_52 = arith.constant 2 : i32
    %dma_start3A_53 = arith.constant 0 : i32
    %dma_start3A_54 = arith.constant 0 : i32
    %dma_start3A_55 = tpu.memref_slice %arg6[%dma_start3A_52, %dma_start3A_53, %dma_start3A_54] : memref<4x128x64xf32, #tpu.memory_space<vmem>> -> memref<1x128x64xf32, #tpu.memory_space<vmem>>
    %dma_start3A_56 = tpu.memref_squeeze %dma_start3A_55 : memref<1x128x64xf32, #tpu.memory_space<vmem>> -> memref<128x64xf32, #tpu.memory_space<vmem>>
    %dma_start3A_57 = arith.constant 0 : i32
    %dma_start3A_58 = tpu.memref_slice %arg5[%dma_start3A_51, %dma_start3A_57] : memref<200x128xi32, #tpu.memory_space<vmem>> -> memref<1x128xi32, #tpu.memory_space<vmem>>
    %dma_start3A_59 = tpu.memref_squeeze %dma_start3A_58 : memref<1x128xi32, #tpu.memory_space<vmem>> -> memref<128xi32, #tpu.memory_space<vmem>>
    %dma_start3A_60 = arith.constant 0 : i32
    %dma_start3A_61 = arith.constant 0 : i32
    %dma_start3A_62 = tpu.memref_slice %arg3[%dma_start3A_60, %dma_start3A_61] : memref<1000000x64xf32, #tpu.memory_space<hbm>> -> memref<1000000x64xf32, #tpu.memory_space<hbm>>
    tpu.enqueue_indirect_dma source(%dma_start3A_62 : memref<1000000x64xf32, #tpu.memory_space<hbm>>) target(%dma_start3A_56 : memref<128x64xf32, #tpu.memory_space<vmem>>) offsets(%dma_start3A_59 : memref<128xi32, #tpu.memory_space<vmem>>) semaphore(%arg10 : memref<!tpu.dma_semaphore, #tpu.memory_space<semaphore_mem>>)
    %dma_start3A_63 = arith.constant 3 : i32
    %dma_start3A_64 = arith.constant 3 : i32
    %dma_start3A_65 = arith.constant 0 : i32
    %dma_start3A_66 = arith.constant 0 : i32
    %dma_start3A_67 = tpu.memref_slice %arg6[%dma_start3A_64, %dma_start3A_65, %dma_start3A_66] : memref<4x128x64xf32, #tpu.memory_space<vmem>> -> memref<1x128x64xf32, #tpu.memory_space<vmem>>
    %dma_start3A_68 = tpu.memref_squeeze %dma_start3A_67 : memref<1x128x64xf32, #tpu.memory_space<vmem>> -> memref<128x64xf32, #tpu.memory_space<vmem>>
    %dma_start3A_69 = arith.constant 0 : i32
    %dma_start3A_70 = tpu.memref_slice %arg5[%dma_start3A_63, %dma_start3A_69] : memref<200x128xi32, #tpu.memory_space<vmem>> -> memref<1x128xi32, #tpu.memory_space<vmem>>
    %dma_start3A_71 = tpu.memref_squeeze %dma_start3A_70 : memref<1x128xi32, #tpu.memory_space<vmem>> -> memref<128xi32, #tpu.memory_space<vmem>>
    %dma_start3A_72 = arith.constant 0 : i32
    %dma_start3A_73 = arith.constant 0 : i32
    %dma_start3A_74 = tpu.memref_slice %arg3[%dma_start3A_72, %dma_start3A_73] : memref<1000000x64xf32, #tpu.memory_space<hbm>> -> memref<1000000x64xf32, #tpu.memory_space<hbm>>
    tpu.enqueue_indirect_dma source(%dma_start3A_74 : memref<1000000x64xf32, #tpu.memory_space<hbm>>) target(%dma_start3A_68 : memref<128x64xf32, #tpu.memory_space<vmem>>) offsets(%dma_start3A_71 : memref<128xi32, #tpu.memory_space<vmem>>) semaphore(%arg11 : memref<!tpu.dma_semaphore, #tpu.memory_space<semaphore_mem>>)
    %scan3A = arith.constant 0 : i32
    %scan3A_75 = arith.constant 0 : i32
    %scan3A_76 = arith.constant 50 : i32
    %scan3A_77 = arith.addi %scan3A_75, %scan3A_76 : i32
    %scan3A_78 = arith.constant 1 : i32
    scf.for %scan3A_171 = %scan3A_75 to %scan3A_77 step %scan3A_78  : i32 {
      %mul3A_172 = arith.constant 4 : i32
      %mul3A_173 = arith.muli %scan3A_171, %mul3A_172 : i32
      %add3A_174 = arith.constant 0 : i32
      %add3A_175 = arith.addi %mul3A_173, %add3A_174 : i32
      %dma_wait3A_176 = arith.constant 0 : i32
      %dma_wait3A_177 = arith.constant 0 : i32
      %dma_wait3A_178 = arith.constant 0 : i32
      %dma_wait3A_179 = tpu.memref_slice %arg6[%dma_wait3A_176, %dma_wait3A_177, %dma_wait3A_178] : memref<4x128x64xf32, #tpu.memory_space<vmem>> -> memref<1x128x64xf32, #tpu.memory_space<vmem>>
      %dma_wait3A_180 = tpu.memref_squeeze %dma_wait3A_179 : memref<1x128x64xf32, #tpu.memory_space<vmem>> -> memref<128x64xf32, #tpu.memory_space<vmem>>
      %dma_wait3A_181 = arith.constant 0 : i32
      %dma_wait3A_182 = arith.constant 0 : i32
      %dma_wait3A_183 = tpu.memref_slice %arg3[%dma_wait3A_181, %dma_wait3A_182] : memref<1000000x64xf32, #tpu.memory_space<hbm>> -> memref<128x64xf32, #tpu.memory_space<hbm>>
      %dma_wait3A_184 = arith.constant 0 : i32
      %dma_wait3A_185 = arith.constant 0 : i32
      %dma_wait3A_186 = tpu.memref_slice %arg6[%dma_wait3A_176, %dma_wait3A_184, %dma_wait3A_185] : memref<4x128x64xf32, #tpu.memory_space<vmem>> -> memref<1x128x64xf32, #tpu.memory_space<vmem>>
      %dma_wait3A_187 = tpu.memref_squeeze %dma_wait3A_186 : memref<1x128x64xf32, #tpu.memory_space<vmem>> -> memref<128x64xf32, #tpu.memory_space<vmem>>
      %dma_wait3A_188 = arith.constant 0 : i32
      %dma_wait3A_189 = arith.constant 0 : i32
      %dma_wait3A_190 = tpu.memref_slice %arg3[%dma_wait3A_188, %dma_wait3A_189] : memref<1000000x64xf32, #tpu.memory_space<hbm>> -> memref<128x64xf32, #tpu.memory_space<hbm>>
      tpu.wait_dma2 semaphore(%arg8 : memref<!tpu.dma_semaphore, #tpu.memory_space<semaphore_mem>>) src(%dma_wait3A_190 : memref<128x64xf32, #tpu.memory_space<hbm>>) dst(%dma_wait3A_187 : memref<128x64xf32, #tpu.memory_space<vmem>>)
      %gt3A = arith.constant 0 : i32
      %gt3A_191 = arith.cmpi sgt, %scan3A_171, %gt3A : i32
      %convert_element_type3A = arith.extui %gt3A_191 : i1 to i32
      %cond3A = arith.constant 0 : i32
      %cond3A_192 = arith.cmpi ne, %convert_element_type3A, %cond3A : i32
      scf.if %cond3A_192 {
        %dma_wait3A_392 = arith.constant 0 : i32
        %dma_wait3A_393 = arith.constant 0 : i32
        %dma_wait3A_394 = arith.constant 0 : i32
        %dma_wait3A_395 = arith.constant 0 : i32
        %dma_wait3A_396 = arith.constant 0 : i32
        %dma_wait3A_397 = arith.constant 0 : i32
        %dma_wait3A_398 = tpu.memref_slice %arg7[%dma_wait3A_392, %dma_wait3A_395, %dma_wait3A_396, %dma_wait3A_397] : memref<4x8x8x137xf32, #tpu.memory_space<vmem>> -> memref<1x8x8x128xf32, #tpu.memory_space<vmem>>
        %dma_wait3A_399 = tpu.memref_squeeze %dma_wait3A_398 : memref<1x8x8x128xf32, #tpu.memory_space<vmem>> -> memref<8x8x128xf32, #tpu.memory_space<vmem>>
        %dma_wait3A_400 = arith.constant 0 : i32
        %dma_wait3A_401 = arith.constant 0 : i32
        %dma_wait3A_402 = arith.constant 0 : i32
        %dma_wait3A_403 = tpu.memref_slice %arg4[%dma_wait3A_393, %dma_wait3A_400, %dma_wait3A_394, %dma_wait3A_401, %dma_wait3A_402] : memref<200x8x32x8x128xf32, #tpu.memory_space<hbm>> -> memref<1x8x1x8x128xf32, #tpu.memory_space<hbm>>
        %dma_wait3A_404 = tpu.memref_squeeze %dma_wait3A_403 : memref<1x8x1x8x128xf32, #tpu.memory_space<hbm>> -> memref<8x8x128xf32, #tpu.memory_space<hbm>>
        %dma_wait3A_405 = arith.constant 0 : i32
        %dma_wait3A_406 = arith.constant 0 : i32
        %dma_wait3A_407 = arith.constant 0 : i32
        %dma_wait3A_408 = tpu.memref_slice %arg4[%dma_wait3A_393, %dma_wait3A_405, %dma_wait3A_394, %dma_wait3A_406, %dma_wait3A_407] : memref<200x8x32x8x128xf32, #tpu.memory_space<hbm>> -> memref<1x8x1x8x128xf32, #tpu.memory_space<hbm>>
        %dma_wait3A_409 = tpu.memref_squeeze %dma_wait3A_408 : memref<1x8x1x8x128xf32, #tpu.memory_space<hbm>> -> memref<8x8x128xf32, #tpu.memory_space<hbm>>
        %dma_wait3A_410 = arith.constant 0 : i32
        %dma_wait3A_411 = arith.constant 0 : i32
        %dma_wait3A_412 = arith.constant 0 : i32
        %dma_wait3A_413 = tpu.memref_slice %arg7[%dma_wait3A_392, %dma_wait3A_410, %dma_wait3A_411, %dma_wait3A_412] : memref<4x8x8x137xf32, #tpu.memory_space<vmem>> -> memref<1x8x8x128xf32, #tpu.memory_space<vmem>>
        %dma_wait3A_414 = tpu.memref_squeeze %dma_wait3A_413 : memref<1x8x8x128xf32, #tpu.memory_space<vmem>> -> memref<8x8x128xf32, #tpu.memory_space<vmem>>
        tpu.wait_dma2 semaphore(%arg12 : memref<!tpu.dma_semaphore, #tpu.memory_space<semaphore_mem>>) src(%dma_wait3A_414 : memref<8x8x128xf32, #tpu.memory_space<vmem>>) dst(%dma_wait3A_409 : memref<8x8x128xf32, #tpu.memory_space<hbm>>)
      } else {
      }
      %scan3A_193 = arith.constant 0 : i32
      %scan3A_194 = arith.constant 0 : i32
      %scan3A_195 = arith.constant 128 : i32
      %scan3A_196 = arith.addi %scan3A_194, %scan3A_195 : i32
      %scan3A_197 = arith.constant 8 : i32
      scf.for %scan3A_392 = %scan3A_194 to %scan3A_196 step %scan3A_197  : i32 {
        %broadcast_in_dim3A = vector.broadcast %scan3A_392 : i32 to vector<16xi32>
        %get3A = arith.constant 0 : i32
        %get3A_393 = arith.index_cast %get3A : i32 to index
        %get3A_394 = arith.index_cast %scan3A_392 : i32 to index
        %get3A_395 = arith.constant 0 : index
        %get3A_396 = tpu.vector_load %arg6[%get3A_393, %get3A_394, %get3A_395] {strides = array<i32>} : memref<4x128x64xf32, #tpu.memory_space<vmem>>, vector<16xf32>,
        %mul3A_397 = arith.constant 8.000000e+00 : f32
        %mul3A_398 = vector.broadcast %mul3A_397 : f32 to vector<16xf32>
        %mul3A_399 = arith.mulf %get3A_396, %mul3A_398 : vector<16xf32>
        %scatter3A = arith.constant 0 : i32
        %scatter3A_400 = arith.constant 0 : i32
        %scatter3A_401 = arith.constant 0 : i32
        %scatter3A_402 = arith.constant 0 : i32
        %scatter3A_403 = tpu.memref_slice %arg7[%scatter3A, %scatter3A_400, %scatter3A_401, %scatter3A_402] : memref<4x8x8x137xf32, #tpu.memory_space<vmem>> -> memref<1x8x8x137xf32, #tpu.memory_space<vmem>>
        %scatter3A_404 = tpu.memref_squeeze %scatter3A_403 : memref<1x8x8x137xf32, #tpu.memory_space<vmem>> -> memref<8x8x137xf32, #tpu.memory_space<vmem>>
        tpu.vector_store_idx %scatter3A_404[%add3A_7, %and3A_27, %broadcast_in_dim3A], %mul3A_399 : memref<8x8x137xf32, #tpu.memory_space<vmem>>[vector<16xi32>, vector<16xi32>, vector<16xi32>], vector<16xf32>,
        %get3A_405 = arith.constant 0 : i32
        %get3A_406 = arith.index_cast %get3A_405 : i32 to index
        %get3A_407 = arith.index_cast %scan3A_392 : i32 to index
        %get3A_408 = arith.constant 16 : index
        %get3A_409 = tpu.vector_load %arg6[%get3A_406, %get3A_407, %get3A_408] {strides = array<i32>} : memref<4x128x64xf32, #tpu.memory_space<vmem>>, vector<16xf32>,
        %mul3A_410 = arith.constant 8.000000e+00 : f32
        %mul3A_411 = vector.broadcast %mul3A_410 : f32 to vector<16xf32>
        %mul3A_412 = arith.mulf %get3A_409, %mul3A_411 : vector<16xf32>
        %scatter3A_413 = arith.constant 0 : i32
        %scatter3A_414 = arith.constant 0 : i32
        %scatter3A_415 = arith.constant 0 : i32
        %scatter3A_416 = arith.constant 0 : i32
        %scatter3A_417 = tpu.memref_slice %arg7[%scatter3A_413, %scatter3A_414, %scatter3A_415, %scatter3A_416] : memref<4x8x8x137xf32, #tpu.memory_space<vmem>> -> memref<1x8x8x137xf32, #tpu.memory_space<vmem>>
        %scatter3A_418 = tpu.memref_squeeze %scatter3A_417 : memref<1x8x8x137xf32, #tpu.memory_space<vmem>> -> memref<8x8x137xf32, #tpu.memory_space<vmem>>
        tpu.vector_store_idx %scatter3A_418[%add3A_13, %and3A_27, %broadcast_in_dim3A], %mul3A_412 : memref<8x8x137xf32, #tpu.memory_space<vmem>>[vector<16xi32>, vector<16xi32>, vector<16xi32>], vector<16xf32>,
        %get3A_419 = arith.constant 0 : i32
        %get3A_420 = arith.index_cast %get3A_419 : i32 to index
        %get3A_421 = arith.index_cast %scan3A_392 : i32 to index
        %get3A_422 = arith.constant 32 : index
        %get3A_423 = tpu.vector_load %arg6[%get3A_420, %get3A_421, %get3A_422] {strides = array<i32>} : memref<4x128x64xf32, #tpu.memory_space<vmem>>, vector<16xf32>,
        %mul3A_424 = arith.constant 8.000000e+00 : f32
        %mul3A_425 = vector.broadcast %mul3A_424 : f32 to vector<16xf32>
        %mul3A_426 = arith.mulf %get3A_423, %mul3A_425 : vector<16xf32>
        %scatter3A_427 = arith.constant 0 : i32
        %scatter3A_428 = arith.constant 0 : i32
        %scatter3A_429 = arith.constant 0 : i32
        %scatter3A_430 = arith.constant 0 : i32
        %scatter3A_431 = tpu.memref_slice %arg7[%scatter3A_427, %scatter3A_428, %scatter3A_429, %scatter3A_430] : memref<4x8x8x137xf32, #tpu.memory_space<vmem>> -> memref<1x8x8x137xf32, #tpu.memory_space<vmem>>
        %scatter3A_432 = tpu.memref_squeeze %scatter3A_431 : memref<1x8x8x137xf32, #tpu.memory_space<vmem>> -> memref<8x8x137xf32, #tpu.memory_space<vmem>>
        tpu.vector_store_idx %scatter3A_432[%add3A_19, %and3A_27, %broadcast_in_dim3A], %mul3A_426 : memref<8x8x137xf32, #tpu.memory_space<vmem>>[vector<16xi32>, vector<16xi32>, vector<16xi32>], vector<16xf32>,
        %get3A_433 = arith.constant 0 : i32
        %get3A_434 = arith.index_cast %get3A_433 : i32 to index
        %get3A_435 = arith.index_cast %scan3A_392 : i32 to index
        %get3A_436 = arith.constant 48 : index
        %get3A_437 = tpu.vector_load %arg6[%get3A_434, %get3A_435, %get3A_436] {strides = array<i32>} : memref<4x128x64xf32, #tpu.memory_space<vmem>>, vector<16xf32>,
        %mul3A_438 = arith.constant 8.000000e+00 : f32
        %mul3A_439 = vector.broadcast %mul3A_438 : f32 to vector<16xf32>
        %mul3A_440 = arith.mulf %get3A_437, %mul3A_439 : vector<16xf32>
        %scatter3A_441 = arith.constant 0 : i32
        %scatter3A_442 = arith.constant 0 : i32
        %scatter3A_443 = arith.constant 0 : i32
        %scatter3A_444 = arith.constant 0 : i32
        %scatter3A_445 = tpu.memref_slice %arg7[%scatter3A_441, %scatter3A_442, %scatter3A_443, %scatter3A_444] : memref<4x8x8x137xf32, #tpu.memory_space<vmem>> -> memref<1x8x8x137xf32, #tpu.memory_space<vmem>>
        %scatter3A_446 = tpu.memref_squeeze %scatter3A_445 : memref<1x8x8x137xf32, #tpu.memory_space<vmem>> -> memref<8x8x137xf32, #tpu.memory_space<vmem>>
        tpu.vector_store_idx %scatter3A_446[%add3A_25, %and3A_27, %broadcast_in_dim3A], %mul3A_440 : memref<8x8x137xf32, #tpu.memory_space<vmem>>[vector<16xi32>, vector<16xi32>, vector<16xi32>], vector<16xf32>,
        %scan3A_447 = arith.constant 1 : i32
        %scan3A_448 = arith.addi %scan3A_392, %scan3A_447 : i32
        %broadcast_in_dim3A_449 = vector.broadcast %scan3A_448 : i32 to vector<16xi32>
        %get3A_450 = arith.constant 0 : i32
        %get3A_451 = arith.index_cast %get3A_450 : i32 to index
        %get3A_452 = arith.index_cast %scan3A_448 : i32 to index
        %get3A_453 = arith.constant 0 : index
        %get3A_454 = tpu.vector_load %arg6[%get3A_451, %get3A_452, %get3A_453] {strides = array<i32>} : memref<4x128x64xf32, #tpu.memory_space<vmem>>, vector<16xf32>,
        %mul3A_455 = arith.constant 8.000000e+00 : f32
        %mul3A_456 = vector.broadcast %mul3A_455 : f32 to vector<16xf32>
        %mul3A_457 = arith.mulf %get3A_454, %mul3A_456 : vector<16xf32>
        %scatter3A_458 = arith.constant 0 : i32
        %scatter3A_459 = arith.constant 0 : i32
        %scatter3A_460 = arith.constant 0 : i32
        %scatter3A_461 = arith.constant 0 : i32
        %scatter3A_462 = tpu.memref_slice %arg7[%scatter3A_458, %scatter3A_459, %scatter3A_460, %scatter3A_461] : memref<4x8x8x137xf32, #tpu.memory_space<vmem>> -> memref<1x8x8x137xf32, #tpu.memory_space<vmem>>
        %scatter3A_463 = tpu.memref_squeeze %scatter3A_462 : memref<1x8x8x137xf32, #tpu.memory_space<vmem>> -> memref<8x8x137xf32, #tpu.memory_space<vmem>>
        tpu.vector_store_idx %scatter3A_463[%add3A_7, %and3A_27, %broadcast_in_dim3A_449], %mul3A_457 : memref<8x8x137xf32, #tpu.memory_space<vmem>>[vector<16xi32>, vector<16xi32>, vector<16xi32>], vector<16xf32>,
        %get3A_464 = arith.constant 0 : i32
        %get3A_465 = arith.index_cast %get3A_464 : i32 to index
        %get3A_466 = arith.index_cast %scan3A_448 : i32 to index
        %get3A_467 = arith.constant 16 : index
        %get3A_468 = tpu.vector_load %arg6[%get3A_465, %get3A_466, %get3A_467] {strides = array<i32>} : memref<4x128x64xf32, #tpu.memory_space<vmem>>, vector<16xf32>,
        %mul3A_469 = arith.constant 8.000000e+00 : f32
        %mul3A_470 = vector.broadcast %mul3A_469 : f32 to vector<16xf32>
        %mul3A_471 = arith.mulf %get3A_468, %mul3A_470 : vector<16xf32>
        %scatter3A_472 = arith.constant 0 : i32
        %scatter3A_473 = arith.constant 0 : i32
        %scatter3A_474 = arith.constant 0 : i32
        %scatter3A_475 = arith.constant 0 : i32
        %scatter3A_476 = tpu.memref_slice %arg7[%scatter3A_472, %scatter3A_473, %scatter3A_474, %scatter3A_475] : memref<4x8x8x137xf32, #tpu.memory_space<vmem>> -> memref<1x8x8x137xf32, #tpu.memory_space<vmem>>
        %scatter3A_477 = tpu.memref_squeeze %scatter3A_476 : memref<1x8x8x137xf32, #tpu.memory_space<vmem>> -> memref<8x8x137xf32, #tpu.memory_space<vmem>>
        tpu.vector_store_idx %scatter3A_477[%add3A_13, %and3A_27, %broadcast_in_dim3A_449], %mul3A_471 : memref<8x8x137xf32, #tpu.memory_space<vmem>>[vector<16xi32>, vector<16xi32>, vector<16xi32>], vector<16xf32>,
        %get3A_478 = arith.constant 0 : i32
        %get3A_479 = arith.index_cast %get3A_478 : i32 to index
        %get3A_480 = arith.index_cast %scan3A_448 : i32 to index
        %get3A_481 = arith.constant 32 : index
        %get3A_482 = tpu.vector_load %arg6[%get3A_479, %get3A_480, %get3A_481] {strides = array<i32>} : memref<4x128x64xf32, #tpu.memory_space<vmem>>, vector<16xf32>,
        %mul3A_483 = arith.constant 8.000000e+00 : f32
        %mul3A_484 = vector.broadcast %mul3A_483 : f32 to vector<16xf32>
        %mul3A_485 = arith.mulf %get3A_482, %mul3A_484 : vector<16xf32>
        %scatter3A_486 = arith.constant 0 : i32
        %scatter3A_487 = arith.constant 0 : i32
        %scatter3A_488 = arith.constant 0 : i32
        %scatter3A_489 = arith.constant 0 : i32
        %scatter3A_490 = tpu.memref_slice %arg7[%scatter3A_486, %scatter3A_487, %scatter3A_488, %scatter3A_489] : memref<4x8x8x137xf32, #tpu.memory_space<vmem>> -> memref<1x8x8x137xf32, #tpu.memory_space<vmem>>
        %scatter3A_491 = tpu.memref_squeeze %scatter3A_490 : memref<1x8x8x137xf32, #tpu.memory_space<vmem>> -> memref<8x8x137xf32, #tpu.memory_space<vmem>>
        tpu.vector_store_idx %scatter3A_491[%add3A_19, %and3A_27, %broadcast_in_dim3A_449], %mul3A_485 : memref<8x8x137xf32, #tpu.memory_space<vmem>>[vector<16xi32>, vector<16xi32>, vector<16xi32>], vector<16xf32>,
        %get3A_492 = arith.constant 0 : i32
        %get3A_493 = arith.index_cast %get3A_492 : i32 to index
        %get3A_494 = arith.index_cast %scan3A_448 : i32 to index
        %get3A_495 = arith.constant 48 : index
        %get3A_496 = tpu.vector_load %arg6[%get3A_493, %get3A_494, %get3A_495] {strides = array<i32>} : memref<4x128x64xf32, #tpu.memory_space<vmem>>, vector<16xf32>,
        %mul3A_497 = arith.constant 8.000000e+00 : f32
        %mul3A_498 = vector.broadcast %mul3A_497 : f32 to vector<16xf32>
        %mul3A_499 = arith.mulf %get3A_496, %mul3A_498 : vector<16xf32>
        %scatter3A_500 = arith.constant 0 : i32
        %scatter3A_501 = arith.constant 0 : i32
        %scatter3A_502 = arith.constant 0 : i32
        %scatter3A_503 = arith.constant 0 : i32
        %scatter3A_504 = tpu.memref_slice %arg7[%scatter3A_500, %scatter3A_501, %scatter3A_502, %scatter3A_503] : memref<4x8x8x137xf32, #tpu.memory_space<vmem>> -> memref<1x8x8x137xf32, #tpu.memory_space<vmem>>
        %scatter3A_505 = tpu.memref_squeeze %scatter3A_504 : memref<1x8x8x137xf32, #tpu.memory_space<vmem>> -> memref<8x8x137xf32, #tpu.memory_space<vmem>>
        tpu.vector_store_idx %scatter3A_505[%add3A_25, %and3A_27, %broadcast_in_dim3A_449], %mul3A_499 : memref<8x8x137xf32, #tpu.memory_space<vmem>>[vector<16xi32>, vector<16xi32>, vector<16xi32>], vector<16xf32>,
        %scan3A_506 = arith.constant 2 : i32
        %scan3A_507 = arith.addi %scan3A_392, %scan3A_506 : i32
        %broadcast_in_dim3A_508 = vector.broadcast %scan3A_507 : i32 to vector<16xi32>
        %get3A_509 = arith.constant 0 : i32
        %get3A_510 = arith.index_cast %get3A_509 : i32 to index
        %get3A_511 = arith.index_cast %scan3A_507 : i32 to index
        %get3A_512 = arith.constant 0 : index
        %get3A_513 = tpu.vector_load %arg6[%get3A_510, %get3A_511, %get3A_512] {strides = array<i32>} : memref<4x128x64xf32, #tpu.memory_space<vmem>>, vector<16xf32>,
        %mul3A_514 = arith.constant 8.000000e+00 : f32
        %mul3A_515 = vector.broadcast %mul3A_514 : f32 to vector<16xf32>
        %mul3A_516 = arith.mulf %get3A_513, %mul3A_515 : vector<16xf32>
        %scatter3A_517 = arith.constant 0 : i32
        %scatter3A_518 = arith.constant 0 : i32
        %scatter3A_519 = arith.constant 0 : i32
        %scatter3A_520 = arith.constant 0 : i32
        %scatter3A_521 = tpu.memref_slice %arg7[%scatter3A_517, %scatter3A_518, %scatter3A_519, %scatter3A_520] : memref<4x8x8x137xf32, #tpu.memory_space<vmem>> -> memref<1x8x8x137xf32, #tpu.memory_space<vmem>>
        %scatter3A_522 = tpu.memref_squeeze %scatter3A_521 : memref<1x8x8x137xf32, #tpu.memory_space<vmem>> -> memref<8x8x137xf32, #tpu.memory_space<vmem>>
        tpu.vector_store_idx %scatter3A_522[%add3A_7, %and3A_27, %broadcast_in_dim3A_508], %mul3A_516 : memref<8x8x137xf32, #tpu.memory_space<vmem>>[vector<16xi32>, vector<16xi32>, vector<16xi32>], vector<16xf32>,
        %get3A_523 = arith.constant 0 : i32
        %get3A_524 = arith.index_cast %get3A_523 : i32 to index
        %get3A_525 = arith.index_cast %scan3A_507 : i32 to index
        %get3A_526 = arith.constant 16 : index
        %get3A_527 = tpu.vector_load %arg6[%get3A_524, %get3A_525, %get3A_526] {strides = array<i32>} : memref<4x128x64xf32, #tpu.memory_space<vmem>>, vector<16xf32>,
        %mul3A_528 = arith.constant 8.000000e+00 : f32
        %mul3A_529 = vector.broadcast %mul3A_528 : f32 to vector<16xf32>
        %mul3A_530 = arith.mulf %get3A_527, %mul3A_529 : vector<16xf32>
        %scatter3A_531 = arith.constant 0 : i32
        %scatter3A_532 = arith.constant 0 : i32
        %scatter3A_533 = arith.constant 0 : i32
        %scatter3A_534 = arith.constant 0 : i32
        %scatter3A_535 = tpu.memref_slice %arg7[%scatter3A_531, %scatter3A_532, %scatter3A_533, %scatter3A_534] : memref<4x8x8x137xf32, #tpu.memory_space<vmem>> -> memref<1x8x8x137xf32, #tpu.memory_space<vmem>>
        %scatter3A_536 = tpu.memref_squeeze %scatter3A_535 : memref<1x8x8x137xf32, #tpu.memory_space<vmem>> -> memref<8x8x137xf32, #tpu.memory_space<vmem>>
        tpu.vector_store_idx %scatter3A_536[%add3A_13, %and3A_27, %broadcast_in_dim3A_508], %mul3A_530 : memref<8x8x137xf32, #tpu.memory_space<vmem>>[vector<16xi32>, vector<16xi32>, vector<16xi32>], vector<16xf32>,
        %get3A_537 = arith.constant 0 : i32
        %get3A_538 = arith.index_cast %get3A_537 : i32 to index
        %get3A_539 = arith.index_cast %scan3A_507 : i32 to index
        %get3A_540 = arith.constant 32 : index
        %get3A_541 = tpu.vector_load %arg6[%get3A_538, %get3A_539, %get3A_540] {strides = array<i32>} : memref<4x128x64xf32, #tpu.memory_space<vmem>>, vector<16xf32>,
        %mul3A_542 = arith.constant 8.000000e+00 : f32
        %mul3A_543 = vector.broadcast %mul3A_542 : f32 to vector<16xf32>
        %mul3A_544 = arith.mulf %get3A_541, %mul3A_543 : vector<16xf32>
        %scatter3A_545 = arith.constant 0 : i32
        %scatter3A_546 = arith.constant 0 : i32
        %scatter3A_547 = arith.constant 0 : i32
        %scatter3A_548 = arith.constant 0 : i32
        %scatter3A_549 = tpu.memref_slice %arg7[%scatter3A_545, %scatter3A_546, %scatter3A_547, %scatter3A_548] : memref<4x8x8x137xf32, #tpu.memory_space<vmem>> -> memref<1x8x8x137xf32, #tpu.memory_space<vmem>>
        %scatter3A_550 = tpu.memref_squeeze %scatter3A_549 : memref<1x8x8x137xf32, #tpu.memory_space<vmem>> -> memref<8x8x137xf32, #tpu.memory_space<vmem>>
        tpu.vector_store_idx %scatter3A_550[%add3A_19, %and3A_27, %broadcast_in_dim3A_508], %mul3A_544 : memref<8x8x137xf32, #tpu.memory_space<vmem>>[vector<16xi32>, vector<16xi32>, vector<16xi32>], vector<16xf32>,
        %get3A_551 = arith.constant 0 : i32
        %get3A_552 = arith.index_cast %get3A_551 : i32 to index
        %get3A_553 = arith.index_cast %scan3A_507 : i32 to index
        %get3A_554 = arith.constant 48 : index
        %get3A_555 = tpu.vector_load %arg6[%get3A_552, %get3A_553, %get3A_554] {strides = array<i32>} : memref<4x128x64xf32, #tpu.memory_space<vmem>>, vector<16xf32>,
        %mul3A_556 = arith.constant 8.000000e+00 : f32
        %mul3A_557 = vector.broadcast %mul3A_556 : f32 to vector<16xf32>
        %mul3A_558 = arith.mulf %get3A_555, %mul3A_557 : vector<16xf32>
        %scatter3A_559 = arith.constant 0 : i32
        %scatter3A_560 = arith.constant 0 : i32
        %scatter3A_561 = arith.constant 0 : i32
        %scatter3A_562 = arith.constant 0 : i32
        %scatter3A_563 = tpu.memref_slice %arg7[%scatter3A_559, %scatter3A_560, %scatter3A_561, %scatter3A_562] : memref<4x8x8x137xf32, #tpu.memory_space<vmem>> -> memref<1x8x8x137xf32, #tpu.memory_space<vmem>>
        %scatter3A_564 = tpu.memref_squeeze %scatter3A_563 : memref<1x8x8x137xf32, #tpu.memory_space<vmem>> -> memref<8x8x137xf32, #tpu.memory_space<vmem>>
        tpu.vector_store_idx %scatter3A_564[%add3A_25, %and3A_27, %broadcast_in_dim3A_508], %mul3A_558 : memref<8x8x137xf32, #tpu.memory_space<vmem>>[vector<16xi32>, vector<16xi32>, vector<16xi32>], vector<16xf32>,
        %scan3A_565 = arith.constant 3 : i32
        %scan3A_566 = arith.addi %scan3A_392, %scan3A_565 : i32
        %broadcast_in_dim3A_567 = vector.broadcast %scan3A_566 : i32 to vector<16xi32>
        %get3A_568 = arith.constant 0 : i32
        %get3A_569 = arith.index_cast %get3A_568 : i32 to index
        %get3A_570 = arith.index_cast %scan3A_566 : i32 to index
        %get3A_571 = arith.constant 0 : index
        %get3A_572 = tpu.vector_load %arg6[%get3A_569, %get3A_570, %get3A_571] {strides = array<i32>} : memref<4x128x64xf32, #tpu.memory_space<vmem>>, vector<16xf32>,
        %mul3A_573 = arith.constant 8.000000e+00 : f32
        %mul3A_574 = vector.broadcast %mul3A_573 : f32 to vector<16xf32>
        %mul3A_575 = arith.mulf %get3A_572, %mul3A_574 : vector<16xf32>
        %scatter3A_576 = arith.constant 0 : i32
        %scatter3A_577 = arith.constant 0 : i32
        %scatter3A_578 = arith.constant 0 : i32
        %scatter3A_579 = arith.constant 0 : i32
        %scatter3A_580 = tpu.memref_slice %arg7[%scatter3A_576, %scatter3A_577, %scatter3A_578, %scatter3A_579] : memref<4x8x8x137xf32, #tpu.memory_space<vmem>> -> memref<1x8x8x137xf32, #tpu.memory_space<vmem>>
        %scatter3A_581 = tpu.memref_squeeze %scatter3A_580 : memref<1x8x8x137xf32, #tpu.memory_space<vmem>> -> memref<8x8x137xf32, #tpu.memory_space<vmem>>
        tpu.vector_store_idx %scatter3A_581[%add3A_7, %and3A_27, %broadcast_in_dim3A_567], %mul3A_575 : memref<8x8x137xf32, #tpu.memory_space<vmem>>[vector<16xi32>, vector<16xi32>, vector<16xi32>], vector<16xf32>,
        %get3A_582 = arith.constant 0 : i32
        %get3A_583 = arith.index_cast %get3A_582 : i32 to index
        %get3A_584 = arith.index_cast %scan3A_566 : i32 to index
        %get3A_585 = arith.constant 16 : index
        %get3A_586 = tpu.vector_load %arg6[%get3A_583, %get3A_584, %get3A_585] {strides = array<i32>} : memref<4x128x64xf32, #tpu.memory_space<vmem>>, vector<16xf32>,
        %mul3A_587 = arith.constant 8.000000e+00 : f32
        %mul3A_588 = vector.broadcast %mul3A_587 : f32 to vector<16xf32>
        %mul3A_589 = arith.mulf %get3A_586, %mul3A_588 : vector<16xf32>
        %scatter3A_590 = arith.constant 0 : i32
        %scatter3A_591 = arith.constant 0 : i32
        %scatter3A_592 = arith.constant 0 : i32
        %scatter3A_593 = arith.constant 0 : i32
        %scatter3A_594 = tpu.memref_slice %arg7[%scatter3A_590, %scatter3A_591, %scatter3A_592, %scatter3A_593] : memref<4x8x8x137xf32, #tpu.memory_space<vmem>> -> memref<1x8x8x137xf32, #tpu.memory_space<vmem>>
        %scatter3A_595 = tpu.memref_squeeze %scatter3A_594 : memref<1x8x8x137xf32, #tpu.memory_space<vmem>> -> memref<8x8x137xf32, #tpu.memory_space<vmem>>
        tpu.vector_store_idx %scatter3A_595[%add3A_13, %and3A_27, %broadcast_in_dim3A_567], %mul3A_589 : memref<8x8x137xf32, #tpu.memory_space<vmem>>[vector<16xi32>, vector<16xi32>, vector<16xi32>], vector<16xf32>,
        %get3A_596 = arith.constant 0 : i32
        %get3A_597 = arith.index_cast %get3A_596 : i32 to index
        %get3A_598 = arith.index_cast %scan3A_566 : i32 to index
        %get3A_599 = arith.constant 32 : index
        %get3A_600 = tpu.vector_load %arg6[%get3A_597, %get3A_598, %get3A_599] {strides = array<i32>} : memref<4x128x64xf32, #tpu.memory_space<vmem>>, vector<16xf32>,
        %mul3A_601 = arith.constant 8.000000e+00 : f32
        %mul3A_602 = vector.broadcast %mul3A_601 : f32 to vector<16xf32>
        %mul3A_603 = arith.mulf %get3A_600, %mul3A_602 : vector<16xf32>
        %scatter3A_604 = arith.constant 0 : i32
        %scatter3A_605 = arith.constant 0 : i32
        %scatter3A_606 = arith.constant 0 : i32
        %scatter3A_607 = arith.constant 0 : i32
        %scatter3A_608 = tpu.memref_slice %arg7[%scatter3A_604, %scatter3A_605, %scatter3A_606, %scatter3A_607] : memref<4x8x8x137xf32, #tpu.memory_space<vmem>> -> memref<1x8x8x137xf32, #tpu.memory_space<vmem>>
        %scatter3A_609 = tpu.memref_squeeze %scatter3A_608 : memref<1x8x8x137xf32, #tpu.memory_space<vmem>> -> memref<8x8x137xf32, #tpu.memory_space<vmem>>
        tpu.vector_store_idx %scatter3A_609[%add3A_19, %and3A_27, %broadcast_in_dim3A_567], %mul3A_603 : memref<8x8x137xf32, #tpu.memory_space<vmem>>[vector<16xi32>, vector<16xi32>, vector<16xi32>], vector<16xf32>,
        %get3A_610 = arith.constant 0 : i32
        %get3A_611 = arith.index_cast %get3A_610 : i32 to index
        %get3A_612 = arith.index_cast %scan3A_566 : i32 to index
        %get3A_613 = arith.constant 48 : index
        %get3A_614 = tpu.vector_load %arg6[%get3A_611, %get3A_612, %get3A_613] {strides = array<i32>} : memref<4x128x64xf32, #tpu.memory_space<vmem>>, vector<16xf32>,
        %mul3A_615 = arith.constant 8.000000e+00 : f32
        %mul3A_616 = vector.broadcast %mul3A_615 : f32 to vector<16xf32>
        %mul3A_617 = arith.mulf %get3A_614, %mul3A_616 : vector<16xf32>
        %scatter3A_618 = arith.constant 0 : i32
        %scatter3A_619 = arith.constant 0 : i32
        %scatter3A_620 = arith.constant 0 : i32
        %scatter3A_621 = arith.constant 0 : i32
        %scatter3A_622 = tpu.memref_slice %arg7[%scatter3A_618, %scatter3A_619, %scatter3A_620, %scatter3A_621] : memref<4x8x8x137xf32, #tpu.memory_space<vmem>> -> memref<1x8x8x137xf32, #tpu.memory_space<vmem>>
        %scatter3A_623 = tpu.memref_squeeze %scatter3A_622 : memref<1x8x8x137xf32, #tpu.memory_space<vmem>> -> memref<8x8x137xf32, #tpu.memory_space<vmem>>
        tpu.vector_store_idx %scatter3A_623[%add3A_25, %and3A_27, %broadcast_in_dim3A_567], %mul3A_617 : memref<8x8x137xf32, #tpu.memory_space<vmem>>[vector<16xi32>, vector<16xi32>, vector<16xi32>], vector<16xf32>,
        %scan3A_624 = arith.constant 4 : i32
        %scan3A_625 = arith.addi %scan3A_392, %scan3A_624 : i32
        %broadcast_in_dim3A_626 = vector.broadcast %scan3A_625 : i32 to vector<16xi32>
        %get3A_627 = arith.constant 0 : i32
        %get3A_628 = arith.index_cast %get3A_627 : i32 to index
        %get3A_629 = arith.index_cast %scan3A_625 : i32 to index
        %get3A_630 = arith.constant 0 : index
        %get3A_631 = tpu.vector_load %arg6[%get3A_628, %get3A_629, %get3A_630] {strides = array<i32>} : memref<4x128x64xf32, #tpu.memory_space<vmem>>, vector<16xf32>,
        %mul3A_632 = arith.constant 8.000000e+00 : f32
        %mul3A_633 = vector.broadcast %mul3A_632 : f32 to vector<16xf32>
        %mul3A_634 = arith.mulf %get3A_631, %mul3A_633 : vector<16xf32>
        %scatter3A_635 = arith.constant 0 : i32
        %scatter3A_636 = arith.constant 0 : i32
        %scatter3A_637 = arith.constant 0 : i32
        %scatter3A_638 = arith.constant 0 : i32
        %scatter3A_639 = tpu.memref_slice %arg7[%scatter3A_635, %scatter3A_636, %scatter3A_637, %scatter3A_638] : memref<4x8x8x137xf32, #tpu.memory_space<vmem>> -> memref<1x8x8x137xf32, #tpu.memory_space<vmem>>
        %scatter3A_640 = tpu.memref_squeeze %scatter3A_639 : memref<1x8x8x137xf32, #tpu.memory_space<vmem>> -> memref<8x8x137xf32, #tpu.memory_space<vmem>>
        tpu.vector_store_idx %scatter3A_640[%add3A_7, %and3A_27, %broadcast_in_dim3A_626], %mul3A_634 : memref<8x8x137xf32, #tpu.memory_space<vmem>>[vector<16xi32>, vector<16xi32>, vector<16xi32>], vector<16xf32>,
        %get3A_641 = arith.constant 0 : i32
        %get3A_642 = arith.index_cast %get3A_641 : i32 to index
        %get3A_643 = arith.index_cast %scan3A_625 : i32 to index
        %get3A_644 = arith.constant 16 : index
        %get3A_645 = tpu.vector_load %arg6[%get3A_642, %get3A_643, %get3A_644] {strides = array<i32>} : memref<4x128x64xf32, #tpu.memory_space<vmem>>, vector<16xf32>,
        %mul3A_646 = arith.constant 8.000000e+00 : f32
        %mul3A_647 = vector.broadcast %mul3A_646 : f32 to vector<16xf32>
        %mul3A_648 = arith.mulf %get3A_645, %mul3A_647 : vector<16xf32>
        %scatter3A_649 = arith.constant 0 : i32
        %scatter3A_650 = arith.constant 0 : i32
        %scatter3A_651 = arith.constant 0 : i32
        %scatter3A_652 = arith.constant 0 : i32
        %scatter3A_653 = tpu.memref_slice %arg7[%scatter3A_649, %scatter3A_650, %scatter3A_651, %scatter3A_652] : memref<4x8x8x137xf32, #tpu.memory_space<vmem>> -> memref<1x8x8x137xf32, #tpu.memory_space<vmem>>
        %scatter3A_654 = tpu.memref_squeeze %scatter3A_653 : memref<1x8x8x137xf32, #tpu.memory_space<vmem>> -> memref<8x8x137xf32, #tpu.memory_space<vmem>>
        tpu.vector_store_idx %scatter3A_654[%add3A_13, %and3A_27, %broadcast_in_dim3A_626], %mul3A_648 : memref<8x8x137xf32, #tpu.memory_space<vmem>>[vector<16xi32>, vector<16xi32>, vector<16xi32>], vector<16xf32>,
        %get3A_655 = arith.constant 0 : i32
        %get3A_656 = arith.index_cast %get3A_655 : i32 to index
        %get3A_657 = arith.index_cast %scan3A_625 : i32 to index
        %get3A_658 = arith.constant 32 : index
        %get3A_659 = tpu.vector_load %arg6[%get3A_656, %get3A_657, %get3A_658] {strides = array<i32>} : memref<4x128x64xf32, #tpu.memory_space<vmem>>, vector<16xf32>,
        %mul3A_660 = arith.constant 8.000000e+00 : f32
        %mul3A_661 = vector.broadcast %mul3A_660 : f32 to vector<16xf32>
        %mul3A_662 = arith.mulf %get3A_659, %mul3A_661 : vector<16xf32>
        %scatter3A_663 = arith.constant 0 : i32
        %scatter3A_664 = arith.constant 0 : i32
        %scatter3A_665 = arith.constant 0 : i32
        %scatter3A_666 = arith.constant 0 : i32
        %scatter3A_667 = tpu.memref_slice %arg7[%scatter3A_663, %scatter3A_664, %scatter3A_665, %scatter3A_666] : memref<4x8x8x137xf32, #tpu.memory_space<vmem>> -> memref<1x8x8x137xf32, #tpu.memory_space<vmem>>
        %scatter3A_668 = tpu.memref_squeeze %scatter3A_667 : memref<1x8x8x137xf32, #tpu.memory_space<vmem>> -> memref<8x8x137xf32, #tpu.memory_space<vmem>>
        tpu.vector_store_idx %scatter3A_668[%add3A_19, %and3A_27, %broadcast_in_dim3A_626], %mul3A_662 : memref<8x8x137xf32, #tpu.memory_space<vmem>>[vector<16xi32>, vector<16xi32>, vector<16xi32>], vector<16xf32>,
        %get3A_669 = arith.constant 0 : i32
        %get3A_670 = arith.index_cast %get3A_669 : i32 to index
        %get3A_671 = arith.index_cast %scan3A_625 : i32 to index
        %get3A_672 = arith.constant 48 : index
        %get3A_673 = tpu.vector_load %arg6[%get3A_670, %get3A_671, %get3A_672] {strides = array<i32>} : memref<4x128x64xf32, #tpu.memory_space<vmem>>, vector<16xf32>,
        %mul3A_674 = arith.constant 8.000000e+00 : f32
        %mul3A_675 = vector.broadcast %mul3A_674 : f32 to vector<16xf32>
        %mul3A_676 = arith.mulf %get3A_673, %mul3A_675 : vector<16xf32>
        %scatter3A_677 = arith.constant 0 : i32
        %scatter3A_678 = arith.constant 0 : i32
        %scatter3A_679 = arith.constant 0 : i32
        %scatter3A_680 = arith.constant 0 : i32
        %scatter3A_681 = tpu.memref_slice %arg7[%scatter3A_677, %scatter3A_678, %scatter3A_679, %scatter3A_680] : memref<4x8x8x137xf32, #tpu.memory_space<vmem>> -> memref<1x8x8x137xf32, #tpu.memory_space<vmem>>
        %scatter3A_682 = tpu.memref_squeeze %scatter3A_681 : memref<1x8x8x137xf32, #tpu.memory_space<vmem>> -> memref<8x8x137xf32, #tpu.memory_space<vmem>>
        tpu.vector_store_idx %scatter3A_682[%add3A_25, %and3A_27, %broadcast_in_dim3A_626], %mul3A_676 : memref<8x8x137xf32, #tpu.memory_space<vmem>>[vector<16xi32>, vector<16xi32>, vector<16xi32>], vector<16xf32>,
        %scan3A_683 = arith.constant 5 : i32
        %scan3A_684 = arith.addi %scan3A_392, %scan3A_683 : i32
        %broadcast_in_dim3A_685 = vector.broadcast %scan3A_684 : i32 to vector<16xi32>
        %get3A_686 = arith.constant 0 : i32
        %get3A_687 = arith.index_cast %get3A_686 : i32 to index
        %get3A_688 = arith.index_cast %scan3A_684 : i32 to index
        %get3A_689 = arith.constant 0 : index
        %get3A_690 = tpu.vector_load %arg6[%get3A_687, %get3A_688, %get3A_689] {strides = array<i32>} : memref<4x128x64xf32, #tpu.memory_space<vmem>>, vector<16xf32>,
        %mul3A_691 = arith.constant 8.000000e+00 : f32
        %mul3A_692 = vector.broadcast %mul3A_691 : f32 to vector<16xf32>
        %mul3A_693 = arith.mulf %get3A_690, %mul3A_692 : vector<16xf32>
        %scatter3A_694 = arith.constant 0 : i32
        %scatter3A_695 = arith.constant 0 : i32
        %scatter3A_696 = arith.constant 0 : i32
        %scatter3A_697 = arith.constant 0 : i32
        %scatter3A_698 = tpu.memref_slice %arg7[%scatter3A_694, %scatter3A_695, %scatter3A_696, %scatter3A_697] : memref<4x8x8x137xf32, #tpu.memory_space<vmem>> -> memref<1x8x8x137xf32, #tpu.memory_space<vmem>>
        %scatter3A_699 = tpu.memref_squeeze %scatter3A_698 : memref<1x8x8x137xf32, #tpu.memory_space<vmem>> -> memref<8x8x137xf32, #tpu.memory_space<vmem>>
        tpu.vector_store_idx %scatter3A_699[%add3A_7, %and3A_27, %broadcast_in_dim3A_685], %mul3A_693 : memref<8x8x137xf32, #tpu.memory_space<vmem>>[vector<16xi32>, vector<16xi32>, vector<16xi32>], vector<16xf32>,
        %get3A_700 = arith.constant 0 : i32
        %get3A_701 = arith.index_cast %get3A_700 : i32 to index
        %get3A_702 = arith.index_cast %scan3A_684 : i32 to index
        %get3A_703 = arith.constant 16 : index
        %get3A_704 = tpu.vector_load %arg6[%get3A_701, %get3A_702, %get3A_703] {strides = array<i32>} : memref<4x128x64xf32, #tpu.memory_space<vmem>>, vector<16xf32>,
        %mul3A_705 = arith.constant 8.000000e+00 : f32
        %mul3A_706 = vector.broadcast %mul3A_705 : f32 to vector<16xf32>
        %mul3A_707 = arith.mulf %get3A_704, %mul3A_706 : vector<16xf32>
        %scatter3A_708 = arith.constant 0 : i32
        %scatter3A_709 = arith.constant 0 : i32
        %scatter3A_710 = arith.constant 0 : i32
        %scatter3A_711 = arith.constant 0 : i32
        %scatter3A_712 = tpu.memref_slice %arg7[%scatter3A_708, %scatter3A_709, %scatter3A_710, %scatter3A_711] : memref<4x8x8x137xf32, #tpu.memory_space<vmem>> -> memref<1x8x8x137xf32, #tpu.memory_space<vmem>>
        %scatter3A_713 = tpu.memref_squeeze %scatter3A_712 : memref<1x8x8x137xf32, #tpu.memory_space<vmem>> -> memref<8x8x137xf32, #tpu.memory_space<vmem>>
        tpu.vector_store_idx %scatter3A_713[%add3A_13, %and3A_27, %broadcast_in_dim3A_685], %mul3A_707 : memref<8x8x137xf32, #tpu.memory_space<vmem>>[vector<16xi32>, vector<16xi32>, vector<16xi32>], vector<16xf32>,
        %get3A_714 = arith.constant 0 : i32
        %get3A_715 = arith.index_cast %get3A_714 : i32 to index
        %get3A_716 = arith.index_cast %scan3A_684 : i32 to index
        %get3A_717 = arith.constant 32 : index
        %get3A_718 = tpu.vector_load %arg6[%get3A_715, %get3A_716, %get3A_717] {strides = array<i32>} : memref<4x128x64xf32, #tpu.memory_space<vmem>>, vector<16xf32>,
        %mul3A_719 = arith.constant 8.000000e+00 : f32
        %mul3A_720 = vector.broadcast %mul3A_719 : f32 to vector<16xf32>
        %mul3A_721 = arith.mulf %get3A_718, %mul3A_720 : vector<16xf32>
        %scatter3A_722 = arith.constant 0 : i32
        %scatter3A_723 = arith.constant 0 : i32
        %scatter3A_724 = arith.constant 0 : i32
        %scatter3A_725 = arith.constant 0 : i32
        %scatter3A_726 = tpu.memref_slice %arg7[%scatter3A_722, %scatter3A_723, %scatter3A_724, %scatter3A_725] : memref<4x8x8x137xf32, #tpu.memory_space<vmem>> -> memref<1x8x8x137xf32, #tpu.memory_space<vmem>>
        %scatter3A_727 = tpu.memref_squeeze %scatter3A_726 : memref<1x8x8x137xf32, #tpu.memory_space<vmem>> -> memref<8x8x137xf32, #tpu.memory_space<vmem>>
        tpu.vector_store_idx %scatter3A_727[%add3A_19, %and3A_27, %broadcast_in_dim3A_685], %mul3A_721 : memref<8x8x137xf32, #tpu.memory_space<vmem>>[vector<16xi32>, vector<16xi32>, vector<16xi32>], vector<16xf32>,
        %get3A_728 = arith.constant 0 : i32
        %get3A_729 = arith.index_cast %get3A_728 : i32 to index
        %get3A_730 = arith.index_cast %scan3A_684 : i32 to index
        %get3A_731 = arith.constant 48 : index
        %get3A_732 = tpu.vector_load %arg6[%get3A_729, %get3A_730, %get3A_731] {strides = array<i32>} : memref<4x128x64xf32, #tpu.memory_space<vmem>>, vector<16xf32>,
        %mul3A_733 = arith.constant 8.000000e+00 : f32
        %mul3A_734 = vector.broadcast %mul3A_733 : f32 to vector<16xf32>
        %mul3A_735 = arith.mulf %get3A_732, %mul3A_734 : vector<16xf32>
        %scatter3A_736 = arith.constant 0 : i32
        %scatter3A_737 = arith.constant 0 : i32
        %scatter3A_738 = arith.constant 0 : i32
        %scatter3A_739 = arith.constant 0 : i32
        %scatter3A_740 = tpu.memref_slice %arg7[%scatter3A_736, %scatter3A_737, %scatter3A_738, %scatter3A_739] : memref<4x8x8x137xf32, #tpu.memory_space<vmem>> -> memref<1x8x8x137xf32, #tpu.memory_space<vmem>>
        %scatter3A_741 = tpu.memref_squeeze %scatter3A_740 : memref<1x8x8x137xf32, #tpu.memory_space<vmem>> -> memref<8x8x137xf32, #tpu.memory_space<vmem>>
        tpu.vector_store_idx %scatter3A_741[%add3A_25, %and3A_27, %broadcast_in_dim3A_685], %mul3A_735 : memref<8x8x137xf32, #tpu.memory_space<vmem>>[vector<16xi32>, vector<16xi32>, vector<16xi32>], vector<16xf32>,
        %scan3A_742 = arith.constant 6 : i32
        %scan3A_743 = arith.addi %scan3A_392, %scan3A_742 : i32
        %broadcast_in_dim3A_744 = vector.broadcast %scan3A_743 : i32 to vector<16xi32>
        %get3A_745 = arith.constant 0 : i32
        %get3A_746 = arith.index_cast %get3A_745 : i32 to index
        %get3A_747 = arith.index_cast %scan3A_743 : i32 to index
        %get3A_748 = arith.constant 0 : index
        %get3A_749 = tpu.vector_load %arg6[%get3A_746, %get3A_747, %get3A_748] {strides = array<i32>} : memref<4x128x64xf32, #tpu.memory_space<vmem>>, vector<16xf32>,
        %mul3A_750 = arith.constant 8.000000e+00 : f32
        %mul3A_751 = vector.broadcast %mul3A_750 : f32 to vector<16xf32>
        %mul3A_752 = arith.mulf %get3A_749, %mul3A_751 : vector<16xf32>
        %scatter3A_753 = arith.constant 0 : i32
        %scatter3A_754 = arith.constant 0 : i32
        %scatter3A_755 = arith.constant 0 : i32
        %scatter3A_756 = arith.constant 0 : i32
        %scatter3A_757 = tpu.memref_slice %arg7[%scatter3A_753, %scatter3A_754, %scatter3A_755, %scatter3A_756] : memref<4x8x8x137xf32, #tpu.memory_space<vmem>> -> memref<1x8x8x137xf32, #tpu.memory_space<vmem>>
        %scatter3A_758 = tpu.memref_squeeze %scatter3A_757 : memref<1x8x8x137xf32, #tpu.memory_space<vmem>> -> memref<8x8x137xf32, #tpu.memory_space<vmem>>
        tpu.vector_store_idx %scatter3A_758[%add3A_7, %and3A_27, %broadcast_in_dim3A_744], %mul3A_752 : memref<8x8x137xf32, #tpu.memory_space<vmem>>[vector<16xi32>, vector<16xi32>, vector<16xi32>], vector<16xf32>,
        %get3A_759 = arith.constant 0 : i32
        %get3A_760 = arith.index_cast %get3A_759 : i32 to index
        %get3A_761 = arith.index_cast %scan3A_743 : i32 to index
        %get3A_762 = arith.constant 16 : index
        %get3A_763 = tpu.vector_load %arg6[%get3A_760, %get3A_761, %get3A_762] {strides = array<i32>} : memref<4x128x64xf32, #tpu.memory_space<vmem>>, vector<16xf32>,
        %mul3A_764 = arith.constant 8.000000e+00 : f32
        %mul3A_765 = vector.broadcast %mul3A_764 : f32 to vector<16xf32>
        %mul3A_766 = arith.mulf %get3A_763, %mul3A_765 : vector<16xf32>
        %scatter3A_767 = arith.constant 0 : i32
        %scatter3A_768 = arith.constant 0 : i32
        %scatter3A_769 = arith.constant 0 : i32
        %scatter3A_770 = arith.constant 0 : i32
        %scatter3A_771 = tpu.memref_slice %arg7[%scatter3A_767, %scatter3A_768, %scatter3A_769, %scatter3A_770] : memref<4x8x8x137xf32, #tpu.memory_space<vmem>> -> memref<1x8x8x137xf32, #tpu.memory_space<vmem>>
        %scatter3A_772 = tpu.memref_squeeze %scatter3A_771 : memref<1x8x8x137xf32, #tpu.memory_space<vmem>> -> memref<8x8x137xf32, #tpu.memory_space<vmem>>
        tpu.vector_store_idx %scatter3A_772[%add3A_13, %and3A_27, %broadcast_in_dim3A_744], %mul3A_766 : memref<8x8x137xf32, #tpu.memory_space<vmem>>[vector<16xi32>, vector<16xi32>, vector<16xi32>], vector<16xf32>,
        %get3A_773 = arith.constant 0 : i32
        %get3A_774 = arith.index_cast %get3A_773 : i32 to index
        %get3A_775 = arith.index_cast %scan3A_743 : i32 to index
        %get3A_776 = arith.constant 32 : index
        %get3A_777 = tpu.vector_load %arg6[%get3A_774, %get3A_775, %get3A_776] {strides = array<i32>} : memref<4x128x64xf32, #tpu.memory_space<vmem>>, vector<16xf32>,
        %mul3A_778 = arith.constant 8.000000e+00 : f32
        %mul3A_779 = vector.broadcast %mul3A_778 : f32 to vector<16xf32>
        %mul3A_780 = arith.mulf %get3A_777, %mul3A_779 : vector<16xf32>
        %scatter3A_781 = arith.constant 0 : i32
        %scatter3A_782 = arith.constant 0 : i32
        %scatter3A_783 = arith.constant 0 : i32
        %scatter3A_784 = arith.constant 0 : i32
        %scatter3A_785 = tpu.memref_slice %arg7[%scatter3A_781, %scatter3A_782, %scatter3A_783, %scatter3A_784] : memref<4x8x8x137xf32, #tpu.memory_space<vmem>> -> memref<1x8x8x137xf32, #tpu.memory_space<vmem>>
        %scatter3A_786 = tpu.memref_squeeze %scatter3A_785 : memref<1x8x8x137xf32, #tpu.memory_space<vmem>> -> memref<8x8x137xf32, #tpu.memory_space<vmem>>
        tpu.vector_store_idx %scatter3A_786[%add3A_19, %and3A_27, %broadcast_in_dim3A_744], %mul3A_780 : memref<8x8x137xf32, #tpu.memory_space<vmem>>[vector<16xi32>, vector<16xi32>, vector<16xi32>], vector<16xf32>,
        %get3A_787 = arith.constant 0 : i32
        %get3A_788 = arith.index_cast %get3A_787 : i32 to index
        %get3A_789 = arith.index_cast %scan3A_743 : i32 to index
        %get3A_790 = arith.constant 48 : index
        %get3A_791 = tpu.vector_load %arg6[%get3A_788, %get3A_789, %get3A_790] {strides = array<i32>} : memref<4x128x64xf32, #tpu.memory_space<vmem>>, vector<16xf32>,
        %mul3A_792 = arith.constant 8.000000e+00 : f32
        %mul3A_793 = vector.broadcast %mul3A_792 : f32 to vector<16xf32>
        %mul3A_794 = arith.mulf %get3A_791, %mul3A_793 : vector<16xf32>
        %scatter3A_795 = arith.constant 0 : i32
        %scatter3A_796 = arith.constant 0 : i32
        %scatter3A_797 = arith.constant 0 : i32
        %scatter3A_798 = arith.constant 0 : i32
        %scatter3A_799 = tpu.memref_slice %arg7[%scatter3A_795, %scatter3A_796, %scatter3A_797, %scatter3A_798] : memref<4x8x8x137xf32, #tpu.memory_space<vmem>> -> memref<1x8x8x137xf32, #tpu.memory_space<vmem>>
        %scatter3A_800 = tpu.memref_squeeze %scatter3A_799 : memref<1x8x8x137xf32, #tpu.memory_space<vmem>> -> memref<8x8x137xf32, #tpu.memory_space<vmem>>
        tpu.vector_store_idx %scatter3A_800[%add3A_25, %and3A_27, %broadcast_in_dim3A_744], %mul3A_794 : memref<8x8x137xf32, #tpu.memory_space<vmem>>[vector<16xi32>, vector<16xi32>, vector<16xi32>], vector<16xf32>,
        %scan3A_801 = arith.constant 7 : i32
        %scan3A_802 = arith.addi %scan3A_392, %scan3A_801 : i32
        %broadcast_in_dim3A_803 = vector.broadcast %scan3A_802 : i32 to vector<16xi32>
        %get3A_804 = arith.constant 0 : i32
        %get3A_805 = arith.index_cast %get3A_804 : i32 to index
        %get3A_806 = arith.index_cast %scan3A_802 : i32 to index
        %get3A_807 = arith.constant 0 : index
        %get3A_808 = tpu.vector_load %arg6[%get3A_805, %get3A_806, %get3A_807] {strides = array<i32>} : memref<4x128x64xf32, #tpu.memory_space<vmem>>, vector<16xf32>,
        %mul3A_809 = arith.constant 8.000000e+00 : f32
        %mul3A_810 = vector.broadcast %mul3A_809 : f32 to vector<16xf32>
        %mul3A_811 = arith.mulf %get3A_808, %mul3A_810 : vector<16xf32>
        %scatter3A_812 = arith.constant 0 : i32
        %scatter3A_813 = arith.constant 0 : i32
        %scatter3A_814 = arith.constant 0 : i32
        %scatter3A_815 = arith.constant 0 : i32
        %scatter3A_816 = tpu.memref_slice %arg7[%scatter3A_812, %scatter3A_813, %scatter3A_814, %scatter3A_815] : memref<4x8x8x137xf32, #tpu.memory_space<vmem>> -> memref<1x8x8x137xf32, #tpu.memory_space<vmem>>
        %scatter3A_817 = tpu.memref_squeeze %scatter3A_816 : memref<1x8x8x137xf32, #tpu.memory_space<vmem>> -> memref<8x8x137xf32, #tpu.memory_space<vmem>>
        tpu.vector_store_idx %scatter3A_817[%add3A_7, %and3A_27, %broadcast_in_dim3A_803], %mul3A_811 : memref<8x8x137xf32, #tpu.memory_space<vmem>>[vector<16xi32>, vector<16xi32>, vector<16xi32>], vector<16xf32>,
        %get3A_818 = arith.constant 0 : i32
        %get3A_819 = arith.index_cast %get3A_818 : i32 to index
        %get3A_820 = arith.index_cast %scan3A_802 : i32 to index
        %get3A_821 = arith.constant 16 : index
        %get3A_822 = tpu.vector_load %arg6[%get3A_819, %get3A_820, %get3A_821] {strides = array<i32>} : memref<4x128x64xf32, #tpu.memory_space<vmem>>, vector<16xf32>,
        %mul3A_823 = arith.constant 8.000000e+00 : f32
        %mul3A_824 = vector.broadcast %mul3A_823 : f32 to vector<16xf32>
        %mul3A_825 = arith.mulf %get3A_822, %mul3A_824 : vector<16xf32>
        %scatter3A_826 = arith.constant 0 : i32
        %scatter3A_827 = arith.constant 0 : i32
        %scatter3A_828 = arith.constant 0 : i32
        %scatter3A_829 = arith.constant 0 : i32
        %scatter3A_830 = tpu.memref_slice %arg7[%scatter3A_826, %scatter3A_827, %scatter3A_828, %scatter3A_829] : memref<4x8x8x137xf32, #tpu.memory_space<vmem>> -> memref<1x8x8x137xf32, #tpu.memory_space<vmem>>
        %scatter3A_831 = tpu.memref_squeeze %scatter3A_830 : memref<1x8x8x137xf32, #tpu.memory_space<vmem>> -> memref<8x8x137xf32, #tpu.memory_space<vmem>>
        tpu.vector_store_idx %scatter3A_831[%add3A_13, %and3A_27, %broadcast_in_dim3A_803], %mul3A_825 : memref<8x8x137xf32, #tpu.memory_space<vmem>>[vector<16xi32>, vector<16xi32>, vector<16xi32>], vector<16xf32>,
        %get3A_832 = arith.constant 0 : i32
        %get3A_833 = arith.index_cast %get3A_832 : i32 to index
        %get3A_834 = arith.index_cast %scan3A_802 : i32 to index
        %get3A_835 = arith.constant 32 : index
        %get3A_836 = tpu.vector_load %arg6[%get3A_833, %get3A_834, %get3A_835] {strides = array<i32>} : memref<4x128x64xf32, #tpu.memory_space<vmem>>, vector<16xf32>,
        %mul3A_837 = arith.constant 8.000000e+00 : f32
        %mul3A_838 = vector.broadcast %mul3A_837 : f32 to vector<16xf32>
        %mul3A_839 = arith.mulf %get3A_836, %mul3A_838 : vector<16xf32>
        %scatter3A_840 = arith.constant 0 : i32
        %scatter3A_841 = arith.constant 0 : i32
        %scatter3A_842 = arith.constant 0 : i32
        %scatter3A_843 = arith.constant 0 : i32
        %scatter3A_844 = tpu.memref_slice %arg7[%scatter3A_840, %scatter3A_841, %scatter3A_842, %scatter3A_843] : memref<4x8x8x137xf32, #tpu.memory_space<vmem>> -> memref<1x8x8x137xf32, #tpu.memory_space<vmem>>
        %scatter3A_845 = tpu.memref_squeeze %scatter3A_844 : memref<1x8x8x137xf32, #tpu.memory_space<vmem>> -> memref<8x8x137xf32, #tpu.memory_space<vmem>>
        tpu.vector_store_idx %scatter3A_845[%add3A_19, %and3A_27, %broadcast_in_dim3A_803], %mul3A_839 : memref<8x8x137xf32, #tpu.memory_space<vmem>>[vector<16xi32>, vector<16xi32>, vector<16xi32>], vector<16xf32>,
        %get3A_846 = arith.constant 0 : i32
        %get3A_847 = arith.index_cast %get3A_846 : i32 to index
        %get3A_848 = arith.index_cast %scan3A_802 : i32 to index
        %get3A_849 = arith.constant 48 : index
        %get3A_850 = tpu.vector_load %arg6[%get3A_847, %get3A_848, %get3A_849] {strides = array<i32>} : memref<4x128x64xf32, #tpu.memory_space<vmem>>, vector<16xf32>,
        %mul3A_851 = arith.constant 8.000000e+00 : f32
        %mul3A_852 = vector.broadcast %mul3A_851 : f32 to vector<16xf32>
        %mul3A_853 = arith.mulf %get3A_850, %mul3A_852 : vector<16xf32>
        %scatter3A_854 = arith.constant 0 : i32
        %scatter3A_855 = arith.constant 0 : i32
        %scatter3A_856 = arith.constant 0 : i32
        %scatter3A_857 = arith.constant 0 : i32
        %scatter3A_858 = tpu.memref_slice %arg7[%scatter3A_854, %scatter3A_855, %scatter3A_856, %scatter3A_857] : memref<4x8x8x137xf32, #tpu.memory_space<vmem>> -> memref<1x8x8x137xf32, #tpu.memory_space<vmem>>
        %scatter3A_859 = tpu.memref_squeeze %scatter3A_858 : memref<1x8x8x137xf32, #tpu.memory_space<vmem>> -> memref<8x8x137xf32, #tpu.memory_space<vmem>>
        tpu.vector_store_idx %scatter3A_859[%add3A_25, %and3A_27, %broadcast_in_dim3A_803], %mul3A_853 : memref<8x8x137xf32, #tpu.memory_space<vmem>>[vector<16xi32>, vector<16xi32>, vector<16xi32>], vector<16xf32>,
      }
      %scan3A_198 = arith.constant 128 : i32
      %dma_start3A_199 = arith.constant 0 : i32
      %dma_start3A_200 = arith.constant 0 : i32
      %dma_start3A_201 = arith.constant 0 : i32
      %dma_start3A_202 = arith.constant 0 : i32
      %dma_start3A_203 = tpu.memref_slice %arg7[%dma_start3A_199, %dma_start3A_200, %dma_start3A_201, %dma_start3A_202] : memref<4x8x8x137xf32, #tpu.memory_space<vmem>> -> memref<1x8x8x128xf32, #tpu.memory_space<vmem>>
      %dma_start3A_204 = tpu.memref_squeeze %dma_start3A_203 : memref<1x8x8x128xf32, #tpu.memory_space<vmem>> -> memref<8x8x128xf32, #tpu.memory_space<vmem>>
      %dma_start3A_205 = arith.constant 0 : i32
      %dma_start3A_206 = arith.constant 0 : i32
      %dma_start3A_207 = arith.constant 0 : i32
      %dma_start3A_208 = tpu.memref_slice %arg4[%add3A_175, %dma_start3A_205, %add3A, %dma_start3A_206, %dma_start3A_207] : memref<200x8x32x8x128xf32, #tpu.memory_space<hbm>> -> memref<1x8x1x8x128xf32, #tpu.memory_space<hbm>>
      %dma_start3A_209 = tpu.memref_squeeze %dma_start3A_208 : memref<1x8x1x8x128xf32, #tpu.memory_space<hbm>> -> memref<8x8x128xf32, #tpu.memory_space<hbm>>
      %dma_start3A_210 = arith.constant 0 : i32
      %dma_start3A_211 = arith.constant 0 : i32
      %dma_start3A_212 = arith.constant 0 : i32
      %dma_start3A_213 = tpu.memref_slice %arg4[%add3A_175, %dma_start3A_210, %add3A, %dma_start3A_211, %dma_start3A_212] : memref<200x8x32x8x128xf32, #tpu.memory_space<hbm>> -> memref<1x8x1x8x128xf32, #tpu.memory_space<hbm>>
      %dma_start3A_214 = tpu.memref_squeeze %dma_start3A_213 : memref<1x8x1x8x128xf32, #tpu.memory_space<hbm>> -> memref<8x8x128xf32, #tpu.memory_space<hbm>>
      %dma_start3A_215 = arith.constant 0 : i32
      %dma_start3A_216 = arith.constant 0 : i32
      %dma_start3A_217 = arith.constant 0 : i32
      %dma_start3A_218 = tpu.memref_slice %arg7[%dma_start3A_199, %dma_start3A_215, %dma_start3A_216, %dma_start3A_217] : memref<4x8x8x137xf32, #tpu.memory_space<vmem>> -> memref<1x8x8x128xf32, #tpu.memory_space<vmem>>
      %dma_start3A_219 = tpu.memref_squeeze %dma_start3A_218 : memref<1x8x8x128xf32, #tpu.memory_space<vmem>> -> memref<8x8x128xf32, #tpu.memory_space<vmem>>
      tpu.enqueue_dma source(%dma_start3A_219 : memref<8x8x128xf32, #tpu.memory_space<vmem>>) target(%dma_start3A_214 : memref<8x8x128xf32, #tpu.memory_space<hbm>>) target_semaphore(%arg12 : memref<!tpu.dma_semaphore, #tpu.memory_space<semaphore_mem>>)
      %lt3A = arith.constant 49 : i32
      %lt3A_220 = arith.cmpi slt, %scan3A_171, %lt3A : i32
      %convert_element_type3A_221 = arith.extui %lt3A_220 : i1 to i32
      %cond3A_222 = arith.constant 0 : i32
      %cond3A_223 = arith.cmpi ne, %convert_element_type3A_221, %cond3A_222 : i32
      scf.if %cond3A_223 {
        %add3A_392 = arith.constant 4 : i32
        %add3A_393 = arith.addi %add3A_175, %add3A_392 : i32
        %dma_start3A_394 = arith.constant 0 : i32
        %dma_start3A_395 = arith.constant 0 : i32
        %dma_start3A_396 = arith.constant 0 : i32
        %dma_start3A_397 = tpu.memref_slice %arg6[%dma_start3A_394, %dma_start3A_395, %dma_start3A_396] : memref<4x128x64xf32, #tpu.memory_space<vmem>> -> memref<1x128x64xf32, #tpu.memory_space<vmem>>
        %dma_start3A_398 = tpu.memref_squeeze %dma_start3A_397 : memref<1x128x64xf32, #tpu.memory_space<vmem>> -> memref<128x64xf32, #tpu.memory_space<vmem>>
        %dma_start3A_399 = arith.constant 0 : i32
        %dma_start3A_400 = tpu.memref_slice %arg5[%add3A_393, %dma_start3A_399] : memref<200x128xi32, #tpu.memory_space<vmem>> -> memref<1x128xi32, #tpu.memory_space<vmem>>
        %dma_start3A_401 = tpu.memref_squeeze %dma_start3A_400 : memref<1x128xi32, #tpu.memory_space<vmem>> -> memref<128xi32, #tpu.memory_space<vmem>>
        %dma_start3A_402 = arith.constant 0 : i32
        %dma_start3A_403 = arith.constant 0 : i32
        %dma_start3A_404 = tpu.memref_slice %arg3[%dma_start3A_402, %dma_start3A_403] : memref<1000000x64xf32, #tpu.memory_space<hbm>> -> memref<1000000x64xf32, #tpu.memory_space<hbm>>
        tpu.enqueue_indirect_dma source(%dma_start3A_404 : memref<1000000x64xf32, #tpu.memory_space<hbm>>) target(%dma_start3A_398 : memref<128x64xf32, #tpu.memory_space<vmem>>) offsets(%dma_start3A_401 : memref<128xi32, #tpu.memory_space<vmem>>) semaphore(%arg8 : memref<!tpu.dma_semaphore, #tpu.memory_space<semaphore_mem>>)
      } else {
      }
      %mul3A_224 = arith.constant 4 : i32
      %mul3A_225 = arith.muli %scan3A_171, %mul3A_224 : i32
      %add3A_226 = arith.constant 1 : i32
      %add3A_227 = arith.addi %mul3A_225, %add3A_226 : i32
      %dma_wait3A_228 = arith.constant 1 : i32
      %dma_wait3A_229 = arith.constant 0 : i32
      %dma_wait3A_230 = arith.constant 0 : i32
      %dma_wait3A_231 = tpu.memref_slice %arg6[%dma_wait3A_228, %dma_wait3A_229, %dma_wait3A_230] : memref<4x128x64xf32, #tpu.memory_space<vmem>> -> memref<1x128x64xf32, #tpu.memory_space<vmem>>
      %dma_wait3A_232 = tpu.memref_squeeze %dma_wait3A_231 : memref<1x128x64xf32, #tpu.memory_space<vmem>> -> memref<128x64xf32, #tpu.memory_space<vmem>>
      %dma_wait3A_233 = arith.constant 0 : i32
      %dma_wait3A_234 = arith.constant 0 : i32
      %dma_wait3A_235 = tpu.memref_slice %arg3[%dma_wait3A_233, %dma_wait3A_234] : memref<1000000x64xf32, #tpu.memory_space<hbm>> -> memref<128x64xf32, #tpu.memory_space<hbm>>
      %dma_wait3A_236 = arith.constant 0 : i32
      %dma_wait3A_237 = arith.constant 0 : i32
      %dma_wait3A_238 = tpu.memref_slice %arg6[%dma_wait3A_228, %dma_wait3A_236, %dma_wait3A_237] : memref<4x128x64xf32, #tpu.memory_space<vmem>> -> memref<1x128x64xf32, #tpu.memory_space<vmem>>
      %dma_wait3A_239 = tpu.memref_squeeze %dma_wait3A_238 : memref<1x128x64xf32, #tpu.memory_space<vmem>> -> memref<128x64xf32, #tpu.memory_space<vmem>>
      %dma_wait3A_240 = arith.constant 0 : i32
      %dma_wait3A_241 = arith.constant 0 : i32
      %dma_wait3A_242 = tpu.memref_slice %arg3[%dma_wait3A_240, %dma_wait3A_241] : memref<1000000x64xf32, #tpu.memory_space<hbm>> -> memref<128x64xf32, #tpu.memory_space<hbm>>
      tpu.wait_dma2 semaphore(%arg9 : memref<!tpu.dma_semaphore, #tpu.memory_space<semaphore_mem>>) src(%dma_wait3A_242 : memref<128x64xf32, #tpu.memory_space<hbm>>) dst(%dma_wait3A_239 : memref<128x64xf32, #tpu.memory_space<vmem>>)
      %gt3A_243 = arith.constant 0 : i32
      %gt3A_244 = arith.cmpi sgt, %scan3A_171, %gt3A_243 : i32
      %convert_element_type3A_245 = arith.extui %gt3A_244 : i1 to i32
      %cond3A_246 = arith.constant 0 : i32
      %cond3A_247 = arith.cmpi ne, %convert_element_type3A_245, %cond3A_246 : i32
      scf.if %cond3A_247 {
        %dma_wait3A_392 = arith.constant 1 : i32
        %dma_wait3A_393 = arith.constant 0 : i32
        %dma_wait3A_394 = arith.constant 0 : i32
        %dma_wait3A_395 = arith.constant 0 : i32
        %dma_wait3A_396 = arith.constant 0 : i32
        %dma_wait3A_397 = arith.constant 0 : i32
        %dma_wait3A_398 = tpu.memref_slice %arg7[%dma_wait3A_392, %dma_wait3A_395, %dma_wait3A_396, %dma_wait3A_397] : memref<4x8x8x137xf32, #tpu.memory_space<vmem>> -> memref<1x8x8x128xf32, #tpu.memory_space<vmem>>
        %dma_wait3A_399 = tpu.memref_squeeze %dma_wait3A_398 : memref<1x8x8x128xf32, #tpu.memory_space<vmem>> -> memref<8x8x128xf32, #tpu.memory_space<vmem>>
        %dma_wait3A_400 = arith.constant 0 : i32
        %dma_wait3A_401 = arith.constant 0 : i32
        %dma_wait3A_402 = arith.constant 0 : i32
        %dma_wait3A_403 = tpu.memref_slice %arg4[%dma_wait3A_393, %dma_wait3A_400, %dma_wait3A_394, %dma_wait3A_401, %dma_wait3A_402] : memref<200x8x32x8x128xf32, #tpu.memory_space<hbm>> -> memref<1x8x1x8x128xf32, #tpu.memory_space<hbm>>
        %dma_wait3A_404 = tpu.memref_squeeze %dma_wait3A_403 : memref<1x8x1x8x128xf32, #tpu.memory_space<hbm>> -> memref<8x8x128xf32, #tpu.memory_space<hbm>>
        %dma_wait3A_405 = arith.constant 0 : i32
        %dma_wait3A_406 = arith.constant 0 : i32
        %dma_wait3A_407 = arith.constant 0 : i32
        %dma_wait3A_408 = tpu.memref_slice %arg4[%dma_wait3A_393, %dma_wait3A_405, %dma_wait3A_394, %dma_wait3A_406, %dma_wait3A_407] : memref<200x8x32x8x128xf32, #tpu.memory_space<hbm>> -> memref<1x8x1x8x128xf32, #tpu.memory_space<hbm>>
        %dma_wait3A_409 = tpu.memref_squeeze %dma_wait3A_408 : memref<1x8x1x8x128xf32, #tpu.memory_space<hbm>> -> memref<8x8x128xf32, #tpu.memory_space<hbm>>
        %dma_wait3A_410 = arith.constant 0 : i32
        %dma_wait3A_411 = arith.constant 0 : i32
        %dma_wait3A_412 = arith.constant 0 : i32
        %dma_wait3A_413 = tpu.memref_slice %arg7[%dma_wait3A_392, %dma_wait3A_410, %dma_wait3A_411, %dma_wait3A_412] : memref<4x8x8x137xf32, #tpu.memory_space<vmem>> -> memref<1x8x8x128xf32, #tpu.memory_space<vmem>>
        %dma_wait3A_414 = tpu.memref_squeeze %dma_wait3A_413 : memref<1x8x8x128xf32, #tpu.memory_space<vmem>> -> memref<8x8x128xf32, #tpu.memory_space<vmem>>
        tpu.wait_dma2 semaphore(%arg13 : memref<!tpu.dma_semaphore, #tpu.memory_space<semaphore_mem>>) src(%dma_wait3A_414 : memref<8x8x128xf32, #tpu.memory_space<vmem>>) dst(%dma_wait3A_409 : memref<8x8x128xf32, #tpu.memory_space<hbm>>)
      } else {
      }
      %scan3A_248 = arith.constant 0 : i32
      %scan3A_249 = arith.constant 0 : i32
      %scan3A_250 = arith.constant 128 : i32
      %scan3A_251 = arith.addi %scan3A_249, %scan3A_250 : i32
      %scan3A_252 = arith.constant 8 : i32
      scf.for %scan3A_392 = %scan3A_249 to %scan3A_251 step %scan3A_252  : i32 {
        %broadcast_in_dim3A = vector.broadcast %scan3A_392 : i32 to vector<16xi32>
        %get3A = arith.constant 1 : i32
        %get3A_393 = arith.index_cast %get3A : i32 to index
        %get3A_394 = arith.index_cast %scan3A_392 : i32 to index
        %get3A_395 = arith.constant 0 : index
        %get3A_396 = tpu.vector_load %arg6[%get3A_393, %get3A_394, %get3A_395] {strides = array<i32>} : memref<4x128x64xf32, #tpu.memory_space<vmem>>, vector<16xf32>,
        %mul3A_397 = arith.constant 8.000000e+00 : f32
        %mul3A_398 = vector.broadcast %mul3A_397 : f32 to vector<16xf32>
        %mul3A_399 = arith.mulf %get3A_396, %mul3A_398 : vector<16xf32>
        %scatter3A = arith.constant 1 : i32
        %scatter3A_400 = arith.constant 0 : i32
        %scatter3A_401 = arith.constant 0 : i32
        %scatter3A_402 = arith.constant 0 : i32
        %scatter3A_403 = tpu.memref_slice %arg7[%scatter3A, %scatter3A_400, %scatter3A_401, %scatter3A_402] : memref<4x8x8x137xf32, #tpu.memory_space<vmem>> -> memref<1x8x8x137xf32, #tpu.memory_space<vmem>>
        %scatter3A_404 = tpu.memref_squeeze %scatter3A_403 : memref<1x8x8x137xf32, #tpu.memory_space<vmem>> -> memref<8x8x137xf32, #tpu.memory_space<vmem>>
        tpu.vector_store_idx %scatter3A_404[%add3A_7, %and3A_27, %broadcast_in_dim3A], %mul3A_399 : memref<8x8x137xf32, #tpu.memory_space<vmem>>[vector<16xi32>, vector<16xi32>, vector<16xi32>], vector<16xf32>,
        %get3A_405 = arith.constant 1 : i32
        %get3A_406 = arith.index_cast %get3A_405 : i32 to index
        %get3A_407 = arith.index_cast %scan3A_392 : i32 to index
        %get3A_408 = arith.constant 16 : index
        %get3A_409 = tpu.vector_load %arg6[%get3A_406, %get3A_407, %get3A_408] {strides = array<i32>} : memref<4x128x64xf32, #tpu.memory_space<vmem>>, vector<16xf32>,
        %mul3A_410 = arith.constant 8.000000e+00 : f32
        %mul3A_411 = vector.broadcast %mul3A_410 : f32 to vector<16xf32>
        %mul3A_412 = arith.mulf %get3A_409, %mul3A_411 : vector<16xf32>
        %scatter3A_413 = arith.constant 1 : i32
        %scatter3A_414 = arith.constant 0 : i32
        %scatter3A_415 = arith.constant 0 : i32
        %scatter3A_416 = arith.constant 0 : i32
        %scatter3A_417 = tpu.memref_slice %arg7[%scatter3A_413, %scatter3A_414, %scatter3A_415, %scatter3A_416] : memref<4x8x8x137xf32, #tpu.memory_space<vmem>> -> memref<1x8x8x137xf32, #tpu.memory_space<vmem>>
        %scatter3A_418 = tpu.memref_squeeze %scatter3A_417 : memref<1x8x8x137xf32, #tpu.memory_space<vmem>> -> memref<8x8x137xf32, #tpu.memory_space<vmem>>
        tpu.vector_store_idx %scatter3A_418[%add3A_13, %and3A_27, %broadcast_in_dim3A], %mul3A_412 : memref<8x8x137xf32, #tpu.memory_space<vmem>>[vector<16xi32>, vector<16xi32>, vector<16xi32>], vector<16xf32>,
        %get3A_419 = arith.constant 1 : i32
        %get3A_420 = arith.index_cast %get3A_419 : i32 to index
        %get3A_421 = arith.index_cast %scan3A_392 : i32 to index
        %get3A_422 = arith.constant 32 : index
        %get3A_423 = tpu.vector_load %arg6[%get3A_420, %get3A_421, %get3A_422] {strides = array<i32>} : memref<4x128x64xf32, #tpu.memory_space<vmem>>, vector<16xf32>,
        %mul3A_424 = arith.constant 8.000000e+00 : f32
        %mul3A_425 = vector.broadcast %mul3A_424 : f32 to vector<16xf32>
        %mul3A_426 = arith.mulf %get3A_423, %mul3A_425 : vector<16xf32>
        %scatter3A_427 = arith.constant 1 : i32
        %scatter3A_428 = arith.constant 0 : i32
        %scatter3A_429 = arith.constant 0 : i32
        %scatter3A_430 = arith.constant 0 : i32
        %scatter3A_431 = tpu.memref_slice %arg7[%scatter3A_427, %scatter3A_428, %scatter3A_429, %scatter3A_430] : memref<4x8x8x137xf32, #tpu.memory_space<vmem>> -> memref<1x8x8x137xf32, #tpu.memory_space<vmem>>
        %scatter3A_432 = tpu.memref_squeeze %scatter3A_431 : memref<1x8x8x137xf32, #tpu.memory_space<vmem>> -> memref<8x8x137xf32, #tpu.memory_space<vmem>>
        tpu.vector_store_idx %scatter3A_432[%add3A_19, %and3A_27, %broadcast_in_dim3A], %mul3A_426 : memref<8x8x137xf32, #tpu.memory_space<vmem>>[vector<16xi32>, vector<16xi32>, vector<16xi32>], vector<16xf32>,
        %get3A_433 = arith.constant 1 : i32
        %get3A_434 = arith.index_cast %get3A_433 : i32 to index
        %get3A_435 = arith.index_cast %scan3A_392 : i32 to index
        %get3A_436 = arith.constant 48 : index
        %get3A_437 = tpu.vector_load %arg6[%get3A_434, %get3A_435, %get3A_436] {strides = array<i32>} : memref<4x128x64xf32, #tpu.memory_space<vmem>>, vector<16xf32>,
        %mul3A_438 = arith.constant 8.000000e+00 : f32
        %mul3A_439 = vector.broadcast %mul3A_438 : f32 to vector<16xf32>
        %mul3A_440 = arith.mulf %get3A_437, %mul3A_439 : vector<16xf32>
        %scatter3A_441 = arith.constant 1 : i32
        %scatter3A_442 = arith.constant 0 : i32
        %scatter3A_443 = arith.constant 0 : i32
        %scatter3A_444 = arith.constant 0 : i32
        %scatter3A_445 = tpu.memref_slice %arg7[%scatter3A_441, %scatter3A_442, %scatter3A_443, %scatter3A_444] : memref<4x8x8x137xf32, #tpu.memory_space<vmem>> -> memref<1x8x8x137xf32, #tpu.memory_space<vmem>>
        %scatter3A_446 = tpu.memref_squeeze %scatter3A_445 : memref<1x8x8x137xf32, #tpu.memory_space<vmem>> -> memref<8x8x137xf32, #tpu.memory_space<vmem>>
        tpu.vector_store_idx %scatter3A_446[%add3A_25, %and3A_27, %broadcast_in_dim3A], %mul3A_440 : memref<8x8x137xf32, #tpu.memory_space<vmem>>[vector<16xi32>, vector<16xi32>, vector<16xi32>], vector<16xf32>,
        %scan3A_447 = arith.constant 1 : i32
        %scan3A_448 = arith.addi %scan3A_392, %scan3A_447 : i32
        %broadcast_in_dim3A_449 = vector.broadcast %scan3A_448 : i32 to vector<16xi32>
        %get3A_450 = arith.constant 1 : i32
        %get3A_451 = arith.index_cast %get3A_450 : i32 to index
        %get3A_452 = arith.index_cast %scan3A_448 : i32 to index
        %get3A_453 = arith.constant 0 : index
        %get3A_454 = tpu.vector_load %arg6[%get3A_451, %get3A_452, %get3A_453] {strides = array<i32>} : memref<4x128x64xf32, #tpu.memory_space<vmem>>, vector<16xf32>,
        %mul3A_455 = arith.constant 8.000000e+00 : f32
        %mul3A_456 = vector.broadcast %mul3A_455 : f32 to vector<16xf32>
        %mul3A_457 = arith.mulf %get3A_454, %mul3A_456 : vector<16xf32>
        %scatter3A_458 = arith.constant 1 : i32
        %scatter3A_459 = arith.constant 0 : i32
        %scatter3A_460 = arith.constant 0 : i32
        %scatter3A_461 = arith.constant 0 : i32
        %scatter3A_462 = tpu.memref_slice %arg7[%scatter3A_458, %scatter3A_459, %scatter3A_460, %scatter3A_461] : memref<4x8x8x137xf32, #tpu.memory_space<vmem>> -> memref<1x8x8x137xf32, #tpu.memory_space<vmem>>
        %scatter3A_463 = tpu.memref_squeeze %scatter3A_462 : memref<1x8x8x137xf32, #tpu.memory_space<vmem>> -> memref<8x8x137xf32, #tpu.memory_space<vmem>>
        tpu.vector_store_idx %scatter3A_463[%add3A_7, %and3A_27, %broadcast_in_dim3A_449], %mul3A_457 : memref<8x8x137xf32, #tpu.memory_space<vmem>>[vector<16xi32>, vector<16xi32>, vector<16xi32>], vector<16xf32>,
        %get3A_464 = arith.constant 1 : i32
        %get3A_465 = arith.index_cast %get3A_464 : i32 to index
        %get3A_466 = arith.index_cast %scan3A_448 : i32 to index
        %get3A_467 = arith.constant 16 : index
        %get3A_468 = tpu.vector_load %arg6[%get3A_465, %get3A_466, %get3A_467] {strides = array<i32>} : memref<4x128x64xf32, #tpu.memory_space<vmem>>, vector<16xf32>,
        %mul3A_469 = arith.constant 8.000000e+00 : f32
        %mul3A_470 = vector.broadcast %mul3A_469 : f32 to vector<16xf32>
        %mul3A_471 = arith.mulf %get3A_468, %mul3A_470 : vector<16xf32>
        %scatter3A_472 = arith.constant 1 : i32
        %scatter3A_473 = arith.constant 0 : i32
        %scatter3A_474 = arith.constant 0 : i32
        %scatter3A_475 = arith.constant 0 : i32
        %scatter3A_476 = tpu.memref_slice %arg7[%scatter3A_472, %scatter3A_473, %scatter3A_474, %scatter3A_475] : memref<4x8x8x137xf32, #tpu.memory_space<vmem>> -> memref<1x8x8x137xf32, #tpu.memory_space<vmem>>
        %scatter3A_477 = tpu.memref_squeeze %scatter3A_476 : memref<1x8x8x137xf32, #tpu.memory_space<vmem>> -> memref<8x8x137xf32, #tpu.memory_space<vmem>>
        tpu.vector_store_idx %scatter3A_477[%add3A_13, %and3A_27, %broadcast_in_dim3A_449], %mul3A_471 : memref<8x8x137xf32, #tpu.memory_space<vmem>>[vector<16xi32>, vector<16xi32>, vector<16xi32>], vector<16xf32>,
        %get3A_478 = arith.constant 1 : i32
        %get3A_479 = arith.index_cast %get3A_478 : i32 to index
        %get3A_480 = arith.index_cast %scan3A_448 : i32 to index
        %get3A_481 = arith.constant 32 : index
        %get3A_482 = tpu.vector_load %arg6[%get3A_479, %get3A_480, %get3A_481] {strides = array<i32>} : memref<4x128x64xf32, #tpu.memory_space<vmem>>, vector<16xf32>,
        %mul3A_483 = arith.constant 8.000000e+00 : f32
        %mul3A_484 = vector.broadcast %mul3A_483 : f32 to vector<16xf32>
        %mul3A_485 = arith.mulf %get3A_482, %mul3A_484 : vector<16xf32>
        %scatter3A_486 = arith.constant 1 : i32
        %scatter3A_487 = arith.constant 0 : i32
        %scatter3A_488 = arith.constant 0 : i32
        %scatter3A_489 = arith.constant 0 : i32
        %scatter3A_490 = tpu.memref_slice %arg7[%scatter3A_486, %scatter3A_487, %scatter3A_488, %scatter3A_489] : memref<4x8x8x137xf32, #tpu.memory_space<vmem>> -> memref<1x8x8x137xf32, #tpu.memory_space<vmem>>
        %scatter3A_491 = tpu.memref_squeeze %scatter3A_490 : memref<1x8x8x137xf32, #tpu.memory_space<vmem>> -> memref<8x8x137xf32, #tpu.memory_space<vmem>>
        tpu.vector_store_idx %scatter3A_491[%add3A_19, %and3A_27, %broadcast_in_dim3A_449], %mul3A_485 : memref<8x8x137xf32, #tpu.memory_space<vmem>>[vector<16xi32>, vector<16xi32>, vector<16xi32>], vector<16xf32>,
        %get3A_492 = arith.constant 1 : i32
        %get3A_493 = arith.index_cast %get3A_492 : i32 to index
        %get3A_494 = arith.index_cast %scan3A_448 : i32 to index
        %get3A_495 = arith.constant 48 : index
        %get3A_496 = tpu.vector_load %arg6[%get3A_493, %get3A_494, %get3A_495] {strides = array<i32>} : memref<4x128x64xf32, #tpu.memory_space<vmem>>, vector<16xf32>,
        %mul3A_497 = arith.constant 8.000000e+00 : f32
        %mul3A_498 = vector.broadcast %mul3A_497 : f32 to vector<16xf32>
        %mul3A_499 = arith.mulf %get3A_496, %mul3A_498 : vector<16xf32>
        %scatter3A_500 = arith.constant 1 : i32
        %scatter3A_501 = arith.constant 0 : i32
        %scatter3A_502 = arith.constant 0 : i32
        %scatter3A_503 = arith.constant 0 : i32
        %scatter3A_504 = tpu.memref_slice %arg7[%scatter3A_500, %scatter3A_501, %scatter3A_502, %scatter3A_503] : memref<4x8x8x137xf32, #tpu.memory_space<vmem>> -> memref<1x8x8x137xf32, #tpu.memory_space<vmem>>
        %scatter3A_505 = tpu.memref_squeeze %scatter3A_504 : memref<1x8x8x137xf32, #tpu.memory_space<vmem>> -> memref<8x8x137xf32, #tpu.memory_space<vmem>>
        tpu.vector_store_idx %scatter3A_505[%add3A_25, %and3A_27, %broadcast_in_dim3A_449], %mul3A_499 : memref<8x8x137xf32, #tpu.memory_space<vmem>>[vector<16xi32>, vector<16xi32>, vector<16xi32>], vector<16xf32>,
        %scan3A_506 = arith.constant 2 : i32
        %scan3A_507 = arith.addi %scan3A_392, %scan3A_506 : i32
        %broadcast_in_dim3A_508 = vector.broadcast %scan3A_507 : i32 to vector<16xi32>
        %get3A_509 = arith.constant 1 : i32
        %get3A_510 = arith.index_cast %get3A_509 : i32 to index
        %get3A_511 = arith.index_cast %scan3A_507 : i32 to index
        %get3A_512 = arith.constant 0 : index
        %get3A_513 = tpu.vector_load %arg6[%get3A_510, %get3A_511, %get3A_512] {strides = array<i32>} : memref<4x128x64xf32, #tpu.memory_space<vmem>>, vector<16xf32>,
        %mul3A_514 = arith.constant 8.000000e+00 : f32
        %mul3A_515 = vector.broadcast %mul3A_514 : f32 to vector<16xf32>
        %mul3A_516 = arith.mulf %get3A_513, %mul3A_515 : vector<16xf32>
        %scatter3A_517 = arith.constant 1 : i32
        %scatter3A_518 = arith.constant 0 : i32
        %scatter3A_519 = arith.constant 0 : i32
        %scatter3A_520 = arith.constant 0 : i32
        %scatter3A_521 = tpu.memref_slice %arg7[%scatter3A_517, %scatter3A_518, %scatter3A_519, %scatter3A_520] : memref<4x8x8x137xf32, #tpu.memory_space<vmem>> -> memref<1x8x8x137xf32, #tpu.memory_space<vmem>>
        %scatter3A_522 = tpu.memref_squeeze %scatter3A_521 : memref<1x8x8x137xf32, #tpu.memory_space<vmem>> -> memref<8x8x137xf32, #tpu.memory_space<vmem>>
        tpu.vector_store_idx %scatter3A_522[%add3A_7, %and3A_27, %broadcast_in_dim3A_508], %mul3A_516 : memref<8x8x137xf32, #tpu.memory_space<vmem>>[vector<16xi32>, vector<16xi32>, vector<16xi32>], vector<16xf32>,
        %get3A_523 = arith.constant 1 : i32
        %get3A_524 = arith.index_cast %get3A_523 : i32 to index
        %get3A_525 = arith.index_cast %scan3A_507 : i32 to index
        %get3A_526 = arith.constant 16 : index
        %get3A_527 = tpu.vector_load %arg6[%get3A_524, %get3A_525, %get3A_526] {strides = array<i32>} : memref<4x128x64xf32, #tpu.memory_space<vmem>>, vector<16xf32>,
        %mul3A_528 = arith.constant 8.000000e+00 : f32
        %mul3A_529 = vector.broadcast %mul3A_528 : f32 to vector<16xf32>
        %mul3A_530 = arith.mulf %get3A_527, %mul3A_529 : vector<16xf32>
        %scatter3A_531 = arith.constant 1 : i32
        %scatter3A_532 = arith.constant 0 : i32
        %scatter3A_533 = arith.constant 0 : i32
        %scatter3A_534 = arith.constant 0 : i32
        %scatter3A_535 = tpu.memref_slice %arg7[%scatter3A_531, %scatter3A_532, %scatter3A_533, %scatter3A_534] : memref<4x8x8x137xf32, #tpu.memory_space<vmem>> -> memref<1x8x8x137xf32, #tpu.memory_space<vmem>>
        %scatter3A_536 = tpu.memref_squeeze %scatter3A_535 : memref<1x8x8x137xf32, #tpu.memory_space<vmem>> -> memref<8x8x137xf32, #tpu.memory_space<vmem>>
        tpu.vector_store_idx %scatter3A_536[%add3A_13, %and3A_27, %broadcast_in_dim3A_508], %mul3A_530 : memref<8x8x137xf32, #tpu.memory_space<vmem>>[vector<16xi32>, vector<16xi32>, vector<16xi32>], vector<16xf32>,
        %get3A_537 = arith.constant 1 : i32
        %get3A_538 = arith.index_cast %get3A_537 : i32 to index
        %get3A_539 = arith.index_cast %scan3A_507 : i32 to index
        %get3A_540 = arith.constant 32 : index
        %get3A_541 = tpu.vector_load %arg6[%get3A_538, %get3A_539, %get3A_540] {strides = array<i32>} : memref<4x128x64xf32, #tpu.memory_space<vmem>>, vector<16xf32>,
        %mul3A_542 = arith.constant 8.000000e+00 : f32
        %mul3A_543 = vector.broadcast %mul3A_542 : f32 to vector<16xf32>
        %mul3A_544 = arith.mulf %get3A_541, %mul3A_543 : vector<16xf32>
        %scatter3A_545 = arith.constant 1 : i32
        %scatter3A_546 = arith.constant 0 : i32
        %scatter3A_547 = arith.constant 0 : i32
        %scatter3A_548 = arith.constant 0 : i32
        %scatter3A_549 = tpu.memref_slice %arg7[%scatter3A_545, %scatter3A_546, %scatter3A_547, %scatter3A_548] : memref<4x8x8x137xf32, #tpu.memory_space<vmem>> -> memref<1x8x8x137xf32, #tpu.memory_space<vmem>>
        %scatter3A_550 = tpu.memref_squeeze %scatter3A_549 : memref<1x8x8x137xf32, #tpu.memory_space<vmem>> -> memref<8x8x137xf32, #tpu.memory_space<vmem>>
        tpu.vector_store_idx %scatter3A_550[%add3A_19, %and3A_27, %broadcast_in_dim3A_508], %mul3A_544 : memref<8x8x137xf32, #tpu.memory_space<vmem>>[vector<16xi32>, vector<16xi32>, vector<16xi32>], vector<16xf32>,
        %get3A_551 = arith.constant 1 : i32
        %get3A_552 = arith.index_cast %get3A_551 : i32 to index
        %get3A_553 = arith.index_cast %scan3A_507 : i32 to index
        %get3A_554 = arith.constant 48 : index
        %get3A_555 = tpu.vector_load %arg6[%get3A_552, %get3A_553, %get3A_554] {strides = array<i32>} : memref<4x128x64xf32, #tpu.memory_space<vmem>>, vector<16xf32>,
        %mul3A_556 = arith.constant 8.000000e+00 : f32
        %mul3A_557 = vector.broadcast %mul3A_556 : f32 to vector<16xf32>
        %mul3A_558 = arith.mulf %get3A_555, %mul3A_557 : vector<16xf32>
        %scatter3A_559 = arith.constant 1 : i32
        %scatter3A_560 = arith.constant 0 : i32
        %scatter3A_561 = arith.constant 0 : i32
        %scatter3A_562 = arith.constant 0 : i32
        %scatter3A_563 = tpu.memref_slice %arg7[%scatter3A_559, %scatter3A_560, %scatter3A_561, %scatter3A_562] : memref<4x8x8x137xf32, #tpu.memory_space<vmem>> -> memref<1x8x8x137xf32, #tpu.memory_space<vmem>>
        %scatter3A_564 = tpu.memref_squeeze %scatter3A_563 : memref<1x8x8x137xf32, #tpu.memory_space<vmem>> -> memref<8x8x137xf32, #tpu.memory_space<vmem>>
        tpu.vector_store_idx %scatter3A_564[%add3A_25, %and3A_27, %broadcast_in_dim3A_508], %mul3A_558 : memref<8x8x137xf32, #tpu.memory_space<vmem>>[vector<16xi32>, vector<16xi32>, vector<16xi32>], vector<16xf32>,
        %scan3A_565 = arith.constant 3 : i32
        %scan3A_566 = arith.addi %scan3A_392, %scan3A_565 : i32
        %broadcast_in_dim3A_567 = vector.broadcast %scan3A_566 : i32 to vector<16xi32>
        %get3A_568 = arith.constant 1 : i32
        %get3A_569 = arith.index_cast %get3A_568 : i32 to index
        %get3A_570 = arith.index_cast %scan3A_566 : i32 to index
        %get3A_571 = arith.constant 0 : index
        %get3A_572 = tpu.vector_load %arg6[%get3A_569, %get3A_570, %get3A_571] {strides = array<i32>} : memref<4x128x64xf32, #tpu.memory_space<vmem>>, vector<16xf32>,
        %mul3A_573 = arith.constant 8.000000e+00 : f32
        %mul3A_574 = vector.broadcast %mul3A_573 : f32 to vector<16xf32>
        %mul3A_575 = arith.mulf %get3A_572, %mul3A_574 : vector<16xf32>
        %scatter3A_576 = arith.constant 1 : i32
        %scatter3A_577 = arith.constant 0 : i32
        %scatter3A_578 = arith.constant 0 : i32
        %scatter3A_579 = arith.constant 0 : i32
        %scatter3A_580 = tpu.memref_slice %arg7[%scatter3A_576, %scatter3A_577, %scatter3A_578, %scatter3A_579] : memref<4x8x8x137xf32, #tpu.memory_space<vmem>> -> memref<1x8x8x137xf32, #tpu.memory_space<vmem>>
        %scatter3A_581 = tpu.memref_squeeze %scatter3A_580 : memref<1x8x8x137xf32, #tpu.memory_space<vmem>> -> memref<8x8x137xf32, #tpu.memory_space<vmem>>
        tpu.vector_store_idx %scatter3A_581[%add3A_7, %and3A_27, %broadcast_in_dim3A_567], %mul3A_575 : memref<8x8x137xf32, #tpu.memory_space<vmem>>[vector<16xi32>, vector<16xi32>, vector<16xi32>], vector<16xf32>,
        %get3A_582 = arith.constant 1 : i32
        %get3A_583 = arith.index_cast %get3A_582 : i32 to index
        %get3A_584 = arith.index_cast %scan3A_566 : i32 to index
        %get3A_585 = arith.constant 16 : index
        %get3A_586 = tpu.vector_load %arg6[%get3A_583, %get3A_584, %get3A_585] {strides = array<i32>} : memref<4x128x64xf32, #tpu.memory_space<vmem>>, vector<16xf32>,
        %mul3A_587 = arith.constant 8.000000e+00 : f32
        %mul3A_588 = vector.broadcast %mul3A_587 : f32 to vector<16xf32>
        %mul3A_589 = arith.mulf %get3A_586, %mul3A_588 : vector<16xf32>
        %scatter3A_590 = arith.constant 1 : i32
        %scatter3A_591 = arith.constant 0 : i32
        %scatter3A_592 = arith.constant 0 : i32
        %scatter3A_593 = arith.constant 0 : i32
        %scatter3A_594 = tpu.memref_slice %arg7[%scatter3A_590, %scatter3A_591, %scatter3A_592, %scatter3A_593] : memref<4x8x8x137xf32, #tpu.memory_space<vmem>> -> memref<1x8x8x137xf32, #tpu.memory_space<vmem>>
        %scatter3A_595 = tpu.memref_squeeze %scatter3A_594 : memref<1x8x8x137xf32, #tpu.memory_space<vmem>> -> memref<8x8x137xf32, #tpu.memory_space<vmem>>
        tpu.vector_store_idx %scatter3A_595[%add3A_13, %and3A_27, %broadcast_in_dim3A_567], %mul3A_589 : memref<8x8x137xf32, #tpu.memory_space<vmem>>[vector<16xi32>, vector<16xi32>, vector<16xi32>], vector<16xf32>,
        %get3A_596 = arith.constant 1 : i32
        %get3A_597 = arith.index_cast %get3A_596 : i32 to index
        %get3A_598 = arith.index_cast %scan3A_566 : i32 to index
        %get3A_599 = arith.constant 32 : index
        %get3A_600 = tpu.vector_load %arg6[%get3A_597, %get3A_598, %get3A_599] {strides = array<i32>} : memref<4x128x64xf32, #tpu.memory_space<vmem>>, vector<16xf32>,
        %mul3A_601 = arith.constant 8.000000e+00 : f32
        %mul3A_602 = vector.broadcast %mul3A_601 : f32 to vector<16xf32>
        %mul3A_603 = arith.mulf %get3A_600, %mul3A_602 : vector<16xf32>
        %scatter3A_604 = arith.constant 1 : i32
        %scatter3A_605 = arith.constant 0 : i32
        %scatter3A_606 = arith.constant 0 : i32
        %scatter3A_607 = arith.constant 0 : i32
        %scatter3A_608 = tpu.memref_slice %arg7[%scatter3A_604, %scatter3A_605, %scatter3A_606, %scatter3A_607] : memref<4x8x8x137xf32, #tpu.memory_space<vmem>> -> memref<1x8x8x137xf32, #tpu.memory_space<vmem>>
        %scatter3A_609 = tpu.memref_squeeze %scatter3A_608 : memref<1x8x8x137xf32, #tpu.memory_space<vmem>> -> memref<8x8x137xf32, #tpu.memory_space<vmem>>
        tpu.vector_store_idx %scatter3A_609[%add3A_19, %and3A_27, %broadcast_in_dim3A_567], %mul3A_603 : memref<8x8x137xf32, #tpu.memory_space<vmem>>[vector<16xi32>, vector<16xi32>, vector<16xi32>], vector<16xf32>,
        %get3A_610 = arith.constant 1 : i32
        %get3A_611 = arith.index_cast %get3A_610 : i32 to index
        %get3A_612 = arith.index_cast %scan3A_566 : i32 to index
        %get3A_613 = arith.constant 48 : index
        %get3A_614 = tpu.vector_load %arg6[%get3A_611, %get3A_612, %get3A_613] {strides = array<i32>} : memref<4x128x64xf32, #tpu.memory_space<vmem>>, vector<16xf32>,
        %mul3A_615 = arith.constant 8.000000e+00 : f32
        %mul3A_616 = vector.broadcast %mul3A_615 : f32 to vector<16xf32>
        %mul3A_617 = arith.mulf %get3A_614, %mul3A_616 : vector<16xf32>
        %scatter3A_618 = arith.constant 1 : i32
        %scatter3A_619 = arith.constant 0 : i32
        %scatter3A_620 = arith.constant 0 : i32
        %scatter3A_621 = arith.constant 0 : i32
        %scatter3A_622 = tpu.memref_slice %arg7[%scatter3A_618, %scatter3A_619, %scatter3A_620, %scatter3A_621] : memref<4x8x8x137xf32, #tpu.memory_space<vmem>> -> memref<1x8x8x137xf32, #tpu.memory_space<vmem>>
        %scatter3A_623 = tpu.memref_squeeze %scatter3A_622 : memref<1x8x8x137xf32, #tpu.memory_space<vmem>> -> memref<8x8x137xf32, #tpu.memory_space<vmem>>
        tpu.vector_store_idx %scatter3A_623[%add3A_25, %and3A_27, %broadcast_in_dim3A_567], %mul3A_617 : memref<8x8x137xf32, #tpu.memory_space<vmem>>[vector<16xi32>, vector<16xi32>, vector<16xi32>], vector<16xf32>,
        %scan3A_624 = arith.constant 4 : i32
        %scan3A_625 = arith.addi %scan3A_392, %scan3A_624 : i32
        %broadcast_in_dim3A_626 = vector.broadcast %scan3A_625 : i32 to vector<16xi32>
        %get3A_627 = arith.constant 1 : i32
        %get3A_628 = arith.index_cast %get3A_627 : i32 to index
        %get3A_629 = arith.index_cast %scan3A_625 : i32 to index
        %get3A_630 = arith.constant 0 : index
        %get3A_631 = tpu.vector_load %arg6[%get3A_628, %get3A_629, %get3A_630] {strides = array<i32>} : memref<4x128x64xf32, #tpu.memory_space<vmem>>, vector<16xf32>,
        %mul3A_632 = arith.constant 8.000000e+00 : f32
        %mul3A_633 = vector.broadcast %mul3A_632 : f32 to vector<16xf32>
        %mul3A_634 = arith.mulf %get3A_631, %mul3A_633 : vector<16xf32>
        %scatter3A_635 = arith.constant 1 : i32
        %scatter3A_636 = arith.constant 0 : i32
        %scatter3A_637 = arith.constant 0 : i32
        %scatter3A_638 = arith.constant 0 : i32
        %scatter3A_639 = tpu.memref_slice %arg7[%scatter3A_635, %scatter3A_636, %scatter3A_637, %scatter3A_638] : memref<4x8x8x137xf32, #tpu.memory_space<vmem>> -> memref<1x8x8x137xf32, #tpu.memory_space<vmem>>
        %scatter3A_640 = tpu.memref_squeeze %scatter3A_639 : memref<1x8x8x137xf32, #tpu.memory_space<vmem>> -> memref<8x8x137xf32, #tpu.memory_space<vmem>>
        tpu.vector_store_idx %scatter3A_640[%add3A_7, %and3A_27, %broadcast_in_dim3A_626], %mul3A_634 : memref<8x8x137xf32, #tpu.memory_space<vmem>>[vector<16xi32>, vector<16xi32>, vector<16xi32>], vector<16xf32>,
        %get3A_641 = arith.constant 1 : i32
        %get3A_642 = arith.index_cast %get3A_641 : i32 to index
        %get3A_643 = arith.index_cast %scan3A_625 : i32 to index
        %get3A_644 = arith.constant 16 : index
        %get3A_645 = tpu.vector_load %arg6[%get3A_642, %get3A_643, %get3A_644] {strides = array<i32>} : memref<4x128x64xf32, #tpu.memory_space<vmem>>, vector<16xf32>,
        %mul3A_646 = arith.constant 8.000000e+00 : f32
        %mul3A_647 = vector.broadcast %mul3A_646 : f32 to vector<16xf32>
        %mul3A_648 = arith.mulf %get3A_645, %mul3A_647 : vector<16xf32>
        %scatter3A_649 = arith.constant 1 : i32
        %scatter3A_650 = arith.constant 0 : i32
        %scatter3A_651 = arith.constant 0 : i32
        %scatter3A_652 = arith.constant 0 : i32
        %scatter3A_653 = tpu.memref_slice %arg7[%scatter3A_649, %scatter3A_650, %scatter3A_651, %scatter3A_652] : memref<4x8x8x137xf32, #tpu.memory_space<vmem>> -> memref<1x8x8x137xf32, #tpu.memory_space<vmem>>
        %scatter3A_654 = tpu.memref_squeeze %scatter3A_653 : memref<1x8x8x137xf32, #tpu.memory_space<vmem>> -> memref<8x8x137xf32, #tpu.memory_space<vmem>>
        tpu.vector_store_idx %scatter3A_654[%add3A_13, %and3A_27, %broadcast_in_dim3A_626], %mul3A_648 : memref<8x8x137xf32, #tpu.memory_space<vmem>>[vector<16xi32>, vector<16xi32>, vector<16xi32>], vector<16xf32>,
        %get3A_655 = arith.constant 1 : i32
        %get3A_656 = arith.index_cast %get3A_655 : i32 to index
        %get3A_657 = arith.index_cast %scan3A_625 : i32 to index
        %get3A_658 = arith.constant 32 : index
        %get3A_659 = tpu.vector_load %arg6[%get3A_656, %get3A_657, %get3A_658] {strides = array<i32>} : memref<4x128x64xf32, #tpu.memory_space<vmem>>, vector<16xf32>,
        %mul3A_660 = arith.constant 8.000000e+00 : f32
        %mul3A_661 = vector.broadcast %mul3A_660 : f32 to vector<16xf32>
        %mul3A_662 = arith.mulf %get3A_659, %mul3A_661 : vector<16xf32>
        %scatter3A_663 = arith.constant 1 : i32
        %scatter3A_664 = arith.constant 0 : i32
        %scatter3A_665 = arith.constant 0 : i32
        %scatter3A_666 = arith.constant 0 : i32
        %scatter3A_667 = tpu.memref_slice %arg7[%scatter3A_663, %scatter3A_664, %scatter3A_665, %scatter3A_666] : memref<4x8x8x137xf32, #tpu.memory_space<vmem>> -> memref<1x8x8x137xf32, #tpu.memory_space<vmem>>
        %scatter3A_668 = tpu.memref_squeeze %scatter3A_667 : memref<1x8x8x137xf32, #tpu.memory_space<vmem>> -> memref<8x8x137xf32, #tpu.memory_space<vmem>>
        tpu.vector_store_idx %scatter3A_668[%add3A_19, %and3A_27, %broadcast_in_dim3A_626], %mul3A_662 : memref<8x8x137xf32, #tpu.memory_space<vmem>>[vector<16xi32>, vector<16xi32>, vector<16xi32>], vector<16xf32>,
        %get3A_669 = arith.constant 1 : i32
        %get3A_670 = arith.index_cast %get3A_669 : i32 to index
        %get3A_671 = arith.index_cast %scan3A_625 : i32 to index
        %get3A_672 = arith.constant 48 : index
        %get3A_673 = tpu.vector_load %arg6[%get3A_670, %get3A_671, %get3A_672] {strides = array<i32>} : memref<4x128x64xf32, #tpu.memory_space<vmem>>, vector<16xf32>,
        %mul3A_674 = arith.constant 8.000000e+00 : f32
        %mul3A_675 = vector.broadcast %mul3A_674 : f32 to vector<16xf32>
        %mul3A_676 = arith.mulf %get3A_673, %mul3A_675 : vector<16xf32>
        %scatter3A_677 = arith.constant 1 : i32
        %scatter3A_678 = arith.constant 0 : i32
        %scatter3A_679 = arith.constant 0 : i32
        %scatter3A_680 = arith.constant 0 : i32
        %scatter3A_681 = tpu.memref_slice %arg7[%scatter3A_677, %scatter3A_678, %scatter3A_679, %scatter3A_680] : memref<4x8x8x137xf32, #tpu.memory_space<vmem>> -> memref<1x8x8x137xf32, #tpu.memory_space<vmem>>
        %scatter3A_682 = tpu.memref_squeeze %scatter3A_681 : memref<1x8x8x137xf32, #tpu.memory_space<vmem>> -> memref<8x8x137xf32, #tpu.memory_space<vmem>>
        tpu.vector_store_idx %scatter3A_682[%add3A_25, %and3A_27, %broadcast_in_dim3A_626], %mul3A_676 : memref<8x8x137xf32, #tpu.memory_space<vmem>>[vector<16xi32>, vector<16xi32>, vector<16xi32>], vector<16xf32>,
        %scan3A_683 = arith.constant 5 : i32
        %scan3A_684 = arith.addi %scan3A_392, %scan3A_683 : i32
        %broadcast_in_dim3A_685 = vector.broadcast %scan3A_684 : i32 to vector<16xi32>
        %get3A_686 = arith.constant 1 : i32
        %get3A_687 = arith.index_cast %get3A_686 : i32 to index
        %get3A_688 = arith.index_cast %scan3A_684 : i32 to index
        %get3A_689 = arith.constant 0 : index
        %get3A_690 = tpu.vector_load %arg6[%get3A_687, %get3A_688, %get3A_689] {strides = array<i32>} : memref<4x128x64xf32, #tpu.memory_space<vmem>>, vector<16xf32>,
        %mul3A_691 = arith.constant 8.000000e+00 : f32
        %mul3A_692 = vector.broadcast %mul3A_691 : f32 to vector<16xf32>
        %mul3A_693 = arith.mulf %get3A_690, %mul3A_692 : vector<16xf32>
        %scatter3A_694 = arith.constant 1 : i32
        %scatter3A_695 = arith.constant 0 : i32
        %scatter3A_696 = arith.constant 0 : i32
        %scatter3A_697 = arith.constant 0 : i32
        %scatter3A_698 = tpu.memref_slice %arg7[%scatter3A_694, %scatter3A_695, %scatter3A_696, %scatter3A_697] : memref<4x8x8x137xf32, #tpu.memory_space<vmem>> -> memref<1x8x8x137xf32, #tpu.memory_space<vmem>>
        %scatter3A_699 = tpu.memref_squeeze %scatter3A_698 : memref<1x8x8x137xf32, #tpu.memory_space<vmem>> -> memref<8x8x137xf32, #tpu.memory_space<vmem>>
        tpu.vector_store_idx %scatter3A_699[%add3A_7, %and3A_27, %broadcast_in_dim3A_685], %mul3A_693 : memref<8x8x137xf32, #tpu.memory_space<vmem>>[vector<16xi32>, vector<16xi32>, vector<16xi32>], vector<16xf32>,
        %get3A_700 = arith.constant 1 : i32
        %get3A_701 = arith.index_cast %get3A_700 : i32 to index
        %get3A_702 = arith.index_cast %scan3A_684 : i32 to index
        %get3A_703 = arith.constant 16 : index
        %get3A_704 = tpu.vector_load %arg6[%get3A_701, %get3A_702, %get3A_703] {strides = array<i32>} : memref<4x128x64xf32, #tpu.memory_space<vmem>>, vector<16xf32>,
        %mul3A_705 = arith.constant 8.000000e+00 : f32
        %mul3A_706 = vector.broadcast %mul3A_705 : f32 to vector<16xf32>
        %mul3A_707 = arith.mulf %get3A_704, %mul3A_706 : vector<16xf32>
        %scatter3A_708 = arith.constant 1 : i32
        %scatter3A_709 = arith.constant 0 : i32
        %scatter3A_710 = arith.constant 0 : i32
        %scatter3A_711 = arith.constant 0 : i32
        %scatter3A_712 = tpu.memref_slice %arg7[%scatter3A_708, %scatter3A_709, %scatter3A_710, %scatter3A_711] : memref<4x8x8x137xf32, #tpu.memory_space<vmem>> -> memref<1x8x8x137xf32, #tpu.memory_space<vmem>>
        %scatter3A_713 = tpu.memref_squeeze %scatter3A_712 : memref<1x8x8x137xf32, #tpu.memory_space<vmem>> -> memref<8x8x137xf32, #tpu.memory_space<vmem>>
        tpu.vector_store_idx %scatter3A_713[%add3A_13, %and3A_27, %broadcast_in_dim3A_685], %mul3A_707 : memref<8x8x137xf32, #tpu.memory_space<vmem>>[vector<16xi32>, vector<16xi32>, vector<16xi32>], vector<16xf32>,
        %get3A_714 = arith.constant 1 : i32
        %get3A_715 = arith.index_cast %get3A_714 : i32 to index
        %get3A_716 = arith.index_cast %scan3A_684 : i32 to index
        %get3A_717 = arith.constant 32 : index
        %get3A_718 = tpu.vector_load %arg6[%get3A_715, %get3A_716, %get3A_717] {strides = array<i32>} : memref<4x128x64xf32, #tpu.memory_space<vmem>>, vector<16xf32>,
        %mul3A_719 = arith.constant 8.000000e+00 : f32
        %mul3A_720 = vector.broadcast %mul3A_719 : f32 to vector<16xf32>
        %mul3A_721 = arith.mulf %get3A_718, %mul3A_720 : vector<16xf32>
        %scatter3A_722 = arith.constant 1 : i32
        %scatter3A_723 = arith.constant 0 : i32
        %scatter3A_724 = arith.constant 0 : i32
        %scatter3A_725 = arith.constant 0 : i32
        %scatter3A_726 = tpu.memref_slice %arg7[%scatter3A_722, %scatter3A_723, %scatter3A_724, %scatter3A_725] : memref<4x8x8x137xf32, #tpu.memory_space<vmem>> -> memref<1x8x8x137xf32, #tpu.memory_space<vmem>>
        %scatter3A_727 = tpu.memref_squeeze %scatter3A_726 : memref<1x8x8x137xf32, #tpu.memory_space<vmem>> -> memref<8x8x137xf32, #tpu.memory_space<vmem>>
        tpu.vector_store_idx %scatter3A_727[%add3A_19, %and3A_27, %broadcast_in_dim3A_685], %mul3A_721 : memref<8x8x137xf32, #tpu.memory_space<vmem>>[vector<16xi32>, vector<16xi32>, vector<16xi32>], vector<16xf32>,
        %get3A_728 = arith.constant 1 : i32
        %get3A_729 = arith.index_cast %get3A_728 : i32 to index
        %get3A_730 = arith.index_cast %scan3A_684 : i32 to index
        %get3A_731 = arith.constant 48 : index
        %get3A_732 = tpu.vector_load %arg6[%get3A_729, %get3A_730, %get3A_731] {strides = array<i32>} : memref<4x128x64xf32, #tpu.memory_space<vmem>>, vector<16xf32>,
        %mul3A_733 = arith.constant 8.000000e+00 : f32
        %mul3A_734 = vector.broadcast %mul3A_733 : f32 to vector<16xf32>
        %mul3A_735 = arith.mulf %get3A_732, %mul3A_734 : vector<16xf32>
        %scatter3A_736 = arith.constant 1 : i32
        %scatter3A_737 = arith.constant 0 : i32
        %scatter3A_738 = arith.constant 0 : i32
        %scatter3A_739 = arith.constant 0 : i32
        %scatter3A_740 = tpu.memref_slice %arg7[%scatter3A_736, %scatter3A_737, %scatter3A_738, %scatter3A_739] : memref<4x8x8x137xf32, #tpu.memory_space<vmem>> -> memref<1x8x8x137xf32, #tpu.memory_space<vmem>>
        %scatter3A_741 = tpu.memref_squeeze %scatter3A_740 : memref<1x8x8x137xf32, #tpu.memory_space<vmem>> -> memref<8x8x137xf32, #tpu.memory_space<vmem>>
        tpu.vector_store_idx %scatter3A_741[%add3A_25, %and3A_27, %broadcast_in_dim3A_685], %mul3A_735 : memref<8x8x137xf32, #tpu.memory_space<vmem>>[vector<16xi32>, vector<16xi32>, vector<16xi32>], vector<16xf32>,
        %scan3A_742 = arith.constant 6 : i32
        %scan3A_743 = arith.addi %scan3A_392, %scan3A_742 : i32
        %broadcast_in_dim3A_744 = vector.broadcast %scan3A_743 : i32 to vector<16xi32>
        %get3A_745 = arith.constant 1 : i32
        %get3A_746 = arith.index_cast %get3A_745 : i32 to index
        %get3A_747 = arith.index_cast %scan3A_743 : i32 to index
        %get3A_748 = arith.constant 0 : index
        %get3A_749 = tpu.vector_load %arg6[%get3A_746, %get3A_747, %get3A_748] {strides = array<i32>} : memref<4x128x64xf32, #tpu.memory_space<vmem>>, vector<16xf32>,
        %mul3A_750 = arith.constant 8.000000e+00 : f32
        %mul3A_751 = vector.broadcast %mul3A_750 : f32 to vector<16xf32>
        %mul3A_752 = arith.mulf %get3A_749, %mul3A_751 : vector<16xf32>
        %scatter3A_753 = arith.constant 1 : i32
        %scatter3A_754 = arith.constant 0 : i32
        %scatter3A_755 = arith.constant 0 : i32
        %scatter3A_756 = arith.constant 0 : i32
        %scatter3A_757 = tpu.memref_slice %arg7[%scatter3A_753, %scatter3A_754, %scatter3A_755, %scatter3A_756] : memref<4x8x8x137xf32, #tpu.memory_space<vmem>> -> memref<1x8x8x137xf32, #tpu.memory_space<vmem>>
        %scatter3A_758 = tpu.memref_squeeze %scatter3A_757 : memref<1x8x8x137xf32, #tpu.memory_space<vmem>> -> memref<8x8x137xf32, #tpu.memory_space<vmem>>
        tpu.vector_store_idx %scatter3A_758[%add3A_7, %and3A_27, %broadcast_in_dim3A_744], %mul3A_752 : memref<8x8x137xf32, #tpu.memory_space<vmem>>[vector<16xi32>, vector<16xi32>, vector<16xi32>], vector<16xf32>,
        %get3A_759 = arith.constant 1 : i32
        %get3A_760 = arith.index_cast %get3A_759 : i32 to index
        %get3A_761 = arith.index_cast %scan3A_743 : i32 to index
        %get3A_762 = arith.constant 16 : index
        %get3A_763 = tpu.vector_load %arg6[%get3A_760, %get3A_761, %get3A_762] {strides = array<i32>} : memref<4x128x64xf32, #tpu.memory_space<vmem>>, vector<16xf32>,
        %mul3A_764 = arith.constant 8.000000e+00 : f32
        %mul3A_765 = vector.broadcast %mul3A_764 : f32 to vector<16xf32>
        %mul3A_766 = arith.mulf %get3A_763, %mul3A_765 : vector<16xf32>
        %scatter3A_767 = arith.constant 1 : i32
        %scatter3A_768 = arith.constant 0 : i32
        %scatter3A_769 = arith.constant 0 : i32
        %scatter3A_770 = arith.constant 0 : i32
        %scatter3A_771 = tpu.memref_slice %arg7[%scatter3A_767, %scatter3A_768, %scatter3A_769, %scatter3A_770] : memref<4x8x8x137xf32, #tpu.memory_space<vmem>> -> memref<1x8x8x137xf32, #tpu.memory_space<vmem>>
        %scatter3A_772 = tpu.memref_squeeze %scatter3A_771 : memref<1x8x8x137xf32, #tpu.memory_space<vmem>> -> memref<8x8x137xf32, #tpu.memory_space<vmem>>
        tpu.vector_store_idx %scatter3A_772[%add3A_13, %and3A_27, %broadcast_in_dim3A_744], %mul3A_766 : memref<8x8x137xf32, #tpu.memory_space<vmem>>[vector<16xi32>, vector<16xi32>, vector<16xi32>], vector<16xf32>,
        %get3A_773 = arith.constant 1 : i32
        %get3A_774 = arith.index_cast %get3A_773 : i32 to index
        %get3A_775 = arith.index_cast %scan3A_743 : i32 to index
        %get3A_776 = arith.constant 32 : index
        %get3A_777 = tpu.vector_load %arg6[%get3A_774, %get3A_775, %get3A_776] {strides = array<i32>} : memref<4x128x64xf32, #tpu.memory_space<vmem>>, vector<16xf32>,
        %mul3A_778 = arith.constant 8.000000e+00 : f32
        %mul3A_779 = vector.broadcast %mul3A_778 : f32 to vector<16xf32>
        %mul3A_780 = arith.mulf %get3A_777, %mul3A_779 : vector<16xf32>
        %scatter3A_781 = arith.constant 1 : i32
        %scatter3A_782 = arith.constant 0 : i32
        %scatter3A_783 = arith.constant 0 : i32
        %scatter3A_784 = arith.constant 0 : i32
        %scatter3A_785 = tpu.memref_slice %arg7[%scatter3A_781, %scatter3A_782, %scatter3A_783, %scatter3A_784] : memref<4x8x8x137xf32, #tpu.memory_space<vmem>> -> memref<1x8x8x137xf32, #tpu.memory_space<vmem>>
        %scatter3A_786 = tpu.memref_squeeze %scatter3A_785 : memref<1x8x8x137xf32, #tpu.memory_space<vmem>> -> memref<8x8x137xf32, #tpu.memory_space<vmem>>
        tpu.vector_store_idx %scatter3A_786[%add3A_19, %and3A_27, %broadcast_in_dim3A_744], %mul3A_780 : memref<8x8x137xf32, #tpu.memory_space<vmem>>[vector<16xi32>, vector<16xi32>, vector<16xi32>], vector<16xf32>,
        %get3A_787 = arith.constant 1 : i32
        %get3A_788 = arith.index_cast %get3A_787 : i32 to index
        %get3A_789 = arith.index_cast %scan3A_743 : i32 to index
        %get3A_790 = arith.constant 48 : index
        %get3A_791 = tpu.vector_load %arg6[%get3A_788, %get3A_789, %get3A_790] {strides = array<i32>} : memref<4x128x64xf32, #tpu.memory_space<vmem>>, vector<16xf32>,
        %mul3A_792 = arith.constant 8.000000e+00 : f32
        %mul3A_793 = vector.broadcast %mul3A_792 : f32 to vector<16xf32>
        %mul3A_794 = arith.mulf %get3A_791, %mul3A_793 : vector<16xf32>
        %scatter3A_795 = arith.constant 1 : i32
        %scatter3A_796 = arith.constant 0 : i32
        %scatter3A_797 = arith.constant 0 : i32
        %scatter3A_798 = arith.constant 0 : i32
        %scatter3A_799 = tpu.memref_slice %arg7[%scatter3A_795, %scatter3A_796, %scatter3A_797, %scatter3A_798] : memref<4x8x8x137xf32, #tpu.memory_space<vmem>> -> memref<1x8x8x137xf32, #tpu.memory_space<vmem>>
        %scatter3A_800 = tpu.memref_squeeze %scatter3A_799 : memref<1x8x8x137xf32, #tpu.memory_space<vmem>> -> memref<8x8x137xf32, #tpu.memory_space<vmem>>
        tpu.vector_store_idx %scatter3A_800[%add3A_25, %and3A_27, %broadcast_in_dim3A_744], %mul3A_794 : memref<8x8x137xf32, #tpu.memory_space<vmem>>[vector<16xi32>, vector<16xi32>, vector<16xi32>], vector<16xf32>,
        %scan3A_801 = arith.constant 7 : i32
        %scan3A_802 = arith.addi %scan3A_392, %scan3A_801 : i32
        %broadcast_in_dim3A_803 = vector.broadcast %scan3A_802 : i32 to vector<16xi32>
        %get3A_804 = arith.constant 1 : i32
        %get3A_805 = arith.index_cast %get3A_804 : i32 to index
        %get3A_806 = arith.index_cast %scan3A_802 : i32 to index
        %get3A_807 = arith.constant 0 : index
        %get3A_808 = tpu.vector_load %arg6[%get3A_805, %get3A_806, %get3A_807] {strides = array<i32>} : memref<4x128x64xf32, #tpu.memory_space<vmem>>, vector<16xf32>,
        %mul3A_809 = arith.constant 8.000000e+00 : f32
        %mul3A_810 = vector.broadcast %mul3A_809 : f32 to vector<16xf32>
        %mul3A_811 = arith.mulf %get3A_808, %mul3A_810 : vector<16xf32>
        %scatter3A_812 = arith.constant 1 : i32
        %scatter3A_813 = arith.constant 0 : i32
        %scatter3A_814 = arith.constant 0 : i32
        %scatter3A_815 = arith.constant 0 : i32
        %scatter3A_816 = tpu.memref_slice %arg7[%scatter3A_812, %scatter3A_813, %scatter3A_814, %scatter3A_815] : memref<4x8x8x137xf32, #tpu.memory_space<vmem>> -> memref<1x8x8x137xf32, #tpu.memory_space<vmem>>
        %scatter3A_817 = tpu.memref_squeeze %scatter3A_816 : memref<1x8x8x137xf32, #tpu.memory_space<vmem>> -> memref<8x8x137xf32, #tpu.memory_space<vmem>>
        tpu.vector_store_idx %scatter3A_817[%add3A_7, %and3A_27, %broadcast_in_dim3A_803], %mul3A_811 : memref<8x8x137xf32, #tpu.memory_space<vmem>>[vector<16xi32>, vector<16xi32>, vector<16xi32>], vector<16xf32>,
        %get3A_818 = arith.constant 1 : i32
        %get3A_819 = arith.index_cast %get3A_818 : i32 to index
        %get3A_820 = arith.index_cast %scan3A_802 : i32 to index
        %get3A_821 = arith.constant 16 : index
        %get3A_822 = tpu.vector_load %arg6[%get3A_819, %get3A_820, %get3A_821] {strides = array<i32>} : memref<4x128x64xf32, #tpu.memory_space<vmem>>, vector<16xf32>,
        %mul3A_823 = arith.constant 8.000000e+00 : f32
        %mul3A_824 = vector.broadcast %mul3A_823 : f32 to vector<16xf32>
        %mul3A_825 = arith.mulf %get3A_822, %mul3A_824 : vector<16xf32>
        %scatter3A_826 = arith.constant 1 : i32
        %scatter3A_827 = arith.constant 0 : i32
        %scatter3A_828 = arith.constant 0 : i32
        %scatter3A_829 = arith.constant 0 : i32
        %scatter3A_830 = tpu.memref_slice %arg7[%scatter3A_826, %scatter3A_827, %scatter3A_828, %scatter3A_829] : memref<4x8x8x137xf32, #tpu.memory_space<vmem>> -> memref<1x8x8x137xf32, #tpu.memory_space<vmem>>
        %scatter3A_831 = tpu.memref_squeeze %scatter3A_830 : memref<1x8x8x137xf32, #tpu.memory_space<vmem>> -> memref<8x8x137xf32, #tpu.memory_space<vmem>>
        tpu.vector_store_idx %scatter3A_831[%add3A_13, %and3A_27, %broadcast_in_dim3A_803], %mul3A_825 : memref<8x8x137xf32, #tpu.memory_space<vmem>>[vector<16xi32>, vector<16xi32>, vector<16xi32>], vector<16xf32>,
        %get3A_832 = arith.constant 1 : i32
        %get3A_833 = arith.index_cast %get3A_832 : i32 to index
        %get3A_834 = arith.index_cast %scan3A_802 : i32 to index
        %get3A_835 = arith.constant 32 : index
        %get3A_836 = tpu.vector_load %arg6[%get3A_833, %get3A_834, %get3A_835] {strides = array<i32>} : memref<4x128x64xf32, #tpu.memory_space<vmem>>, vector<16xf32>,
        %mul3A_837 = arith.constant 8.000000e+00 : f32
        %mul3A_838 = vector.broadcast %mul3A_837 : f32 to vector<16xf32>
        %mul3A_839 = arith.mulf %get3A_836, %mul3A_838 : vector<16xf32>
        %scatter3A_840 = arith.constant 1 : i32
        %scatter3A_841 = arith.constant 0 : i32
        %scatter3A_842 = arith.constant 0 : i32
        %scatter3A_843 = arith.constant 0 : i32
        %scatter3A_844 = tpu.memref_slice %arg7[%scatter3A_840, %scatter3A_841, %scatter3A_842, %scatter3A_843] : memref<4x8x8x137xf32, #tpu.memory_space<vmem>> -> memref<1x8x8x137xf32, #tpu.memory_space<vmem>>
        %scatter3A_845 = tpu.memref_squeeze %scatter3A_844 : memref<1x8x8x137xf32, #tpu.memory_space<vmem>> -> memref<8x8x137xf32, #tpu.memory_space<vmem>>
        tpu.vector_store_idx %scatter3A_845[%add3A_19, %and3A_27, %broadcast_in_dim3A_803], %mul3A_839 : memref<8x8x137xf32, #tpu.memory_space<vmem>>[vector<16xi32>, vector<16xi32>, vector<16xi32>], vector<16xf32>,
        %get3A_846 = arith.constant 1 : i32
        %get3A_847 = arith.index_cast %get3A_846 : i32 to index
        %get3A_848 = arith.index_cast %scan3A_802 : i32 to index
        %get3A_849 = arith.constant 48 : index
        %get3A_850 = tpu.vector_load %arg6[%get3A_847, %get3A_848, %get3A_849] {strides = array<i32>} : memref<4x128x64xf32, #tpu.memory_space<vmem>>, vector<16xf32>,
        %mul3A_851 = arith.constant 8.000000e+00 : f32
        %mul3A_852 = vector.broadcast %mul3A_851 : f32 to vector<16xf32>
        %mul3A_853 = arith.mulf %get3A_850, %mul3A_852 : vector<16xf32>
        %scatter3A_854 = arith.constant 1 : i32
        %scatter3A_855 = arith.constant 0 : i32
        %scatter3A_856 = arith.constant 0 : i32
        %scatter3A_857 = arith.constant 0 : i32
        %scatter3A_858 = tpu.memref_slice %arg7[%scatter3A_854, %scatter3A_855, %scatter3A_856, %scatter3A_857] : memref<4x8x8x137xf32, #tpu.memory_space<vmem>> -> memref<1x8x8x137xf32, #tpu.memory_space<vmem>>
        %scatter3A_859 = tpu.memref_squeeze %scatter3A_858 : memref<1x8x8x137xf32, #tpu.memory_space<vmem>> -> memref<8x8x137xf32, #tpu.memory_space<vmem>>
        tpu.vector_store_idx %scatter3A_859[%add3A_25, %and3A_27, %broadcast_in_dim3A_803], %mul3A_853 : memref<8x8x137xf32, #tpu.memory_space<vmem>>[vector<16xi32>, vector<16xi32>, vector<16xi32>], vector<16xf32>,
      }
      %scan3A_253 = arith.constant 128 : i32
      %dma_start3A_254 = arith.constant 1 : i32
      %dma_start3A_255 = arith.constant 0 : i32
      %dma_start3A_256 = arith.constant 0 : i32
      %dma_start3A_257 = arith.constant 0 : i32
      %dma_start3A_258 = tpu.memref_slice %arg7[%dma_start3A_254, %dma_start3A_255, %dma_start3A_256, %dma_start3A_257] : memref<4x8x8x137xf32, #tpu.memory_space<vmem>> -> memref<1x8x8x128xf32, #tpu.memory_space<vmem>>
      %dma_start3A_259 = tpu.memref_squeeze %dma_start3A_258 : memref<1x8x8x128xf32, #tpu.memory_space<vmem>> -> memref<8x8x128xf32, #tpu.memory_space<vmem>>
      %dma_start3A_260 = arith.constant 0 : i32
      %dma_start3A_261 = arith.constant 0 : i32
      %dma_start3A_262 = arith.constant 0 : i32
      %dma_start3A_263 = tpu.memref_slice %arg4[%add3A_227, %dma_start3A_260, %add3A, %dma_start3A_261, %dma_start3A_262] : memref<200x8x32x8x128xf32, #tpu.memory_space<hbm>> -> memref<1x8x1x8x128xf32, #tpu.memory_space<hbm>>
      %dma_start3A_264 = tpu.memref_squeeze %dma_start3A_263 : memref<1x8x1x8x128xf32, #tpu.memory_space<hbm>> -> memref<8x8x128xf32, #tpu.memory_space<hbm>>
      %dma_start3A_265 = arith.constant 0 : i32
      %dma_start3A_266 = arith.constant 0 : i32
      %dma_start3A_267 = arith.constant 0 : i32
      %dma_start3A_268 = tpu.memref_slice %arg4[%add3A_227, %dma_start3A_265, %add3A, %dma_start3A_266, %dma_start3A_267] : memref<200x8x32x8x128xf32, #tpu.memory_space<hbm>> -> memref<1x8x1x8x128xf32, #tpu.memory_space<hbm>>
      %dma_start3A_269 = tpu.memref_squeeze %dma_start3A_268 : memref<1x8x1x8x128xf32, #tpu.memory_space<hbm>> -> memref<8x8x128xf32, #tpu.memory_space<hbm>>
      %dma_start3A_270 = arith.constant 0 : i32
      %dma_start3A_271 = arith.constant 0 : i32
      %dma_start3A_272 = arith.constant 0 : i32
      %dma_start3A_273 = tpu.memref_slice %arg7[%dma_start3A_254, %dma_start3A_270, %dma_start3A_271, %dma_start3A_272] : memref<4x8x8x137xf32, #tpu.memory_space<vmem>> -> memref<1x8x8x128xf32, #tpu.memory_space<vmem>>
      %dma_start3A_274 = tpu.memref_squeeze %dma_start3A_273 : memref<1x8x8x128xf32, #tpu.memory_space<vmem>> -> memref<8x8x128xf32, #tpu.memory_space<vmem>>
      tpu.enqueue_dma source(%dma_start3A_274 : memref<8x8x128xf32, #tpu.memory_space<vmem>>) target(%dma_start3A_269 : memref<8x8x128xf32, #tpu.memory_space<hbm>>) target_semaphore(%arg13 : memref<!tpu.dma_semaphore, #tpu.memory_space<semaphore_mem>>)
      %lt3A_275 = arith.constant 49 : i32
      %lt3A_276 = arith.cmpi slt, %scan3A_171, %lt3A_275 : i32
      %convert_element_type3A_277 = arith.extui %lt3A_276 : i1 to i32
      %cond3A_278 = arith.constant 0 : i32
      %cond3A_279 = arith.cmpi ne, %convert_element_type3A_277, %cond3A_278 : i32
      scf.if %cond3A_279 {
        %add3A_392 = arith.constant 4 : i32
        %add3A_393 = arith.addi %add3A_227, %add3A_392 : i32
        %dma_start3A_394 = arith.constant 1 : i32
        %dma_start3A_395 = arith.constant 0 : i32
        %dma_start3A_396 = arith.constant 0 : i32
        %dma_start3A_397 = tpu.memref_slice %arg6[%dma_start3A_394, %dma_start3A_395, %dma_start3A_396] : memref<4x128x64xf32, #tpu.memory_space<vmem>> -> memref<1x128x64xf32, #tpu.memory_space<vmem>>
        %dma_start3A_398 = tpu.memref_squeeze %dma_start3A_397 : memref<1x128x64xf32, #tpu.memory_space<vmem>> -> memref<128x64xf32, #tpu.memory_space<vmem>>
        %dma_start3A_399 = arith.constant 0 : i32
        %dma_start3A_400 = tpu.memref_slice %arg5[%add3A_393, %dma_start3A_399] : memref<200x128xi32, #tpu.memory_space<vmem>> -> memref<1x128xi32, #tpu.memory_space<vmem>>
        %dma_start3A_401 = tpu.memref_squeeze %dma_start3A_400 : memref<1x128xi32, #tpu.memory_space<vmem>> -> memref<128xi32, #tpu.memory_space<vmem>>
        %dma_start3A_402 = arith.constant 0 : i32
        %dma_start3A_403 = arith.constant 0 : i32
        %dma_start3A_404 = tpu.memref_slice %arg3[%dma_start3A_402, %dma_start3A_403] : memref<1000000x64xf32, #tpu.memory_space<hbm>> -> memref<1000000x64xf32, #tpu.memory_space<hbm>>
        tpu.enqueue_indirect_dma source(%dma_start3A_404 : memref<1000000x64xf32, #tpu.memory_space<hbm>>) target(%dma_start3A_398 : memref<128x64xf32, #tpu.memory_space<vmem>>) offsets(%dma_start3A_401 : memref<128xi32, #tpu.memory_space<vmem>>) semaphore(%arg9 : memref<!tpu.dma_semaphore, #tpu.memory_space<semaphore_mem>>)
      } else {
      }
      %mul3A_280 = arith.constant 4 : i32
      %mul3A_281 = arith.muli %scan3A_171, %mul3A_280 : i32
      %add3A_282 = arith.constant 2 : i32
      %add3A_283 = arith.addi %mul3A_281, %add3A_282 : i32
      %dma_wait3A_284 = arith.constant 2 : i32
      %dma_wait3A_285 = arith.constant 0 : i32
      %dma_wait3A_286 = arith.constant 0 : i32
      %dma_wait3A_287 = tpu.memref_slice %arg6[%dma_wait3A_284, %dma_wait3A_285, %dma_wait3A_286] : memref<4x128x64xf32, #tpu.memory_space<vmem>> -> memref<1x128x64xf32, #tpu.memory_space<vmem>>
      %dma_wait3A_288 = tpu.memref_squeeze %dma_wait3A_287 : memref<1x128x64xf32, #tpu.memory_space<vmem>> -> memref<128x64xf32, #tpu.memory_space<vmem>>
      %dma_wait3A_289 = arith.constant 0 : i32
      %dma_wait3A_290 = arith.constant 0 : i32
      %dma_wait3A_291 = tpu.memref_slice %arg3[%dma_wait3A_289, %dma_wait3A_290] : memref<1000000x64xf32, #tpu.memory_space<hbm>> -> memref<128x64xf32, #tpu.memory_space<hbm>>
      %dma_wait3A_292 = arith.constant 0 : i32
      %dma_wait3A_293 = arith.constant 0 : i32
      %dma_wait3A_294 = tpu.memref_slice %arg6[%dma_wait3A_284, %dma_wait3A_292, %dma_wait3A_293] : memref<4x128x64xf32, #tpu.memory_space<vmem>> -> memref<1x128x64xf32, #tpu.memory_space<vmem>>
      %dma_wait3A_295 = tpu.memref_squeeze %dma_wait3A_294 : memref<1x128x64xf32, #tpu.memory_space<vmem>> -> memref<128x64xf32, #tpu.memory_space<vmem>>
      %dma_wait3A_296 = arith.constant 0 : i32
      %dma_wait3A_297 = arith.constant 0 : i32
      %dma_wait3A_298 = tpu.memref_slice %arg3[%dma_wait3A_296, %dma_wait3A_297] : memref<1000000x64xf32, #tpu.memory_space<hbm>> -> memref<128x64xf32, #tpu.memory_space<hbm>>
      tpu.wait_dma2 semaphore(%arg10 : memref<!tpu.dma_semaphore, #tpu.memory_space<semaphore_mem>>) src(%dma_wait3A_298 : memref<128x64xf32, #tpu.memory_space<hbm>>) dst(%dma_wait3A_295 : memref<128x64xf32, #tpu.memory_space<vmem>>)
      %gt3A_299 = arith.constant 0 : i32
      %gt3A_300 = arith.cmpi sgt, %scan3A_171, %gt3A_299 : i32
      %convert_element_type3A_301 = arith.extui %gt3A_300 : i1 to i32
      %cond3A_302 = arith.constant 0 : i32
      %cond3A_303 = arith.cmpi ne, %convert_element_type3A_301, %cond3A_302 : i32
      scf.if %cond3A_303 {
        %dma_wait3A_392 = arith.constant 2 : i32
        %dma_wait3A_393 = arith.constant 0 : i32
        %dma_wait3A_394 = arith.constant 0 : i32
        %dma_wait3A_395 = arith.constant 0 : i32
        %dma_wait3A_396 = arith.constant 0 : i32
        %dma_wait3A_397 = arith.constant 0 : i32
        %dma_wait3A_398 = tpu.memref_slice %arg7[%dma_wait3A_392, %dma_wait3A_395, %dma_wait3A_396, %dma_wait3A_397] : memref<4x8x8x137xf32, #tpu.memory_space<vmem>> -> memref<1x8x8x128xf32, #tpu.memory_space<vmem>>
        %dma_wait3A_399 = tpu.memref_squeeze %dma_wait3A_398 : memref<1x8x8x128xf32, #tpu.memory_space<vmem>> -> memref<8x8x128xf32, #tpu.memory_space<vmem>>
        %dma_wait3A_400 = arith.constant 0 : i32
        %dma_wait3A_401 = arith.constant 0 : i32
        %dma_wait3A_402 = arith.constant 0 : i32
        %dma_wait3A_403 = tpu.memref_slice %arg4[%dma_wait3A_393, %dma_wait3A_400, %dma_wait3A_394, %dma_wait3A_401, %dma_wait3A_402] : memref<200x8x32x8x128xf32, #tpu.memory_space<hbm>> -> memref<1x8x1x8x128xf32, #tpu.memory_space<hbm>>
        %dma_wait3A_404 = tpu.memref_squeeze %dma_wait3A_403 : memref<1x8x1x8x128xf32, #tpu.memory_space<hbm>> -> memref<8x8x128xf32, #tpu.memory_space<hbm>>
        %dma_wait3A_405 = arith.constant 0 : i32
        %dma_wait3A_406 = arith.constant 0 : i32
        %dma_wait3A_407 = arith.constant 0 : i32
        %dma_wait3A_408 = tpu.memref_slice %arg4[%dma_wait3A_393, %dma_wait3A_405, %dma_wait3A_394, %dma_wait3A_406, %dma_wait3A_407] : memref<200x8x32x8x128xf32, #tpu.memory_space<hbm>> -> memref<1x8x1x8x128xf32, #tpu.memory_space<hbm>>
        %dma_wait3A_409 = tpu.memref_squeeze %dma_wait3A_408 : memref<1x8x1x8x128xf32, #tpu.memory_space<hbm>> -> memref<8x8x128xf32, #tpu.memory_space<hbm>>
        %dma_wait3A_410 = arith.constant 0 : i32
        %dma_wait3A_411 = arith.constant 0 : i32
        %dma_wait3A_412 = arith.constant 0 : i32
        %dma_wait3A_413 = tpu.memref_slice %arg7[%dma_wait3A_392, %dma_wait3A_410, %dma_wait3A_411, %dma_wait3A_412] : memref<4x8x8x137xf32, #tpu.memory_space<vmem>> -> memref<1x8x8x128xf32, #tpu.memory_space<vmem>>
        %dma_wait3A_414 = tpu.memref_squeeze %dma_wait3A_413 : memref<1x8x8x128xf32, #tpu.memory_space<vmem>> -> memref<8x8x128xf32, #tpu.memory_space<vmem>>
        tpu.wait_dma2 semaphore(%arg14 : memref<!tpu.dma_semaphore, #tpu.memory_space<semaphore_mem>>) src(%dma_wait3A_414 : memref<8x8x128xf32, #tpu.memory_space<vmem>>) dst(%dma_wait3A_409 : memref<8x8x128xf32, #tpu.memory_space<hbm>>)
      } else {
      }
      %scan3A_304 = arith.constant 0 : i32
      %scan3A_305 = arith.constant 0 : i32
      %scan3A_306 = arith.constant 128 : i32
      %scan3A_307 = arith.addi %scan3A_305, %scan3A_306 : i32
      %scan3A_308 = arith.constant 8 : i32
      scf.for %scan3A_392 = %scan3A_305 to %scan3A_307 step %scan3A_308  : i32 {
        %broadcast_in_dim3A = vector.broadcast %scan3A_392 : i32 to vector<16xi32>
        %get3A = arith.constant 2 : i32
        %get3A_393 = arith.index_cast %get3A : i32 to index
        %get3A_394 = arith.index_cast %scan3A_392 : i32 to index
        %get3A_395 = arith.constant 0 : index
        %get3A_396 = tpu.vector_load %arg6[%get3A_393, %get3A_394, %get3A_395] {strides = array<i32>} : memref<4x128x64xf32, #tpu.memory_space<vmem>>, vector<16xf32>,
        %mul3A_397 = arith.constant 8.000000e+00 : f32
        %mul3A_398 = vector.broadcast %mul3A_397 : f32 to vector<16xf32>
        %mul3A_399 = arith.mulf %get3A_396, %mul3A_398 : vector<16xf32>
        %scatter3A = arith.constant 2 : i32
        %scatter3A_400 = arith.constant 0 : i32
        %scatter3A_401 = arith.constant 0 : i32
        %scatter3A_402 = arith.constant 0 : i32
        %scatter3A_403 = tpu.memref_slice %arg7[%scatter3A, %scatter3A_400, %scatter3A_401, %scatter3A_402] : memref<4x8x8x137xf32, #tpu.memory_space<vmem>> -> memref<1x8x8x137xf32, #tpu.memory_space<vmem>>
        %scatter3A_404 = tpu.memref_squeeze %scatter3A_403 : memref<1x8x8x137xf32, #tpu.memory_space<vmem>> -> memref<8x8x137xf32, #tpu.memory_space<vmem>>
        tpu.vector_store_idx %scatter3A_404[%add3A_7, %and3A_27, %broadcast_in_dim3A], %mul3A_399 : memref<8x8x137xf32, #tpu.memory_space<vmem>>[vector<16xi32>, vector<16xi32>, vector<16xi32>], vector<16xf32>,
        %get3A_405 = arith.constant 2 : i32
        %get3A_406 = arith.index_cast %get3A_405 : i32 to index
        %get3A_407 = arith.index_cast %scan3A_392 : i32 to index
        %get3A_408 = arith.constant 16 : index
        %get3A_409 = tpu.vector_load %arg6[%get3A_406, %get3A_407, %get3A_408] {strides = array<i32>} : memref<4x128x64xf32, #tpu.memory_space<vmem>>, vector<16xf32>,
        %mul3A_410 = arith.constant 8.000000e+00 : f32
        %mul3A_411 = vector.broadcast %mul3A_410 : f32 to vector<16xf32>
        %mul3A_412 = arith.mulf %get3A_409, %mul3A_411 : vector<16xf32>
        %scatter3A_413 = arith.constant 2 : i32
        %scatter3A_414 = arith.constant 0 : i32
        %scatter3A_415 = arith.constant 0 : i32
        %scatter3A_416 = arith.constant 0 : i32
        %scatter3A_417 = tpu.memref_slice %arg7[%scatter3A_413, %scatter3A_414, %scatter3A_415, %scatter3A_416] : memref<4x8x8x137xf32, #tpu.memory_space<vmem>> -> memref<1x8x8x137xf32, #tpu.memory_space<vmem>>
        %scatter3A_418 = tpu.memref_squeeze %scatter3A_417 : memref<1x8x8x137xf32, #tpu.memory_space<vmem>> -> memref<8x8x137xf32, #tpu.memory_space<vmem>>
        tpu.vector_store_idx %scatter3A_418[%add3A_13, %and3A_27, %broadcast_in_dim3A], %mul3A_412 : memref<8x8x137xf32, #tpu.memory_space<vmem>>[vector<16xi32>, vector<16xi32>, vector<16xi32>], vector<16xf32>,
        %get3A_419 = arith.constant 2 : i32
        %get3A_420 = arith.index_cast %get3A_419 : i32 to index
        %get3A_421 = arith.index_cast %scan3A_392 : i32 to index
        %get3A_422 = arith.constant 32 : index
        %get3A_423 = tpu.vector_load %arg6[%get3A_420, %get3A_421, %get3A_422] {strides = array<i32>} : memref<4x128x64xf32, #tpu.memory_space<vmem>>, vector<16xf32>,
        %mul3A_424 = arith.constant 8.000000e+00 : f32
        %mul3A_425 = vector.broadcast %mul3A_424 : f32 to vector<16xf32>
        %mul3A_426 = arith.mulf %get3A_423, %mul3A_425 : vector<16xf32>
        %scatter3A_427 = arith.constant 2 : i32
        %scatter3A_428 = arith.constant 0 : i32
        %scatter3A_429 = arith.constant 0 : i32
        %scatter3A_430 = arith.constant 0 : i32
        %scatter3A_431 = tpu.memref_slice %arg7[%scatter3A_427, %scatter3A_428, %scatter3A_429, %scatter3A_430] : memref<4x8x8x137xf32, #tpu.memory_space<vmem>> -> memref<1x8x8x137xf32, #tpu.memory_space<vmem>>
        %scatter3A_432 = tpu.memref_squeeze %scatter3A_431 : memref<1x8x8x137xf32, #tpu.memory_space<vmem>> -> memref<8x8x137xf32, #tpu.memory_space<vmem>>
        tpu.vector_store_idx %scatter3A_432[%add3A_19, %and3A_27, %broadcast_in_dim3A], %mul3A_426 : memref<8x8x137xf32, #tpu.memory_space<vmem>>[vector<16xi32>, vector<16xi32>, vector<16xi32>], vector<16xf32>,
        %get3A_433 = arith.constant 2 : i32
        %get3A_434 = arith.index_cast %get3A_433 : i32 to index
        %get3A_435 = arith.index_cast %scan3A_392 : i32 to index
        %get3A_436 = arith.constant 48 : index
        %get3A_437 = tpu.vector_load %arg6[%get3A_434, %get3A_435, %get3A_436] {strides = array<i32>} : memref<4x128x64xf32, #tpu.memory_space<vmem>>, vector<16xf32>,
        %mul3A_438 = arith.constant 8.000000e+00 : f32
        %mul3A_439 = vector.broadcast %mul3A_438 : f32 to vector<16xf32>
        %mul3A_440 = arith.mulf %get3A_437, %mul3A_439 : vector<16xf32>
        %scatter3A_441 = arith.constant 2 : i32
        %scatter3A_442 = arith.constant 0 : i32
        %scatter3A_443 = arith.constant 0 : i32
        %scatter3A_444 = arith.constant 0 : i32
        %scatter3A_445 = tpu.memref_slice %arg7[%scatter3A_441, %scatter3A_442, %scatter3A_443, %scatter3A_444] : memref<4x8x8x137xf32, #tpu.memory_space<vmem>> -> memref<1x8x8x137xf32, #tpu.memory_space<vmem>>
        %scatter3A_446 = tpu.memref_squeeze %scatter3A_445 : memref<1x8x8x137xf32, #tpu.memory_space<vmem>> -> memref<8x8x137xf32, #tpu.memory_space<vmem>>
        tpu.vector_store_idx %scatter3A_446[%add3A_25, %and3A_27, %broadcast_in_dim3A], %mul3A_440 : memref<8x8x137xf32, #tpu.memory_space<vmem>>[vector<16xi32>, vector<16xi32>, vector<16xi32>], vector<16xf32>,
        %scan3A_447 = arith.constant 1 : i32
        %scan3A_448 = arith.addi %scan3A_392, %scan3A_447 : i32
        %broadcast_in_dim3A_449 = vector.broadcast %scan3A_448 : i32 to vector<16xi32>
        %get3A_450 = arith.constant 2 : i32
        %get3A_451 = arith.index_cast %get3A_450 : i32 to index
        %get3A_452 = arith.index_cast %scan3A_448 : i32 to index
        %get3A_453 = arith.constant 0 : index
        %get3A_454 = tpu.vector_load %arg6[%get3A_451, %get3A_452, %get3A_453] {strides = array<i32>} : memref<4x128x64xf32, #tpu.memory_space<vmem>>, vector<16xf32>,
        %mul3A_455 = arith.constant 8.000000e+00 : f32
        %mul3A_456 = vector.broadcast %mul3A_455 : f32 to vector<16xf32>
        %mul3A_457 = arith.mulf %get3A_454, %mul3A_456 : vector<16xf32>
        %scatter3A_458 = arith.constant 2 : i32
        %scatter3A_459 = arith.constant 0 : i32
        %scatter3A_460 = arith.constant 0 : i32
        %scatter3A_461 = arith.constant 0 : i32
        %scatter3A_462 = tpu.memref_slice %arg7[%scatter3A_458, %scatter3A_459, %scatter3A_460, %scatter3A_461] : memref<4x8x8x137xf32, #tpu.memory_space<vmem>> -> memref<1x8x8x137xf32, #tpu.memory_space<vmem>>
        %scatter3A_463 = tpu.memref_squeeze %scatter3A_462 : memref<1x8x8x137xf32, #tpu.memory_space<vmem>> -> memref<8x8x137xf32, #tpu.memory_space<vmem>>
        tpu.vector_store_idx %scatter3A_463[%add3A_7, %and3A_27, %broadcast_in_dim3A_449], %mul3A_457 : memref<8x8x137xf32, #tpu.memory_space<vmem>>[vector<16xi32>, vector<16xi32>, vector<16xi32>], vector<16xf32>,
        %get3A_464 = arith.constant 2 : i32
        %get3A_465 = arith.index_cast %get3A_464 : i32 to index
        %get3A_466 = arith.index_cast %scan3A_448 : i32 to index
        %get3A_467 = arith.constant 16 : index
        %get3A_468 = tpu.vector_load %arg6[%get3A_465, %get3A_466, %get3A_467] {strides = array<i32>} : memref<4x128x64xf32, #tpu.memory_space<vmem>>, vector<16xf32>,
        %mul3A_469 = arith.constant 8.000000e+00 : f32
        %mul3A_470 = vector.broadcast %mul3A_469 : f32 to vector<16xf32>
        %mul3A_471 = arith.mulf %get3A_468, %mul3A_470 : vector<16xf32>
        %scatter3A_472 = arith.constant 2 : i32
        %scatter3A_473 = arith.constant 0 : i32
        %scatter3A_474 = arith.constant 0 : i32
        %scatter3A_475 = arith.constant 0 : i32
        %scatter3A_476 = tpu.memref_slice %arg7[%scatter3A_472, %scatter3A_473, %scatter3A_474, %scatter3A_475] : memref<4x8x8x137xf32, #tpu.memory_space<vmem>> -> memref<1x8x8x137xf32, #tpu.memory_space<vmem>>
        %scatter3A_477 = tpu.memref_squeeze %scatter3A_476 : memref<1x8x8x137xf32, #tpu.memory_space<vmem>> -> memref<8x8x137xf32, #tpu.memory_space<vmem>>
        tpu.vector_store_idx %scatter3A_477[%add3A_13, %and3A_27, %broadcast_in_dim3A_449], %mul3A_471 : memref<8x8x137xf32, #tpu.memory_space<vmem>>[vector<16xi32>, vector<16xi32>, vector<16xi32>], vector<16xf32>,
        %get3A_478 = arith.constant 2 : i32
        %get3A_479 = arith.index_cast %get3A_478 : i32 to index
        %get3A_480 = arith.index_cast %scan3A_448 : i32 to index
        %get3A_481 = arith.constant 32 : index
        %get3A_482 = tpu.vector_load %arg6[%get3A_479, %get3A_480, %get3A_481] {strides = array<i32>} : memref<4x128x64xf32, #tpu.memory_space<vmem>>, vector<16xf32>,
        %mul3A_483 = arith.constant 8.000000e+00 : f32
        %mul3A_484 = vector.broadcast %mul3A_483 : f32 to vector<16xf32>
        %mul3A_485 = arith.mulf %get3A_482, %mul3A_484 : vector<16xf32>
        %scatter3A_486 = arith.constant 2 : i32
        %scatter3A_487 = arith.constant 0 : i32
        %scatter3A_488 = arith.constant 0 : i32
        %scatter3A_489 = arith.constant 0 : i32
        %scatter3A_490 = tpu.memref_slice %arg7[%scatter3A_486, %scatter3A_487, %scatter3A_488, %scatter3A_489] : memref<4x8x8x137xf32, #tpu.memory_space<vmem>> -> memref<1x8x8x137xf32, #tpu.memory_space<vmem>>
        %scatter3A_491 = tpu.memref_squeeze %scatter3A_490 : memref<1x8x8x137xf32, #tpu.memory_space<vmem>> -> memref<8x8x137xf32, #tpu.memory_space<vmem>>
        tpu.vector_store_idx %scatter3A_491[%add3A_19, %and3A_27, %broadcast_in_dim3A_449], %mul3A_485 : memref<8x8x137xf32, #tpu.memory_space<vmem>>[vector<16xi32>, vector<16xi32>, vector<16xi32>], vector<16xf32>,
        %get3A_492 = arith.constant 2 : i32
        %get3A_493 = arith.index_cast %get3A_492 : i32 to index
        %get3A_494 = arith.index_cast %scan3A_448 : i32 to index
        %get3A_495 = arith.constant 48 : index
        %get3A_496 = tpu.vector_load %arg6[%get3A_493, %get3A_494, %get3A_495] {strides = array<i32>} : memref<4x128x64xf32, #tpu.memory_space<vmem>>, vector<16xf32>,
        %mul3A_497 = arith.constant 8.000000e+00 : f32
        %mul3A_498 = vector.broadcast %mul3A_497 : f32 to vector<16xf32>
        %mul3A_499 = arith.mulf %get3A_496, %mul3A_498 : vector<16xf32>
        %scatter3A_500 = arith.constant 2 : i32
        %scatter3A_501 = arith.constant 0 : i32
        %scatter3A_502 = arith.constant 0 : i32
        %scatter3A_503 = arith.constant 0 : i32
        %scatter3A_504 = tpu.memref_slice %arg7[%scatter3A_500, %scatter3A_501, %scatter3A_502, %scatter3A_503] : memref<4x8x8x137xf32, #tpu.memory_space<vmem>> -> memref<1x8x8x137xf32, #tpu.memory_space<vmem>>
        %scatter3A_505 = tpu.memref_squeeze %scatter3A_504 : memref<1x8x8x137xf32, #tpu.memory_space<vmem>> -> memref<8x8x137xf32, #tpu.memory_space<vmem>>
        tpu.vector_store_idx %scatter3A_505[%add3A_25, %and3A_27, %broadcast_in_dim3A_449], %mul3A_499 : memref<8x8x137xf32, #tpu.memory_space<vmem>>[vector<16xi32>, vector<16xi32>, vector<16xi32>], vector<16xf32>,
        %scan3A_506 = arith.constant 2 : i32
        %scan3A_507 = arith.addi %scan3A_392, %scan3A_506 : i32
        %broadcast_in_dim3A_508 = vector.broadcast %scan3A_507 : i32 to vector<16xi32>
        %get3A_509 = arith.constant 2 : i32
        %get3A_510 = arith.index_cast %get3A_509 : i32 to index
        %get3A_511 = arith.index_cast %scan3A_507 : i32 to index
        %get3A_512 = arith.constant 0 : index
        %get3A_513 = tpu.vector_load %arg6[%get3A_510, %get3A_511, %get3A_512] {strides = array<i32>} : memref<4x128x64xf32, #tpu.memory_space<vmem>>, vector<16xf32>,
        %mul3A_514 = arith.constant 8.000000e+00 : f32
        %mul3A_515 = vector.broadcast %mul3A_514 : f32 to vector<16xf32>
        %mul3A_516 = arith.mulf %get3A_513, %mul3A_515 : vector<16xf32>
        %scatter3A_517 = arith.constant 2 : i32
        %scatter3A_518 = arith.constant 0 : i32
        %scatter3A_519 = arith.constant 0 : i32
        %scatter3A_520 = arith.constant 0 : i32
        %scatter3A_521 = tpu.memref_slice %arg7[%scatter3A_517, %scatter3A_518, %scatter3A_519, %scatter3A_520] : memref<4x8x8x137xf32, #tpu.memory_space<vmem>> -> memref<1x8x8x137xf32, #tpu.memory_space<vmem>>
        %scatter3A_522 = tpu.memref_squeeze %scatter3A_521 : memref<1x8x8x137xf32, #tpu.memory_space<vmem>> -> memref<8x8x137xf32, #tpu.memory_space<vmem>>
        tpu.vector_store_idx %scatter3A_522[%add3A_7, %and3A_27, %broadcast_in_dim3A_508], %mul3A_516 : memref<8x8x137xf32, #tpu.memory_space<vmem>>[vector<16xi32>, vector<16xi32>, vector<16xi32>], vector<16xf32>,
        %get3A_523 = arith.constant 2 : i32
        %get3A_524 = arith.index_cast %get3A_523 : i32 to index
        %get3A_525 = arith.index_cast %scan3A_507 : i32 to index
        %get3A_526 = arith.constant 16 : index
        %get3A_527 = tpu.vector_load %arg6[%get3A_524, %get3A_525, %get3A_526] {strides = array<i32>} : memref<4x128x64xf32, #tpu.memory_space<vmem>>, vector<16xf32>,
        %mul3A_528 = arith.constant 8.000000e+00 : f32
        %mul3A_529 = vector.broadcast %mul3A_528 : f32 to vector<16xf32>
        %mul3A_530 = arith.mulf %get3A_527, %mul3A_529 : vector<16xf32>
        %scatter3A_531 = arith.constant 2 : i32
        %scatter3A_532 = arith.constant 0 : i32
        %scatter3A_533 = arith.constant 0 : i32
        %scatter3A_534 = arith.constant 0 : i32
        %scatter3A_535 = tpu.memref_slice %arg7[%scatter3A_531, %scatter3A_532, %scatter3A_533, %scatter3A_534] : memref<4x8x8x137xf32, #tpu.memory_space<vmem>> -> memref<1x8x8x137xf32, #tpu.memory_space<vmem>>
        %scatter3A_536 = tpu.memref_squeeze %scatter3A_535 : memref<1x8x8x137xf32, #tpu.memory_space<vmem>> -> memref<8x8x137xf32, #tpu.memory_space<vmem>>
        tpu.vector_store_idx %scatter3A_536[%add3A_13, %and3A_27, %broadcast_in_dim3A_508], %mul3A_530 : memref<8x8x137xf32, #tpu.memory_space<vmem>>[vector<16xi32>, vector<16xi32>, vector<16xi32>], vector<16xf32>,
        %get3A_537 = arith.constant 2 : i32
        %get3A_538 = arith.index_cast %get3A_537 : i32 to index
        %get3A_539 = arith.index_cast %scan3A_507 : i32 to index
        %get3A_540 = arith.constant 32 : index
        %get3A_541 = tpu.vector_load %arg6[%get3A_538, %get3A_539, %get3A_540] {strides = array<i32>} : memref<4x128x64xf32, #tpu.memory_space<vmem>>, vector<16xf32>,
        %mul3A_542 = arith.constant 8.000000e+00 : f32
        %mul3A_543 = vector.broadcast %mul3A_542 : f32 to vector<16xf32>
        %mul3A_544 = arith.mulf %get3A_541, %mul3A_543 : vector<16xf32>
        %scatter3A_545 = arith.constant 2 : i32
        %scatter3A_546 = arith.constant 0 : i32
        %scatter3A_547 = arith.constant 0 : i32
        %scatter3A_548 = arith.constant 0 : i32
        %scatter3A_549 = tpu.memref_slice %arg7[%scatter3A_545, %scatter3A_546, %scatter3A_547, %scatter3A_548] : memref<4x8x8x137xf32, #tpu.memory_space<vmem>> -> memref<1x8x8x137xf32, #tpu.memory_space<vmem>>
        %scatter3A_550 = tpu.memref_squeeze %scatter3A_549 : memref<1x8x8x137xf32, #tpu.memory_space<vmem>> -> memref<8x8x137xf32, #tpu.memory_space<vmem>>
        tpu.vector_store_idx %scatter3A_550[%add3A_19, %and3A_27, %broadcast_in_dim3A_508], %mul3A_544 : memref<8x8x137xf32, #tpu.memory_space<vmem>>[vector<16xi32>, vector<16xi32>, vector<16xi32>], vector<16xf32>,
        %get3A_551 = arith.constant 2 : i32
        %get3A_552 = arith.index_cast %get3A_551 : i32 to index
        %get3A_553 = arith.index_cast %scan3A_507 : i32 to index
        %get3A_554 = arith.constant 48 : index
        %get3A_555 = tpu.vector_load %arg6[%get3A_552, %get3A_553, %get3A_554] {strides = array<i32>} : memref<4x128x64xf32, #tpu.memory_space<vmem>>, vector<16xf32>,
        %mul3A_556 = arith.constant 8.000000e+00 : f32
        %mul3A_557 = vector.broadcast %mul3A_556 : f32 to vector<16xf32>
        %mul3A_558 = arith.mulf %get3A_555, %mul3A_557 : vector<16xf32>
        %scatter3A_559 = arith.constant 2 : i32
        %scatter3A_560 = arith.constant 0 : i32
        %scatter3A_561 = arith.constant 0 : i32
        %scatter3A_562 = arith.constant 0 : i32
        %scatter3A_563 = tpu.memref_slice %arg7[%scatter3A_559, %scatter3A_560, %scatter3A_561, %scatter3A_562] : memref<4x8x8x137xf32, #tpu.memory_space<vmem>> -> memref<1x8x8x137xf32, #tpu.memory_space<vmem>>
        %scatter3A_564 = tpu.memref_squeeze %scatter3A_563 : memref<1x8x8x137xf32, #tpu.memory_space<vmem>> -> memref<8x8x137xf32, #tpu.memory_space<vmem>>
        tpu.vector_store_idx %scatter3A_564[%add3A_25, %and3A_27, %broadcast_in_dim3A_508], %mul3A_558 : memref<8x8x137xf32, #tpu.memory_space<vmem>>[vector<16xi32>, vector<16xi32>, vector<16xi32>], vector<16xf32>,
        %scan3A_565 = arith.constant 3 : i32
        %scan3A_566 = arith.addi %scan3A_392, %scan3A_565 : i32
        %broadcast_in_dim3A_567 = vector.broadcast %scan3A_566 : i32 to vector<16xi32>
        %get3A_568 = arith.constant 2 : i32
        %get3A_569 = arith.index_cast %get3A_568 : i32 to index
        %get3A_570 = arith.index_cast %scan3A_566 : i32 to index
        %get3A_571 = arith.constant 0 : index
        %get3A_572 = tpu.vector_load %arg6[%get3A_569, %get3A_570, %get3A_571] {strides = array<i32>} : memref<4x128x64xf32, #tpu.memory_space<vmem>>, vector<16xf32>,
        %mul3A_573 = arith.constant 8.000000e+00 : f32
        %mul3A_574 = vector.broadcast %mul3A_573 : f32 to vector<16xf32>
        %mul3A_575 = arith.mulf %get3A_572, %mul3A_574 : vector<16xf32>
        %scatter3A_576 = arith.constant 2 : i32
        %scatter3A_577 = arith.constant 0 : i32
        %scatter3A_578 = arith.constant 0 : i32
        %scatter3A_579 = arith.constant 0 : i32
        %scatter3A_580 = tpu.memref_slice %arg7[%scatter3A_576, %scatter3A_577, %scatter3A_578, %scatter3A_579] : memref<4x8x8x137xf32, #tpu.memory_space<vmem>> -> memref<1x8x8x137xf32, #tpu.memory_space<vmem>>
        %scatter3A_581 = tpu.memref_squeeze %scatter3A_580 : memref<1x8x8x137xf32, #tpu.memory_space<vmem>> -> memref<8x8x137xf32, #tpu.memory_space<vmem>>
        tpu.vector_store_idx %scatter3A_581[%add3A_7, %and3A_27, %broadcast_in_dim3A_567], %mul3A_575 : memref<8x8x137xf32, #tpu.memory_space<vmem>>[vector<16xi32>, vector<16xi32>, vector<16xi32>], vector<16xf32>,
        %get3A_582 = arith.constant 2 : i32
        %get3A_583 = arith.index_cast %get3A_582 : i32 to index
        %get3A_584 = arith.index_cast %scan3A_566 : i32 to index
        %get3A_585 = arith.constant 16 : index
        %get3A_586 = tpu.vector_load %arg6[%get3A_583, %get3A_584, %get3A_585] {strides = array<i32>} : memref<4x128x64xf32, #tpu.memory_space<vmem>>, vector<16xf32>,
        %mul3A_587 = arith.constant 8.000000e+00 : f32
        %mul3A_588 = vector.broadcast %mul3A_587 : f32 to vector<16xf32>
        %mul3A_589 = arith.mulf %get3A_586, %mul3A_588 : vector<16xf32>
        %scatter3A_590 = arith.constant 2 : i32
        %scatter3A_591 = arith.constant 0 : i32
        %scatter3A_592 = arith.constant 0 : i32
        %scatter3A_593 = arith.constant 0 : i32
        %scatter3A_594 = tpu.memref_slice %arg7[%scatter3A_590, %scatter3A_591, %scatter3A_592, %scatter3A_593] : memref<4x8x8x137xf32, #tpu.memory_space<vmem>> -> memref<1x8x8x137xf32, #tpu.memory_space<vmem>>
        %scatter3A_595 = tpu.memref_squeeze %scatter3A_594 : memref<1x8x8x137xf32, #tpu.memory_space<vmem>> -> memref<8x8x137xf32, #tpu.memory_space<vmem>>
        tpu.vector_store_idx %scatter3A_595[%add3A_13, %and3A_27, %broadcast_in_dim3A_567], %mul3A_589 : memref<8x8x137xf32, #tpu.memory_space<vmem>>[vector<16xi32>, vector<16xi32>, vector<16xi32>], vector<16xf32>,
        %get3A_596 = arith.constant 2 : i32
        %get3A_597 = arith.index_cast %get3A_596 : i32 to index
        %get3A_598 = arith.index_cast %scan3A_566 : i32 to index
        %get3A_599 = arith.constant 32 : index
        %get3A_600 = tpu.vector_load %arg6[%get3A_597, %get3A_598, %get3A_599] {strides = array<i32>} : memref<4x128x64xf32, #tpu.memory_space<vmem>>, vector<16xf32>,
        %mul3A_601 = arith.constant 8.000000e+00 : f32
        %mul3A_602 = vector.broadcast %mul3A_601 : f32 to vector<16xf32>
        %mul3A_603 = arith.mulf %get3A_600, %mul3A_602 : vector<16xf32>
        %scatter3A_604 = arith.constant 2 : i32
        %scatter3A_605 = arith.constant 0 : i32
        %scatter3A_606 = arith.constant 0 : i32
        %scatter3A_607 = arith.constant 0 : i32
        %scatter3A_608 = tpu.memref_slice %arg7[%scatter3A_604, %scatter3A_605, %scatter3A_606, %scatter3A_607] : memref<4x8x8x137xf32, #tpu.memory_space<vmem>> -> memref<1x8x8x137xf32, #tpu.memory_space<vmem>>
        %scatter3A_609 = tpu.memref_squeeze %scatter3A_608 : memref<1x8x8x137xf32, #tpu.memory_space<vmem>> -> memref<8x8x137xf32, #tpu.memory_space<vmem>>
        tpu.vector_store_idx %scatter3A_609[%add3A_19, %and3A_27, %broadcast_in_dim3A_567], %mul3A_603 : memref<8x8x137xf32, #tpu.memory_space<vmem>>[vector<16xi32>, vector<16xi32>, vector<16xi32>], vector<16xf32>,
        %get3A_610 = arith.constant 2 : i32
        %get3A_611 = arith.index_cast %get3A_610 : i32 to index
        %get3A_612 = arith.index_cast %scan3A_566 : i32 to index
        %get3A_613 = arith.constant 48 : index
        %get3A_614 = tpu.vector_load %arg6[%get3A_611, %get3A_612, %get3A_613] {strides = array<i32>} : memref<4x128x64xf32, #tpu.memory_space<vmem>>, vector<16xf32>,
        %mul3A_615 = arith.constant 8.000000e+00 : f32
        %mul3A_616 = vector.broadcast %mul3A_615 : f32 to vector<16xf32>
        %mul3A_617 = arith.mulf %get3A_614, %mul3A_616 : vector<16xf32>
        %scatter3A_618 = arith.constant 2 : i32
        %scatter3A_619 = arith.constant 0 : i32
        %scatter3A_620 = arith.constant 0 : i32
        %scatter3A_621 = arith.constant 0 : i32
        %scatter3A_622 = tpu.memref_slice %arg7[%scatter3A_618, %scatter3A_619, %scatter3A_620, %scatter3A_621] : memref<4x8x8x137xf32, #tpu.memory_space<vmem>> -> memref<1x8x8x137xf32, #tpu.memory_space<vmem>>
        %scatter3A_623 = tpu.memref_squeeze %scatter3A_622 : memref<1x8x8x137xf32, #tpu.memory_space<vmem>> -> memref<8x8x137xf32, #tpu.memory_space<vmem>>
        tpu.vector_store_idx %scatter3A_623[%add3A_25, %and3A_27, %broadcast_in_dim3A_567], %mul3A_617 : memref<8x8x137xf32, #tpu.memory_space<vmem>>[vector<16xi32>, vector<16xi32>, vector<16xi32>], vector<16xf32>,
        %scan3A_624 = arith.constant 4 : i32
        %scan3A_625 = arith.addi %scan3A_392, %scan3A_624 : i32
        %broadcast_in_dim3A_626 = vector.broadcast %scan3A_625 : i32 to vector<16xi32>
        %get3A_627 = arith.constant 2 : i32
        %get3A_628 = arith.index_cast %get3A_627 : i32 to index
        %get3A_629 = arith.index_cast %scan3A_625 : i32 to index
        %get3A_630 = arith.constant 0 : index
        %get3A_631 = tpu.vector_load %arg6[%get3A_628, %get3A_629, %get3A_630] {strides = array<i32>} : memref<4x128x64xf32, #tpu.memory_space<vmem>>, vector<16xf32>,
        %mul3A_632 = arith.constant 8.000000e+00 : f32
        %mul3A_633 = vector.broadcast %mul3A_632 : f32 to vector<16xf32>
        %mul3A_634 = arith.mulf %get3A_631, %mul3A_633 : vector<16xf32>
        %scatter3A_635 = arith.constant 2 : i32
        %scatter3A_636 = arith.constant 0 : i32
        %scatter3A_637 = arith.constant 0 : i32
        %scatter3A_638 = arith.constant 0 : i32
        %scatter3A_639 = tpu.memref_slice %arg7[%scatter3A_635, %scatter3A_636, %scatter3A_637, %scatter3A_638] : memref<4x8x8x137xf32, #tpu.memory_space<vmem>> -> memref<1x8x8x137xf32, #tpu.memory_space<vmem>>
        %scatter3A_640 = tpu.memref_squeeze %scatter3A_639 : memref<1x8x8x137xf32, #tpu.memory_space<vmem>> -> memref<8x8x137xf32, #tpu.memory_space<vmem>>
        tpu.vector_store_idx %scatter3A_640[%add3A_7, %and3A_27, %broadcast_in_dim3A_626], %mul3A_634 : memref<8x8x137xf32, #tpu.memory_space<vmem>>[vector<16xi32>, vector<16xi32>, vector<16xi32>], vector<16xf32>,
        %get3A_641 = arith.constant 2 : i32
        %get3A_642 = arith.index_cast %get3A_641 : i32 to index
        %get3A_643 = arith.index_cast %scan3A_625 : i32 to index
        %get3A_644 = arith.constant 16 : index
        %get3A_645 = tpu.vector_load %arg6[%get3A_642, %get3A_643, %get3A_644] {strides = array<i32>} : memref<4x128x64xf32, #tpu.memory_space<vmem>>, vector<16xf32>,
        %mul3A_646 = arith.constant 8.000000e+00 : f32
        %mul3A_647 = vector.broadcast %mul3A_646 : f32 to vector<16xf32>
        %mul3A_648 = arith.mulf %get3A_645, %mul3A_647 : vector<16xf32>
        %scatter3A_649 = arith.constant 2 : i32
        %scatter3A_650 = arith.constant 0 : i32
        %scatter3A_651 = arith.constant 0 : i32
        %scatter3A_652 = arith.constant 0 : i32
        %scatter3A_653 = tpu.memref_slice %arg7[%scatter3A_649, %scatter3A_650, %scatter3A_651, %scatter3A_652] : memref<4x8x8x137xf32, #tpu.memory_space<vmem>> -> memref<1x8x8x137xf32, #tpu.memory_space<vmem>>
        %scatter3A_654 = tpu.memref_squeeze %scatter3A_653 : memref<1x8x8x137xf32, #tpu.memory_space<vmem>> -> memref<8x8x137xf32, #tpu.memory_space<vmem>>
        tpu.vector_store_idx %scatter3A_654[%add3A_13, %and3A_27, %broadcast_in_dim3A_626], %mul3A_648 : memref<8x8x137xf32, #tpu.memory_space<vmem>>[vector<16xi32>, vector<16xi32>, vector<16xi32>], vector<16xf32>,
        %get3A_655 = arith.constant 2 : i32
        %get3A_656 = arith.index_cast %get3A_655 : i32 to index
        %get3A_657 = arith.index_cast %scan3A_625 : i32 to index
        %get3A_658 = arith.constant 32 : index
        %get3A_659 = tpu.vector_load %arg6[%get3A_656, %get3A_657, %get3A_658] {strides = array<i32>} : memref<4x128x64xf32, #tpu.memory_space<vmem>>, vector<16xf32>,
        %mul3A_660 = arith.constant 8.000000e+00 : f32
        %mul3A_661 = vector.broadcast %mul3A_660 : f32 to vector<16xf32>
        %mul3A_662 = arith.mulf %get3A_659, %mul3A_661 : vector<16xf32>
        %scatter3A_663 = arith.constant 2 : i32
        %scatter3A_664 = arith.constant 0 : i32
        %scatter3A_665 = arith.constant 0 : i32
        %scatter3A_666 = arith.constant 0 : i32
        %scatter3A_667 = tpu.memref_slice %arg7[%scatter3A_663, %scatter3A_664, %scatter3A_665, %scatter3A_666] : memref<4x8x8x137xf32, #tpu.memory_space<vmem>> -> memref<1x8x8x137xf32, #tpu.memory_space<vmem>>
        %scatter3A_668 = tpu.memref_squeeze %scatter3A_667 : memref<1x8x8x137xf32, #tpu.memory_space<vmem>> -> memref<8x8x137xf32, #tpu.memory_space<vmem>>
        tpu.vector_store_idx %scatter3A_668[%add3A_19, %and3A_27, %broadcast_in_dim3A_626], %mul3A_662 : memref<8x8x137xf32, #tpu.memory_space<vmem>>[vector<16xi32>, vector<16xi32>, vector<16xi32>], vector<16xf32>,
        %get3A_669 = arith.constant 2 : i32
        %get3A_670 = arith.index_cast %get3A_669 : i32 to index
        %get3A_671 = arith.index_cast %scan3A_625 : i32 to index
        %get3A_672 = arith.constant 48 : index
        %get3A_673 = tpu.vector_load %arg6[%get3A_670, %get3A_671, %get3A_672] {strides = array<i32>} : memref<4x128x64xf32, #tpu.memory_space<vmem>>, vector<16xf32>,
        %mul3A_674 = arith.constant 8.000000e+00 : f32
        %mul3A_675 = vector.broadcast %mul3A_674 : f32 to vector<16xf32>
        %mul3A_676 = arith.mulf %get3A_673, %mul3A_675 : vector<16xf32>
        %scatter3A_677 = arith.constant 2 : i32
        %scatter3A_678 = arith.constant 0 : i32
        %scatter3A_679 = arith.constant 0 : i32
        %scatter3A_680 = arith.constant 0 : i32
        %scatter3A_681 = tpu.memref_slice %arg7[%scatter3A_677, %scatter3A_678, %scatter3A_679, %scatter3A_680] : memref<4x8x8x137xf32, #tpu.memory_space<vmem>> -> memref<1x8x8x137xf32, #tpu.memory_space<vmem>>
        %scatter3A_682 = tpu.memref_squeeze %scatter3A_681 : memref<1x8x8x137xf32, #tpu.memory_space<vmem>> -> memref<8x8x137xf32, #tpu.memory_space<vmem>>
        tpu.vector_store_idx %scatter3A_682[%add3A_25, %and3A_27, %broadcast_in_dim3A_626], %mul3A_676 : memref<8x8x137xf32, #tpu.memory_space<vmem>>[vector<16xi32>, vector<16xi32>, vector<16xi32>], vector<16xf32>,
        %scan3A_683 = arith.constant 5 : i32
        %scan3A_684 = arith.addi %scan3A_392, %scan3A_683 : i32
        %broadcast_in_dim3A_685 = vector.broadcast %scan3A_684 : i32 to vector<16xi32>
        %get3A_686 = arith.constant 2 : i32
        %get3A_687 = arith.index_cast %get3A_686 : i32 to index
        %get3A_688 = arith.index_cast %scan3A_684 : i32 to index
        %get3A_689 = arith.constant 0 : index
        %get3A_690 = tpu.vector_load %arg6[%get3A_687, %get3A_688, %get3A_689] {strides = array<i32>} : memref<4x128x64xf32, #tpu.memory_space<vmem>>, vector<16xf32>,
        %mul3A_691 = arith.constant 8.000000e+00 : f32
        %mul3A_692 = vector.broadcast %mul3A_691 : f32 to vector<16xf32>
        %mul3A_693 = arith.mulf %get3A_690, %mul3A_692 : vector<16xf32>
        %scatter3A_694 = arith.constant 2 : i32
        %scatter3A_695 = arith.constant 0 : i32
        %scatter3A_696 = arith.constant 0 : i32
        %scatter3A_697 = arith.constant 0 : i32
        %scatter3A_698 = tpu.memref_slice %arg7[%scatter3A_694, %scatter3A_695, %scatter3A_696, %scatter3A_697] : memref<4x8x8x137xf32, #tpu.memory_space<vmem>> -> memref<1x8x8x137xf32, #tpu.memory_space<vmem>>
        %scatter3A_699 = tpu.memref_squeeze %scatter3A_698 : memref<1x8x8x137xf32, #tpu.memory_space<vmem>> -> memref<8x8x137xf32, #tpu.memory_space<vmem>>
        tpu.vector_store_idx %scatter3A_699[%add3A_7, %and3A_27, %broadcast_in_dim3A_685], %mul3A_693 : memref<8x8x137xf32, #tpu.memory_space<vmem>>[vector<16xi32>, vector<16xi32>, vector<16xi32>], vector<16xf32>,
        %get3A_700 = arith.constant 2 : i32
        %get3A_701 = arith.index_cast %get3A_700 : i32 to index
        %get3A_702 = arith.index_cast %scan3A_684 : i32 to index
        %get3A_703 = arith.constant 16 : index
        %get3A_704 = tpu.vector_load %arg6[%get3A_701, %get3A_702, %get3A_703] {strides = array<i32>} : memref<4x128x64xf32, #tpu.memory_space<vmem>>, vector<16xf32>,
        %mul3A_705 = arith.constant 8.000000e+00 : f32
        %mul3A_706 = vector.broadcast %mul3A_705 : f32 to vector<16xf32>
        %mul3A_707 = arith.mulf %get3A_704, %mul3A_706 : vector<16xf32>
        %scatter3A_708 = arith.constant 2 : i32
        %scatter3A_709 = arith.constant 0 : i32
        %scatter3A_710 = arith.constant 0 : i32
        %scatter3A_711 = arith.constant 0 : i32
        %scatter3A_712 = tpu.memref_slice %arg7[%scatter3A_708, %scatter3A_709, %scatter3A_710, %scatter3A_711] : memref<4x8x8x137xf32, #tpu.memory_space<vmem>> -> memref<1x8x8x137xf32, #tpu.memory_space<vmem>>
        %scatter3A_713 = tpu.memref_squeeze %scatter3A_712 : memref<1x8x8x137xf32, #tpu.memory_space<vmem>> -> memref<8x8x137xf32, #tpu.memory_space<vmem>>
        tpu.vector_store_idx %scatter3A_713[%add3A_13, %and3A_27, %broadcast_in_dim3A_685], %mul3A_707 : memref<8x8x137xf32, #tpu.memory_space<vmem>>[vector<16xi32>, vector<16xi32>, vector<16xi32>], vector<16xf32>,
        %get3A_714 = arith.constant 2 : i32
        %get3A_715 = arith.index_cast %get3A_714 : i32 to index
        %get3A_716 = arith.index_cast %scan3A_684 : i32 to index
        %get3A_717 = arith.constant 32 : index
        %get3A_718 = tpu.vector_load %arg6[%get3A_715, %get3A_716, %get3A_717] {strides = array<i32>} : memref<4x128x64xf32, #tpu.memory_space<vmem>>, vector<16xf32>,
        %mul3A_719 = arith.constant 8.000000e+00 : f32
        %mul3A_720 = vector.broadcast %mul3A_719 : f32 to vector<16xf32>
        %mul3A_721 = arith.mulf %get3A_718, %mul3A_720 : vector<16xf32>
        %scatter3A_722 = arith.constant 2 : i32
        %scatter3A_723 = arith.constant 0 : i32
        %scatter3A_724 = arith.constant 0 : i32
        %scatter3A_725 = arith.constant 0 : i32
        %scatter3A_726 = tpu.memref_slice %arg7[%scatter3A_722, %scatter3A_723, %scatter3A_724, %scatter3A_725] : memref<4x8x8x137xf32, #tpu.memory_space<vmem>> -> memref<1x8x8x137xf32, #tpu.memory_space<vmem>>
        %scatter3A_727 = tpu.memref_squeeze %scatter3A_726 : memref<1x8x8x137xf32, #tpu.memory_space<vmem>> -> memref<8x8x137xf32, #tpu.memory_space<vmem>>
        tpu.vector_store_idx %scatter3A_727[%add3A_19, %and3A_27, %broadcast_in_dim3A_685], %mul3A_721 : memref<8x8x137xf32, #tpu.memory_space<vmem>>[vector<16xi32>, vector<16xi32>, vector<16xi32>], vector<16xf32>,
        %get3A_728 = arith.constant 2 : i32
        %get3A_729 = arith.index_cast %get3A_728 : i32 to index
        %get3A_730 = arith.index_cast %scan3A_684 : i32 to index
        %get3A_731 = arith.constant 48 : index
        %get3A_732 = tpu.vector_load %arg6[%get3A_729, %get3A_730, %get3A_731] {strides = array<i32>} : memref<4x128x64xf32, #tpu.memory_space<vmem>>, vector<16xf32>,
        %mul3A_733 = arith.constant 8.000000e+00 : f32
        %mul3A_734 = vector.broadcast %mul3A_733 : f32 to vector<16xf32>
        %mul3A_735 = arith.mulf %get3A_732, %mul3A_734 : vector<16xf32>
        %scatter3A_736 = arith.constant 2 : i32
        %scatter3A_737 = arith.constant 0 : i32
        %scatter3A_738 = arith.constant 0 : i32
        %scatter3A_739 = arith.constant 0 : i32
        %scatter3A_740 = tpu.memref_slice %arg7[%scatter3A_736, %scatter3A_737, %scatter3A_738, %scatter3A_739] : memref<4x8x8x137xf32, #tpu.memory_space<vmem>> -> memref<1x8x8x137xf32, #tpu.memory_space<vmem>>
        %scatter3A_741 = tpu.memref_squeeze %scatter3A_740 : memref<1x8x8x137xf32, #tpu.memory_space<vmem>> -> memref<8x8x137xf32, #tpu.memory_space<vmem>>
        tpu.vector_store_idx %scatter3A_741[%add3A_25, %and3A_27, %broadcast_in_dim3A_685], %mul3A_735 : memref<8x8x137xf32, #tpu.memory_space<vmem>>[vector<16xi32>, vector<16xi32>, vector<16xi32>], vector<16xf32>,
        %scan3A_742 = arith.constant 6 : i32
        %scan3A_743 = arith.addi %scan3A_392, %scan3A_742 : i32
        %broadcast_in_dim3A_744 = vector.broadcast %scan3A_743 : i32 to vector<16xi32>
        %get3A_745 = arith.constant 2 : i32
        %get3A_746 = arith.index_cast %get3A_745 : i32 to index
        %get3A_747 = arith.index_cast %scan3A_743 : i32 to index
        %get3A_748 = arith.constant 0 : index
        %get3A_749 = tpu.vector_load %arg6[%get3A_746, %get3A_747, %get3A_748] {strides = array<i32>} : memref<4x128x64xf32, #tpu.memory_space<vmem>>, vector<16xf32>,
        %mul3A_750 = arith.constant 8.000000e+00 : f32
        %mul3A_751 = vector.broadcast %mul3A_750 : f32 to vector<16xf32>
        %mul3A_752 = arith.mulf %get3A_749, %mul3A_751 : vector<16xf32>
        %scatter3A_753 = arith.constant 2 : i32
        %scatter3A_754 = arith.constant 0 : i32
        %scatter3A_755 = arith.constant 0 : i32
        %scatter3A_756 = arith.constant 0 : i32
        %scatter3A_757 = tpu.memref_slice %arg7[%scatter3A_753, %scatter3A_754, %scatter3A_755, %scatter3A_756] : memref<4x8x8x137xf32, #tpu.memory_space<vmem>> -> memref<1x8x8x137xf32, #tpu.memory_space<vmem>>
        %scatter3A_758 = tpu.memref_squeeze %scatter3A_757 : memref<1x8x8x137xf32, #tpu.memory_space<vmem>> -> memref<8x8x137xf32, #tpu.memory_space<vmem>>
        tpu.vector_store_idx %scatter3A_758[%add3A_7, %and3A_27, %broadcast_in_dim3A_744], %mul3A_752 : memref<8x8x137xf32, #tpu.memory_space<vmem>>[vector<16xi32>, vector<16xi32>, vector<16xi32>], vector<16xf32>,
        %get3A_759 = arith.constant 2 : i32
        %get3A_760 = arith.index_cast %get3A_759 : i32 to index
        %get3A_761 = arith.index_cast %scan3A_743 : i32 to index
        %get3A_762 = arith.constant 16 : index
        %get3A_763 = tpu.vector_load %arg6[%get3A_760, %get3A_761, %get3A_762] {strides = array<i32>} : memref<4x128x64xf32, #tpu.memory_space<vmem>>, vector<16xf32>,
        %mul3A_764 = arith.constant 8.000000e+00 : f32
        %mul3A_765 = vector.broadcast %mul3A_764 : f32 to vector<16xf32>
        %mul3A_766 = arith.mulf %get3A_763, %mul3A_765 : vector<16xf32>
        %scatter3A_767 = arith.constant 2 : i32
        %scatter3A_768 = arith.constant 0 : i32
        %scatter3A_769 = arith.constant 0 : i32
        %scatter3A_770 = arith.constant 0 : i32
        %scatter3A_771 = tpu.memref_slice %arg7[%scatter3A_767, %scatter3A_768, %scatter3A_769, %scatter3A_770] : memref<4x8x8x137xf32, #tpu.memory_space<vmem>> -> memref<1x8x8x137xf32, #tpu.memory_space<vmem>>
        %scatter3A_772 = tpu.memref_squeeze %scatter3A_771 : memref<1x8x8x137xf32, #tpu.memory_space<vmem>> -> memref<8x8x137xf32, #tpu.memory_space<vmem>>
        tpu.vector_store_idx %scatter3A_772[%add3A_13, %and3A_27, %broadcast_in_dim3A_744], %mul3A_766 : memref<8x8x137xf32, #tpu.memory_space<vmem>>[vector<16xi32>, vector<16xi32>, vector<16xi32>], vector<16xf32>,
        %get3A_773 = arith.constant 2 : i32
        %get3A_774 = arith.index_cast %get3A_773 : i32 to index
        %get3A_775 = arith.index_cast %scan3A_743 : i32 to index
        %get3A_776 = arith.constant 32 : index
        %get3A_777 = tpu.vector_load %arg6[%get3A_774, %get3A_775, %get3A_776] {strides = array<i32>} : memref<4x128x64xf32, #tpu.memory_space<vmem>>, vector<16xf32>,
        %mul3A_778 = arith.constant 8.000000e+00 : f32
        %mul3A_779 = vector.broadcast %mul3A_778 : f32 to vector<16xf32>
        %mul3A_780 = arith.mulf %get3A_777, %mul3A_779 : vector<16xf32>
        %scatter3A_781 = arith.constant 2 : i32
        %scatter3A_782 = arith.constant 0 : i32
        %scatter3A_783 = arith.constant 0 : i32
        %scatter3A_784 = arith.constant 0 : i32
        %scatter3A_785 = tpu.memref_slice %arg7[%scatter3A_781, %scatter3A_782, %scatter3A_783, %scatter3A_784] : memref<4x8x8x137xf32, #tpu.memory_space<vmem>> -> memref<1x8x8x137xf32, #tpu.memory_space<vmem>>
        %scatter3A_786 = tpu.memref_squeeze %scatter3A_785 : memref<1x8x8x137xf32, #tpu.memory_space<vmem>> -> memref<8x8x137xf32, #tpu.memory_space<vmem>>
        tpu.vector_store_idx %scatter3A_786[%add3A_19, %and3A_27, %broadcast_in_dim3A_744], %mul3A_780 : memref<8x8x137xf32, #tpu.memory_space<vmem>>[vector<16xi32>, vector<16xi32>, vector<16xi32>], vector<16xf32>,
        %get3A_787 = arith.constant 2 : i32
        %get3A_788 = arith.index_cast %get3A_787 : i32 to index
        %get3A_789 = arith.index_cast %scan3A_743 : i32 to index
        %get3A_790 = arith.constant 48 : index
        %get3A_791 = tpu.vector_load %arg6[%get3A_788, %get3A_789, %get3A_790] {strides = array<i32>} : memref<4x128x64xf32, #tpu.memory_space<vmem>>, vector<16xf32>,
        %mul3A_792 = arith.constant 8.000000e+00 : f32
        %mul3A_793 = vector.broadcast %mul3A_792 : f32 to vector<16xf32>
        %mul3A_794 = arith.mulf %get3A_791, %mul3A_793 : vector<16xf32>
        %scatter3A_795 = arith.constant 2 : i32
        %scatter3A_796 = arith.constant 0 : i32
        %scatter3A_797 = arith.constant 0 : i32
        %scatter3A_798 = arith.constant 0 : i32
        %scatter3A_799 = tpu.memref_slice %arg7[%scatter3A_795, %scatter3A_796, %scatter3A_797, %scatter3A_798] : memref<4x8x8x137xf32, #tpu.memory_space<vmem>> -> memref<1x8x8x137xf32, #tpu.memory_space<vmem>>
        %scatter3A_800 = tpu.memref_squeeze %scatter3A_799 : memref<1x8x8x137xf32, #tpu.memory_space<vmem>> -> memref<8x8x137xf32, #tpu.memory_space<vmem>>
        tpu.vector_store_idx %scatter3A_800[%add3A_25, %and3A_27, %broadcast_in_dim3A_744], %mul3A_794 : memref<8x8x137xf32, #tpu.memory_space<vmem>>[vector<16xi32>, vector<16xi32>, vector<16xi32>], vector<16xf32>,
        %scan3A_801 = arith.constant 7 : i32
        %scan3A_802 = arith.addi %scan3A_392, %scan3A_801 : i32
        %broadcast_in_dim3A_803 = vector.broadcast %scan3A_802 : i32 to vector<16xi32>
        %get3A_804 = arith.constant 2 : i32
        %get3A_805 = arith.index_cast %get3A_804 : i32 to index
        %get3A_806 = arith.index_cast %scan3A_802 : i32 to index
        %get3A_807 = arith.constant 0 : index
        %get3A_808 = tpu.vector_load %arg6[%get3A_805, %get3A_806, %get3A_807] {strides = array<i32>} : memref<4x128x64xf32, #tpu.memory_space<vmem>>, vector<16xf32>,
        %mul3A_809 = arith.constant 8.000000e+00 : f32
        %mul3A_810 = vector.broadcast %mul3A_809 : f32 to vector<16xf32>
        %mul3A_811 = arith.mulf %get3A_808, %mul3A_810 : vector<16xf32>
        %scatter3A_812 = arith.constant 2 : i32
        %scatter3A_813 = arith.constant 0 : i32
        %scatter3A_814 = arith.constant 0 : i32
        %scatter3A_815 = arith.constant 0 : i32
        %scatter3A_816 = tpu.memref_slice %arg7[%scatter3A_812, %scatter3A_813, %scatter3A_814, %scatter3A_815] : memref<4x8x8x137xf32, #tpu.memory_space<vmem>> -> memref<1x8x8x137xf32, #tpu.memory_space<vmem>>
        %scatter3A_817 = tpu.memref_squeeze %scatter3A_816 : memref<1x8x8x137xf32, #tpu.memory_space<vmem>> -> memref<8x8x137xf32, #tpu.memory_space<vmem>>
        tpu.vector_store_idx %scatter3A_817[%add3A_7, %and3A_27, %broadcast_in_dim3A_803], %mul3A_811 : memref<8x8x137xf32, #tpu.memory_space<vmem>>[vector<16xi32>, vector<16xi32>, vector<16xi32>], vector<16xf32>,
        %get3A_818 = arith.constant 2 : i32
        %get3A_819 = arith.index_cast %get3A_818 : i32 to index
        %get3A_820 = arith.index_cast %scan3A_802 : i32 to index
        %get3A_821 = arith.constant 16 : index
        %get3A_822 = tpu.vector_load %arg6[%get3A_819, %get3A_820, %get3A_821] {strides = array<i32>} : memref<4x128x64xf32, #tpu.memory_space<vmem>>, vector<16xf32>,
        %mul3A_823 = arith.constant 8.000000e+00 : f32
        %mul3A_824 = vector.broadcast %mul3A_823 : f32 to vector<16xf32>
        %mul3A_825 = arith.mulf %get3A_822, %mul3A_824 : vector<16xf32>
        %scatter3A_826 = arith.constant 2 : i32
        %scatter3A_827 = arith.constant 0 : i32
        %scatter3A_828 = arith.constant 0 : i32
        %scatter3A_829 = arith.constant 0 : i32
        %scatter3A_830 = tpu.memref_slice %arg7[%scatter3A_826, %scatter3A_827, %scatter3A_828, %scatter3A_829] : memref<4x8x8x137xf32, #tpu.memory_space<vmem>> -> memref<1x8x8x137xf32, #tpu.memory_space<vmem>>
        %scatter3A_831 = tpu.memref_squeeze %scatter3A_830 : memref<1x8x8x137xf32, #tpu.memory_space<vmem>> -> memref<8x8x137xf32, #tpu.memory_space<vmem>>
        tpu.vector_store_idx %scatter3A_831[%add3A_13, %and3A_27, %broadcast_in_dim3A_803], %mul3A_825 : memref<8x8x137xf32, #tpu.memory_space<vmem>>[vector<16xi32>, vector<16xi32>, vector<16xi32>], vector<16xf32>,
        %get3A_832 = arith.constant 2 : i32
        %get3A_833 = arith.index_cast %get3A_832 : i32 to index
        %get3A_834 = arith.index_cast %scan3A_802 : i32 to index
        %get3A_835 = arith.constant 32 : index
        %get3A_836 = tpu.vector_load %arg6[%get3A_833, %get3A_834, %get3A_835] {strides = array<i32>} : memref<4x128x64xf32, #tpu.memory_space<vmem>>, vector<16xf32>,
        %mul3A_837 = arith.constant 8.000000e+00 : f32
        %mul3A_838 = vector.broadcast %mul3A_837 : f32 to vector<16xf32>
        %mul3A_839 = arith.mulf %get3A_836, %mul3A_838 : vector<16xf32>
        %scatter3A_840 = arith.constant 2 : i32
        %scatter3A_841 = arith.constant 0 : i32
        %scatter3A_842 = arith.constant 0 : i32
        %scatter3A_843 = arith.constant 0 : i32
        %scatter3A_844 = tpu.memref_slice %arg7[%scatter3A_840, %scatter3A_841, %scatter3A_842, %scatter3A_843] : memref<4x8x8x137xf32, #tpu.memory_space<vmem>> -> memref<1x8x8x137xf32, #tpu.memory_space<vmem>>
        %scatter3A_845 = tpu.memref_squeeze %scatter3A_844 : memref<1x8x8x137xf32, #tpu.memory_space<vmem>> -> memref<8x8x137xf32, #tpu.memory_space<vmem>>
        tpu.vector_store_idx %scatter3A_845[%add3A_19, %and3A_27, %broadcast_in_dim3A_803], %mul3A_839 : memref<8x8x137xf32, #tpu.memory_space<vmem>>[vector<16xi32>, vector<16xi32>, vector<16xi32>], vector<16xf32>,
        %get3A_846 = arith.constant 2 : i32
        %get3A_847 = arith.index_cast %get3A_846 : i32 to index
        %get3A_848 = arith.index_cast %scan3A_802 : i32 to index
        %get3A_849 = arith.constant 48 : index
        %get3A_850 = tpu.vector_load %arg6[%get3A_847, %get3A_848, %get3A_849] {strides = array<i32>} : memref<4x128x64xf32, #tpu.memory_space<vmem>>, vector<16xf32>,
        %mul3A_851 = arith.constant 8.000000e+00 : f32
        %mul3A_852 = vector.broadcast %mul3A_851 : f32 to vector<16xf32>
        %mul3A_853 = arith.mulf %get3A_850, %mul3A_852 : vector<16xf32>
        %scatter3A_854 = arith.constant 2 : i32
        %scatter3A_855 = arith.constant 0 : i32
        %scatter3A_856 = arith.constant 0 : i32
        %scatter3A_857 = arith.constant 0 : i32
        %scatter3A_858 = tpu.memref_slice %arg7[%scatter3A_854, %scatter3A_855, %scatter3A_856, %scatter3A_857] : memref<4x8x8x137xf32, #tpu.memory_space<vmem>> -> memref<1x8x8x137xf32, #tpu.memory_space<vmem>>
        %scatter3A_859 = tpu.memref_squeeze %scatter3A_858 : memref<1x8x8x137xf32, #tpu.memory_space<vmem>> -> memref<8x8x137xf32, #tpu.memory_space<vmem>>
        tpu.vector_store_idx %scatter3A_859[%add3A_25, %and3A_27, %broadcast_in_dim3A_803], %mul3A_853 : memref<8x8x137xf32, #tpu.memory_space<vmem>>[vector<16xi32>, vector<16xi32>, vector<16xi32>], vector<16xf32>,
      }
      %scan3A_309 = arith.constant 128 : i32
      %dma_start3A_310 = arith.constant 2 : i32
      %dma_start3A_311 = arith.constant 0 : i32
      %dma_start3A_312 = arith.constant 0 : i32
      %dma_start3A_313 = arith.constant 0 : i32
      %dma_start3A_314 = tpu.memref_slice %arg7[%dma_start3A_310, %dma_start3A_311, %dma_start3A_312, %dma_start3A_313] : memref<4x8x8x137xf32, #tpu.memory_space<vmem>> -> memref<1x8x8x128xf32, #tpu.memory_space<vmem>>
      %dma_start3A_315 = tpu.memref_squeeze %dma_start3A_314 : memref<1x8x8x128xf32, #tpu.memory_space<vmem>> -> memref<8x8x128xf32, #tpu.memory_space<vmem>>
      %dma_start3A_316 = arith.constant 0 : i32
      %dma_start3A_317 = arith.constant 0 : i32
      %dma_start3A_318 = arith.constant 0 : i32
      %dma_start3A_319 = tpu.memref_slice %arg4[%add3A_283, %dma_start3A_316, %add3A, %dma_start3A_317, %dma_start3A_318] : memref<200x8x32x8x128xf32, #tpu.memory_space<hbm>> -> memref<1x8x1x8x128xf32, #tpu.memory_space<hbm>>
      %dma_start3A_320 = tpu.memref_squeeze %dma_start3A_319 : memref<1x8x1x8x128xf32, #tpu.memory_space<hbm>> -> memref<8x8x128xf32, #tpu.memory_space<hbm>>
      %dma_start3A_321 = arith.constant 0 : i32
      %dma_start3A_322 = arith.constant 0 : i32
      %dma_start3A_323 = arith.constant 0 : i32
      %dma_start3A_324 = tpu.memref_slice %arg4[%add3A_283, %dma_start3A_321, %add3A, %dma_start3A_322, %dma_start3A_323] : memref<200x8x32x8x128xf32, #tpu.memory_space<hbm>> -> memref<1x8x1x8x128xf32, #tpu.memory_space<hbm>>
      %dma_start3A_325 = tpu.memref_squeeze %dma_start3A_324 : memref<1x8x1x8x128xf32, #tpu.memory_space<hbm>> -> memref<8x8x128xf32, #tpu.memory_space<hbm>>
      %dma_start3A_326 = arith.constant 0 : i32
      %dma_start3A_327 = arith.constant 0 : i32
      %dma_start3A_328 = arith.constant 0 : i32
      %dma_start3A_329 = tpu.memref_slice %arg7[%dma_start3A_310, %dma_start3A_326, %dma_start3A_327, %dma_start3A_328] : memref<4x8x8x137xf32, #tpu.memory_space<vmem>> -> memref<1x8x8x128xf32, #tpu.memory_space<vmem>>
      %dma_start3A_330 = tpu.memref_squeeze %dma_start3A_329 : memref<1x8x8x128xf32, #tpu.memory_space<vmem>> -> memref<8x8x128xf32, #tpu.memory_space<vmem>>
      tpu.enqueue_dma source(%dma_start3A_330 : memref<8x8x128xf32, #tpu.memory_space<vmem>>) target(%dma_start3A_325 : memref<8x8x128xf32, #tpu.memory_space<hbm>>) target_semaphore(%arg14 : memref<!tpu.dma_semaphore, #tpu.memory_space<semaphore_mem>>)
      %lt3A_331 = arith.constant 49 : i32
      %lt3A_332 = arith.cmpi slt, %scan3A_171, %lt3A_331 : i32
      %convert_element_type3A_333 = arith.extui %lt3A_332 : i1 to i32
      %cond3A_334 = arith.constant 0 : i32
      %cond3A_335 = arith.cmpi ne, %convert_element_type3A_333, %cond3A_334 : i32
      scf.if %cond3A_335 {
        %add3A_392 = arith.constant 4 : i32
        %add3A_393 = arith.addi %add3A_283, %add3A_392 : i32
        %dma_start3A_394 = arith.constant 2 : i32
        %dma_start3A_395 = arith.constant 0 : i32
        %dma_start3A_396 = arith.constant 0 : i32
        %dma_start3A_397 = tpu.memref_slice %arg6[%dma_start3A_394, %dma_start3A_395, %dma_start3A_396] : memref<4x128x64xf32, #tpu.memory_space<vmem>> -> memref<1x128x64xf32, #tpu.memory_space<vmem>>
        %dma_start3A_398 = tpu.memref_squeeze %dma_start3A_397 : memref<1x128x64xf32, #tpu.memory_space<vmem>> -> memref<128x64xf32, #tpu.memory_space<vmem>>
        %dma_start3A_399 = arith.constant 0 : i32
        %dma_start3A_400 = tpu.memref_slice %arg5[%add3A_393, %dma_start3A_399] : memref<200x128xi32, #tpu.memory_space<vmem>> -> memref<1x128xi32, #tpu.memory_space<vmem>>
        %dma_start3A_401 = tpu.memref_squeeze %dma_start3A_400 : memref<1x128xi32, #tpu.memory_space<vmem>> -> memref<128xi32, #tpu.memory_space<vmem>>
        %dma_start3A_402 = arith.constant 0 : i32
        %dma_start3A_403 = arith.constant 0 : i32
        %dma_start3A_404 = tpu.memref_slice %arg3[%dma_start3A_402, %dma_start3A_403] : memref<1000000x64xf32, #tpu.memory_space<hbm>> -> memref<1000000x64xf32, #tpu.memory_space<hbm>>
        tpu.enqueue_indirect_dma source(%dma_start3A_404 : memref<1000000x64xf32, #tpu.memory_space<hbm>>) target(%dma_start3A_398 : memref<128x64xf32, #tpu.memory_space<vmem>>) offsets(%dma_start3A_401 : memref<128xi32, #tpu.memory_space<vmem>>) semaphore(%arg10 : memref<!tpu.dma_semaphore, #tpu.memory_space<semaphore_mem>>)
      } else {
      }
      %mul3A_336 = arith.constant 4 : i32
      %mul3A_337 = arith.muli %scan3A_171, %mul3A_336 : i32
      %add3A_338 = arith.constant 3 : i32
      %add3A_339 = arith.addi %mul3A_337, %add3A_338 : i32
      %dma_wait3A_340 = arith.constant 3 : i32
      %dma_wait3A_341 = arith.constant 0 : i32
      %dma_wait3A_342 = arith.constant 0 : i32
      %dma_wait3A_343 = tpu.memref_slice %arg6[%dma_wait3A_340, %dma_wait3A_341, %dma_wait3A_342] : memref<4x128x64xf32, #tpu.memory_space<vmem>> -> memref<1x128x64xf32, #tpu.memory_space<vmem>>
      %dma_wait3A_344 = tpu.memref_squeeze %dma_wait3A_343 : memref<1x128x64xf32, #tpu.memory_space<vmem>> -> memref<128x64xf32, #tpu.memory_space<vmem>>
      %dma_wait3A_345 = arith.constant 0 : i32
      %dma_wait3A_346 = arith.constant 0 : i32
      %dma_wait3A_347 = tpu.memref_slice %arg3[%dma_wait3A_345, %dma_wait3A_346] : memref<1000000x64xf32, #tpu.memory_space<hbm>> -> memref<128x64xf32, #tpu.memory_space<hbm>>
      %dma_wait3A_348 = arith.constant 0 : i32
      %dma_wait3A_349 = arith.constant 0 : i32
      %dma_wait3A_350 = tpu.memref_slice %arg6[%dma_wait3A_340, %dma_wait3A_348, %dma_wait3A_349] : memref<4x128x64xf32, #tpu.memory_space<vmem>> -> memref<1x128x64xf32, #tpu.memory_space<vmem>>
      %dma_wait3A_351 = tpu.memref_squeeze %dma_wait3A_350 : memref<1x128x64xf32, #tpu.memory_space<vmem>> -> memref<128x64xf32, #tpu.memory_space<vmem>>
      %dma_wait3A_352 = arith.constant 0 : i32
      %dma_wait3A_353 = arith.constant 0 : i32
      %dma_wait3A_354 = tpu.memref_slice %arg3[%dma_wait3A_352, %dma_wait3A_353] : memref<1000000x64xf32, #tpu.memory_space<hbm>> -> memref<128x64xf32, #tpu.memory_space<hbm>>
      tpu.wait_dma2 semaphore(%arg11 : memref<!tpu.dma_semaphore, #tpu.memory_space<semaphore_mem>>) src(%dma_wait3A_354 : memref<128x64xf32, #tpu.memory_space<hbm>>) dst(%dma_wait3A_351 : memref<128x64xf32, #tpu.memory_space<vmem>>)
      %gt3A_355 = arith.constant 0 : i32
      %gt3A_356 = arith.cmpi sgt, %scan3A_171, %gt3A_355 : i32
      %convert_element_type3A_357 = arith.extui %gt3A_356 : i1 to i32
      %cond3A_358 = arith.constant 0 : i32
      %cond3A_359 = arith.cmpi ne, %convert_element_type3A_357, %cond3A_358 : i32
      scf.if %cond3A_359 {
        %dma_wait3A_392 = arith.constant 3 : i32
        %dma_wait3A_393 = arith.constant 0 : i32
        %dma_wait3A_394 = arith.constant 0 : i32
        %dma_wait3A_395 = arith.constant 0 : i32
        %dma_wait3A_396 = arith.constant 0 : i32
        %dma_wait3A_397 = arith.constant 0 : i32
        %dma_wait3A_398 = tpu.memref_slice %arg7[%dma_wait3A_392, %dma_wait3A_395, %dma_wait3A_396, %dma_wait3A_397] : memref<4x8x8x137xf32, #tpu.memory_space<vmem>> -> memref<1x8x8x128xf32, #tpu.memory_space<vmem>>
        %dma_wait3A_399 = tpu.memref_squeeze %dma_wait3A_398 : memref<1x8x8x128xf32, #tpu.memory_space<vmem>> -> memref<8x8x128xf32, #tpu.memory_space<vmem>>
        %dma_wait3A_400 = arith.constant 0 : i32
        %dma_wait3A_401 = arith.constant 0 : i32
        %dma_wait3A_402 = arith.constant 0 : i32
        %dma_wait3A_403 = tpu.memref_slice %arg4[%dma_wait3A_393, %dma_wait3A_400, %dma_wait3A_394, %dma_wait3A_401, %dma_wait3A_402] : memref<200x8x32x8x128xf32, #tpu.memory_space<hbm>> -> memref<1x8x1x8x128xf32, #tpu.memory_space<hbm>>
        %dma_wait3A_404 = tpu.memref_squeeze %dma_wait3A_403 : memref<1x8x1x8x128xf32, #tpu.memory_space<hbm>> -> memref<8x8x128xf32, #tpu.memory_space<hbm>>
        %dma_wait3A_405 = arith.constant 0 : i32
        %dma_wait3A_406 = arith.constant 0 : i32
        %dma_wait3A_407 = arith.constant 0 : i32
        %dma_wait3A_408 = tpu.memref_slice %arg4[%dma_wait3A_393, %dma_wait3A_405, %dma_wait3A_394, %dma_wait3A_406, %dma_wait3A_407] : memref<200x8x32x8x128xf32, #tpu.memory_space<hbm>> -> memref<1x8x1x8x128xf32, #tpu.memory_space<hbm>>
        %dma_wait3A_409 = tpu.memref_squeeze %dma_wait3A_408 : memref<1x8x1x8x128xf32, #tpu.memory_space<hbm>> -> memref<8x8x128xf32, #tpu.memory_space<hbm>>
        %dma_wait3A_410 = arith.constant 0 : i32
        %dma_wait3A_411 = arith.constant 0 : i32
        %dma_wait3A_412 = arith.constant 0 : i32
        %dma_wait3A_413 = tpu.memref_slice %arg7[%dma_wait3A_392, %dma_wait3A_410, %dma_wait3A_411, %dma_wait3A_412] : memref<4x8x8x137xf32, #tpu.memory_space<vmem>> -> memref<1x8x8x128xf32, #tpu.memory_space<vmem>>
        %dma_wait3A_414 = tpu.memref_squeeze %dma_wait3A_413 : memref<1x8x8x128xf32, #tpu.memory_space<vmem>> -> memref<8x8x128xf32, #tpu.memory_space<vmem>>
        tpu.wait_dma2 semaphore(%arg15 : memref<!tpu.dma_semaphore, #tpu.memory_space<semaphore_mem>>) src(%dma_wait3A_414 : memref<8x8x128xf32, #tpu.memory_space<vmem>>) dst(%dma_wait3A_409 : memref<8x8x128xf32, #tpu.memory_space<hbm>>)
      } else {
      }
      %scan3A_360 = arith.constant 0 : i32
      %scan3A_361 = arith.constant 0 : i32
      %scan3A_362 = arith.constant 128 : i32
      %scan3A_363 = arith.addi %scan3A_361, %scan3A_362 : i32
      %scan3A_364 = arith.constant 8 : i32
      scf.for %scan3A_392 = %scan3A_361 to %scan3A_363 step %scan3A_364  : i32 {
        %broadcast_in_dim3A = vector.broadcast %scan3A_392 : i32 to vector<16xi32>
        %get3A = arith.constant 3 : i32
        %get3A_393 = arith.index_cast %get3A : i32 to index
        %get3A_394 = arith.index_cast %scan3A_392 : i32 to index
        %get3A_395 = arith.constant 0 : index
        %get3A_396 = tpu.vector_load %arg6[%get3A_393, %get3A_394, %get3A_395] {strides = array<i32>} : memref<4x128x64xf32, #tpu.memory_space<vmem>>, vector<16xf32>,
        %mul3A_397 = arith.constant 8.000000e+00 : f32
        %mul3A_398 = vector.broadcast %mul3A_397 : f32 to vector<16xf32>
        %mul3A_399 = arith.mulf %get3A_396, %mul3A_398 : vector<16xf32>
        %scatter3A = arith.constant 3 : i32
        %scatter3A_400 = arith.constant 0 : i32
        %scatter3A_401 = arith.constant 0 : i32
        %scatter3A_402 = arith.constant 0 : i32
        %scatter3A_403 = tpu.memref_slice %arg7[%scatter3A, %scatter3A_400, %scatter3A_401, %scatter3A_402] : memref<4x8x8x137xf32, #tpu.memory_space<vmem>> -> memref<1x8x8x137xf32, #tpu.memory_space<vmem>>
        %scatter3A_404 = tpu.memref_squeeze %scatter3A_403 : memref<1x8x8x137xf32, #tpu.memory_space<vmem>> -> memref<8x8x137xf32, #tpu.memory_space<vmem>>
        tpu.vector_store_idx %scatter3A_404[%add3A_7, %and3A_27, %broadcast_in_dim3A], %mul3A_399 : memref<8x8x137xf32, #tpu.memory_space<vmem>>[vector<16xi32>, vector<16xi32>, vector<16xi32>], vector<16xf32>,
        %get3A_405 = arith.constant 3 : i32
        %get3A_406 = arith.index_cast %get3A_405 : i32 to index
        %get3A_407 = arith.index_cast %scan3A_392 : i32 to index
        %get3A_408 = arith.constant 16 : index
        %get3A_409 = tpu.vector_load %arg6[%get3A_406, %get3A_407, %get3A_408] {strides = array<i32>} : memref<4x128x64xf32, #tpu.memory_space<vmem>>, vector<16xf32>,
        %mul3A_410 = arith.constant 8.000000e+00 : f32
        %mul3A_411 = vector.broadcast %mul3A_410 : f32 to vector<16xf32>
        %mul3A_412 = arith.mulf %get3A_409, %mul3A_411 : vector<16xf32>
        %scatter3A_413 = arith.constant 3 : i32
        %scatter3A_414 = arith.constant 0 : i32
        %scatter3A_415 = arith.constant 0 : i32
        %scatter3A_416 = arith.constant 0 : i32
        %scatter3A_417 = tpu.memref_slice %arg7[%scatter3A_413, %scatter3A_414, %scatter3A_415, %scatter3A_416] : memref<4x8x8x137xf32, #tpu.memory_space<vmem>> -> memref<1x8x8x137xf32, #tpu.memory_space<vmem>>
        %scatter3A_418 = tpu.memref_squeeze %scatter3A_417 : memref<1x8x8x137xf32, #tpu.memory_space<vmem>> -> memref<8x8x137xf32, #tpu.memory_space<vmem>>
        tpu.vector_store_idx %scatter3A_418[%add3A_13, %and3A_27, %broadcast_in_dim3A], %mul3A_412 : memref<8x8x137xf32, #tpu.memory_space<vmem>>[vector<16xi32>, vector<16xi32>, vector<16xi32>], vector<16xf32>,
        %get3A_419 = arith.constant 3 : i32
        %get3A_420 = arith.index_cast %get3A_419 : i32 to index
        %get3A_421 = arith.index_cast %scan3A_392 : i32 to index
        %get3A_422 = arith.constant 32 : index
        %get3A_423 = tpu.vector_load %arg6[%get3A_420, %get3A_421, %get3A_422] {strides = array<i32>} : memref<4x128x64xf32, #tpu.memory_space<vmem>>, vector<16xf32>,
        %mul3A_424 = arith.constant 8.000000e+00 : f32
        %mul3A_425 = vector.broadcast %mul3A_424 : f32 to vector<16xf32>
        %mul3A_426 = arith.mulf %get3A_423, %mul3A_425 : vector<16xf32>
        %scatter3A_427 = arith.constant 3 : i32
        %scatter3A_428 = arith.constant 0 : i32
        %scatter3A_429 = arith.constant 0 : i32
        %scatter3A_430 = arith.constant 0 : i32
        %scatter3A_431 = tpu.memref_slice %arg7[%scatter3A_427, %scatter3A_428, %scatter3A_429, %scatter3A_430] : memref<4x8x8x137xf32, #tpu.memory_space<vmem>> -> memref<1x8x8x137xf32, #tpu.memory_space<vmem>>
        %scatter3A_432 = tpu.memref_squeeze %scatter3A_431 : memref<1x8x8x137xf32, #tpu.memory_space<vmem>> -> memref<8x8x137xf32, #tpu.memory_space<vmem>>
        tpu.vector_store_idx %scatter3A_432[%add3A_19, %and3A_27, %broadcast_in_dim3A], %mul3A_426 : memref<8x8x137xf32, #tpu.memory_space<vmem>>[vector<16xi32>, vector<16xi32>, vector<16xi32>], vector<16xf32>,
        %get3A_433 = arith.constant 3 : i32
        %get3A_434 = arith.index_cast %get3A_433 : i32 to index
        %get3A_435 = arith.index_cast %scan3A_392 : i32 to index
        %get3A_436 = arith.constant 48 : index
        %get3A_437 = tpu.vector_load %arg6[%get3A_434, %get3A_435, %get3A_436] {strides = array<i32>} : memref<4x128x64xf32, #tpu.memory_space<vmem>>, vector<16xf32>,
        %mul3A_438 = arith.constant 8.000000e+00 : f32
        %mul3A_439 = vector.broadcast %mul3A_438 : f32 to vector<16xf32>
        %mul3A_440 = arith.mulf %get3A_437, %mul3A_439 : vector<16xf32>
        %scatter3A_441 = arith.constant 3 : i32
        %scatter3A_442 = arith.constant 0 : i32
        %scatter3A_443 = arith.constant 0 : i32
        %scatter3A_444 = arith.constant 0 : i32
        %scatter3A_445 = tpu.memref_slice %arg7[%scatter3A_441, %scatter3A_442, %scatter3A_443, %scatter3A_444] : memref<4x8x8x137xf32, #tpu.memory_space<vmem>> -> memref<1x8x8x137xf32, #tpu.memory_space<vmem>>
        %scatter3A_446 = tpu.memref_squeeze %scatter3A_445 : memref<1x8x8x137xf32, #tpu.memory_space<vmem>> -> memref<8x8x137xf32, #tpu.memory_space<vmem>>
        tpu.vector_store_idx %scatter3A_446[%add3A_25, %and3A_27, %broadcast_in_dim3A], %mul3A_440 : memref<8x8x137xf32, #tpu.memory_space<vmem>>[vector<16xi32>, vector<16xi32>, vector<16xi32>], vector<16xf32>,
        %scan3A_447 = arith.constant 1 : i32
        %scan3A_448 = arith.addi %scan3A_392, %scan3A_447 : i32
        %broadcast_in_dim3A_449 = vector.broadcast %scan3A_448 : i32 to vector<16xi32>
        %get3A_450 = arith.constant 3 : i32
        %get3A_451 = arith.index_cast %get3A_450 : i32 to index
        %get3A_452 = arith.index_cast %scan3A_448 : i32 to index
        %get3A_453 = arith.constant 0 : index
        %get3A_454 = tpu.vector_load %arg6[%get3A_451, %get3A_452, %get3A_453] {strides = array<i32>} : memref<4x128x64xf32, #tpu.memory_space<vmem>>, vector<16xf32>,
        %mul3A_455 = arith.constant 8.000000e+00 : f32
        %mul3A_456 = vector.broadcast %mul3A_455 : f32 to vector<16xf32>
        %mul3A_457 = arith.mulf %get3A_454, %mul3A_456 : vector<16xf32>
        %scatter3A_458 = arith.constant 3 : i32
        %scatter3A_459 = arith.constant 0 : i32
        %scatter3A_460 = arith.constant 0 : i32
        %scatter3A_461 = arith.constant 0 : i32
        %scatter3A_462 = tpu.memref_slice %arg7[%scatter3A_458, %scatter3A_459, %scatter3A_460, %scatter3A_461] : memref<4x8x8x137xf32, #tpu.memory_space<vmem>> -> memref<1x8x8x137xf32, #tpu.memory_space<vmem>>
        %scatter3A_463 = tpu.memref_squeeze %scatter3A_462 : memref<1x8x8x137xf32, #tpu.memory_space<vmem>> -> memref<8x8x137xf32, #tpu.memory_space<vmem>>
        tpu.vector_store_idx %scatter3A_463[%add3A_7, %and3A_27, %broadcast_in_dim3A_449], %mul3A_457 : memref<8x8x137xf32, #tpu.memory_space<vmem>>[vector<16xi32>, vector<16xi32>, vector<16xi32>], vector<16xf32>,
        %get3A_464 = arith.constant 3 : i32
        %get3A_465 = arith.index_cast %get3A_464 : i32 to index
        %get3A_466 = arith.index_cast %scan3A_448 : i32 to index
        %get3A_467 = arith.constant 16 : index
        %get3A_468 = tpu.vector_load %arg6[%get3A_465, %get3A_466, %get3A_467] {strides = array<i32>} : memref<4x128x64xf32, #tpu.memory_space<vmem>>, vector<16xf32>,
        %mul3A_469 = arith.constant 8.000000e+00 : f32
        %mul3A_470 = vector.broadcast %mul3A_469 : f32 to vector<16xf32>
        %mul3A_471 = arith.mulf %get3A_468, %mul3A_470 : vector<16xf32>
        %scatter3A_472 = arith.constant 3 : i32
        %scatter3A_473 = arith.constant 0 : i32
        %scatter3A_474 = arith.constant 0 : i32
        %scatter3A_475 = arith.constant 0 : i32
        %scatter3A_476 = tpu.memref_slice %arg7[%scatter3A_472, %scatter3A_473, %scatter3A_474, %scatter3A_475] : memref<4x8x8x137xf32, #tpu.memory_space<vmem>> -> memref<1x8x8x137xf32, #tpu.memory_space<vmem>>
        %scatter3A_477 = tpu.memref_squeeze %scatter3A_476 : memref<1x8x8x137xf32, #tpu.memory_space<vmem>> -> memref<8x8x137xf32, #tpu.memory_space<vmem>>
        tpu.vector_store_idx %scatter3A_477[%add3A_13, %and3A_27, %broadcast_in_dim3A_449], %mul3A_471 : memref<8x8x137xf32, #tpu.memory_space<vmem>>[vector<16xi32>, vector<16xi32>, vector<16xi32>], vector<16xf32>,
        %get3A_478 = arith.constant 3 : i32
        %get3A_479 = arith.index_cast %get3A_478 : i32 to index
        %get3A_480 = arith.index_cast %scan3A_448 : i32 to index
        %get3A_481 = arith.constant 32 : index
        %get3A_482 = tpu.vector_load %arg6[%get3A_479, %get3A_480, %get3A_481] {strides = array<i32>} : memref<4x128x64xf32, #tpu.memory_space<vmem>>, vector<16xf32>,
        %mul3A_483 = arith.constant 8.000000e+00 : f32
        %mul3A_484 = vector.broadcast %mul3A_483 : f32 to vector<16xf32>
        %mul3A_485 = arith.mulf %get3A_482, %mul3A_484 : vector<16xf32>
        %scatter3A_486 = arith.constant 3 : i32
        %scatter3A_487 = arith.constant 0 : i32
        %scatter3A_488 = arith.constant 0 : i32
        %scatter3A_489 = arith.constant 0 : i32
        %scatter3A_490 = tpu.memref_slice %arg7[%scatter3A_486, %scatter3A_487, %scatter3A_488, %scatter3A_489] : memref<4x8x8x137xf32, #tpu.memory_space<vmem>> -> memref<1x8x8x137xf32, #tpu.memory_space<vmem>>
        %scatter3A_491 = tpu.memref_squeeze %scatter3A_490 : memref<1x8x8x137xf32, #tpu.memory_space<vmem>> -> memref<8x8x137xf32, #tpu.memory_space<vmem>>
        tpu.vector_store_idx %scatter3A_491[%add3A_19, %and3A_27, %broadcast_in_dim3A_449], %mul3A_485 : memref<8x8x137xf32, #tpu.memory_space<vmem>>[vector<16xi32>, vector<16xi32>, vector<16xi32>], vector<16xf32>,
        %get3A_492 = arith.constant 3 : i32
        %get3A_493 = arith.index_cast %get3A_492 : i32 to index
        %get3A_494 = arith.index_cast %scan3A_448 : i32 to index
        %get3A_495 = arith.constant 48 : index
        %get3A_496 = tpu.vector_load %arg6[%get3A_493, %get3A_494, %get3A_495] {strides = array<i32>} : memref<4x128x64xf32, #tpu.memory_space<vmem>>, vector<16xf32>,
        %mul3A_497 = arith.constant 8.000000e+00 : f32
        %mul3A_498 = vector.broadcast %mul3A_497 : f32 to vector<16xf32>
        %mul3A_499 = arith.mulf %get3A_496, %mul3A_498 : vector<16xf32>
        %scatter3A_500 = arith.constant 3 : i32
        %scatter3A_501 = arith.constant 0 : i32
        %scatter3A_502 = arith.constant 0 : i32
        %scatter3A_503 = arith.constant 0 : i32
        %scatter3A_504 = tpu.memref_slice %arg7[%scatter3A_500, %scatter3A_501, %scatter3A_502, %scatter3A_503] : memref<4x8x8x137xf32, #tpu.memory_space<vmem>> -> memref<1x8x8x137xf32, #tpu.memory_space<vmem>>
        %scatter3A_505 = tpu.memref_squeeze %scatter3A_504 : memref<1x8x8x137xf32, #tpu.memory_space<vmem>> -> memref<8x8x137xf32, #tpu.memory_space<vmem>>
        tpu.vector_store_idx %scatter3A_505[%add3A_25, %and3A_27, %broadcast_in_dim3A_449], %mul3A_499 : memref<8x8x137xf32, #tpu.memory_space<vmem>>[vector<16xi32>, vector<16xi32>, vector<16xi32>], vector<16xf32>,
        %scan3A_506 = arith.constant 2 : i32
        %scan3A_507 = arith.addi %scan3A_392, %scan3A_506 : i32
        %broadcast_in_dim3A_508 = vector.broadcast %scan3A_507 : i32 to vector<16xi32>
        %get3A_509 = arith.constant 3 : i32
        %get3A_510 = arith.index_cast %get3A_509 : i32 to index
        %get3A_511 = arith.index_cast %scan3A_507 : i32 to index
        %get3A_512 = arith.constant 0 : index
        %get3A_513 = tpu.vector_load %arg6[%get3A_510, %get3A_511, %get3A_512] {strides = array<i32>} : memref<4x128x64xf32, #tpu.memory_space<vmem>>, vector<16xf32>,
        %mul3A_514 = arith.constant 8.000000e+00 : f32
        %mul3A_515 = vector.broadcast %mul3A_514 : f32 to vector<16xf32>
        %mul3A_516 = arith.mulf %get3A_513, %mul3A_515 : vector<16xf32>
        %scatter3A_517 = arith.constant 3 : i32
        %scatter3A_518 = arith.constant 0 : i32
        %scatter3A_519 = arith.constant 0 : i32
        %scatter3A_520 = arith.constant 0 : i32
        %scatter3A_521 = tpu.memref_slice %arg7[%scatter3A_517, %scatter3A_518, %scatter3A_519, %scatter3A_520] : memref<4x8x8x137xf32, #tpu.memory_space<vmem>> -> memref<1x8x8x137xf32, #tpu.memory_space<vmem>>
        %scatter3A_522 = tpu.memref_squeeze %scatter3A_521 : memref<1x8x8x137xf32, #tpu.memory_space<vmem>> -> memref<8x8x137xf32, #tpu.memory_space<vmem>>
        tpu.vector_store_idx %scatter3A_522[%add3A_7, %and3A_27, %broadcast_in_dim3A_508], %mul3A_516 : memref<8x8x137xf32, #tpu.memory_space<vmem>>[vector<16xi32>, vector<16xi32>, vector<16xi32>], vector<16xf32>,
        %get3A_523 = arith.constant 3 : i32
        %get3A_524 = arith.index_cast %get3A_523 : i32 to index
        %get3A_525 = arith.index_cast %scan3A_507 : i32 to index
        %get3A_526 = arith.constant 16 : index
        %get3A_527 = tpu.vector_load %arg6[%get3A_524, %get3A_525, %get3A_526] {strides = array<i32>} : memref<4x128x64xf32, #tpu.memory_space<vmem>>, vector<16xf32>,
        %mul3A_528 = arith.constant 8.000000e+00 : f32
        %mul3A_529 = vector.broadcast %mul3A_528 : f32 to vector<16xf32>
        %mul3A_530 = arith.mulf %get3A_527, %mul3A_529 : vector<16xf32>
        %scatter3A_531 = arith.constant 3 : i32
        %scatter3A_532 = arith.constant 0 : i32
        %scatter3A_533 = arith.constant 0 : i32
        %scatter3A_534 = arith.constant 0 : i32
        %scatter3A_535 = tpu.memref_slice %arg7[%scatter3A_531, %scatter3A_532, %scatter3A_533, %scatter3A_534] : memref<4x8x8x137xf32, #tpu.memory_space<vmem>> -> memref<1x8x8x137xf32, #tpu.memory_space<vmem>>
        %scatter3A_536 = tpu.memref_squeeze %scatter3A_535 : memref<1x8x8x137xf32, #tpu.memory_space<vmem>> -> memref<8x8x137xf32, #tpu.memory_space<vmem>>
        tpu.vector_store_idx %scatter3A_536[%add3A_13, %and3A_27, %broadcast_in_dim3A_508], %mul3A_530 : memref<8x8x137xf32, #tpu.memory_space<vmem>>[vector<16xi32>, vector<16xi32>, vector<16xi32>], vector<16xf32>,
        %get3A_537 = arith.constant 3 : i32
        %get3A_538 = arith.index_cast %get3A_537 : i32 to index
        %get3A_539 = arith.index_cast %scan3A_507 : i32 to index
        %get3A_540 = arith.constant 32 : index
        %get3A_541 = tpu.vector_load %arg6[%get3A_538, %get3A_539, %get3A_540] {strides = array<i32>} : memref<4x128x64xf32, #tpu.memory_space<vmem>>, vector<16xf32>,
        %mul3A_542 = arith.constant 8.000000e+00 : f32
        %mul3A_543 = vector.broadcast %mul3A_542 : f32 to vector<16xf32>
        %mul3A_544 = arith.mulf %get3A_541, %mul3A_543 : vector<16xf32>
        %scatter3A_545 = arith.constant 3 : i32
        %scatter3A_546 = arith.constant 0 : i32
        %scatter3A_547 = arith.constant 0 : i32
        %scatter3A_548 = arith.constant 0 : i32
        %scatter3A_549 = tpu.memref_slice %arg7[%scatter3A_545, %scatter3A_546, %scatter3A_547, %scatter3A_548] : memref<4x8x8x137xf32, #tpu.memory_space<vmem>> -> memref<1x8x8x137xf32, #tpu.memory_space<vmem>>
        %scatter3A_550 = tpu.memref_squeeze %scatter3A_549 : memref<1x8x8x137xf32, #tpu.memory_space<vmem>> -> memref<8x8x137xf32, #tpu.memory_space<vmem>>
        tpu.vector_store_idx %scatter3A_550[%add3A_19, %and3A_27, %broadcast_in_dim3A_508], %mul3A_544 : memref<8x8x137xf32, #tpu.memory_space<vmem>>[vector<16xi32>, vector<16xi32>, vector<16xi32>], vector<16xf32>,
        %get3A_551 = arith.constant 3 : i32
        %get3A_552 = arith.index_cast %get3A_551 : i32 to index
        %get3A_553 = arith.index_cast %scan3A_507 : i32 to index
        %get3A_554 = arith.constant 48 : index
        %get3A_555 = tpu.vector_load %arg6[%get3A_552, %get3A_553, %get3A_554] {strides = array<i32>} : memref<4x128x64xf32, #tpu.memory_space<vmem>>, vector<16xf32>,
        %mul3A_556 = arith.constant 8.000000e+00 : f32
        %mul3A_557 = vector.broadcast %mul3A_556 : f32 to vector<16xf32>
        %mul3A_558 = arith.mulf %get3A_555, %mul3A_557 : vector<16xf32>
        %scatter3A_559 = arith.constant 3 : i32
        %scatter3A_560 = arith.constant 0 : i32
        %scatter3A_561 = arith.constant 0 : i32
        %scatter3A_562 = arith.constant 0 : i32
        %scatter3A_563 = tpu.memref_slice %arg7[%scatter3A_559, %scatter3A_560, %scatter3A_561, %scatter3A_562] : memref<4x8x8x137xf32, #tpu.memory_space<vmem>> -> memref<1x8x8x137xf32, #tpu.memory_space<vmem>>
        %scatter3A_564 = tpu.memref_squeeze %scatter3A_563 : memref<1x8x8x137xf32, #tpu.memory_space<vmem>> -> memref<8x8x137xf32, #tpu.memory_space<vmem>>
        tpu.vector_store_idx %scatter3A_564[%add3A_25, %and3A_27, %broadcast_in_dim3A_508], %mul3A_558 : memref<8x8x137xf32, #tpu.memory_space<vmem>>[vector<16xi32>, vector<16xi32>, vector<16xi32>], vector<16xf32>,
        %scan3A_565 = arith.constant 3 : i32
        %scan3A_566 = arith.addi %scan3A_392, %scan3A_565 : i32
        %broadcast_in_dim3A_567 = vector.broadcast %scan3A_566 : i32 to vector<16xi32>
        %get3A_568 = arith.constant 3 : i32
        %get3A_569 = arith.index_cast %get3A_568 : i32 to index
        %get3A_570 = arith.index_cast %scan3A_566 : i32 to index
        %get3A_571 = arith.constant 0 : index
        %get3A_572 = tpu.vector_load %arg6[%get3A_569, %get3A_570, %get3A_571] {strides = array<i32>} : memref<4x128x64xf32, #tpu.memory_space<vmem>>, vector<16xf32>,
        %mul3A_573 = arith.constant 8.000000e+00 : f32
        %mul3A_574 = vector.broadcast %mul3A_573 : f32 to vector<16xf32>
        %mul3A_575 = arith.mulf %get3A_572, %mul3A_574 : vector<16xf32>
        %scatter3A_576 = arith.constant 3 : i32
        %scatter3A_577 = arith.constant 0 : i32
        %scatter3A_578 = arith.constant 0 : i32
        %scatter3A_579 = arith.constant 0 : i32
        %scatter3A_580 = tpu.memref_slice %arg7[%scatter3A_576, %scatter3A_577, %scatter3A_578, %scatter3A_579] : memref<4x8x8x137xf32, #tpu.memory_space<vmem>> -> memref<1x8x8x137xf32, #tpu.memory_space<vmem>>
        %scatter3A_581 = tpu.memref_squeeze %scatter3A_580 : memref<1x8x8x137xf32, #tpu.memory_space<vmem>> -> memref<8x8x137xf32, #tpu.memory_space<vmem>>
        tpu.vector_store_idx %scatter3A_581[%add3A_7, %and3A_27, %broadcast_in_dim3A_567], %mul3A_575 : memref<8x8x137xf32, #tpu.memory_space<vmem>>[vector<16xi32>, vector<16xi32>, vector<16xi32>], vector<16xf32>,
        %get3A_582 = arith.constant 3 : i32
        %get3A_583 = arith.index_cast %get3A_582 : i32 to index
        %get3A_584 = arith.index_cast %scan3A_566 : i32 to index
        %get3A_585 = arith.constant 16 : index
        %get3A_586 = tpu.vector_load %arg6[%get3A_583, %get3A_584, %get3A_585] {strides = array<i32>} : memref<4x128x64xf32, #tpu.memory_space<vmem>>, vector<16xf32>,
        %mul3A_587 = arith.constant 8.000000e+00 : f32
        %mul3A_588 = vector.broadcast %mul3A_587 : f32 to vector<16xf32>
        %mul3A_589 = arith.mulf %get3A_586, %mul3A_588 : vector<16xf32>
        %scatter3A_590 = arith.constant 3 : i32
        %scatter3A_591 = arith.constant 0 : i32
        %scatter3A_592 = arith.constant 0 : i32
        %scatter3A_593 = arith.constant 0 : i32
        %scatter3A_594 = tpu.memref_slice %arg7[%scatter3A_590, %scatter3A_591, %scatter3A_592, %scatter3A_593] : memref<4x8x8x137xf32, #tpu.memory_space<vmem>> -> memref<1x8x8x137xf32, #tpu.memory_space<vmem>>
        %scatter3A_595 = tpu.memref_squeeze %scatter3A_594 : memref<1x8x8x137xf32, #tpu.memory_space<vmem>> -> memref<8x8x137xf32, #tpu.memory_space<vmem>>
        tpu.vector_store_idx %scatter3A_595[%add3A_13, %and3A_27, %broadcast_in_dim3A_567], %mul3A_589 : memref<8x8x137xf32, #tpu.memory_space<vmem>>[vector<16xi32>, vector<16xi32>, vector<16xi32>], vector<16xf32>,
        %get3A_596 = arith.constant 3 : i32
        %get3A_597 = arith.index_cast %get3A_596 : i32 to index
        %get3A_598 = arith.index_cast %scan3A_566 : i32 to index
        %get3A_599 = arith.constant 32 : index
        %get3A_600 = tpu.vector_load %arg6[%get3A_597, %get3A_598, %get3A_599] {strides = array<i32>} : memref<4x128x64xf32, #tpu.memory_space<vmem>>, vector<16xf32>,
        %mul3A_601 = arith.constant 8.000000e+00 : f32
        %mul3A_602 = vector.broadcast %mul3A_601 : f32 to vector<16xf32>
        %mul3A_603 = arith.mulf %get3A_600, %mul3A_602 : vector<16xf32>
        %scatter3A_604 = arith.constant 3 : i32
        %scatter3A_605 = arith.constant 0 : i32
        %scatter3A_606 = arith.constant 0 : i32
        %scatter3A_607 = arith.constant 0 : i32
        %scatter3A_608 = tpu.memref_slice %arg7[%scatter3A_604, %scatter3A_605, %scatter3A_606, %scatter3A_607] : memref<4x8x8x137xf32, #tpu.memory_space<vmem>> -> memref<1x8x8x137xf32, #tpu.memory_space<vmem>>
        %scatter3A_609 = tpu.memref_squeeze %scatter3A_608 : memref<1x8x8x137xf32, #tpu.memory_space<vmem>> -> memref<8x8x137xf32, #tpu.memory_space<vmem>>
        tpu.vector_store_idx %scatter3A_609[%add3A_19, %and3A_27, %broadcast_in_dim3A_567], %mul3A_603 : memref<8x8x137xf32, #tpu.memory_space<vmem>>[vector<16xi32>, vector<16xi32>, vector<16xi32>], vector<16xf32>,
        %get3A_610 = arith.constant 3 : i32
        %get3A_611 = arith.index_cast %get3A_610 : i32 to index
        %get3A_612 = arith.index_cast %scan3A_566 : i32 to index
        %get3A_613 = arith.constant 48 : index
        %get3A_614 = tpu.vector_load %arg6[%get3A_611, %get3A_612, %get3A_613] {strides = array<i32>} : memref<4x128x64xf32, #tpu.memory_space<vmem>>, vector<16xf32>,
        %mul3A_615 = arith.constant 8.000000e+00 : f32
        %mul3A_616 = vector.broadcast %mul3A_615 : f32 to vector<16xf32>
        %mul3A_617 = arith.mulf %get3A_614, %mul3A_616 : vector<16xf32>
        %scatter3A_618 = arith.constant 3 : i32
        %scatter3A_619 = arith.constant 0 : i32
        %scatter3A_620 = arith.constant 0 : i32
        %scatter3A_621 = arith.constant 0 : i32
        %scatter3A_622 = tpu.memref_slice %arg7[%scatter3A_618, %scatter3A_619, %scatter3A_620, %scatter3A_621] : memref<4x8x8x137xf32, #tpu.memory_space<vmem>> -> memref<1x8x8x137xf32, #tpu.memory_space<vmem>>
        %scatter3A_623 = tpu.memref_squeeze %scatter3A_622 : memref<1x8x8x137xf32, #tpu.memory_space<vmem>> -> memref<8x8x137xf32, #tpu.memory_space<vmem>>
        tpu.vector_store_idx %scatter3A_623[%add3A_25, %and3A_27, %broadcast_in_dim3A_567], %mul3A_617 : memref<8x8x137xf32, #tpu.memory_space<vmem>>[vector<16xi32>, vector<16xi32>, vector<16xi32>], vector<16xf32>,
        %scan3A_624 = arith.constant 4 : i32
        %scan3A_625 = arith.addi %scan3A_392, %scan3A_624 : i32
        %broadcast_in_dim3A_626 = vector.broadcast %scan3A_625 : i32 to vector<16xi32>
        %get3A_627 = arith.constant 3 : i32
        %get3A_628 = arith.index_cast %get3A_627 : i32 to index
        %get3A_629 = arith.index_cast %scan3A_625 : i32 to index
        %get3A_630 = arith.constant 0 : index
        %get3A_631 = tpu.vector_load %arg6[%get3A_628, %get3A_629, %get3A_630] {strides = array<i32>} : memref<4x128x64xf32, #tpu.memory_space<vmem>>, vector<16xf32>,
        %mul3A_632 = arith.constant 8.000000e+00 : f32
        %mul3A_633 = vector.broadcast %mul3A_632 : f32 to vector<16xf32>
        %mul3A_634 = arith.mulf %get3A_631, %mul3A_633 : vector<16xf32>
        %scatter3A_635 = arith.constant 3 : i32
        %scatter3A_636 = arith.constant 0 : i32
        %scatter3A_637 = arith.constant 0 : i32
        %scatter3A_638 = arith.constant 0 : i32
        %scatter3A_639 = tpu.memref_slice %arg7[%scatter3A_635, %scatter3A_636, %scatter3A_637, %scatter3A_638] : memref<4x8x8x137xf32, #tpu.memory_space<vmem>> -> memref<1x8x8x137xf32, #tpu.memory_space<vmem>>
        %scatter3A_640 = tpu.memref_squeeze %scatter3A_639 : memref<1x8x8x137xf32, #tpu.memory_space<vmem>> -> memref<8x8x137xf32, #tpu.memory_space<vmem>>
        tpu.vector_store_idx %scatter3A_640[%add3A_7, %and3A_27, %broadcast_in_dim3A_626], %mul3A_634 : memref<8x8x137xf32, #tpu.memory_space<vmem>>[vector<16xi32>, vector<16xi32>, vector<16xi32>], vector<16xf32>,
        %get3A_641 = arith.constant 3 : i32
        %get3A_642 = arith.index_cast %get3A_641 : i32 to index
        %get3A_643 = arith.index_cast %scan3A_625 : i32 to index
        %get3A_644 = arith.constant 16 : index
        %get3A_645 = tpu.vector_load %arg6[%get3A_642, %get3A_643, %get3A_644] {strides = array<i32>} : memref<4x128x64xf32, #tpu.memory_space<vmem>>, vector<16xf32>,
        %mul3A_646 = arith.constant 8.000000e+00 : f32
        %mul3A_647 = vector.broadcast %mul3A_646 : f32 to vector<16xf32>
        %mul3A_648 = arith.mulf %get3A_645, %mul3A_647 : vector<16xf32>
        %scatter3A_649 = arith.constant 3 : i32
        %scatter3A_650 = arith.constant 0 : i32
        %scatter3A_651 = arith.constant 0 : i32
        %scatter3A_652 = arith.constant 0 : i32
        %scatter3A_653 = tpu.memref_slice %arg7[%scatter3A_649, %scatter3A_650, %scatter3A_651, %scatter3A_652] : memref<4x8x8x137xf32, #tpu.memory_space<vmem>> -> memref<1x8x8x137xf32, #tpu.memory_space<vmem>>
        %scatter3A_654 = tpu.memref_squeeze %scatter3A_653 : memref<1x8x8x137xf32, #tpu.memory_space<vmem>> -> memref<8x8x137xf32, #tpu.memory_space<vmem>>
        tpu.vector_store_idx %scatter3A_654[%add3A_13, %and3A_27, %broadcast_in_dim3A_626], %mul3A_648 : memref<8x8x137xf32, #tpu.memory_space<vmem>>[vector<16xi32>, vector<16xi32>, vector<16xi32>], vector<16xf32>,
        %get3A_655 = arith.constant 3 : i32
        %get3A_656 = arith.index_cast %get3A_655 : i32 to index
        %get3A_657 = arith.index_cast %scan3A_625 : i32 to index
        %get3A_658 = arith.constant 32 : index
        %get3A_659 = tpu.vector_load %arg6[%get3A_656, %get3A_657, %get3A_658] {strides = array<i32>} : memref<4x128x64xf32, #tpu.memory_space<vmem>>, vector<16xf32>,
        %mul3A_660 = arith.constant 8.000000e+00 : f32
        %mul3A_661 = vector.broadcast %mul3A_660 : f32 to vector<16xf32>
        %mul3A_662 = arith.mulf %get3A_659, %mul3A_661 : vector<16xf32>
        %scatter3A_663 = arith.constant 3 : i32
        %scatter3A_664 = arith.constant 0 : i32
        %scatter3A_665 = arith.constant 0 : i32
        %scatter3A_666 = arith.constant 0 : i32
        %scatter3A_667 = tpu.memref_slice %arg7[%scatter3A_663, %scatter3A_664, %scatter3A_665, %scatter3A_666] : memref<4x8x8x137xf32, #tpu.memory_space<vmem>> -> memref<1x8x8x137xf32, #tpu.memory_space<vmem>>
        %scatter3A_668 = tpu.memref_squeeze %scatter3A_667 : memref<1x8x8x137xf32, #tpu.memory_space<vmem>> -> memref<8x8x137xf32, #tpu.memory_space<vmem>>
        tpu.vector_store_idx %scatter3A_668[%add3A_19, %and3A_27, %broadcast_in_dim3A_626], %mul3A_662 : memref<8x8x137xf32, #tpu.memory_space<vmem>>[vector<16xi32>, vector<16xi32>, vector<16xi32>], vector<16xf32>,
        %get3A_669 = arith.constant 3 : i32
        %get3A_670 = arith.index_cast %get3A_669 : i32 to index
        %get3A_671 = arith.index_cast %scan3A_625 : i32 to index
        %get3A_672 = arith.constant 48 : index
        %get3A_673 = tpu.vector_load %arg6[%get3A_670, %get3A_671, %get3A_672] {strides = array<i32>} : memref<4x128x64xf32, #tpu.memory_space<vmem>>, vector<16xf32>,
        %mul3A_674 = arith.constant 8.000000e+00 : f32
        %mul3A_675 = vector.broadcast %mul3A_674 : f32 to vector<16xf32>
        %mul3A_676 = arith.mulf %get3A_673, %mul3A_675 : vector<16xf32>
        %scatter3A_677 = arith.constant 3 : i32
        %scatter3A_678 = arith.constant 0 : i32
        %scatter3A_679 = arith.constant 0 : i32
        %scatter3A_680 = arith.constant 0 : i32
        %scatter3A_681 = tpu.memref_slice %arg7[%scatter3A_677, %scatter3A_678, %scatter3A_679, %scatter3A_680] : memref<4x8x8x137xf32, #tpu.memory_space<vmem>> -> memref<1x8x8x137xf32, #tpu.memory_space<vmem>>
        %scatter3A_682 = tpu.memref_squeeze %scatter3A_681 : memref<1x8x8x137xf32, #tpu.memory_space<vmem>> -> memref<8x8x137xf32, #tpu.memory_space<vmem>>
        tpu.vector_store_idx %scatter3A_682[%add3A_25, %and3A_27, %broadcast_in_dim3A_626], %mul3A_676 : memref<8x8x137xf32, #tpu.memory_space<vmem>>[vector<16xi32>, vector<16xi32>, vector<16xi32>], vector<16xf32>,
        %scan3A_683 = arith.constant 5 : i32
        %scan3A_684 = arith.addi %scan3A_392, %scan3A_683 : i32
        %broadcast_in_dim3A_685 = vector.broadcast %scan3A_684 : i32 to vector<16xi32>
        %get3A_686 = arith.constant 3 : i32
        %get3A_687 = arith.index_cast %get3A_686 : i32 to index
        %get3A_688 = arith.index_cast %scan3A_684 : i32 to index
        %get3A_689 = arith.constant 0 : index
        %get3A_690 = tpu.vector_load %arg6[%get3A_687, %get3A_688, %get3A_689] {strides = array<i32>} : memref<4x128x64xf32, #tpu.memory_space<vmem>>, vector<16xf32>,
        %mul3A_691 = arith.constant 8.000000e+00 : f32
        %mul3A_692 = vector.broadcast %mul3A_691 : f32 to vector<16xf32>
        %mul3A_693 = arith.mulf %get3A_690, %mul3A_692 : vector<16xf32>
        %scatter3A_694 = arith.constant 3 : i32
        %scatter3A_695 = arith.constant 0 : i32
        %scatter3A_696 = arith.constant 0 : i32
        %scatter3A_697 = arith.constant 0 : i32
        %scatter3A_698 = tpu.memref_slice %arg7[%scatter3A_694, %scatter3A_695, %scatter3A_696, %scatter3A_697] : memref<4x8x8x137xf32, #tpu.memory_space<vmem>> -> memref<1x8x8x137xf32, #tpu.memory_space<vmem>>
        %scatter3A_699 = tpu.memref_squeeze %scatter3A_698 : memref<1x8x8x137xf32, #tpu.memory_space<vmem>> -> memref<8x8x137xf32, #tpu.memory_space<vmem>>
        tpu.vector_store_idx %scatter3A_699[%add3A_7, %and3A_27, %broadcast_in_dim3A_685], %mul3A_693 : memref<8x8x137xf32, #tpu.memory_space<vmem>>[vector<16xi32>, vector<16xi32>, vector<16xi32>], vector<16xf32>,
        %get3A_700 = arith.constant 3 : i32
        %get3A_701 = arith.index_cast %get3A_700 : i32 to index
        %get3A_702 = arith.index_cast %scan3A_684 : i32 to index
        %get3A_703 = arith.constant 16 : index
        %get3A_704 = tpu.vector_load %arg6[%get3A_701, %get3A_702, %get3A_703] {strides = array<i32>} : memref<4x128x64xf32, #tpu.memory_space<vmem>>, vector<16xf32>,
        %mul3A_705 = arith.constant 8.000000e+00 : f32
        %mul3A_706 = vector.broadcast %mul3A_705 : f32 to vector<16xf32>
        %mul3A_707 = arith.mulf %get3A_704, %mul3A_706 : vector<16xf32>
        %scatter3A_708 = arith.constant 3 : i32
        %scatter3A_709 = arith.constant 0 : i32
        %scatter3A_710 = arith.constant 0 : i32
        %scatter3A_711 = arith.constant 0 : i32
        %scatter3A_712 = tpu.memref_slice %arg7[%scatter3A_708, %scatter3A_709, %scatter3A_710, %scatter3A_711] : memref<4x8x8x137xf32, #tpu.memory_space<vmem>> -> memref<1x8x8x137xf32, #tpu.memory_space<vmem>>
        %scatter3A_713 = tpu.memref_squeeze %scatter3A_712 : memref<1x8x8x137xf32, #tpu.memory_space<vmem>> -> memref<8x8x137xf32, #tpu.memory_space<vmem>>
        tpu.vector_store_idx %scatter3A_713[%add3A_13, %and3A_27, %broadcast_in_dim3A_685], %mul3A_707 : memref<8x8x137xf32, #tpu.memory_space<vmem>>[vector<16xi32>, vector<16xi32>, vector<16xi32>], vector<16xf32>,
        %get3A_714 = arith.constant 3 : i32
        %get3A_715 = arith.index_cast %get3A_714 : i32 to index
        %get3A_716 = arith.index_cast %scan3A_684 : i32 to index
        %get3A_717 = arith.constant 32 : index
        %get3A_718 = tpu.vector_load %arg6[%get3A_715, %get3A_716, %get3A_717] {strides = array<i32>} : memref<4x128x64xf32, #tpu.memory_space<vmem>>, vector<16xf32>,
        %mul3A_719 = arith.constant 8.000000e+00 : f32
        %mul3A_720 = vector.broadcast %mul3A_719 : f32 to vector<16xf32>
        %mul3A_721 = arith.mulf %get3A_718, %mul3A_720 : vector<16xf32>
        %scatter3A_722 = arith.constant 3 : i32
        %scatter3A_723 = arith.constant 0 : i32
        %scatter3A_724 = arith.constant 0 : i32
        %scatter3A_725 = arith.constant 0 : i32
        %scatter3A_726 = tpu.memref_slice %arg7[%scatter3A_722, %scatter3A_723, %scatter3A_724, %scatter3A_725] : memref<4x8x8x137xf32, #tpu.memory_space<vmem>> -> memref<1x8x8x137xf32, #tpu.memory_space<vmem>>
        %scatter3A_727 = tpu.memref_squeeze %scatter3A_726 : memref<1x8x8x137xf32, #tpu.memory_space<vmem>> -> memref<8x8x137xf32, #tpu.memory_space<vmem>>
        tpu.vector_store_idx %scatter3A_727[%add3A_19, %and3A_27, %broadcast_in_dim3A_685], %mul3A_721 : memref<8x8x137xf32, #tpu.memory_space<vmem>>[vector<16xi32>, vector<16xi32>, vector<16xi32>], vector<16xf32>,
        %get3A_728 = arith.constant 3 : i32
        %get3A_729 = arith.index_cast %get3A_728 : i32 to index
        %get3A_730 = arith.index_cast %scan3A_684 : i32 to index
        %get3A_731 = arith.constant 48 : index
        %get3A_732 = tpu.vector_load %arg6[%get3A_729, %get3A_730, %get3A_731] {strides = array<i32>} : memref<4x128x64xf32, #tpu.memory_space<vmem>>, vector<16xf32>,
        %mul3A_733 = arith.constant 8.000000e+00 : f32
        %mul3A_734 = vector.broadcast %mul3A_733 : f32 to vector<16xf32>
        %mul3A_735 = arith.mulf %get3A_732, %mul3A_734 : vector<16xf32>
        %scatter3A_736 = arith.constant 3 : i32
        %scatter3A_737 = arith.constant 0 : i32
        %scatter3A_738 = arith.constant 0 : i32
        %scatter3A_739 = arith.constant 0 : i32
        %scatter3A_740 = tpu.memref_slice %arg7[%scatter3A_736, %scatter3A_737, %scatter3A_738, %scatter3A_739] : memref<4x8x8x137xf32, #tpu.memory_space<vmem>> -> memref<1x8x8x137xf32, #tpu.memory_space<vmem>>
        %scatter3A_741 = tpu.memref_squeeze %scatter3A_740 : memref<1x8x8x137xf32, #tpu.memory_space<vmem>> -> memref<8x8x137xf32, #tpu.memory_space<vmem>>
        tpu.vector_store_idx %scatter3A_741[%add3A_25, %and3A_27, %broadcast_in_dim3A_685], %mul3A_735 : memref<8x8x137xf32, #tpu.memory_space<vmem>>[vector<16xi32>, vector<16xi32>, vector<16xi32>], vector<16xf32>,
        %scan3A_742 = arith.constant 6 : i32
        %scan3A_743 = arith.addi %scan3A_392, %scan3A_742 : i32
        %broadcast_in_dim3A_744 = vector.broadcast %scan3A_743 : i32 to vector<16xi32>
        %get3A_745 = arith.constant 3 : i32
        %get3A_746 = arith.index_cast %get3A_745 : i32 to index
        %get3A_747 = arith.index_cast %scan3A_743 : i32 to index
        %get3A_748 = arith.constant 0 : index
        %get3A_749 = tpu.vector_load %arg6[%get3A_746, %get3A_747, %get3A_748] {strides = array<i32>} : memref<4x128x64xf32, #tpu.memory_space<vmem>>, vector<16xf32>,
        %mul3A_750 = arith.constant 8.000000e+00 : f32
        %mul3A_751 = vector.broadcast %mul3A_750 : f32 to vector<16xf32>
        %mul3A_752 = arith.mulf %get3A_749, %mul3A_751 : vector<16xf32>
        %scatter3A_753 = arith.constant 3 : i32
        %scatter3A_754 = arith.constant 0 : i32
        %scatter3A_755 = arith.constant 0 : i32
        %scatter3A_756 = arith.constant 0 : i32
        %scatter3A_757 = tpu.memref_slice %arg7[%scatter3A_753, %scatter3A_754, %scatter3A_755, %scatter3A_756] : memref<4x8x8x137xf32, #tpu.memory_space<vmem>> -> memref<1x8x8x137xf32, #tpu.memory_space<vmem>>
        %scatter3A_758 = tpu.memref_squeeze %scatter3A_757 : memref<1x8x8x137xf32, #tpu.memory_space<vmem>> -> memref<8x8x137xf32, #tpu.memory_space<vmem>>
        tpu.vector_store_idx %scatter3A_758[%add3A_7, %and3A_27, %broadcast_in_dim3A_744], %mul3A_752 : memref<8x8x137xf32, #tpu.memory_space<vmem>>[vector<16xi32>, vector<16xi32>, vector<16xi32>], vector<16xf32>,
        %get3A_759 = arith.constant 3 : i32
        %get3A_760 = arith.index_cast %get3A_759 : i32 to index
        %get3A_761 = arith.index_cast %scan3A_743 : i32 to index
        %get3A_762 = arith.constant 16 : index
        %get3A_763 = tpu.vector_load %arg6[%get3A_760, %get3A_761, %get3A_762] {strides = array<i32>} : memref<4x128x64xf32, #tpu.memory_space<vmem>>, vector<16xf32>,
        %mul3A_764 = arith.constant 8.000000e+00 : f32
        %mul3A_765 = vector.broadcast %mul3A_764 : f32 to vector<16xf32>
        %mul3A_766 = arith.mulf %get3A_763, %mul3A_765 : vector<16xf32>
        %scatter3A_767 = arith.constant 3 : i32
        %scatter3A_768 = arith.constant 0 : i32
        %scatter3A_769 = arith.constant 0 : i32
        %scatter3A_770 = arith.constant 0 : i32
        %scatter3A_771 = tpu.memref_slice %arg7[%scatter3A_767, %scatter3A_768, %scatter3A_769, %scatter3A_770] : memref<4x8x8x137xf32, #tpu.memory_space<vmem>> -> memref<1x8x8x137xf32, #tpu.memory_space<vmem>>
        %scatter3A_772 = tpu.memref_squeeze %scatter3A_771 : memref<1x8x8x137xf32, #tpu.memory_space<vmem>> -> memref<8x8x137xf32, #tpu.memory_space<vmem>>
        tpu.vector_store_idx %scatter3A_772[%add3A_13, %and3A_27, %broadcast_in_dim3A_744], %mul3A_766 : memref<8x8x137xf32, #tpu.memory_space<vmem>>[vector<16xi32>, vector<16xi32>, vector<16xi32>], vector<16xf32>,
        %get3A_773 = arith.constant 3 : i32
        %get3A_774 = arith.index_cast %get3A_773 : i32 to index
        %get3A_775 = arith.index_cast %scan3A_743 : i32 to index
        %get3A_776 = arith.constant 32 : index
        %get3A_777 = tpu.vector_load %arg6[%get3A_774, %get3A_775, %get3A_776] {strides = array<i32>} : memref<4x128x64xf32, #tpu.memory_space<vmem>>, vector<16xf32>,
        %mul3A_778 = arith.constant 8.000000e+00 : f32
        %mul3A_779 = vector.broadcast %mul3A_778 : f32 to vector<16xf32>
        %mul3A_780 = arith.mulf %get3A_777, %mul3A_779 : vector<16xf32>
        %scatter3A_781 = arith.constant 3 : i32
        %scatter3A_782 = arith.constant 0 : i32
        %scatter3A_783 = arith.constant 0 : i32
        %scatter3A_784 = arith.constant 0 : i32
        %scatter3A_785 = tpu.memref_slice %arg7[%scatter3A_781, %scatter3A_782, %scatter3A_783, %scatter3A_784] : memref<4x8x8x137xf32, #tpu.memory_space<vmem>> -> memref<1x8x8x137xf32, #tpu.memory_space<vmem>>
        %scatter3A_786 = tpu.memref_squeeze %scatter3A_785 : memref<1x8x8x137xf32, #tpu.memory_space<vmem>> -> memref<8x8x137xf32, #tpu.memory_space<vmem>>
        tpu.vector_store_idx %scatter3A_786[%add3A_19, %and3A_27, %broadcast_in_dim3A_744], %mul3A_780 : memref<8x8x137xf32, #tpu.memory_space<vmem>>[vector<16xi32>, vector<16xi32>, vector<16xi32>], vector<16xf32>,
        %get3A_787 = arith.constant 3 : i32
        %get3A_788 = arith.index_cast %get3A_787 : i32 to index
        %get3A_789 = arith.index_cast %scan3A_743 : i32 to index
        %get3A_790 = arith.constant 48 : index
        %get3A_791 = tpu.vector_load %arg6[%get3A_788, %get3A_789, %get3A_790] {strides = array<i32>} : memref<4x128x64xf32, #tpu.memory_space<vmem>>, vector<16xf32>,
        %mul3A_792 = arith.constant 8.000000e+00 : f32
        %mul3A_793 = vector.broadcast %mul3A_792 : f32 to vector<16xf32>
        %mul3A_794 = arith.mulf %get3A_791, %mul3A_793 : vector<16xf32>
        %scatter3A_795 = arith.constant 3 : i32
        %scatter3A_796 = arith.constant 0 : i32
        %scatter3A_797 = arith.constant 0 : i32
        %scatter3A_798 = arith.constant 0 : i32
        %scatter3A_799 = tpu.memref_slice %arg7[%scatter3A_795, %scatter3A_796, %scatter3A_797, %scatter3A_798] : memref<4x8x8x137xf32, #tpu.memory_space<vmem>> -> memref<1x8x8x137xf32, #tpu.memory_space<vmem>>
        %scatter3A_800 = tpu.memref_squeeze %scatter3A_799 : memref<1x8x8x137xf32, #tpu.memory_space<vmem>> -> memref<8x8x137xf32, #tpu.memory_space<vmem>>
        tpu.vector_store_idx %scatter3A_800[%add3A_25, %and3A_27, %broadcast_in_dim3A_744], %mul3A_794 : memref<8x8x137xf32, #tpu.memory_space<vmem>>[vector<16xi32>, vector<16xi32>, vector<16xi32>], vector<16xf32>,
        %scan3A_801 = arith.constant 7 : i32
        %scan3A_802 = arith.addi %scan3A_392, %scan3A_801 : i32
        %broadcast_in_dim3A_803 = vector.broadcast %scan3A_802 : i32 to vector<16xi32>
        %get3A_804 = arith.constant 3 : i32
        %get3A_805 = arith.index_cast %get3A_804 : i32 to index
        %get3A_806 = arith.index_cast %scan3A_802 : i32 to index
        %get3A_807 = arith.constant 0 : index
        %get3A_808 = tpu.vector_load %arg6[%get3A_805, %get3A_806, %get3A_807] {strides = array<i32>} : memref<4x128x64xf32, #tpu.memory_space<vmem>>, vector<16xf32>,
        %mul3A_809 = arith.constant 8.000000e+00 : f32
        %mul3A_810 = vector.broadcast %mul3A_809 : f32 to vector<16xf32>
        %mul3A_811 = arith.mulf %get3A_808, %mul3A_810 : vector<16xf32>
        %scatter3A_812 = arith.constant 3 : i32
        %scatter3A_813 = arith.constant 0 : i32
        %scatter3A_814 = arith.constant 0 : i32
        %scatter3A_815 = arith.constant 0 : i32
        %scatter3A_816 = tpu.memref_slice %arg7[%scatter3A_812, %scatter3A_813, %scatter3A_814, %scatter3A_815] : memref<4x8x8x137xf32, #tpu.memory_space<vmem>> -> memref<1x8x8x137xf32, #tpu.memory_space<vmem>>
        %scatter3A_817 = tpu.memref_squeeze %scatter3A_816 : memref<1x8x8x137xf32, #tpu.memory_space<vmem>> -> memref<8x8x137xf32, #tpu.memory_space<vmem>>
        tpu.vector_store_idx %scatter3A_817[%add3A_7, %and3A_27, %broadcast_in_dim3A_803], %mul3A_811 : memref<8x8x137xf32, #tpu.memory_space<vmem>>[vector<16xi32>, vector<16xi32>, vector<16xi32>], vector<16xf32>,
        %get3A_818 = arith.constant 3 : i32
        %get3A_819 = arith.index_cast %get3A_818 : i32 to index
        %get3A_820 = arith.index_cast %scan3A_802 : i32 to index
        %get3A_821 = arith.constant 16 : index
        %get3A_822 = tpu.vector_load %arg6[%get3A_819, %get3A_820, %get3A_821] {strides = array<i32>} : memref<4x128x64xf32, #tpu.memory_space<vmem>>, vector<16xf32>,
        %mul3A_823 = arith.constant 8.000000e+00 : f32
        %mul3A_824 = vector.broadcast %mul3A_823 : f32 to vector<16xf32>
        %mul3A_825 = arith.mulf %get3A_822, %mul3A_824 : vector<16xf32>
        %scatter3A_826 = arith.constant 3 : i32
        %scatter3A_827 = arith.constant 0 : i32
        %scatter3A_828 = arith.constant 0 : i32
        %scatter3A_829 = arith.constant 0 : i32
        %scatter3A_830 = tpu.memref_slice %arg7[%scatter3A_826, %scatter3A_827, %scatter3A_828, %scatter3A_829] : memref<4x8x8x137xf32, #tpu.memory_space<vmem>> -> memref<1x8x8x137xf32, #tpu.memory_space<vmem>>
        %scatter3A_831 = tpu.memref_squeeze %scatter3A_830 : memref<1x8x8x137xf32, #tpu.memory_space<vmem>> -> memref<8x8x137xf32, #tpu.memory_space<vmem>>
        tpu.vector_store_idx %scatter3A_831[%add3A_13, %and3A_27, %broadcast_in_dim3A_803], %mul3A_825 : memref<8x8x137xf32, #tpu.memory_space<vmem>>[vector<16xi32>, vector<16xi32>, vector<16xi32>], vector<16xf32>,
        %get3A_832 = arith.constant 3 : i32
        %get3A_833 = arith.index_cast %get3A_832 : i32 to index
        %get3A_834 = arith.index_cast %scan3A_802 : i32 to index
        %get3A_835 = arith.constant 32 : index
        %get3A_836 = tpu.vector_load %arg6[%get3A_833, %get3A_834, %get3A_835] {strides = array<i32>} : memref<4x128x64xf32, #tpu.memory_space<vmem>>, vector<16xf32>,
        %mul3A_837 = arith.constant 8.000000e+00 : f32
        %mul3A_838 = vector.broadcast %mul3A_837 : f32 to vector<16xf32>
        %mul3A_839 = arith.mulf %get3A_836, %mul3A_838 : vector<16xf32>
        %scatter3A_840 = arith.constant 3 : i32
        %scatter3A_841 = arith.constant 0 : i32
        %scatter3A_842 = arith.constant 0 : i32
        %scatter3A_843 = arith.constant 0 : i32
        %scatter3A_844 = tpu.memref_slice %arg7[%scatter3A_840, %scatter3A_841, %scatter3A_842, %scatter3A_843] : memref<4x8x8x137xf32, #tpu.memory_space<vmem>> -> memref<1x8x8x137xf32, #tpu.memory_space<vmem>>
        %scatter3A_845 = tpu.memref_squeeze %scatter3A_844 : memref<1x8x8x137xf32, #tpu.memory_space<vmem>> -> memref<8x8x137xf32, #tpu.memory_space<vmem>>
        tpu.vector_store_idx %scatter3A_845[%add3A_19, %and3A_27, %broadcast_in_dim3A_803], %mul3A_839 : memref<8x8x137xf32, #tpu.memory_space<vmem>>[vector<16xi32>, vector<16xi32>, vector<16xi32>], vector<16xf32>,
        %get3A_846 = arith.constant 3 : i32
        %get3A_847 = arith.index_cast %get3A_846 : i32 to index
        %get3A_848 = arith.index_cast %scan3A_802 : i32 to index
        %get3A_849 = arith.constant 48 : index
        %get3A_850 = tpu.vector_load %arg6[%get3A_847, %get3A_848, %get3A_849] {strides = array<i32>} : memref<4x128x64xf32, #tpu.memory_space<vmem>>, vector<16xf32>,
        %mul3A_851 = arith.constant 8.000000e+00 : f32
        %mul3A_852 = vector.broadcast %mul3A_851 : f32 to vector<16xf32>
        %mul3A_853 = arith.mulf %get3A_850, %mul3A_852 : vector<16xf32>
        %scatter3A_854 = arith.constant 3 : i32
        %scatter3A_855 = arith.constant 0 : i32
        %scatter3A_856 = arith.constant 0 : i32
        %scatter3A_857 = arith.constant 0 : i32
        %scatter3A_858 = tpu.memref_slice %arg7[%scatter3A_854, %scatter3A_855, %scatter3A_856, %scatter3A_857] : memref<4x8x8x137xf32, #tpu.memory_space<vmem>> -> memref<1x8x8x137xf32, #tpu.memory_space<vmem>>
        %scatter3A_859 = tpu.memref_squeeze %scatter3A_858 : memref<1x8x8x137xf32, #tpu.memory_space<vmem>> -> memref<8x8x137xf32, #tpu.memory_space<vmem>>
        tpu.vector_store_idx %scatter3A_859[%add3A_25, %and3A_27, %broadcast_in_dim3A_803], %mul3A_853 : memref<8x8x137xf32, #tpu.memory_space<vmem>>[vector<16xi32>, vector<16xi32>, vector<16xi32>], vector<16xf32>,
      }
      %scan3A_365 = arith.constant 128 : i32
      %dma_start3A_366 = arith.constant 3 : i32
      %dma_start3A_367 = arith.constant 0 : i32
      %dma_start3A_368 = arith.constant 0 : i32
      %dma_start3A_369 = arith.constant 0 : i32
      %dma_start3A_370 = tpu.memref_slice %arg7[%dma_start3A_366, %dma_start3A_367, %dma_start3A_368, %dma_start3A_369] : memref<4x8x8x137xf32, #tpu.memory_space<vmem>> -> memref<1x8x8x128xf32, #tpu.memory_space<vmem>>
      %dma_start3A_371 = tpu.memref_squeeze %dma_start3A_370 : memref<1x8x8x128xf32, #tpu.memory_space<vmem>> -> memref<8x8x128xf32, #tpu.memory_space<vmem>>
      %dma_start3A_372 = arith.constant 0 : i32
      %dma_start3A_373 = arith.constant 0 : i32
      %dma_start3A_374 = arith.constant 0 : i32
      %dma_start3A_375 = tpu.memref_slice %arg4[%add3A_339, %dma_start3A_372, %add3A, %dma_start3A_373, %dma_start3A_374] : memref<200x8x32x8x128xf32, #tpu.memory_space<hbm>> -> memref<1x8x1x8x128xf32, #tpu.memory_space<hbm>>
      %dma_start3A_376 = tpu.memref_squeeze %dma_start3A_375 : memref<1x8x1x8x128xf32, #tpu.memory_space<hbm>> -> memref<8x8x128xf32, #tpu.memory_space<hbm>>
      %dma_start3A_377 = arith.constant 0 : i32
      %dma_start3A_378 = arith.constant 0 : i32
      %dma_start3A_379 = arith.constant 0 : i32
      %dma_start3A_380 = tpu.memref_slice %arg4[%add3A_339, %dma_start3A_377, %add3A, %dma_start3A_378, %dma_start3A_379] : memref<200x8x32x8x128xf32, #tpu.memory_space<hbm>> -> memref<1x8x1x8x128xf32, #tpu.memory_space<hbm>>
      %dma_start3A_381 = tpu.memref_squeeze %dma_start3A_380 : memref<1x8x1x8x128xf32, #tpu.memory_space<hbm>> -> memref<8x8x128xf32, #tpu.memory_space<hbm>>
      %dma_start3A_382 = arith.constant 0 : i32
      %dma_start3A_383 = arith.constant 0 : i32
      %dma_start3A_384 = arith.constant 0 : i32
      %dma_start3A_385 = tpu.memref_slice %arg7[%dma_start3A_366, %dma_start3A_382, %dma_start3A_383, %dma_start3A_384] : memref<4x8x8x137xf32, #tpu.memory_space<vmem>> -> memref<1x8x8x128xf32, #tpu.memory_space<vmem>>
      %dma_start3A_386 = tpu.memref_squeeze %dma_start3A_385 : memref<1x8x8x128xf32, #tpu.memory_space<vmem>> -> memref<8x8x128xf32, #tpu.memory_space<vmem>>
      tpu.enqueue_dma source(%dma_start3A_386 : memref<8x8x128xf32, #tpu.memory_space<vmem>>) target(%dma_start3A_381 : memref<8x8x128xf32, #tpu.memory_space<hbm>>) target_semaphore(%arg15 : memref<!tpu.dma_semaphore, #tpu.memory_space<semaphore_mem>>)
      %lt3A_387 = arith.constant 49 : i32
      %lt3A_388 = arith.cmpi slt, %scan3A_171, %lt3A_387 : i32
      %convert_element_type3A_389 = arith.extui %lt3A_388 : i1 to i32
      %cond3A_390 = arith.constant 0 : i32
      %cond3A_391 = arith.cmpi ne, %convert_element_type3A_389, %cond3A_390 : i32
      scf.if %cond3A_391 {
        %add3A_392 = arith.constant 4 : i32
        %add3A_393 = arith.addi %add3A_339, %add3A_392 : i32
        %dma_start3A_394 = arith.constant 3 : i32
        %dma_start3A_395 = arith.constant 0 : i32
        %dma_start3A_396 = arith.constant 0 : i32
        %dma_start3A_397 = tpu.memref_slice %arg6[%dma_start3A_394, %dma_start3A_395, %dma_start3A_396] : memref<4x128x64xf32, #tpu.memory_space<vmem>> -> memref<1x128x64xf32, #tpu.memory_space<vmem>>
        %dma_start3A_398 = tpu.memref_squeeze %dma_start3A_397 : memref<1x128x64xf32, #tpu.memory_space<vmem>> -> memref<128x64xf32, #tpu.memory_space<vmem>>
        %dma_start3A_399 = arith.constant 0 : i32
        %dma_start3A_400 = tpu.memref_slice %arg5[%add3A_393, %dma_start3A_399] : memref<200x128xi32, #tpu.memory_space<vmem>> -> memref<1x128xi32, #tpu.memory_space<vmem>>
        %dma_start3A_401 = tpu.memref_squeeze %dma_start3A_400 : memref<1x128xi32, #tpu.memory_space<vmem>> -> memref<128xi32, #tpu.memory_space<vmem>>
        %dma_start3A_402 = arith.constant 0 : i32
        %dma_start3A_403 = arith.constant 0 : i32
        %dma_start3A_404 = tpu.memref_slice %arg3[%dma_start3A_402, %dma_start3A_403] : memref<1000000x64xf32, #tpu.memory_space<hbm>> -> memref<1000000x64xf32, #tpu.memory_space<hbm>>
        tpu.enqueue_indirect_dma source(%dma_start3A_404 : memref<1000000x64xf32, #tpu.memory_space<hbm>>) target(%dma_start3A_398 : memref<128x64xf32, #tpu.memory_space<vmem>>) offsets(%dma_start3A_401 : memref<128xi32, #tpu.memory_space<vmem>>) semaphore(%arg11 : memref<!tpu.dma_semaphore, #tpu.memory_space<semaphore_mem>>)
      } else {
      }
    }
    %scan3A_79 = arith.constant 50 : i32
    %dma_wait3A = arith.constant 0 : i32
    %dma_wait3A_80 = arith.constant 0 : i32
    %dma_wait3A_81 = arith.constant 0 : i32
    %dma_wait3A_82 = arith.constant 0 : i32
    %dma_wait3A_83 = arith.constant 0 : i32
    %dma_wait3A_84 = arith.constant 0 : i32
    %dma_wait3A_85 = tpu.memref_slice %arg7[%dma_wait3A, %dma_wait3A_82, %dma_wait3A_83, %dma_wait3A_84] : memref<4x8x8x137xf32, #tpu.memory_space<vmem>> -> memref<1x8x8x128xf32, #tpu.memory_space<vmem>>
    %dma_wait3A_86 = tpu.memref_squeeze %dma_wait3A_85 : memref<1x8x8x128xf32, #tpu.memory_space<vmem>> -> memref<8x8x128xf32, #tpu.memory_space<vmem>>
    %dma_wait3A_87 = arith.constant 0 : i32
    %dma_wait3A_88 = arith.constant 0 : i32
    %dma_wait3A_89 = arith.constant 0 : i32
    %dma_wait3A_90 = tpu.memref_slice %arg4[%dma_wait3A_80, %dma_wait3A_87, %dma_wait3A_81, %dma_wait3A_88, %dma_wait3A_89] : memref<200x8x32x8x128xf32, #tpu.memory_space<hbm>> -> memref<1x8x1x8x128xf32, #tpu.memory_space<hbm>>
    %dma_wait3A_91 = tpu.memref_squeeze %dma_wait3A_90 : memref<1x8x1x8x128xf32, #tpu.memory_space<hbm>> -> memref<8x8x128xf32, #tpu.memory_space<hbm>>
    %dma_wait3A_92 = arith.constant 0 : i32
    %dma_wait3A_93 = arith.constant 0 : i32
    %dma_wait3A_94 = arith.constant 0 : i32
    %dma_wait3A_95 = tpu.memref_slice %arg4[%dma_wait3A_80, %dma_wait3A_92, %dma_wait3A_81, %dma_wait3A_93, %dma_wait3A_94] : memref<200x8x32x8x128xf32, #tpu.memory_space<hbm>> -> memref<1x8x1x8x128xf32, #tpu.memory_space<hbm>>
    %dma_wait3A_96 = tpu.memref_squeeze %dma_wait3A_95 : memref<1x8x1x8x128xf32, #tpu.memory_space<hbm>> -> memref<8x8x128xf32, #tpu.memory_space<hbm>>
    %dma_wait3A_97 = arith.constant 0 : i32
    %dma_wait3A_98 = arith.constant 0 : i32
    %dma_wait3A_99 = arith.constant 0 : i32
    %dma_wait3A_100 = tpu.memref_slice %arg7[%dma_wait3A, %dma_wait3A_97, %dma_wait3A_98, %dma_wait3A_99] : memref<4x8x8x137xf32, #tpu.memory_space<vmem>> -> memref<1x8x8x128xf32, #tpu.memory_space<vmem>>
    %dma_wait3A_101 = tpu.memref_squeeze %dma_wait3A_100 : memref<1x8x8x128xf32, #tpu.memory_space<vmem>> -> memref<8x8x128xf32, #tpu.memory_space<vmem>>
    tpu.wait_dma2 semaphore(%arg12 : memref<!tpu.dma_semaphore, #tpu.memory_space<semaphore_mem>>) src(%dma_wait3A_101 : memref<8x8x128xf32, #tpu.memory_space<vmem>>) dst(%dma_wait3A_96 : memref<8x8x128xf32, #tpu.memory_space<hbm>>)
    %dma_wait3A_102 = arith.constant 1 : i32
    %dma_wait3A_103 = arith.constant 0 : i32
    %dma_wait3A_104 = arith.constant 0 : i32
    %dma_wait3A_105 = arith.constant 0 : i32
    %dma_wait3A_106 = arith.constant 0 : i32
    %dma_wait3A_107 = arith.constant 0 : i32
    %dma_wait3A_108 = tpu.memref_slice %arg7[%dma_wait3A_102, %dma_wait3A_105, %dma_wait3A_106, %dma_wait3A_107] : memref<4x8x8x137xf32, #tpu.memory_space<vmem>> -> memref<1x8x8x128xf32, #tpu.memory_space<vmem>>
    %dma_wait3A_109 = tpu.memref_squeeze %dma_wait3A_108 : memref<1x8x8x128xf32, #tpu.memory_space<vmem>> -> memref<8x8x128xf32, #tpu.memory_space<vmem>>
    %dma_wait3A_110 = arith.constant 0 : i32
    %dma_wait3A_111 = arith.constant 0 : i32
    %dma_wait3A_112 = arith.constant 0 : i32
    %dma_wait3A_113 = tpu.memref_slice %arg4[%dma_wait3A_103, %dma_wait3A_110, %dma_wait3A_104, %dma_wait3A_111, %dma_wait3A_112] : memref<200x8x32x8x128xf32, #tpu.memory_space<hbm>> -> memref<1x8x1x8x128xf32, #tpu.memory_space<hbm>>
    %dma_wait3A_114 = tpu.memref_squeeze %dma_wait3A_113 : memref<1x8x1x8x128xf32, #tpu.memory_space<hbm>> -> memref<8x8x128xf32, #tpu.memory_space<hbm>>
    %dma_wait3A_115 = arith.constant 0 : i32
    %dma_wait3A_116 = arith.constant 0 : i32
    %dma_wait3A_117 = arith.constant 0 : i32
    %dma_wait3A_118 = tpu.memref_slice %arg4[%dma_wait3A_103, %dma_wait3A_115, %dma_wait3A_104, %dma_wait3A_116, %dma_wait3A_117] : memref<200x8x32x8x128xf32, #tpu.memory_space<hbm>> -> memref<1x8x1x8x128xf32, #tpu.memory_space<hbm>>
    %dma_wait3A_119 = tpu.memref_squeeze %dma_wait3A_118 : memref<1x8x1x8x128xf32, #tpu.memory_space<hbm>> -> memref<8x8x128xf32, #tpu.memory_space<hbm>>
    %dma_wait3A_120 = arith.constant 0 : i32
    %dma_wait3A_121 = arith.constant 0 : i32
    %dma_wait3A_122 = arith.constant 0 : i32
    %dma_wait3A_123 = tpu.memref_slice %arg7[%dma_wait3A_102, %dma_wait3A_120, %dma_wait3A_121, %dma_wait3A_122] : memref<4x8x8x137xf32, #tpu.memory_space<vmem>> -> memref<1x8x8x128xf32, #tpu.memory_space<vmem>>
    %dma_wait3A_124 = tpu.memref_squeeze %dma_wait3A_123 : memref<1x8x8x128xf32, #tpu.memory_space<vmem>> -> memref<8x8x128xf32, #tpu.memory_space<vmem>>
    tpu.wait_dma2 semaphore(%arg13 : memref<!tpu.dma_semaphore, #tpu.memory_space<semaphore_mem>>) src(%dma_wait3A_124 : memref<8x8x128xf32, #tpu.memory_space<vmem>>) dst(%dma_wait3A_119 : memref<8x8x128xf32, #tpu.memory_space<hbm>>)
    %dma_wait3A_125 = arith.constant 2 : i32
    %dma_wait3A_126 = arith.constant 0 : i32
    %dma_wait3A_127 = arith.constant 0 : i32
    %dma_wait3A_128 = arith.constant 0 : i32
    %dma_wait3A_129 = arith.constant 0 : i32
    %dma_wait3A_130 = arith.constant 0 : i32
    %dma_wait3A_131 = tpu.memref_slice %arg7[%dma_wait3A_125, %dma_wait3A_128, %dma_wait3A_129, %dma_wait3A_130] : memref<4x8x8x137xf32, #tpu.memory_space<vmem>> -> memref<1x8x8x128xf32, #tpu.memory_space<vmem>>
    %dma_wait3A_132 = tpu.memref_squeeze %dma_wait3A_131 : memref<1x8x8x128xf32, #tpu.memory_space<vmem>> -> memref<8x8x128xf32, #tpu.memory_space<vmem>>
    %dma_wait3A_133 = arith.constant 0 : i32
    %dma_wait3A_134 = arith.constant 0 : i32
    %dma_wait3A_135 = arith.constant 0 : i32
    %dma_wait3A_136 = tpu.memref_slice %arg4[%dma_wait3A_126, %dma_wait3A_133, %dma_wait3A_127, %dma_wait3A_134, %dma_wait3A_135] : memref<200x8x32x8x128xf32, #tpu.memory_space<hbm>> -> memref<1x8x1x8x128xf32, #tpu.memory_space<hbm>>
    %dma_wait3A_137 = tpu.memref_squeeze %dma_wait3A_136 : memref<1x8x1x8x128xf32, #tpu.memory_space<hbm>> -> memref<8x8x128xf32, #tpu.memory_space<hbm>>
    %dma_wait3A_138 = arith.constant 0 : i32
    %dma_wait3A_139 = arith.constant 0 : i32
    %dma_wait3A_140 = arith.constant 0 : i32
    %dma_wait3A_141 = tpu.memref_slice %arg4[%dma_wait3A_126, %dma_wait3A_138, %dma_wait3A_127, %dma_wait3A_139, %dma_wait3A_140] : memref<200x8x32x8x128xf32, #tpu.memory_space<hbm>> -> memref<1x8x1x8x128xf32, #tpu.memory_space<hbm>>
    %dma_wait3A_142 = tpu.memref_squeeze %dma_wait3A_141 : memref<1x8x1x8x128xf32, #tpu.memory_space<hbm>> -> memref<8x8x128xf32, #tpu.memory_space<hbm>>
    %dma_wait3A_143 = arith.constant 0 : i32
    %dma_wait3A_144 = arith.constant 0 : i32
    %dma_wait3A_145 = arith.constant 0 : i32
    %dma_wait3A_146 = tpu.memref_slice %arg7[%dma_wait3A_125, %dma_wait3A_143, %dma_wait3A_144, %dma_wait3A_145] : memref<4x8x8x137xf32, #tpu.memory_space<vmem>> -> memref<1x8x8x128xf32, #tpu.memory_space<vmem>>
    %dma_wait3A_147 = tpu.memref_squeeze %dma_wait3A_146 : memref<1x8x8x128xf32, #tpu.memory_space<vmem>> -> memref<8x8x128xf32, #tpu.memory_space<vmem>>
    tpu.wait_dma2 semaphore(%arg14 : memref<!tpu.dma_semaphore, #tpu.memory_space<semaphore_mem>>) src(%dma_wait3A_147 : memref<8x8x128xf32, #tpu.memory_space<vmem>>) dst(%dma_wait3A_142 : memref<8x8x128xf32, #tpu.memory_space<hbm>>)
    %dma_wait3A_148 = arith.constant 3 : i32
    %dma_wait3A_149 = arith.constant 0 : i32
    %dma_wait3A_150 = arith.constant 0 : i32
    %dma_wait3A_151 = arith.constant 0 : i32
    %dma_wait3A_152 = arith.constant 0 : i32
    %dma_wait3A_153 = arith.constant 0 : i32
    %dma_wait3A_154 = tpu.memref_slice %arg7[%dma_wait3A_148, %dma_wait3A_151, %dma_wait3A_152, %dma_wait3A_153] : memref<4x8x8x137xf32, #tpu.memory_space<vmem>> -> memref<1x8x8x128xf32, #tpu.memory_space<vmem>>
    %dma_wait3A_155 = tpu.memref_squeeze %dma_wait3A_154 : memref<1x8x8x128xf32, #tpu.memory_space<vmem>> -> memref<8x8x128xf32, #tpu.memory_space<vmem>>
    %dma_wait3A_156 = arith.constant 0 : i32
    %dma_wait3A_157 = arith.constant 0 : i32
    %dma_wait3A_158 = arith.constant 0 : i32
    %dma_wait3A_159 = tpu.memref_slice %arg4[%dma_wait3A_149, %dma_wait3A_156, %dma_wait3A_150, %dma_wait3A_157, %dma_wait3A_158] : memref<200x8x32x8x128xf32, #tpu.memory_space<hbm>> -> memref<1x8x1x8x128xf32, #tpu.memory_space<hbm>>
    %dma_wait3A_160 = tpu.memref_squeeze %dma_wait3A_159 : memref<1x8x1x8x128xf32, #tpu.memory_space<hbm>> -> memref<8x8x128xf32, #tpu.memory_space<hbm>>
    %dma_wait3A_161 = arith.constant 0 : i32
    %dma_wait3A_162 = arith.constant 0 : i32
    %dma_wait3A_163 = arith.constant 0 : i32
    %dma_wait3A_164 = tpu.memref_slice %arg4[%dma_wait3A_149, %dma_wait3A_161, %dma_wait3A_150, %dma_wait3A_162, %dma_wait3A_163] : memref<200x8x32x8x128xf32, #tpu.memory_space<hbm>> -> memref<1x8x1x8x128xf32, #tpu.memory_space<hbm>>
    %dma_wait3A_165 = tpu.memref_squeeze %dma_wait3A_164 : memref<1x8x1x8x128xf32, #tpu.memory_space<hbm>> -> memref<8x8x128xf32, #tpu.memory_space<hbm>>
    %dma_wait3A_166 = arith.constant 0 : i32
    %dma_wait3A_167 = arith.constant 0 : i32
    %dma_wait3A_168 = arith.constant 0 : i32
    %dma_wait3A_169 = tpu.memref_slice %arg7[%dma_wait3A_148, %dma_wait3A_166, %dma_wait3A_167, %dma_wait3A_168] : memref<4x8x8x137xf32, #tpu.memory_space<vmem>> -> memref<1x8x8x128xf32, #tpu.memory_space<vmem>>
    %dma_wait3A_170 = tpu.memref_squeeze %dma_wait3A_169 : memref<1x8x8x128xf32, #tpu.memory_space<vmem>> -> memref<8x8x128xf32, #tpu.memory_space<vmem>>
    tpu.wait_dma2 semaphore(%arg15 : memref<!tpu.dma_semaphore, #tpu.memory_space<semaphore_mem>>) src(%dma_wait3A_170 : memref<8x8x128xf32, #tpu.memory_space<vmem>>) dst(%dma_wait3A_165 : memref<8x8x128xf32, #tpu.memory_space<hbm>>)
    return
  }
}

</mosaic_0001>

<sc_bundles>
// kernel: kernel.3.cloned.1.call-start
scs
__scs_entry_jumppad:
0x0: {  	(pc) =	sbr.rel $0x88, $3  }
0x1: {  	(tag) =	ssettag $0x0;
	lr =	simm.s32 $0x1  }
0x2: {  	[smem:$0x3F9F] =	sst lr;
	_ =	strace $0xD0000000  }
0x3: {  	_ = 	snop  }
0x4: {  	_ = 	snop  }
0x5: {  	_ = 	snop  }
0x6: {  	_ = 	snop  }
0x7: {  	_ = 	snop  }
__scs_overlays_trampoline_lowered:
0x8: {  	[smem:$0x3FAE] =	sst s0  }
0x9: {  	[smem:$0x3FAF] =	sst s1  }
0xa: {  	[smem:$0x3FB0] =	sst s2  }
0xb: {  	[smem:$0x3FB1] =	sst s3  }
0xc: {  	[smem:$0x3FB2] =	sst s4  }
0xd: {  	[smem:$0x3FB3] =	sst s5  }
0xe: {  	[smem:$0x3FB4] =	sst s6  }
0xf: {  	[smem:$0x3FB5] =	sst s7  }
0x10: {  	[smem:$0x3FB6] =	sst s8  }
0x11: {  	[smem:$0x3FB7] =	sst s9;
	s0 =	simm.s32 @!p0 $0x0  }
0x12: {  	s1 =	sld [smem:$0x3F9D];
	s0 =	simm.s32 @p0 $0x1  }
0x13: {  	[smem:$0x3FB8] =	sst s0;
	s0 =	simm.s32 @!p1 $0x0  }
0x14: {  	s2 =	sld [smem:$0x3F9C];
	s0 =	simm.s32 @p1 $0x1  }
0x15: {  	[smem:$0x3FB9] =	sst s0;
	s0 =	simm.s32 @!p2 $0x0  }
0x16: {  	s3 =	sld [smem:$0x3FDB];
	s0 =	simm.s32 @p2 $0x1  }
0x17: {  	s4 =	simm.s32 $0x1BF5;
	[smem:$0x3FBB] =	sst s0  }
0x18: {  	s0 =	sld [smem:$0x3F9E];
	_ =	swait.ge [sflag:s4], $0x0  }
0x19: {  	s7 =	sld [smem:$0x3F9F]  }
0x1a: {  	s8 =	sadd.s32 $0xFFFFE003, lr  }
0x1b: {  	s9 =	sadd.s32 $0xFFFFFEF7, lr;
	s5 =	simm.s32 $0xFFFFFFFF;
	p2 =	slt.u32 s8, $0xFFFFF086  }
0x1c: {  	p1 =	slt.u32 s9, $0xF7A;
	s5 =	simm.s32 @!p2 $0x0  }
0x1d: {  	s5 =	simm.s32 @p1 $0x1;
	p0 =	seq.s32 s7, s2  }
0x1e: {  	s7 =	smul.u32 @!p0 $0xF7A, s2;
	p2 =	seq.s32 @!p0 s5, $0x0  }
0x1f: {  	s9 =	smul.u32 $0xF7A, s1;
	s8 =	simm.s32 @!p0 $0x1BF5;
	p2 =	por !p2, p0  }
0x20: {  	[sflag:s8] =	ssyncset.s32 @!p0 $0xFFFFF086;
	s6 =	sadd.s32 @!p0 s3, s7;
	s7 =	simm.s32 @!p0 $0x108  }
0x21: {  	s3 =	sadd.s32 s3, s9;
	s6 =	sadd.s32 @!p0 $0x88, s6;
	s7 =	simm.s32 @p2 $0x1082  }
0x22: {  	[simem:s7], [sflag:s8] =	dma.local @!p0 [hbm:s6], $0xF7A  }
0x23: {  	s9 =	sor.u32 $0xD0000000, s2;
	s6 =	simm.s32 $0x108;
	_ =	swait.ge @!p0 [sflag:s8], $0x0  }
0x24: {  	s3 =	sadd.s32 $0x88, s3;
	s6 =	simm.s32 @!p1 $0x1082;
	[sflag:s4] =	ssyncset.s32 $0xFFFFF086  }
0x25: {  	[simem:s6], [sflag:s4] =	dma.local [hbm:s3], $0xF7A  }
0x26: {  	[smem:$0x3F9F] =	sst s1;
	(tag) =	ssettag s2;
	_ =	strace s9  }
0x27: {  	s1 =	sld [smem:$0x3FAF]  }
0x28: {  	s2 =	sld [smem:$0x3FB0]  }
0x29: {  	s4 =	sld [smem:$0x3FB2]  }
0x2a: {  	p0 =	seq.s32 s5, $0x0;
	s5 =	sld [smem:$0x3FB3]  }
0x2b: {  	s6 =	sld [smem:$0x3FB4]  }
0x2c: {  	s7 =	sld [smem:$0x3FB5]  }
0x2d: {  	s3 =	simm.s32 $0x108;
	s8 =	sld [smem:$0x3FB6]  }
0x2e: {  	s3 =	simm.s32 @!p0 $0x1082;
	s9 =	sld [smem:$0x3FB7]  }
0x2f: {  	lr =	sadd.s32 s0, s3;
	s0 =	sld [smem:$0x3FAE]  }
0x30: {  	s3 =	sld [smem:$0x3FB1]  }
0x31: {  	[smem:$0x3FBA] =	sst s10  }
0x32: {  	s10 =	sld [smem:$0x3FB8];
	_ =	sdelay $0x3  }
0x33: {  	p0 =	seq.s32 s10, $0x1;
	s10 =	sld [smem:$0x3FBA];
	_ =	sdelay $0x3  }
0x34: {  	[smem:$0x3FBA] =	sst s10  }
0x35: {  	s10 =	sld [smem:$0x3FB9];
	_ =	sdelay $0x3  }
0x36: {  	p1 =	seq.s32 s10, $0x1;
	s10 =	sld [smem:$0x3FBA];
	_ =	sdelay $0x3  }
0x37: {  	[smem:$0x3FBA] =	sst s10  }
0x38: {  	s10 =	sld [smem:$0x3FBB]  }
0x39: {  	_ = 	snop;
	(pc) =	sbr.ind lr, $3  }
0x3a: {  	_ = 	snop  }
0x3b: {  	_ = 	snop  }
0x3c: {  	p2 =	seq.s32 s10, $0x1;
	s10 =	sld [smem:$0x3FBA]  }
0x3d: {  	_ =	shalt  }
0x3e: {  	_ =	shalt  }
0x3f: {  	_ =	shalt  }
0x40: {  	_ =	shalt  }
0x41: {  	_ =	shalt  }
0x42: {  	_ =	shalt  }
0x43: {  	_ =	shalt  }
0x44: {  	_ =	shalt  }
0x45: {  	_ =	shalt  }
0x46: {  	_ =	shalt  }
0x47: {  	_ =	shalt  }
0x48: {  	_ =	shalt  }
0x49: {  	_ =	shalt  }
0x4a: {  	_ =	shalt  }
0x4b: {  	_ =	shalt  }
0x4c: {  	_ =	shalt  }
0x4d: {  	_ =	shalt  }
0x4e: {  	_ =	shalt  }
0x4f: {  	_ =	shalt  }
0x50: {  	_ =	shalt  }
0x51: {  	_ =	shalt  }
0x52: {  	_ =	shalt  }
0x53: {  	_ =	shalt  }
0x54: {  	_ =	shalt  }
0x55: {  	_ =	shalt  }
0x56: {  	_ =	shalt  }
0x57: {  	_ =	shalt  }
0x58: {  	_ =	shalt  }
0x59: {  	_ =	shalt  }
0x5a: {  	_ =	shalt  }
0x5b: {  	_ =	shalt  }
0x5c: {  	_ =	shalt  }
0x5d: {  	_ =	shalt  }
0x5e: {  	_ =	shalt  }
0x5f: {  	_ =	shalt  }
0x60: {  	_ =	shalt  }
0x61: {  	_ =	shalt  }
0x62: {  	_ =	shalt  }
0x63: {  	_ =	shalt  }
0x64: {  	_ =	shalt  }
0x65: {  	_ =	shalt  }
0x66: {  	_ =	shalt  }
0x67: {  	_ =	shalt  }
0x68: {  	_ =	shalt  }
0x69: {  	_ =	shalt  }
0x6a: {  	_ =	shalt  }
0x6b: {  	_ =	shalt  }
0x6c: {  	_ =	shalt  }
0x6d: {  	_ =	shalt  }
0x6e: {  	_ =	shalt  }
0x6f: {  	_ =	shalt  }
0x70: {  	_ =	shalt  }
0x71: {  	_ =	shalt  }
0x72: {  	_ =	shalt  }
0x73: {  	_ =	shalt  }
0x74: {  	_ =	shalt  }
0x75: {  	_ =	shalt  }
0x76: {  	_ =	shalt  }
0x77: {  	_ =	shalt  }
0x78: {  	_ =	shalt  }
0x79: {  	_ =	shalt  }
0x7a: {  	_ =	shalt  }
0x7b: {  	_ =	shalt  }
0x7c: {  	_ =	shalt  }
0x7d: {  	_ =	shalt  }
0x7e: {  	_ =	shalt  }
0x7f: {  	_ =	shalt  }
0x80: {  	_ =	shalt  }
0x81: {  	_ =	shalt  }
0x82: {  	_ =	shalt  }
0x83: {  	_ =	shalt  }
0x84: {  	_ =	shalt  }
0x85: {  	_ =	shalt  }
0x86: {  	_ =	shalt  }
0x87: {  	_ =	shalt  }
.Lfunc_end0:
.L_simem_size_0:
called_computation_lowered:
.L_overlay_start_0:
0x88: {  	s2 =	sld [smem:$0x3FD9]  }
0x89: {  	s3 =	sld [smem:$0x3FFE];
	_ =	sdelay $0x1  }
0x8a: {  	s1 =	srdreg.scid  }
0x8b: {  	s0 =	sand.u32 $0x1, s1  }
0x8c: {  	s17 =	sshll.u32 s0, $0xA;
	s2 =	sadd.s32 s3, s2  }
0x8d: {  	s2 =	sadd.s32 s2, s17  }
0x8e: {  	[smem:$0x3FC6] =	sst s2  }
0x8f: {  	_ = 	snop  }
0x90: {  	s2 =	sld [smem:$0x3FD0];
	(tm) =	ssettm $0x1  }
0x91: {  	s18 =	sld [smem:$0x3FFB];
	_ =	sdelay $0x3  }
0x92: {  	_ =	strace s18  }
0x93: {  	s3 =	sld [smem:$0x3FFC];
	_ =	sdelay $0x3  }
0x94: {  	_ =	strace s3  }
0x95: {  	s3 =	sld [smem:$0x3FFD];
	_ =	sdelay $0x3  }
0x96: {  	_ =	strace s3  }
0x97: {  	_ =	strace $0x8FFFFFFF  }
0x98: {  	s19 =	sld [smem:$0x3FDB];
	_ =	sdelay $0x1  }
0x99: {  	s4 =	simm.s32 $_scs_section_size  }
0x9a: {  	s5 =	simm.s32 $_size__tile_overlayer_lowered;
	s6 =	simm.s32 $_tile_overlayer_lowered  }
0x9b: {  	s22 =	simm.s32 $0x1BFF;
	s21 =	sshll.u32 s6, $0x1;
	s3 =	sadd.s32 s4, s19  }
0x9c: {  	s7 =	simm.s32 $0x0;
	s20 =	sshll.u32 s5, $0x1;
	s5 =	sadd.s32 s21, s3  }
0x9d: {  	[timem:s7], [sflag:s22] =	dma.local [hbm:s5], s20  }
0x9e: {  	_ =	swait.ge [sflag:s22], s20  }
0x9f: {  	s4 =	ssub.s32 $0x0, s20;
	[sflag:s22] =	ssyncset.done $0x0  }
0xa0: {  	[sflag:s22] =	ssyncadd.s32 s4;
	_ =	sdelay $0x1  }
0xa1: {  	s23 =	simm.s32 $0x1B8B  }
0xa2: {  	_ =	swait.ge [sflag:s23], $0x1  }
0xa3: {  	[sflag:s23] =	ssyncset.done $0x0  }
0xa4: {  	s25 =	simm.s32 $0x1B8E;
	s24 =	sld [smem:$0x3FFE];
	[sflag:s23] =	ssyncadd.s32 $0xFFFFFFFF  }
0xa5: {  	s26 =	simm.s32 $execute0_lowered;
	[smem:$0x3FD2] =	sst s25  }
0xa6: {  	s5 =	sshll.u32 s26, $0x1;
	_ =	strace $0x80000046;
	[dreg:$0x1] =	wrdreg $0xFFFFFFFF  }
0xa7: {  	s28 =	simm.s32 $_size_execute0_lowered;
	s3 =	sadd.s32 s3, s5;
	[dreg:$0x0] =	wrdreg $0x0  }
0xa8: {  	s5 =	sshll.u32 s28, $0x1;
	[dreg:$0x2] =	wrdreg s3  }
0xa9: {  	[dreg:$0x3] =	wrdreg s5  }
0xaa: {  	[dreg:$0x4] =	wrdreg $0xC0  }
0xab: {  	_ =	task [dreg:s7], $0x5FFFF  }
0xac: {  	[dreg:$0x1] =	wrdreg $0xFFFFFFFF  }
0xad: {  	[dreg:$0x0] =	wrdreg $0x60  }
0xae: {  	[dreg:$0x2] =	wrdreg s24  }
0xaf: {  	[dreg:$0x3] =	wrdreg s2  }
0xb0: {  	[dreg:$0x4] =	wrdreg $0x9  }
0xb1: {  	_ =	task.clear_ibuf [dreg:s7], $0x5FFFF;
	_ =	strace $0x90000046  }
0xb2: {  	s29 =	simm.s32 $0x9;
	_ =	strace $0x80000048  }
0xb3: {  	_ =	swait.ge [sflag:s29], $0x1  }
0xb4: {  	[sflag:s29] =	ssyncadd.s32 $0xFFFFFFFF  }
0xb5: {  	_ =	strace $0x90000048  }
0xb6: {  	_ =	sfence  }
0xb7: {  	s30 =	sld [smem:$0x0];
	_ =	sdelay $0x2  }
0xb8: {  	s31 =	sshll.u32 s1, $0xD;
	s1 =	sshrl.u32 s1, $0x2  }
0xb9: {  	s3 =	sand.u32 $0x4000, s31;
	s1 =	sadd.s32 s1, s30  }
0xba: {  	s0 =	sor.u32 s3, s0;
	s1 =	sshll.u32 s1, $0x11  }
0xbb: {  	s0 =	sor.u32 s1, s0  }
0xbc: {  	s0 =	sadd.s32 $0x8F2B, s0  }
0xbd: {  	[sflag:s0] =	ssyncadd.remote.s32 $0x1  }
0xbe: {  	_ =	sfence.sel $0xFFFF  }
0xbf: {  	[dreg:$0x0] =	wrdreg $0xFFFFFFFF;
	(pc) =	sbr.abs _section_cstart, $3  }
0xc0: {  	[dreg:$0x1] =	wrdreg $0xFFFFFFFF  }
0xc1: {  	_ =	task.clear_ibuf [dreg:s7], $0x2FFFF;
	_ =	strace $0x9FFFFFFF  }
0xc2: {  	(tm) =	ssettm $0x7FFFFFFF  }
0xc3: {  	_ =	shalt  }
tec
execute0_lowered:
.L_overlay_start_1:
0x0: {  	(tag) =	ssettag $0x1  }
0x1: {  	s0 =	rddreg [dreg:$0x0];
	s1 =	srdreg.scid;
	v0 =	vlaneseq.u32  }
0x2: {  	s3 =	stileid.u32;
	s2 =	rddreg [dreg:$0x1];
	s11 =	simm.s32 $0x80;
	v0 =	vmul.u32 $0x90, v0  }
0x3: {  	v1 =	vimm.s32 $0x0;
	vm0 =	vcmask $0x300;
	s15 =	simm.s32 $0x8400;
	s17 =	simm.s32 $0xA400;
	s19 =	simm.s32 $0xC400  }
0x4: {  	s20 =	simm.s32 $0x1;
	s21 =	simm.s32 $0xE400;
	s22 =	simm.s32 $0x2;
	v1 =	vsel vm0, $0x3, v1;
	v2 =	vadd.s32 $0x900, v0  }
0x5: {  	s23 =	simm.s32 $0x6;
	s24 =	simm.s32 $0x10800;
	s28 =	simm.s32 $0x12C00;
	v3 =	vadd.s32 $0x1200, v0;
	v4 =	vadd.s32 $0x1B00, v0;
	v5 =	vor.u32 $0x1, v0  }
0x6: {  	s29 =	simm.s32 $0x4;
	s30 =	simm.s32 $0x8;
	s31 =	simm.s32 $0x15000;
	v6 =	vadd.s32 $0x901, v0;
	v7 =	vadd.s32 $0x1201, v0;
	v8 =	vadd.s32 $0x1B01, v0  }
0x7: {  	s1 =	sand.u32 $0x1, s1;
	s4 =	sshll.u32 s3, $0x1;
	s3 =	simm.s32 $0x0;
	v9 =	vor.u32 $0x2, v0;
	v10 =	vadd.s32 $0x902, v0;
	v11 =	vadd.s32 $0x1202, v0  }
0x8: {  	s8 =	sadd.s32 $0x10000, s2;
	s9 =	sadd.s32 $0x18000, s2;
	s5 =	sor.u32 s1, s4;
	v12 =	vadd.s32 $0x1B02, v0;
	v13 =	vor.u32 $0x3, v0;
	v14 =	vadd.s32 $0x903, v0  }
0x9: {  	[smem:$0x7FF] =	sst s3;
	s1 =	ssub.s32 $0x2, s1;
	s4 =	sshll.u32 s5, $0x4;
	v15 =	vadd.s32 $0x1203, v0;
	v16 =	vadd.s32 $0x1B03, v0;
	v17 =	vor.u32 $0x4, v0  }
.Ltmp0:
0xa: {  	_ =	strace $0x80000047;
	s7 =	sshrl.u32 s1, $0x1;
	v18 =	vadd.s32 $0x904, v0;
	v19 =	vadd.s32 $0x1204, v0;
	v20 =	vadd.s32 $0x1B04, v0;
	(pc) =	sbr.rel .LBB2_1-.Ltmp0, $4  }
0xb: {  	v21 =	vor.u32 $0x5, v0;
	v22 =	vadd.s32 $0x905, v0;
	v23 =	vadd.s32 $0x1205, v0;
	s6 =	sadd.s32 s4, s0;
	s4 =	sadd.s32 $0xF42A00, s0;
	s25 =	ssub.s32 s1, s7  }
0xc: {  	v24 =	vadd.s32 $0x1B05, v0;
	v25 =	vor.u32 $0x6, v0;
	v26 =	vadd.s32 $0x906, v0;
	s7 =	sadd.s32 $0x8000, s2;
	s1 =	simm.s32 $0x0;
	s26 =	sadd.s32 $0x600, s6  }
0xd: {  	v27 =	vadd.s32 $0x1206, v0;
	v28 =	vadd.s32 $0x1B06, v0;
	v29 =	vor.u32 $0x7, v0;
	s6 =	sshll.u32 s5, $0x7;
	s0 =	smax.u32 s25, $0x1;
	[dreg:$0x3] =	wrdreg s26  }
0xe: {  	v30 =	vadd.s32 $0x907, v0;
	v31 =	vadd.s32 $0x1207, v0;
	v32 =	vadd.s32 $0x1B07, v0;
	s25 =	simm.s32 $0x3;
	[dreg:$0x4] =	wrdreg s0;
	s26 =	simm.s32 $0x7  }
.LBB2_32:
0xf: {  	s0 =	simm.s32 $0x5  }
0x10: {  	_ =	swait.ge [sflag:s0], $0x2000  }
0x11: {  	[sflag:s0] =	ssyncset.done $0x0  }
0x12: {  	[sflag:s0] =	ssyncadd.s32 $0xFFFFE000  }
0x13: {  	_ =	swait.ge [sflag:s23], $0x2000  }
0x14: {  	[sflag:s23] =	ssyncset.done $0x0  }
0x15: {  	[sflag:s23] =	ssyncadd.s32 $0xFFFFE000  }
0x16: {  	_ =	swait.ge [sflag:s26], $0x2000  }
0x17: {  	[sflag:s26] =	ssyncset.done $0x0  }
0x18: {  	[sflag:s26] =	ssyncadd.s32 $0xFFFFE000  }
0x19: {  	_ =	swait.ge [sflag:s30], $0x2000  }
0x1a: {  	s1 =	rddreg [dreg:$0x5]  }
0x1b: {  	s18 =	rddreg [dreg:$0x4];
	s1 =	sadd.s32 $0x1, s1  }
0x1c: {  	p0 =	sne.s32 s1, s18  }
.Ltmp1:
0x1d: {  	_ = 	snop;
	(pc) =	sbr.rel @!p0 .LBB2_33-.Ltmp1, $3  }
0x1e: {  	_ =	sdelay $0x1  }
0x1f: {  	[sflag:s30] =	ssyncset.done $0x0  }
0x20: {  	[sflag:s30] =	ssyncadd.s32 $0xFFFFE000  }
.LBB2_1:
0x21: {  	[dreg:$0x5] =	wrdreg s1  }
0x22: {  	s0 =	rddreg [dreg:$0x3];
	s12 =	simm.s32 $0x1000;
	s13 =	simm.s32 $0x9  }
0x23: {  	[tilespmem:s3], [sflag:$0x9] =	stream.strided.gather [hbm4b:s0+s11], $0x6400, s12, s11, $0x38;
	[tilespmem:$0x17400] =	vst v63  }
0x24: {  	_ =	swait.ge [sflag:s13], $0x6400  }
0x25: {  	[sflag:s13] =	ssyncset.done $0x0  }
0x26: {  	s14 =	simm.s32 $0x6400;
	[sflag:s13] =	ssyncadd.s32 $0xFFFF9C00  }
0x27: {  	[tilespmem:s14], [sflag:$0x1] =	stream.indirect.gather [hbm4b:s4+s11], $0x40, s3, s11, $0xb8;
	[tilespmem:$0x17400] =	vst v63  }
0x28: {  	_ = 	snop  }
0x29: {  	[tilespmem:s15], [sflag:$0x2] =	stream.indirect.gather [hbm4b:s4+s11], $0x40, s11, s11, $0xb8;
	[tilespmem:$0x17400] =	vst v63  }
0x2a: {  	s16 =	simm.s32 $0x100  }
0x2b: {  	[tilespmem:s17], [sflag:$0x3] =	stream.indirect.gather [hbm4b:s4+s11], $0x40, s16, s11, $0xb8;
	[tilespmem:$0x17400] =	vst v63  }
0x2c: {  	s18 =	simm.s32 $0x180;
	s12 =	simm.s32 $0x0  }
0x2d: {  	[tilespmem:s19], [sflag:$0x4] =	stream.indirect.gather [hbm4b:s4+s11], $0x40, s18, s11, $0xb8;
	[tilespmem:$0x17400] =	vst v63  }
.LBB2_2:
0x2e: {  	_ =	swait.ge [sflag:s20], $0x2000  }
0x2f: {  	p0 =	seq.s32 s12, $0x0;
	[sflag:s20] =	ssyncset.done $0x0  }
0x30: {  	s5 =	simm.s32 $0x0;
	s1 =	simm.s32 @!p0 $0x5;
	[sflag:s20] =	ssyncadd.s32 $0xFFFFE000  }
0x31: {  	v33 =	vmov s5;
	_ =	swait.ge @!p0 [sflag:s1], $0x2000  }
0x32: {  	v33 =	vshrl.u32 v33, $0x3;
	[sflag:s1] =	ssyncset.done @!p0 $0x0  }
0x33: {  	s16 =	simm.s32 $0x6500;
	v33 =	vshll.u32 v33, v1;
	[sflag:s1] =	ssyncadd.s32 @!p0 $0xFFFFE000  }
0x34: {  	v33 =	vbroadcast v33, $0x0;
	v34 =	vld [tilespmem:s16+$0xFFFFFF00];
	_ =	sdelay $0x1  }
0x35: {  	v35 =	vadd.s32 v0, v33;
	_ =	sdelay $0x2  }
0x36: {  	v34 =	vmul.f32 $8.000000000e+00, v34;
	_ =	sdelay $0x1  }
0x37: {  	[tilespmem:v35+s21+$0x0] =	vst.idx.msk $0xffff, v34  }
0x38: {  	v34 =	vld [tilespmem:s16+$0xFFFFFF10];
	_ =	sdelay $0x1  }
0x39: {  	v54 =	vadd.s32 v2, v33;
	_ =	sdelay $0x2  }
0x3a: {  	v34 =	vmul.f32 $8.000000000e+00, v34;
	_ =	sdelay $0x1  }
0x3b: {  	[tilespmem:v54+s21+$0x0] =	vst.idx.msk $0xffff, v34  }
0x3c: {  	v34 =	vld [tilespmem:s16+$0xFFFFFF20];
	_ =	sdelay $0x1  }
0x3d: {  	v55 =	vadd.s32 v3, v33;
	_ =	sdelay $0x2  }
0x3e: {  	v34 =	vmul.f32 $8.000000000e+00, v34;
	_ =	sdelay $0x1  }
0x3f: {  	[tilespmem:v55+s21+$0x0] =	vst.idx.msk $0xffff, v34  }
0x40: {  	v34 =	vld [tilespmem:s16+$0xFFFFFF30];
	_ =	sdelay $0x1  }
0x41: {  	v33 =	vadd.s32 v4, v33;
	_ =	sdelay $0x1  }
0x42: {  	s18 =	simm.s32 $0x1  }
0x43: {  	v56 =	vmov s18;
	v34 =	vmul.f32 $8.000000000e+00, v34  }
0x44: {  	v35 =	vshrl.u32 v56, $0x3  }
0x45: {  	v57 =	vshll.u32 v35, v1;
	[tilespmem:v33+s21+$0x0] =	vst.idx.msk $0xffff, v34  }
0x46: {  	v33 =	vbroadcast v57, $0x0;
	v34 =	vld [tilespmem:s16+$0xFFFFFF40];
	_ =	sdelay $0x1  }
0x47: {  	v58 =	vadd.s32 v5, v33;
	_ =	sdelay $0x2  }
0x48: {  	v34 =	vmul.f32 $8.000000000e+00, v34;
	_ =	sdelay $0x1  }
0x49: {  	[tilespmem:v58+s21+$0x0] =	vst.idx.msk $0xffff, v34  }
0x4a: {  	v34 =	vld [tilespmem:s16+$0xFFFFFF50];
	_ =	sdelay $0x1  }
0x4b: {  	v59 =	vadd.s32 v6, v33;
	_ =	sdelay $0x2  }
0x4c: {  	v34 =	vmul.f32 $8.000000000e+00, v34;
	_ =	sdelay $0x1  }
0x4d: {  	[tilespmem:v59+s21+$0x0] =	vst.idx.msk $0xffff, v34  }
0x4e: {  	v34 =	vld [tilespmem:s16+$0xFFFFFF60];
	_ =	sdelay $0x1  }
0x4f: {  	v60 =	vadd.s32 v7, v33;
	_ =	sdelay $0x2  }
0x50: {  	v34 =	vmul.f32 $8.000000000e+00, v34;
	_ =	sdelay $0x1  }
0x51: {  	[tilespmem:v60+s21+$0x0] =	vst.idx.msk $0xffff, v34  }
0x52: {  	v34 =	vld [tilespmem:s16+$0xFFFFFF70];
	_ =	sdelay $0x1  }
0x53: {  	v33 =	vadd.s32 v8, v33;
	_ =	sdelay $0x1  }
0x54: {  	s0 =	simm.s32 $0x2  }
0x55: {  	v61 =	vmov s0;
	v34 =	vmul.f32 $8.000000000e+00, v34  }
0x56: {  	v35 =	vshrl.u32 v61, $0x3  }
0x57: {  	v62 =	vshll.u32 v35, v1;
	[tilespmem:v33+s21+$0x0] =	vst.idx.msk $0xffff, v34  }
0x58: {  	v33 =	vbroadcast v62, $0x0;
	v34 =	vld [tilespmem:s16+$0xFFFFFF80];
	_ =	sdelay $0x1  }
0x59: {  	v63 =	vadd.s32 v9, v33;
	_ =	sdelay $0x2  }
0x5a: {  	v34 =	vmul.f32 $8.000000000e+00, v34;
	_ =	sdelay $0x1  }
0x5b: {  	[tilespmem:v63+s21+$0x0] =	vst.idx.msk $0xffff, v34  }
0x5c: {  	v34 =	vld [tilespmem:s16+$0xFFFFFF90];
	_ =	sdelay $0x1  }
0x5d: {  	v36 =	vadd.s32 v10, v33;
	_ =	sdelay $0x2  }
0x5e: {  	v34 =	vmul.f32 $8.000000000e+00, v34;
	_ =	sdelay $0x1  }
0x5f: {  	[tilespmem:v36+s21+$0x0] =	vst.idx.msk $0xffff, v34  }
0x60: {  	v34 =	vld [tilespmem:s16+$0xFFFFFFA0];
	_ =	sdelay $0x1  }
0x61: {  	v37 =	vadd.s32 v11, v33;
	_ =	sdelay $0x2  }
0x62: {  	v34 =	vmul.f32 $8.000000000e+00, v34;
	_ =	sdelay $0x1  }
0x63: {  	[tilespmem:v37+s21+$0x0] =	vst.idx.msk $0xffff, v34  }
0x64: {  	v34 =	vld [tilespmem:s16+$0xFFFFFFB0];
	_ =	sdelay $0x1  }
0x65: {  	v33 =	vadd.s32 v12, v33;
	_ =	sdelay $0x1  }
0x66: {  	s5 =	simm.s32 $0x3  }
0x67: {  	v38 =	vmov s5;
	v34 =	vmul.f32 $8.000000000e+00, v34  }
0x68: {  	v35 =	vshrl.u32 v38, $0x3  }
0x69: {  	v39 =	vshll.u32 v35, v1;
	[tilespmem:v33+s21+$0x0] =	vst.idx.msk $0xffff, v34  }
0x6a: {  	v33 =	vbroadcast v39, $0x0;
	v34 =	vld [tilespmem:s16+$0xFFFFFFC0];
	_ =	sdelay $0x1  }
0x6b: {  	v40 =	vadd.s32 v13, v33;
	_ =	sdelay $0x2  }
0x6c: {  	v34 =	vmul.f32 $8.000000000e+00, v34;
	_ =	sdelay $0x1  }
0x6d: {  	[tilespmem:v40+s21+$0x0] =	vst.idx.msk $0xffff, v34  }
0x6e: {  	v34 =	vld [tilespmem:s16+$0xFFFFFFD0];
	_ =	sdelay $0x1  }
0x6f: {  	v41 =	vadd.s32 v14, v33;
	_ =	sdelay $0x2  }
0x70: {  	v34 =	vmul.f32 $8.000000000e+00, v34;
	_ =	sdelay $0x1  }
0x71: {  	[tilespmem:v41+s21+$0x0] =	vst.idx.msk $0xffff, v34  }
0x72: {  	v34 =	vld [tilespmem:s16+$0xFFFFFFE0];
	_ =	sdelay $0x1  }
0x73: {  	v42 =	vadd.s32 v15, v33;
	_ =	sdelay $0x2  }
0x74: {  	v34 =	vmul.f32 $8.000000000e+00, v34;
	_ =	sdelay $0x1  }
0x75: {  	[tilespmem:v42+s21+$0x0] =	vst.idx.msk $0xffff, v34  }
0x76: {  	v34 =	vld [tilespmem:s16+$0xFFFFFFF0];
	_ =	sdelay $0x1  }
0x77: {  	v33 =	vadd.s32 v16, v33;
	_ =	sdelay $0x1  }
0x78: {  	s10 =	simm.s32 $0x4  }
0x79: {  	v43 =	vmov s10;
	v34 =	vmul.f32 $8.000000000e+00, v34  }
0x7a: {  	v35 =	vshrl.u32 v43, $0x3  }
0x7b: {  	v44 =	vshll.u32 v35, v1;
	[tilespmem:v33+s21+$0x0] =	vst.idx.msk $0xffff, v34  }
0x7c: {  	v33 =	vbroadcast v44, $0x0;
	v34 =	vld [tilespmem:s16+$0x0];
	_ =	sdelay $0x1  }
0x7d: {  	v45 =	vadd.s32 v17, v33;
	_ =	sdelay $0x2  }
0x7e: {  	v34 =	vmul.f32 $8.000000000e+00, v34;
	_ =	sdelay $0x1  }
0x7f: {  	[tilespmem:v45+s21+$0x0] =	vst.idx.msk $0xffff, v34  }
0x80: {  	v34 =	vld [tilespmem:s16+$0x10];
	_ =	sdelay $0x1  }
0x81: {  	v46 =	vadd.s32 v18, v33;
	_ =	sdelay $0x2  }
0x82: {  	v34 =	vmul.f32 $8.000000000e+00, v34;
	_ =	sdelay $0x1  }
0x83: {  	[tilespmem:v46+s21+$0x0] =	vst.idx.msk $0xffff, v34  }
0x84: {  	v34 =	vld [tilespmem:s16+$0x20];
	_ =	sdelay $0x1  }
0x85: {  	v47 =	vadd.s32 v19, v33;
	_ =	sdelay $0x2  }
0x86: {  	v34 =	vmul.f32 $8.000000000e+00, v34;
	_ =	sdelay $0x1  }
0x87: {  	[tilespmem:v47+s21+$0x0] =	vst.idx.msk $0xffff, v34  }
0x88: {  	v34 =	vld [tilespmem:s16+$0x30];
	_ =	sdelay $0x1  }
0x89: {  	v33 =	vadd.s32 v20, v33;
	_ =	sdelay $0x1  }
0x8a: {  	s13 =	simm.s32 $0x5  }
0x8b: {  	v48 =	vmov s13;
	v34 =	vmul.f32 $8.000000000e+00, v34  }
0x8c: {  	v35 =	vshrl.u32 v48, $0x3  }
0x8d: {  	v49 =	vshll.u32 v35, v1;
	[tilespmem:v33+s21+$0x0] =	vst.idx.msk $0xffff, v34  }
0x8e: {  	v33 =	vbroadcast v49, $0x0;
	v34 =	vld [tilespmem:s16+$0x40];
	_ =	sdelay $0x1  }
0x8f: {  	v50 =	vadd.s32 v21, v33;
	_ =	sdelay $0x2  }
0x90: {  	v34 =	vmul.f32 $8.000000000e+00, v34;
	_ =	sdelay $0x1  }
0x91: {  	[tilespmem:v50+s21+$0x0] =	vst.idx.msk $0xffff, v34  }
0x92: {  	v34 =	vld [tilespmem:s16+$0x50];
	_ =	sdelay $0x1  }
0x93: {  	v51 =	vadd.s32 v22, v33;
	_ =	sdelay $0x2  }
0x94: {  	v34 =	vmul.f32 $8.000000000e+00, v34;
	_ =	sdelay $0x1  }
0x95: {  	[tilespmem:v51+s21+$0x0] =	vst.idx.msk $0xffff, v34  }
0x96: {  	v34 =	vld [tilespmem:s16+$0x60];
	_ =	sdelay $0x1  }
0x97: {  	v52 =	vadd.s32 v23, v33;
	_ =	sdelay $0x2  }
0x98: {  	v34 =	vmul.f32 $8.000000000e+00, v34;
	_ =	sdelay $0x1  }
0x99: {  	[tilespmem:v52+s21+$0x0] =	vst.idx.msk $0xffff, v34  }
0x9a: {  	v34 =	vld [tilespmem:s16+$0x70];
	_ =	sdelay $0x1  }
0x9b: {  	v33 =	vadd.s32 v24, v33;
	_ =	sdelay $0x1  }
0x9c: {  	s14 =	simm.s32 $0x6  }
0x9d: {  	v53 =	vmov s14;
	v34 =	vmul.f32 $8.000000000e+00, v34  }
0x9e: {  	v35 =	vshrl.u32 v53, $0x3  }
0x9f: {  	v54 =	vshll.u32 v35, v1;
	[tilespmem:v33+s21+$0x0] =	vst.idx.msk $0xffff, v34  }
0xa0: {  	v33 =	vbroadcast v54, $0x0;
	v34 =	vld [tilespmem:s16+$0x80];
	_ =	sdelay $0x1  }
0xa1: {  	v55 =	vadd.s32 v25, v33;
	_ =	sdelay $0x2  }
0xa2: {  	v34 =	vmul.f32 $8.000000000e+00, v34;
	_ =	sdelay $0x1  }
0xa3: {  	[tilespmem:v55+s21+$0x0] =	vst.idx.msk $0xffff, v34  }
0xa4: {  	v34 =	vld [tilespmem:s16+$0x90];
	_ =	sdelay $0x1  }
0xa5: {  	v56 =	vadd.s32 v26, v33;
	_ =	sdelay $0x2  }
0xa6: {  	v34 =	vmul.f32 $8.000000000e+00, v34;
	_ =	sdelay $0x1  }
0xa7: {  	[tilespmem:v56+s21+$0x0] =	vst.idx.msk $0xffff, v34  }
0xa8: {  	v34 =	vld [tilespmem:s16+$0xA0];
	_ =	sdelay $0x1  }
0xa9: {  	v57 =	vadd.s32 v27, v33;
	_ =	sdelay $0x2  }
0xaa: {  	v34 =	vmul.f32 $8.000000000e+00, v34;
	_ =	sdelay $0x1  }
0xab: {  	[tilespmem:v57+s21+$0x0] =	vst.idx.msk $0xffff, v34  }
0xac: {  	v34 =	vld [tilespmem:s16+$0xB0];
	_ =	sdelay $0x1  }
0xad: {  	v33 =	vadd.s32 v28, v33;
	_ =	sdelay $0x1  }
0xae: {  	s18 =	simm.s32 $0x7  }
0xaf: {  	v58 =	vmov s18;
	v34 =	vmul.f32 $8.000000000e+00, v34  }
0xb0: {  	v35 =	vshrl.u32 v58, $0x3  }
0xb1: {  	v59 =	vshll.u32 v35, v1;
	[tilespmem:v33+s21+$0x0] =	vst.idx.msk $0xffff, v34  }
0xb2: {  	v33 =	vbroadcast v59, $0x0;
	v34 =	vld [tilespmem:s16+$0xC0];
	_ =	sdelay $0x1  }
0xb3: {  	v60 =	vadd.s32 v29, v33;
	_ =	sdelay $0x2  }
0xb4: {  	v34 =	vmul.f32 $8.000000000e+00, v34;
	_ =	sdelay $0x1  }
0xb5: {  	[tilespmem:v60+s21+$0x0] =	vst.idx.msk $0xffff, v34  }
0xb6: {  	v34 =	vld [tilespmem:s16+$0xD0];
	_ =	sdelay $0x1  }
0xb7: {  	v61 =	vadd.s32 v30, v33;
	_ =	sdelay $0x2  }
0xb8: {  	v34 =	vmul.f32 $8.000000000e+00, v34;
	_ =	sdelay $0x1  }
0xb9: {  	[tilespmem:v61+s21+$0x0] =	vst.idx.msk $0xffff, v34  }
0xba: {  	v34 =	vld [tilespmem:s16+$0xE0];
	_ =	sdelay $0x1  }
0xbb: {  	v62 =	vadd.s32 v31, v33;
	_ =	sdelay $0x2  }
0xbc: {  	v34 =	vmul.f32 $8.000000000e+00, v34;
	_ =	sdelay $0x1  }
0xbd: {  	[tilespmem:v62+s21+$0x0] =	vst.idx.msk $0xffff, v34  }
0xbe: {  	v34 =	vld [tilespmem:s16+$0xF0];
	_ =	sdelay $0x1  }
0xbf: {  	v33 =	vadd.s32 v32, v33  }
0xc0: {  	s18 =	simm.s32 $0x8  }
0xc1: {  	v63 =	vmov s18  }
0xc2: {  	s5 =	simm.s32 $0x10;
	v35 =	vshrl.u32 v63, $0x3;
	v34 =	vmul.f32 $8.000000000e+00, v34  }
.LBB2_3:
0xc3: {  	p1 =	slt.u32 s5, $0x78  }
0xc4: {  	v35 =	vshll.u32 v35, v1;
	[tilespmem:v33+s21+$0x0] =	vst.idx.msk $0xffff, v34;
	s16 =	sadd.s32 $0x200, s16;
	s10 =	smov.u32 s5;
	s5 =	sadd.s32 $0x8, s5  }
0xc5: {  	v33 =	vld [tilespmem:s16+$0xFFFFFF00];
	v34 =	vbroadcast v35, $0x0;
	_ =	sdelay $0x1  }
0xc6: {  	v35 =	vadd.s32 v0, v34;
	_ =	sdelay $0x2  }
0xc7: {  	v33 =	vmul.f32 $8.000000000e+00, v33;
	_ =	sdelay $0x1  }
0xc8: {  	[tilespmem:v35+s21+$0x0] =	vst.idx.msk $0xffff, v33  }
0xc9: {  	v33 =	vld [tilespmem:s16+$0xFFFFFF10];
	_ =	sdelay $0x1  }
0xca: {  	v35 =	vadd.s32 v2, v34;
	_ =	sdelay $0x2  }
0xcb: {  	v33 =	vmul.f32 $8.000000000e+00, v33;
	_ =	sdelay $0x1  }
0xcc: {  	[tilespmem:v35+s21+$0x0] =	vst.idx.msk $0xffff, v33  }
0xcd: {  	v33 =	vld [tilespmem:s16+$0xFFFFFF20];
	_ =	sdelay $0x1  }
0xce: {  	v35 =	vadd.s32 v3, v34;
	_ =	sdelay $0x2  }
0xcf: {  	v33 =	vmul.f32 $8.000000000e+00, v33;
	_ =	sdelay $0x1  }
0xd0: {  	[tilespmem:v35+s21+$0x0] =	vst.idx.msk $0xffff, v33  }
0xd1: {  	v33 =	vld [tilespmem:s16+$0xFFFFFF30];
	_ =	sdelay $0x1  }
0xd2: {  	v34 =	vadd.s32 v4, v34;
	_ =	sdelay $0x1  }
0xd3: {  	s1 =	sadd.s32 $0x1, s18  }
0xd4: {  	v35 =	vmov s1;
	v33 =	vmul.f32 $8.000000000e+00, v33  }
0xd5: {  	v35 =	vshrl.u32 v35, $0x3  }
0xd6: {  	[tilespmem:v34+s21+$0x0] =	vst.idx.msk $0xffff, v33;
	v33 =	vshll.u32 v35, v1  }
0xd7: {  	v34 =	vld [tilespmem:s16+$0xFFFFFF40];
	v33 =	vbroadcast v33, $0x0;
	_ =	sdelay $0x1  }
0xd8: {  	v35 =	vadd.s32 v5, v33;
	_ =	sdelay $0x2  }
0xd9: {  	v34 =	vmul.f32 $8.000000000e+00, v34;
	_ =	sdelay $0x1  }
0xda: {  	[tilespmem:v35+s21+$0x0] =	vst.idx.msk $0xffff, v34  }
0xdb: {  	v34 =	vld [tilespmem:s16+$0xFFFFFF50];
	_ =	sdelay $0x1  }
0xdc: {  	v35 =	vadd.s32 v6, v33;
	_ =	sdelay $0x2  }
0xdd: {  	v34 =	vmul.f32 $8.000000000e+00, v34;
	_ =	sdelay $0x1  }
0xde: {  	[tilespmem:v35+s21+$0x0] =	vst.idx.msk $0xffff, v34  }
0xdf: {  	v34 =	vld [tilespmem:s16+$0xFFFFFF60];
	_ =	sdelay $0x1  }
0xe0: {  	v35 =	vadd.s32 v7, v33;
	_ =	sdelay $0x2  }
0xe1: {  	v34 =	vmul.f32 $8.000000000e+00, v34;
	_ =	sdelay $0x1  }
0xe2: {  	[tilespmem:v35+s21+$0x0] =	vst.idx.msk $0xffff, v34  }
0xe3: {  	v34 =	vld [tilespmem:s16+$0xFFFFFF70];
	_ =	sdelay $0x1  }
0xe4: {  	v33 =	vadd.s32 v8, v33;
	_ =	sdelay $0x1  }
0xe5: {  	s1 =	sadd.s32 $0x2, s18  }
0xe6: {  	v35 =	vmov s1;
	v34 =	vmul.f32 $8.000000000e+00, v34  }
0xe7: {  	v35 =	vshrl.u32 v35, $0x3  }
0xe8: {  	[tilespmem:v33+s21+$0x0] =	vst.idx.msk $0xffff, v34;
	v33 =	vshll.u32 v35, v1  }
0xe9: {  	v34 =	vld [tilespmem:s16+$0xFFFFFF80];
	v33 =	vbroadcast v33, $0x0;
	_ =	sdelay $0x1  }
0xea: {  	v35 =	vadd.s32 v9, v33;
	_ =	sdelay $0x2  }
0xeb: {  	v34 =	vmul.f32 $8.000000000e+00, v34;
	_ =	sdelay $0x1  }
0xec: {  	[tilespmem:v35+s21+$0x0] =	vst.idx.msk $0xffff, v34  }
0xed: {  	v34 =	vld [tilespmem:s16+$0xFFFFFF90];
	_ =	sdelay $0x1  }
0xee: {  	v35 =	vadd.s32 v10, v33;
	_ =	sdelay $0x2  }
0xef: {  	v34 =	vmul.f32 $8.000000000e+00, v34;
	_ =	sdelay $0x1  }
0xf0: {  	[tilespmem:v35+s21+$0x0] =	vst.idx.msk $0xffff, v34  }
0xf1: {  	v34 =	vld [tilespmem:s16+$0xFFFFFFA0];
	_ =	sdelay $0x1  }
0xf2: {  	v35 =	vadd.s32 v11, v33;
	_ =	sdelay $0x2  }
0xf3: {  	v34 =	vmul.f32 $8.000000000e+00, v34;
	_ =	sdelay $0x1  }
0xf4: {  	[tilespmem:v35+s21+$0x0] =	vst.idx.msk $0xffff, v34  }
0xf5: {  	v34 =	vld [tilespmem:s16+$0xFFFFFFB0];
	_ =	sdelay $0x1  }
0xf6: {  	v33 =	vadd.s32 v12, v33;
	_ =	sdelay $0x1  }
0xf7: {  	s1 =	sadd.s32 $0x3, s18  }
0xf8: {  	v35 =	vmov s1;
	v34 =	vmul.f32 $8.000000000e+00, v34  }
0xf9: {  	v35 =	vshrl.u32 v35, $0x3  }
0xfa: {  	[tilespmem:v33+s21+$0x0] =	vst.idx.msk $0xffff, v34;
	v33 =	vshll.u32 v35, v1  }
0xfb: {  	v34 =	vld [tilespmem:s16+$0xFFFFFFC0];
	v33 =	vbroadcast v33, $0x0;
	_ =	sdelay $0x1  }
0xfc: {  	v35 =	vadd.s32 v13, v33;
	_ =	sdelay $0x2  }
0xfd: {  	v34 =	vmul.f32 $8.000000000e+00, v34;
	_ =	sdelay $0x1  }
0xfe: {  	[tilespmem:v35+s21+$0x0] =	vst.idx.msk $0xffff, v34  }
0xff: {  	v34 =	vld [tilespmem:s16+$0xFFFFFFD0];
	_ =	sdelay $0x1  }
0x100: {  	v35 =	vadd.s32 v14, v33;
	_ =	sdelay $0x2  }
0x101: {  	v34 =	vmul.f32 $8.000000000e+00, v34;
	_ =	sdelay $0x1  }
0x102: {  	[tilespmem:v35+s21+$0x0] =	vst.idx.msk $0xffff, v34  }
0x103: {  	v34 =	vld [tilespmem:s16+$0xFFFFFFE0];
	_ =	sdelay $0x1  }
0x104: {  	v35 =	vadd.s32 v15, v33;
	_ =	sdelay $0x2  }
0x105: {  	v34 =	vmul.f32 $8.000000000e+00, v34;
	_ =	sdelay $0x1  }
0x106: {  	[tilespmem:v35+s21+$0x0] =	vst.idx.msk $0xffff, v34  }
0x107: {  	v34 =	vld [tilespmem:s16+$0xFFFFFFF0];
	_ =	sdelay $0x1  }
0x108: {  	v33 =	vadd.s32 v16, v33;
	_ =	sdelay $0x1  }
0x109: {  	s1 =	sadd.s32 $0x4, s18  }
0x10a: {  	v35 =	vmov s1;
	v34 =	vmul.f32 $8.000000000e+00, v34  }
0x10b: {  	v35 =	vshrl.u32 v35, $0x3  }
0x10c: {  	[tilespmem:v33+s21+$0x0] =	vst.idx.msk $0xffff, v34;
	v33 =	vshll.u32 v35, v1  }
0x10d: {  	v34 =	vld [tilespmem:s16+$0x0];
	v33 =	vbroadcast v33, $0x0;
	_ =	sdelay $0x1  }
0x10e: {  	v35 =	vadd.s32 v17, v33;
	_ =	sdelay $0x2  }
0x10f: {  	v34 =	vmul.f32 $8.000000000e+00, v34;
	_ =	sdelay $0x1  }
0x110: {  	[tilespmem:v35+s21+$0x0] =	vst.idx.msk $0xffff, v34  }
0x111: {  	v34 =	vld [tilespmem:s16+$0x10];
	_ =	sdelay $0x1  }
0x112: {  	v35 =	vadd.s32 v18, v33;
	_ =	sdelay $0x2  }
0x113: {  	v34 =	vmul.f32 $8.000000000e+00, v34;
	_ =	sdelay $0x1  }
0x114: {  	[tilespmem:v35+s21+$0x0] =	vst.idx.msk $0xffff, v34  }
0x115: {  	v34 =	vld [tilespmem:s16+$0x20];
	_ =	sdelay $0x1  }
0x116: {  	v35 =	vadd.s32 v19, v33;
	_ =	sdelay $0x2  }
0x117: {  	v34 =	vmul.f32 $8.000000000e+00, v34;
	_ =	sdelay $0x1  }
0x118: {  	[tilespmem:v35+s21+$0x0] =	vst.idx.msk $0xffff, v34  }
0x119: {  	v34 =	vld [tilespmem:s16+$0x30];
	_ =	sdelay $0x1  }
0x11a: {  	v33 =	vadd.s32 v20, v33;
	_ =	sdelay $0x1  }
0x11b: {  	s1 =	sadd.s32 $0x5, s18  }
0x11c: {  	v35 =	vmov s1;
	v34 =	vmul.f32 $8.000000000e+00, v34  }
0x11d: {  	v35 =	vshrl.u32 v35, $0x3  }
0x11e: {  	[tilespmem:v33+s21+$0x0] =	vst.idx.msk $0xffff, v34;
	v33 =	vshll.u32 v35, v1  }
0x11f: {  	v34 =	vld [tilespmem:s16+$0x40];
	v33 =	vbroadcast v33, $0x0;
	_ =	sdelay $0x1  }
0x120: {  	v35 =	vadd.s32 v21, v33;
	_ =	sdelay $0x2  }
0x121: {  	v34 =	vmul.f32 $8.000000000e+00, v34;
	_ =	sdelay $0x1  }
0x122: {  	[tilespmem:v35+s21+$0x0] =	vst.idx.msk $0xffff, v34  }
0x123: {  	v34 =	vld [tilespmem:s16+$0x50];
	_ =	sdelay $0x1  }
0x124: {  	v35 =	vadd.s32 v22, v33;
	_ =	sdelay $0x2  }
0x125: {  	v34 =	vmul.f32 $8.000000000e+00, v34;
	_ =	sdelay $0x1  }
0x126: {  	[tilespmem:v35+s21+$0x0] =	vst.idx.msk $0xffff, v34  }
0x127: {  	v34 =	vld [tilespmem:s16+$0x60];
	_ =	sdelay $0x1  }
0x128: {  	v35 =	vadd.s32 v23, v33;
	_ =	sdelay $0x2  }
0x129: {  	v34 =	vmul.f32 $8.000000000e+00, v34;
	_ =	sdelay $0x1  }
0x12a: {  	[tilespmem:v35+s21+$0x0] =	vst.idx.msk $0xffff, v34  }
0x12b: {  	v34 =	vld [tilespmem:s16+$0x70];
	_ =	sdelay $0x1  }
0x12c: {  	v33 =	vadd.s32 v24, v33;
	_ =	sdelay $0x1  }
0x12d: {  	s1 =	sadd.s32 $0x6, s18  }
0x12e: {  	v35 =	vmov s1;
	v34 =	vmul.f32 $8.000000000e+00, v34  }
0x12f: {  	v35 =	vshrl.u32 v35, $0x3  }
0x130: {  	[tilespmem:v33+s21+$0x0] =	vst.idx.msk $0xffff, v34;
	v33 =	vshll.u32 v35, v1  }
0x131: {  	v34 =	vld [tilespmem:s16+$0x80];
	v33 =	vbroadcast v33, $0x0;
	_ =	sdelay $0x1  }
0x132: {  	v35 =	vadd.s32 v25, v33;
	_ =	sdelay $0x2  }
0x133: {  	v34 =	vmul.f32 $8.000000000e+00, v34;
	_ =	sdelay $0x1  }
0x134: {  	[tilespmem:v35+s21+$0x0] =	vst.idx.msk $0xffff, v34  }
0x135: {  	v34 =	vld [tilespmem:s16+$0x90];
	_ =	sdelay $0x1  }
0x136: {  	v35 =	vadd.s32 v26, v33;
	_ =	sdelay $0x2  }
0x137: {  	v34 =	vmul.f32 $8.000000000e+00, v34;
	_ =	sdelay $0x1  }
0x138: {  	[tilespmem:v35+s21+$0x0] =	vst.idx.msk $0xffff, v34  }
0x139: {  	v34 =	vld [tilespmem:s16+$0xA0];
	_ =	sdelay $0x1  }
0x13a: {  	v35 =	vadd.s32 v27, v33;
	_ =	sdelay $0x2  }
0x13b: {  	v34 =	vmul.f32 $8.000000000e+00, v34;
	_ =	sdelay $0x1  }
0x13c: {  	[tilespmem:v35+s21+$0x0] =	vst.idx.msk $0xffff, v34  }
0x13d: {  	v34 =	vld [tilespmem:s16+$0xB0];
	_ =	sdelay $0x1  }
0x13e: {  	v33 =	vadd.s32 v28, v33;
	_ =	sdelay $0x1  }
0x13f: {  	s1 =	sadd.s32 $0x7, s18;
	s18 =	smov.u32 s10  }
0x140: {  	v35 =	vmov s1;
	v34 =	vmul.f32 $8.000000000e+00, v34  }
0x141: {  	v35 =	vshrl.u32 v35, $0x3  }
0x142: {  	[tilespmem:v33+s21+$0x0] =	vst.idx.msk $0xffff, v34;
	v33 =	vshll.u32 v35, v1  }
0x143: {  	v34 =	vld [tilespmem:s16+$0xC0];
	v33 =	vbroadcast v33, $0x0;
	_ =	sdelay $0x1  }
0x144: {  	v35 =	vadd.s32 v29, v33;
	_ =	sdelay $0x2  }
0x145: {  	v34 =	vmul.f32 $8.000000000e+00, v34;
	_ =	sdelay $0x1  }
0x146: {  	[tilespmem:v35+s21+$0x0] =	vst.idx.msk $0xffff, v34  }
0x147: {  	v34 =	vld [tilespmem:s16+$0xD0];
	_ =	sdelay $0x1  }
0x148: {  	v35 =	vadd.s32 v30, v33;
	_ =	sdelay $0x2  }
0x149: {  	v34 =	vmul.f32 $8.000000000e+00, v34;
	_ =	sdelay $0x1  }
0x14a: {  	[tilespmem:v35+s21+$0x0] =	vst.idx.msk $0xffff, v34  }
0x14b: {  	v34 =	vld [tilespmem:s16+$0xE0];
	_ =	sdelay $0x1  }
0x14c: {  	v35 =	vadd.s32 v31, v33;
	_ =	sdelay $0x2  }
0x14d: {  	v34 =	vmul.f32 $8.000000000e+00, v34;
	_ =	sdelay $0x1  }
0x14e: {  	[tilespmem:v35+s21+$0x0] =	vst.idx.msk $0xffff, v34  }
0x14f: {  	v34 =	vld [tilespmem:s16+$0xF0];
	_ =	sdelay $0x1  }
.Ltmp2:
0x150: {  	v33 =	vadd.s32 v32, v33;
	(pc) =	sbr.rel @p1 .LBB2_3-.Ltmp2, $3  }
0x151: {  	_ =	sdelay $0x1  }
0x152: {  	v35 =	vmov s18;
	v34 =	vmul.f32 $8.000000000e+00, v34  }
0x153: {  	v35 =	vshrl.u32 v35, $0x3  }
0x154: {  	_ =	sdelay $0x3  }
0x155: {  	v35 =	vshll.u32 v35, v1;
	[tilespmem:v33+s21+$0x0] =	vst.idx.msk $0xffff, v34;
	s5 =	sadd.s32 $0x200, s16  }
0x156: {  	v33 =	vld [tilespmem:s5+$0xFFFFFF00];
	v54 =	vbroadcast v35, $0x0;
	_ =	sdelay $0x1  }
0x157: {  	v35 =	vadd.s32 v0, v54;
	_ =	sdelay $0x2  }
0x158: {  	v33 =	vmul.f32 $8.000000000e+00, v33;
	_ =	sdelay $0x1  }
0x159: {  	[tilespmem:v35+s21+$0x0] =	vst.idx.msk $0xffff, v33  }
0x15a: {  	v33 =	vld [tilespmem:s5+$0xFFFFFF10];
	_ =	sdelay $0x1  }
0x15b: {  	v55 =	vadd.s32 v2, v54;
	_ =	sdelay $0x2  }
0x15c: {  	v33 =	vmul.f32 $8.000000000e+00, v33;
	_ =	sdelay $0x1  }
0x15d: {  	[tilespmem:v55+s21+$0x0] =	vst.idx.msk $0xffff, v33  }
0x15e: {  	v33 =	vld [tilespmem:s5+$0xFFFFFF20];
	_ =	sdelay $0x1  }
0x15f: {  	v56 =	vadd.s32 v3, v54;
	_ =	sdelay $0x2  }
0x160: {  	v33 =	vmul.f32 $8.000000000e+00, v33;
	_ =	sdelay $0x1  }
0x161: {  	[tilespmem:v56+s21+$0x0] =	vst.idx.msk $0xffff, v33  }
0x162: {  	v33 =	vld [tilespmem:s5+$0xFFFFFF30];
	_ =	sdelay $0x1  }
0x163: {  	v34 =	vadd.s32 v4, v54;
	_ =	sdelay $0x1  }
0x164: {  	s1 =	sadd.s32 $0x1, s18  }
0x165: {  	v57 =	vmov s1;
	v33 =	vmul.f32 $8.000000000e+00, v33  }
0x166: {  	v35 =	vshrl.u32 v57, $0x3  }
0x167: {  	v58 =	vshll.u32 v35, v1;
	[tilespmem:v34+s21+$0x0] =	vst.idx.msk $0xffff, v33  }
0x168: {  	v33 =	vbroadcast v58, $0x0;
	v34 =	vld [tilespmem:s5+$0xFFFFFF40];
	_ =	sdelay $0x1  }
0x169: {  	v59 =	vadd.s32 v5, v33;
	_ =	sdelay $0x2  }
0x16a: {  	v34 =	vmul.f32 $8.000000000e+00, v34;
	_ =	sdelay $0x1  }
0x16b: {  	[tilespmem:v59+s21+$0x0] =	vst.idx.msk $0xffff, v34  }
0x16c: {  	v34 =	vld [tilespmem:s5+$0xFFFFFF50];
	_ =	sdelay $0x1  }
0x16d: {  	v60 =	vadd.s32 v6, v33;
	_ =	sdelay $0x2  }
0x16e: {  	v34 =	vmul.f32 $8.000000000e+00, v34;
	_ =	sdelay $0x1  }
0x16f: {  	[tilespmem:v60+s21+$0x0] =	vst.idx.msk $0xffff, v34  }
0x170: {  	v34 =	vld [tilespmem:s5+$0xFFFFFF60];
	_ =	sdelay $0x1  }
0x171: {  	v61 =	vadd.s32 v7, v33;
	_ =	sdelay $0x2  }
0x172: {  	v34 =	vmul.f32 $8.000000000e+00, v34;
	_ =	sdelay $0x1  }
0x173: {  	[tilespmem:v61+s21+$0x0] =	vst.idx.msk $0xffff, v34  }
0x174: {  	v34 =	vld [tilespmem:s5+$0xFFFFFF70];
	_ =	sdelay $0x1  }
0x175: {  	v33 =	vadd.s32 v8, v33;
	_ =	sdelay $0x1  }
0x176: {  	s0 =	sadd.s32 $0x2, s18  }
0x177: {  	v62 =	vmov s0;
	v34 =	vmul.f32 $8.000000000e+00, v34  }
0x178: {  	v35 =	vshrl.u32 v62, $0x3  }
0x179: {  	v63 =	vshll.u32 v35, v1;
	[tilespmem:v33+s21+$0x0] =	vst.idx.msk $0xffff, v34  }
0x17a: {  	v33 =	vbroadcast v63, $0x0;
	v34 =	vld [tilespmem:s5+$0xFFFFFF80];
	_ =	sdelay $0x1  }
0x17b: {  	v36 =	vadd.s32 v9, v33;
	_ =	sdelay $0x2  }
0x17c: {  	v34 =	vmul.f32 $8.000000000e+00, v34;
	_ =	sdelay $0x1  }
0x17d: {  	[tilespmem:v36+s21+$0x0] =	vst.idx.msk $0xffff, v34  }
0x17e: {  	v34 =	vld [tilespmem:s5+$0xFFFFFF90];
	_ =	sdelay $0x1  }
0x17f: {  	v37 =	vadd.s32 v10, v33;
	_ =	sdelay $0x2  }
0x180: {  	v34 =	vmul.f32 $8.000000000e+00, v34;
	_ =	sdelay $0x1  }
0x181: {  	[tilespmem:v37+s21+$0x0] =	vst.idx.msk $0xffff, v34  }
0x182: {  	v34 =	vld [tilespmem:s5+$0xFFFFFFA0];
	_ =	sdelay $0x1  }
0x183: {  	v38 =	vadd.s32 v11, v33;
	_ =	sdelay $0x2  }
0x184: {  	v34 =	vmul.f32 $8.000000000e+00, v34;
	_ =	sdelay $0x1  }
0x185: {  	[tilespmem:v38+s21+$0x0] =	vst.idx.msk $0xffff, v34  }
0x186: {  	v34 =	vld [tilespmem:s5+$0xFFFFFFB0];
	_ =	sdelay $0x1  }
0x187: {  	v33 =	vadd.s32 v12, v33;
	_ =	sdelay $0x1  }
0x188: {  	s10 =	sadd.s32 $0x3, s18  }
0x189: {  	v39 =	vmov s10;
	v34 =	vmul.f32 $8.000000000e+00, v34  }
0x18a: {  	v35 =	vshrl.u32 v39, $0x3  }
0x18b: {  	v40 =	vshll.u32 v35, v1;
	[tilespmem:v33+s21+$0x0] =	vst.idx.msk $0xffff, v34  }
0x18c: {  	v33 =	vbroadcast v40, $0x0;
	v34 =	vld [tilespmem:s5+$0xFFFFFFC0];
	_ =	sdelay $0x1  }
0x18d: {  	v41 =	vadd.s32 v13, v33;
	_ =	sdelay $0x2  }
0x18e: {  	v34 =	vmul.f32 $8.000000000e+00, v34;
	_ =	sdelay $0x1  }
0x18f: {  	[tilespmem:v41+s21+$0x0] =	vst.idx.msk $0xffff, v34  }
0x190: {  	v34 =	vld [tilespmem:s5+$0xFFFFFFD0];
	_ =	sdelay $0x1  }
0x191: {  	v42 =	vadd.s32 v14, v33;
	_ =	sdelay $0x2  }
0x192: {  	v34 =	vmul.f32 $8.000000000e+00, v34;
	_ =	sdelay $0x1  }
0x193: {  	[tilespmem:v42+s21+$0x0] =	vst.idx.msk $0xffff, v34  }
0x194: {  	v34 =	vld [tilespmem:s5+$0xFFFFFFE0];
	_ =	sdelay $0x1  }
0x195: {  	v43 =	vadd.s32 v15, v33;
	_ =	sdelay $0x2  }
0x196: {  	v34 =	vmul.f32 $8.000000000e+00, v34;
	_ =	sdelay $0x1  }
0x197: {  	[tilespmem:v43+s21+$0x0] =	vst.idx.msk $0xffff, v34  }
0x198: {  	v34 =	vld [tilespmem:s5+$0xFFFFFFF0];
	_ =	sdelay $0x1  }
0x199: {  	v33 =	vadd.s32 v16, v33;
	_ =	sdelay $0x1  }
0x19a: {  	s13 =	sadd.s32 $0x4, s18  }
0x19b: {  	v44 =	vmov s13;
	v34 =	vmul.f32 $8.000000000e+00, v34  }
0x19c: {  	v35 =	vshrl.u32 v44, $0x3  }
0x19d: {  	v45 =	vshll.u32 v35, v1;
	[tilespmem:v33+s21+$0x0] =	vst.idx.msk $0xffff, v34  }
0x19e: {  	v33 =	vbroadcast v45, $0x0;
	v34 =	vld [tilespmem:s5+$0x0];
	_ =	sdelay $0x1  }
0x19f: {  	v46 =	vadd.s32 v17, v33;
	_ =	sdelay $0x2  }
0x1a0: {  	v34 =	vmul.f32 $8.000000000e+00, v34;
	_ =	sdelay $0x1  }
0x1a1: {  	[tilespmem:v46+s21+$0x0] =	vst.idx.msk $0xffff, v34  }
0x1a2: {  	v34 =	vld [tilespmem:s5+$0x10];
	_ =	sdelay $0x1  }
0x1a3: {  	v47 =	vadd.s32 v18, v33;
	_ =	sdelay $0x2  }
0x1a4: {  	v34 =	vmul.f32 $8.000000000e+00, v34;
	_ =	sdelay $0x1  }
0x1a5: {  	[tilespmem:v47+s21+$0x0] =	vst.idx.msk $0xffff, v34  }
0x1a6: {  	v34 =	vld [tilespmem:s5+$0x20];
	_ =	sdelay $0x1  }
0x1a7: {  	v48 =	vadd.s32 v19, v33;
	_ =	sdelay $0x2  }
0x1a8: {  	v34 =	vmul.f32 $8.000000000e+00, v34;
	_ =	sdelay $0x1  }
0x1a9: {  	[tilespmem:v48+s21+$0x0] =	vst.idx.msk $0xffff, v34  }
0x1aa: {  	v34 =	vld [tilespmem:s5+$0x30];
	_ =	sdelay $0x1  }
0x1ab: {  	v33 =	vadd.s32 v20, v33;
	_ =	sdelay $0x1  }
0x1ac: {  	s14 =	sadd.s32 $0x5, s18  }
0x1ad: {  	v49 =	vmov s14;
	v34 =	vmul.f32 $8.000000000e+00, v34  }
0x1ae: {  	v35 =	vshrl.u32 v49, $0x3  }
0x1af: {  	v50 =	vshll.u32 v35, v1;
	[tilespmem:v33+s21+$0x0] =	vst.idx.msk $0xffff, v34  }
0x1b0: {  	v33 =	vbroadcast v50, $0x0;
	v34 =	vld [tilespmem:s5+$0x40];
	_ =	sdelay $0x1  }
0x1b1: {  	v51 =	vadd.s32 v21, v33;
	_ =	sdelay $0x2  }
0x1b2: {  	v34 =	vmul.f32 $8.000000000e+00, v34;
	_ =	sdelay $0x1  }
0x1b3: {  	[tilespmem:v51+s21+$0x0] =	vst.idx.msk $0xffff, v34  }
0x1b4: {  	v34 =	vld [tilespmem:s5+$0x50];
	_ =	sdelay $0x1  }
0x1b5: {  	v52 =	vadd.s32 v22, v33;
	_ =	sdelay $0x2  }
0x1b6: {  	v34 =	vmul.f32 $8.000000000e+00, v34;
	_ =	sdelay $0x1  }
0x1b7: {  	[tilespmem:v52+s21+$0x0] =	vst.idx.msk $0xffff, v34  }
0x1b8: {  	v34 =	vld [tilespmem:s5+$0x60];
	_ =	sdelay $0x1  }
0x1b9: {  	v53 =	vadd.s32 v23, v33;
	_ =	sdelay $0x2  }
0x1ba: {  	v34 =	vmul.f32 $8.000000000e+00, v34;
	_ =	sdelay $0x1  }
0x1bb: {  	[tilespmem:v53+s21+$0x0] =	vst.idx.msk $0xffff, v34  }
0x1bc: {  	v34 =	vld [tilespmem:s5+$0x70];
	_ =	sdelay $0x1  }
0x1bd: {  	v33 =	vadd.s32 v24, v33;
	_ =	sdelay $0x1  }
0x1be: {  	s16 =	sadd.s32 $0x6, s18  }
0x1bf: {  	v54 =	vmov s16;
	v34 =	vmul.f32 $8.000000000e+00, v34  }
0x1c0: {  	v35 =	vshrl.u32 v54, $0x3  }
0x1c1: {  	v55 =	vshll.u32 v35, v1;
	[tilespmem:v33+s21+$0x0] =	vst.idx.msk $0xffff, v34  }
0x1c2: {  	v33 =	vbroadcast v55, $0x0;
	v34 =	vld [tilespmem:s5+$0x80];
	_ =	sdelay $0x1  }
0x1c3: {  	v56 =	vadd.s32 v25, v33;
	_ =	sdelay $0x2  }
0x1c4: {  	v34 =	vmul.f32 $8.000000000e+00, v34;
	_ =	sdelay $0x1  }
0x1c5: {  	[tilespmem:v56+s21+$0x0] =	vst.idx.msk $0xffff, v34  }
0x1c6: {  	v34 =	vld [tilespmem:s5+$0x90];
	_ =	sdelay $0x1  }
0x1c7: {  	v57 =	vadd.s32 v26, v33;
	_ =	sdelay $0x2  }
0x1c8: {  	v34 =	vmul.f32 $8.000000000e+00, v34;
	_ =	sdelay $0x1  }
0x1c9: {  	[tilespmem:v57+s21+$0x0] =	vst.idx.msk $0xffff, v34  }
0x1ca: {  	v34 =	vld [tilespmem:s5+$0xA0];
	_ =	sdelay $0x1  }
0x1cb: {  	v58 =	vadd.s32 v27, v33;
	_ =	sdelay $0x2  }
0x1cc: {  	v34 =	vmul.f32 $8.000000000e+00, v34;
	_ =	sdelay $0x1  }
0x1cd: {  	[tilespmem:v58+s21+$0x0] =	vst.idx.msk $0xffff, v34  }
0x1ce: {  	v34 =	vld [tilespmem:s5+$0xB0];
	_ =	sdelay $0x1  }
0x1cf: {  	v33 =	vadd.s32 v28, v33;
	_ =	sdelay $0x1  }
0x1d0: {  	s18 =	sadd.s32 $0x7, s18  }
0x1d1: {  	v59 =	vmov s18;
	v34 =	vmul.f32 $8.000000000e+00, v34  }
0x1d2: {  	v35 =	vshrl.u32 v59, $0x3  }
0x1d3: {  	v60 =	vshll.u32 v35, v1;
	[tilespmem:v33+s21+$0x0] =	vst.idx.msk $0xffff, v34  }
0x1d4: {  	v33 =	vbroadcast v60, $0x0;
	v34 =	vld [tilespmem:s5+$0xC0];
	_ =	sdelay $0x1  }
0x1d5: {  	v61 =	vadd.s32 v29, v33;
	_ =	sdelay $0x2  }
0x1d6: {  	v34 =	vmul.f32 $8.000000000e+00, v34;
	_ =	sdelay $0x1  }
0x1d7: {  	[tilespmem:v61+s21+$0x0] =	vst.idx.msk $0xffff, v34  }
0x1d8: {  	v34 =	vld [tilespmem:s5+$0xD0];
	_ =	sdelay $0x1  }
0x1d9: {  	v62 =	vadd.s32 v30, v33;
	_ =	sdelay $0x2  }
0x1da: {  	v34 =	vmul.f32 $8.000000000e+00, v34;
	_ =	sdelay $0x1  }
0x1db: {  	[tilespmem:v62+s21+$0x0] =	vst.idx.msk $0xffff, v34  }
0x1dc: {  	v34 =	vld [tilespmem:s5+$0xE0];
	_ =	sdelay $0x1  }
0x1dd: {  	v63 =	vadd.s32 v31, v33;
	_ =	sdelay $0x2  }
0x1de: {  	v34 =	vmul.f32 $8.000000000e+00, v34;
	_ =	sdelay $0x1  }
0x1df: {  	[tilespmem:v63+s21+$0x0] =	vst.idx.msk $0xffff, v34  }
0x1e0: {  	v34 =	vld [tilespmem:s5+$0xF0];
	_ =	sdelay $0x1  }
0x1e1: {  	v33 =	vadd.s32 v32, v33;
	_ =	sdelay $0x2  }
0x1e2: {  	s0 =	sshll.u32 s12, $0x11;
	v34 =	vmul.f32 $8.000000000e+00, v34  }
0x1e3: {  	s16 =	sor.u32 s6, s0  }
0x1e4: {  	s10 =	sadd.s32 s2, s16;
	s5 =	simm.s32 $0xE400;
	[tilespmem:v33+s21+$0x0] =	vst.idx.msk $0xffff, v34  }
0x1e5: {  	[hbm4b:s10+s3] =	stream.linear.scatter [tilespmem:s5], [sflag:$0x5], $0x80, $0x38;
	[tilespmem:$0x17400] =	vst v63  }
0x1e6: {  	s13 =	simm.s32 $0xE490;
	s14 =	sadd.s32 $0x10, s10  }
0x1e7: {  	[hbm4b:s14+s3] =	stream.linear.scatter [tilespmem:s13], [sflag:$0x5], $0x80, $0x38;
	[tilespmem:$0x17400] =	vst v63  }
0x1e8: {  	s0 =	sadd.s32 $0x20, s10;
	s18 =	simm.s32 $0xE520  }
0x1e9: {  	[hbm4b:s0+s3] =	stream.linear.scatter [tilespmem:s18], [sflag:$0x5], $0x80, $0x38;
	[tilespmem:$0x17400] =	vst v63  }
0x1ea: {  	s13 =	simm.s32 $0xE5B0;
	s14 =	sadd.s32 $0x30, s10  }
0x1eb: {  	[hbm4b:s14+s3] =	stream.linear.scatter [tilespmem:s13], [sflag:$0x5], $0x80, $0x38;
	[tilespmem:$0x17400] =	vst v63  }
0x1ec: {  	s18 =	simm.s32 $0xE640;
	s0 =	sadd.s32 $0x40, s10  }
0x1ed: {  	[hbm4b:s0+s3] =	stream.linear.scatter [tilespmem:s18], [sflag:$0x5], $0x80, $0x38;
	[tilespmem:$0x17400] =	vst v63  }
0x1ee: {  	s1 =	sadd.s32 $0x70, s10;
	s5 =	simm.s32 $0xE6D0;
	s13 =	sadd.s32 $0x50, s10  }
0x1ef: {  	[hbm4b:s13+s3] =	stream.linear.scatter [tilespmem:s5], [sflag:$0x5], $0x80, $0x38;
	[tilespmem:$0x17400] =	vst v63  }
0x1f0: {  	s14 =	simm.s32 $0xE760;
	s18 =	sadd.s32 $0x60, s10;
	s10 =	sadd.s32 $0x1000, s10  }
0x1f1: {  	[hbm4b:s18+s3] =	stream.linear.scatter [tilespmem:s14], [sflag:$0x5], $0x80, $0x38;
	[tilespmem:$0x17400] =	vst v63  }
0x1f2: {  	s5 =	simm.s32 $0x480;
	s13 =	simm.s32 $0x2400;
	s18 =	simm.s32 $0xE7F0  }
.LBB2_5:
0x1f3: {  	[hbm4b:s1+s3] =	stream.linear.scatter [tilespmem:s18], [sflag:$0x5], $0x80, $0x38;
	[tilespmem:$0x17400] =	vst v63  }
0x1f4: {  	s1 =	smov.u32 s5;
	s5 =	smov.u32 s13  }
0x1f5: {  	s0 =	sadd.s32 $0x1200, s13;
	s5 =	sshra.s32 s5, $0x2;
	s18 =	sadd.s32 $0xE400, s1  }
0x1f6: {  	[hbm4b:s10+s3] =	stream.linear.scatter [tilespmem:s18], [sflag:$0x5], $0x80, $0x38;
	[tilespmem:$0x17400] =	vst v63  }
0x1f7: {  	p1 =	sne.s32 s13, $0x7E00;
	s13 =	sadd.s32 $0xE490, s1;
	s18 =	sadd.s32 $0x10, s10  }
0x1f8: {  	[hbm4b:s18+s3] =	stream.linear.scatter [tilespmem:s13], [sflag:$0x5], $0x80, $0x38;
	[tilespmem:$0x17400] =	vst v63  }
0x1f9: {  	s13 =	sadd.s32 $0xE520, s1;
	s18 =	sadd.s32 $0x20, s10  }
0x1fa: {  	[hbm4b:s18+s3] =	stream.linear.scatter [tilespmem:s13], [sflag:$0x5], $0x80, $0x38;
	[tilespmem:$0x17400] =	vst v63  }
0x1fb: {  	s13 =	sadd.s32 $0xE5B0, s1;
	s18 =	sadd.s32 $0x30, s10  }
0x1fc: {  	[hbm4b:s18+s3] =	stream.linear.scatter [tilespmem:s13], [sflag:$0x5], $0x80, $0x38;
	[tilespmem:$0x17400] =	vst v63  }
0x1fd: {  	s13 =	sadd.s32 $0xE640, s1;
	s18 =	sadd.s32 $0x40, s10  }
0x1fe: {  	[hbm4b:s18+s3] =	stream.linear.scatter [tilespmem:s13], [sflag:$0x5], $0x80, $0x38;
	[tilespmem:$0x17400] =	vst v63  }
0x1ff: {  	s13 =	sadd.s32 $0xE6D0, s1;
	s18 =	sadd.s32 $0x50, s10  }
0x200: {  	[hbm4b:s18+s3] =	stream.linear.scatter [tilespmem:s13], [sflag:$0x5], $0x80, $0x38;
	[tilespmem:$0x17400] =	vst v63  }
.Ltmp3:
0x201: {  	_ = 	snop;
	(pc) =	sbr.rel @p1 .LBB2_5-.Ltmp3, $4  }
0x202: {  	s13 =	sadd.s32 $0xE760, s1;
	s18 =	sadd.s32 $0x60, s10  }
0x203: {  	[hbm4b:s18+s3] =	stream.linear.scatter [tilespmem:s13], [sflag:$0x5], $0x80, $0x38;
	[tilespmem:$0x17400] =	vst v63  }
0x204: {  	s18 =	sadd.s32 $0xE7F0, s1  }
0x205: {  	s1 =	sadd.s32 $0x70, s10;
	s10 =	sadd.s32 $0x1000, s10;
	s13 =	smov.u32 s0  }
0x206: {  	[hbm4b:s1+s3] =	stream.linear.scatter [tilespmem:s18], [sflag:$0x5], $0x80, $0x38;
	[tilespmem:$0x17400] =	vst v63  }
0x207: {  	s0 =	sadd.s32 $0xE400, s5  }
0x208: {  	[hbm4b:s10+s3] =	stream.linear.scatter [tilespmem:s0], [sflag:$0x5], $0x80, $0x38;
	[tilespmem:$0x17400] =	vst v63  }
0x209: {  	s14 =	sadd.s32 $0xE490, s5;
	s18 =	sadd.s32 $0x10, s10  }
0x20a: {  	[hbm4b:s18+s3] =	stream.linear.scatter [tilespmem:s14], [sflag:$0x5], $0x80, $0x38;
	[tilespmem:$0x17400] =	vst v63  }
0x20b: {  	s1 =	sadd.s32 $0xE520, s5;
	s13 =	sadd.s32 $0x20, s10  }
0x20c: {  	[hbm4b:s13+s3] =	stream.linear.scatter [tilespmem:s1], [sflag:$0x5], $0x80, $0x38;
	[tilespmem:$0x17400] =	vst v63  }
0x20d: {  	s14 =	sadd.s32 $0xE5B0, s5;
	s18 =	sadd.s32 $0x30, s10  }
0x20e: {  	[hbm4b:s18+s3] =	stream.linear.scatter [tilespmem:s14], [sflag:$0x5], $0x80, $0x38;
	[tilespmem:$0x17400] =	vst v63  }
0x20f: {  	s1 =	sadd.s32 $0xE640, s5;
	s13 =	sadd.s32 $0x40, s10  }
0x210: {  	[hbm4b:s13+s3] =	stream.linear.scatter [tilespmem:s1], [sflag:$0x5], $0x80, $0x38;
	[tilespmem:$0x17400] =	vst v63  }
0x211: {  	p1 =	sne.s32 s12, $0x31;
	s14 =	sadd.s32 $0xE6D0, s5;
	s18 =	sadd.s32 $0x50, s10  }
0x212: {  	[hbm4b:s18+s3] =	stream.linear.scatter [tilespmem:s14], [sflag:$0x5], $0x80, $0x38;
	[tilespmem:$0x17400] =	vst v63  }
.Ltmp4:
0x213: {  	_ = 	snop;
	(pc) =	sbr.rel @p1 .LBB2_8-.Ltmp4, $4  }
0x214: {  	s1 =	sadd.s32 $0xE760, s5;
	s13 =	sadd.s32 $0x60, s10  }
0x215: {  	[hbm4b:s13+s3] =	stream.linear.scatter [tilespmem:s1], [sflag:$0x5], $0x80, $0x38;
	[tilespmem:$0x17400] =	vst v63  }
0x216: {  	s14 =	sadd.s32 $0xE7F0, s5;
	s18 =	sadd.s32 $0x70, s10  }
0x217: {  	[hbm4b:s18+s3] =	stream.linear.scatter [tilespmem:s14], [sflag:$0x5], $0x80, $0x38;
	[tilespmem:$0x17400] =	vst v63  }
.Ltmp5:
0x218: {  	(pc) =	sbr.rel .LBB2_9-.Ltmp5, $4  }
0x219: {  	_ = 	snop  }
0x21a: {  	_ =	swait.ge [sflag:s22], $0x2000  }
0x21b: {  	[sflag:s22] =	ssyncset.done $0x0  }
0x21c: {  	[sflag:s22] =	ssyncadd.s32 $0xFFFFE000  }
.LBB2_8:
0x21d: {  	s0 =	sshll.u32 s12, $0x9  }
0x21e: {  	s0 =	sand.u32 $0x3FFFFE00, s0  }
.Ltmp6:
0x21f: {  	s1 =	simm.s32 $0x6400;
	s0 =	sadd.s32 $0x200, s0;
	(pc) =	sbr.rel @p0 .LBB2_10-.Ltmp6, $4  }
0x220: {  	[tilespmem:s1], [sflag:$0x1] =	stream.indirect.gather [hbm4b:s4+s11], $0x40, s0, s11, $0xb8;
	[tilespmem:$0x17400] =	vst v63  }
0x221: {  	_ =	swait.ge [sflag:s22], $0x2000  }
0x222: {  	[sflag:s22] =	ssyncset.done $0x0  }
0x223: {  	[sflag:s22] =	ssyncadd.s32 $0xFFFFE000  }
.LBB2_9:
0x224: {  	_ =	swait.ge [sflag:s23], $0x2000  }
0x225: {  	[sflag:s23] =	ssyncset.done $0x0  }
0x226: {  	[sflag:s23] =	ssyncadd.s32 $0xFFFFE000  }
.LBB2_10:
0x227: {  	s0 =	simm.s32 $0x0  }
0x228: {  	v33 =	vmov s0  }
0x229: {  	v33 =	vshrl.u32 v33, $0x3  }
0x22a: {  	s18 =	simm.s32 $0x85F0;
	v33 =	vshll.u32 v33, v1  }
0x22b: {  	v34 =	vld [tilespmem:s18+$0xFFFFFE10];
	v33 =	vbroadcast v33, $0x0;
	_ =	sdelay $0x1  }
0x22c: {  	v35 =	vadd.s32 v0, v33;
	_ =	sdelay $0x2  }
0x22d: {  	v34 =	vmul.f32 $8.000000000e+00, v34;
	_ =	sdelay $0x1  }
0x22e: {  	[tilespmem:v35+s24+$0x0] =	vst.idx.msk $0xffff, v34  }
0x22f: {  	v34 =	vld [tilespmem:s18+$0xFFFFFE20];
	_ =	sdelay $0x1  }
0x230: {  	v54 =	vadd.s32 v2, v33;
	_ =	sdelay $0x2  }
0x231: {  	v34 =	vmul.f32 $8.000000000e+00, v34;
	_ =	sdelay $0x1  }
0x232: {  	[tilespmem:v54+s24+$0x0] =	vst.idx.msk $0xffff, v34  }
0x233: {  	v34 =	vld [tilespmem:s18+$0xFFFFFE30];
	_ =	sdelay $0x1  }
0x234: {  	v55 =	vadd.s32 v3, v33;
	_ =	sdelay $0x2  }
0x235: {  	v34 =	vmul.f32 $8.000000000e+00, v34;
	_ =	sdelay $0x1  }
0x236: {  	[tilespmem:v55+s24+$0x0] =	vst.idx.msk $0xffff, v34  }
0x237: {  	v34 =	vld [tilespmem:s18+$0xFFFFFE40];
	_ =	sdelay $0x1  }
0x238: {  	v33 =	vadd.s32 v4, v33;
	_ =	sdelay $0x1  }
0x239: {  	s13 =	simm.s32 $0x1  }
0x23a: {  	v56 =	vmov s13;
	v34 =	vmul.f32 $8.000000000e+00, v34  }
0x23b: {  	v35 =	vshrl.u32 v56, $0x3  }
0x23c: {  	v57 =	vshll.u32 v35, v1;
	[tilespmem:v33+s24+$0x0] =	vst.idx.msk $0xffff, v34  }
0x23d: {  	v33 =	vbroadcast v57, $0x0;
	v34 =	vld [tilespmem:s18+$0xFFFFFE50];
	_ =	sdelay $0x1  }
0x23e: {  	v58 =	vadd.s32 v5, v33;
	_ =	sdelay $0x2  }
0x23f: {  	v34 =	vmul.f32 $8.000000000e+00, v34;
	_ =	sdelay $0x1  }
0x240: {  	[tilespmem:v58+s24+$0x0] =	vst.idx.msk $0xffff, v34  }
0x241: {  	v34 =	vld [tilespmem:s18+$0xFFFFFE60];
	_ =	sdelay $0x1  }
0x242: {  	v59 =	vadd.s32 v6, v33;
	_ =	sdelay $0x2  }
0x243: {  	v34 =	vmul.f32 $8.000000000e+00, v34;
	_ =	sdelay $0x1  }
0x244: {  	[tilespmem:v59+s24+$0x0] =	vst.idx.msk $0xffff, v34  }
0x245: {  	v34 =	vld [tilespmem:s18+$0xFFFFFE70];
	_ =	sdelay $0x1  }
0x246: {  	v60 =	vadd.s32 v7, v33;
	_ =	sdelay $0x2  }
0x247: {  	v34 =	vmul.f32 $8.000000000e+00, v34;
	_ =	sdelay $0x1  }
0x248: {  	[tilespmem:v60+s24+$0x0] =	vst.idx.msk $0xffff, v34  }
0x249: {  	v34 =	vld [tilespmem:s18+$0xFFFFFE80];
	_ =	sdelay $0x1  }
0x24a: {  	v33 =	vadd.s32 v8, v33;
	_ =	sdelay $0x1  }
0x24b: {  	s14 =	simm.s32 $0x2  }
0x24c: {  	v61 =	vmov s14;
	v34 =	vmul.f32 $8.000000000e+00, v34  }
0x24d: {  	v35 =	vshrl.u32 v61, $0x3  }
0x24e: {  	v62 =	vshll.u32 v35, v1;
	[tilespmem:v33+s24+$0x0] =	vst.idx.msk $0xffff, v34  }
0x24f: {  	v33 =	vbroadcast v62, $0x0;
	v34 =	vld [tilespmem:s18+$0xFFFFFE90];
	_ =	sdelay $0x1  }
0x250: {  	v63 =	vadd.s32 v9, v33;
	_ =	sdelay $0x2  }
0x251: {  	v34 =	vmul.f32 $8.000000000e+00, v34;
	_ =	sdelay $0x1  }
0x252: {  	[tilespmem:v63+s24+$0x0] =	vst.idx.msk $0xffff, v34  }
0x253: {  	v34 =	vld [tilespmem:s18+$0xFFFFFEA0];
	_ =	sdelay $0x1  }
0x254: {  	v36 =	vadd.s32 v10, v33;
	_ =	sdelay $0x2  }
0x255: {  	v34 =	vmul.f32 $8.000000000e+00, v34;
	_ =	sdelay $0x1  }
0x256: {  	[tilespmem:v36+s24+$0x0] =	vst.idx.msk $0xffff, v34  }
0x257: {  	v34 =	vld [tilespmem:s18+$0xFFFFFEB0];
	_ =	sdelay $0x1  }
0x258: {  	v37 =	vadd.s32 v11, v33;
	_ =	sdelay $0x2  }
0x259: {  	v34 =	vmul.f32 $8.000000000e+00, v34;
	_ =	sdelay $0x1  }
0x25a: {  	[tilespmem:v37+s24+$0x0] =	vst.idx.msk $0xffff, v34  }
0x25b: {  	v34 =	vld [tilespmem:s18+$0xFFFFFEC0];
	_ =	sdelay $0x1  }
0x25c: {  	v33 =	vadd.s32 v12, v33;
	_ =	sdelay $0x1  }
0x25d: {  	s1 =	simm.s32 $0x3  }
0x25e: {  	v38 =	vmov s1;
	v34 =	vmul.f32 $8.000000000e+00, v34  }
0x25f: {  	v35 =	vshrl.u32 v38, $0x3  }
0x260: {  	v39 =	vshll.u32 v35, v1;
	[tilespmem:v33+s24+$0x0] =	vst.idx.msk $0xffff, v34  }
0x261: {  	v33 =	vbroadcast v39, $0x0;
	v34 =	vld [tilespmem:s18+$0xFFFFFED0];
	_ =	sdelay $0x1  }
0x262: {  	v40 =	vadd.s32 v13, v33;
	_ =	sdelay $0x2  }
0x263: {  	v34 =	vmul.f32 $8.000000000e+00, v34;
	_ =	sdelay $0x1  }
0x264: {  	[tilespmem:v40+s24+$0x0] =	vst.idx.msk $0xffff, v34  }
0x265: {  	v34 =	vld [tilespmem:s18+$0xFFFFFEE0];
	_ =	sdelay $0x1  }
0x266: {  	v41 =	vadd.s32 v14, v33;
	_ =	sdelay $0x2  }
0x267: {  	v34 =	vmul.f32 $8.000000000e+00, v34;
	_ =	sdelay $0x1  }
0x268: {  	[tilespmem:v41+s24+$0x0] =	vst.idx.msk $0xffff, v34  }
0x269: {  	v34 =	vld [tilespmem:s18+$0xFFFFFEF0];
	_ =	sdelay $0x1  }
0x26a: {  	v42 =	vadd.s32 v15, v33;
	_ =	sdelay $0x2  }
0x26b: {  	v34 =	vmul.f32 $8.000000000e+00, v34;
	_ =	sdelay $0x1  }
0x26c: {  	[tilespmem:v42+s24+$0x0] =	vst.idx.msk $0xffff, v34  }
0x26d: {  	v34 =	vld [tilespmem:s18+$0xFFFFFF00];
	_ =	sdelay $0x1  }
0x26e: {  	v33 =	vadd.s32 v16, v33;
	_ =	sdelay $0x1  }
0x26f: {  	s5 =	simm.s32 $0x4  }
0x270: {  	v43 =	vmov s5;
	v34 =	vmul.f32 $8.000000000e+00, v34  }
0x271: {  	v35 =	vshrl.u32 v43, $0x3  }
0x272: {  	v44 =	vshll.u32 v35, v1;
	[tilespmem:v33+s24+$0x0] =	vst.idx.msk $0xffff, v34  }
0x273: {  	v33 =	vbroadcast v44, $0x0;
	v34 =	vld [tilespmem:s18+$0xFFFFFF10];
	_ =	sdelay $0x1  }
0x274: {  	v45 =	vadd.s32 v17, v33;
	_ =	sdelay $0x2  }
0x275: {  	v34 =	vmul.f32 $8.000000000e+00, v34;
	_ =	sdelay $0x1  }
0x276: {  	[tilespmem:v45+s24+$0x0] =	vst.idx.msk $0xffff, v34  }
0x277: {  	v34 =	vld [tilespmem:s18+$0xFFFFFF20];
	_ =	sdelay $0x1  }
0x278: {  	v46 =	vadd.s32 v18, v33;
	_ =	sdelay $0x2  }
0x279: {  	v34 =	vmul.f32 $8.000000000e+00, v34;
	_ =	sdelay $0x1  }
0x27a: {  	[tilespmem:v46+s24+$0x0] =	vst.idx.msk $0xffff, v34  }
0x27b: {  	v34 =	vld [tilespmem:s18+$0xFFFFFF30];
	_ =	sdelay $0x1  }
0x27c: {  	v47 =	vadd.s32 v19, v33;
	_ =	sdelay $0x2  }
0x27d: {  	v34 =	vmul.f32 $8.000000000e+00, v34;
	_ =	sdelay $0x1  }
0x27e: {  	[tilespmem:v47+s24+$0x0] =	vst.idx.msk $0xffff, v34  }
0x27f: {  	v34 =	vld [tilespmem:s18+$0xFFFFFF40];
	_ =	sdelay $0x1  }
0x280: {  	v33 =	vadd.s32 v20, v33;
	_ =	sdelay $0x1  }
0x281: {  	s10 =	simm.s32 $0x5  }
0x282: {  	v48 =	vmov s10;
	v34 =	vmul.f32 $8.000000000e+00, v34  }
0x283: {  	v35 =	vshrl.u32 v48, $0x3  }
0x284: {  	v49 =	vshll.u32 v35, v1;
	[tilespmem:v33+s24+$0x0] =	vst.idx.msk $0xffff, v34  }
0x285: {  	v33 =	vbroadcast v49, $0x0;
	v34 =	vld [tilespmem:s18+$0xFFFFFF50];
	_ =	sdelay $0x1  }
0x286: {  	v50 =	vadd.s32 v21, v33;
	_ =	sdelay $0x2  }
0x287: {  	v34 =	vmul.f32 $8.000000000e+00, v34;
	_ =	sdelay $0x1  }
0x288: {  	[tilespmem:v50+s24+$0x0] =	vst.idx.msk $0xffff, v34  }
0x289: {  	v34 =	vld [tilespmem:s18+$0xFFFFFF60];
	_ =	sdelay $0x1  }
0x28a: {  	v51 =	vadd.s32 v22, v33;
	_ =	sdelay $0x2  }
0x28b: {  	v34 =	vmul.f32 $8.000000000e+00, v34;
	_ =	sdelay $0x1  }
0x28c: {  	[tilespmem:v51+s24+$0x0] =	vst.idx.msk $0xffff, v34  }
0x28d: {  	v34 =	vld [tilespmem:s18+$0xFFFFFF70];
	_ =	sdelay $0x1  }
0x28e: {  	v52 =	vadd.s32 v23, v33;
	_ =	sdelay $0x2  }
0x28f: {  	v34 =	vmul.f32 $8.000000000e+00, v34;
	_ =	sdelay $0x1  }
0x290: {  	[tilespmem:v52+s24+$0x0] =	vst.idx.msk $0xffff, v34  }
0x291: {  	v34 =	vld [tilespmem:s18+$0xFFFFFF80];
	_ =	sdelay $0x1  }
0x292: {  	v33 =	vadd.s32 v24, v33;
	_ =	sdelay $0x1  }
0x293: {  	s13 =	simm.s32 $0x6  }
0x294: {  	v53 =	vmov s13;
	v34 =	vmul.f32 $8.000000000e+00, v34  }
0x295: {  	v35 =	vshrl.u32 v53, $0x3  }
0x296: {  	v54 =	vshll.u32 v35, v1;
	[tilespmem:v33+s24+$0x0] =	vst.idx.msk $0xffff, v34  }
0x297: {  	v33 =	vbroadcast v54, $0x0;
	v34 =	vld [tilespmem:s18+$0xFFFFFF90];
	_ =	sdelay $0x1  }
0x298: {  	v55 =	vadd.s32 v25, v33;
	_ =	sdelay $0x2  }
0x299: {  	v34 =	vmul.f32 $8.000000000e+00, v34;
	_ =	sdelay $0x1  }
0x29a: {  	[tilespmem:v55+s24+$0x0] =	vst.idx.msk $0xffff, v34  }
0x29b: {  	v34 =	vld [tilespmem:s18+$0xFFFFFFA0];
	_ =	sdelay $0x1  }
0x29c: {  	v56 =	vadd.s32 v26, v33;
	_ =	sdelay $0x2  }
0x29d: {  	v34 =	vmul.f32 $8.000000000e+00, v34;
	_ =	sdelay $0x1  }
0x29e: {  	[tilespmem:v56+s24+$0x0] =	vst.idx.msk $0xffff, v34  }
0x29f: {  	v34 =	vld [tilespmem:s18+$0xFFFFFFB0];
	_ =	sdelay $0x1  }
0x2a0: {  	v57 =	vadd.s32 v27, v33;
	_ =	sdelay $0x2  }
0x2a1: {  	v34 =	vmul.f32 $8.000000000e+00, v34;
	_ =	sdelay $0x1  }
0x2a2: {  	[tilespmem:v57+s24+$0x0] =	vst.idx.msk $0xffff, v34  }
0x2a3: {  	v34 =	vld [tilespmem:s18+$0xFFFFFFC0];
	_ =	sdelay $0x1  }
0x2a4: {  	v33 =	vadd.s32 v28, v33;
	_ =	sdelay $0x1  }
0x2a5: {  	s14 =	simm.s32 $0x7  }
0x2a6: {  	v58 =	vmov s14;
	v34 =	vmul.f32 $8.000000000e+00, v34  }
0x2a7: {  	v35 =	vshrl.u32 v58, $0x3  }
0x2a8: {  	v59 =	vshll.u32 v35, v1;
	[tilespmem:v33+s24+$0x0] =	vst.idx.msk $0xffff, v34  }
0x2a9: {  	v33 =	vbroadcast v59, $0x0;
	v34 =	vld [tilespmem:s18+$0xFFFFFFD0];
	_ =	sdelay $0x1  }
0x2aa: {  	v60 =	vadd.s32 v29, v33;
	_ =	sdelay $0x2  }
0x2ab: {  	v34 =	vmul.f32 $8.000000000e+00, v34;
	_ =	sdelay $0x1  }
0x2ac: {  	[tilespmem:v60+s24+$0x0] =	vst.idx.msk $0xffff, v34  }
0x2ad: {  	v34 =	vld [tilespmem:s18+$0xFFFFFFE0];
	_ =	sdelay $0x1  }
0x2ae: {  	v61 =	vadd.s32 v30, v33;
	_ =	sdelay $0x2  }
0x2af: {  	v34 =	vmul.f32 $8.000000000e+00, v34;
	_ =	sdelay $0x1  }
0x2b0: {  	[tilespmem:v61+s24+$0x0] =	vst.idx.msk $0xffff, v34  }
0x2b1: {  	v34 =	vld [tilespmem:s18+$0xFFFFFFF0];
	_ =	sdelay $0x1  }
0x2b2: {  	v62 =	vadd.s32 v31, v33;
	_ =	sdelay $0x2  }
0x2b3: {  	v34 =	vmul.f32 $8.000000000e+00, v34;
	_ =	sdelay $0x1  }
0x2b4: {  	[tilespmem:v62+s24+$0x0] =	vst.idx.msk $0xffff, v34  }
0x2b5: {  	v34 =	vld [tilespmem:s18+$0x0];
	_ =	sdelay $0x1  }
0x2b6: {  	v33 =	vadd.s32 v32, v33  }
0x2b7: {  	s5 =	simm.s32 $0x8  }
0x2b8: {  	v63 =	vmov s5  }
0x2b9: {  	s10 =	simm.s32 $0x10;
	v35 =	vshrl.u32 v63, $0x3;
	v34 =	vmul.f32 $8.000000000e+00, v34  }
.LBB2_11:
0x2ba: {  	p2 =	slt.u32 s10, $0x78  }
0x2bb: {  	v35 =	vshll.u32 v35, v1;
	[tilespmem:v33+s24+$0x0] =	vst.idx.msk $0xffff, v34;
	s18 =	sadd.s32 $0x200, s18;
	s13 =	smov.u32 s10;
	s10 =	sadd.s32 $0x8, s10  }
0x2bc: {  	v33 =	vld [tilespmem:s18+$0xFFFFFE10];
	v34 =	vbroadcast v35, $0x0;
	_ =	sdelay $0x1  }
0x2bd: {  	v35 =	vadd.s32 v0, v34;
	_ =	sdelay $0x2  }
0x2be: {  	v33 =	vmul.f32 $8.000000000e+00, v33;
	_ =	sdelay $0x1  }
0x2bf: {  	[tilespmem:v35+s24+$0x0] =	vst.idx.msk $0xffff, v33  }
0x2c0: {  	v33 =	vld [tilespmem:s18+$0xFFFFFE20];
	_ =	sdelay $0x1  }
0x2c1: {  	v35 =	vadd.s32 v2, v34;
	_ =	sdelay $0x2  }
0x2c2: {  	v33 =	vmul.f32 $8.000000000e+00, v33;
	_ =	sdelay $0x1  }
0x2c3: {  	[tilespmem:v35+s24+$0x0] =	vst.idx.msk $0xffff, v33  }
0x2c4: {  	v33 =	vld [tilespmem:s18+$0xFFFFFE30];
	_ =	sdelay $0x1  }
0x2c5: {  	v35 =	vadd.s32 v3, v34;
	_ =	sdelay $0x2  }
0x2c6: {  	v33 =	vmul.f32 $8.000000000e+00, v33;
	_ =	sdelay $0x1  }
0x2c7: {  	[tilespmem:v35+s24+$0x0] =	vst.idx.msk $0xffff, v33  }
0x2c8: {  	v33 =	vld [tilespmem:s18+$0xFFFFFE40];
	_ =	sdelay $0x1  }
0x2c9: {  	v34 =	vadd.s32 v4, v34;
	_ =	sdelay $0x1  }
0x2ca: {  	s0 =	sadd.s32 $0x1, s5  }
0x2cb: {  	v35 =	vmov s0;
	v33 =	vmul.f32 $8.000000000e+00, v33  }
0x2cc: {  	v35 =	vshrl.u32 v35, $0x3  }
0x2cd: {  	[tilespmem:v34+s24+$0x0] =	vst.idx.msk $0xffff, v33;
	v33 =	vshll.u32 v35, v1  }
0x2ce: {  	v34 =	vld [tilespmem:s18+$0xFFFFFE50];
	v33 =	vbroadcast v33, $0x0;
	_ =	sdelay $0x1  }
0x2cf: {  	v35 =	vadd.s32 v5, v33;
	_ =	sdelay $0x2  }
0x2d0: {  	v34 =	vmul.f32 $8.000000000e+00, v34;
	_ =	sdelay $0x1  }
0x2d1: {  	[tilespmem:v35+s24+$0x0] =	vst.idx.msk $0xffff, v34  }
0x2d2: {  	v34 =	vld [tilespmem:s18+$0xFFFFFE60];
	_ =	sdelay $0x1  }
0x2d3: {  	v35 =	vadd.s32 v6, v33;
	_ =	sdelay $0x2  }
0x2d4: {  	v34 =	vmul.f32 $8.000000000e+00, v34;
	_ =	sdelay $0x1  }
0x2d5: {  	[tilespmem:v35+s24+$0x0] =	vst.idx.msk $0xffff, v34  }
0x2d6: {  	v34 =	vld [tilespmem:s18+$0xFFFFFE70];
	_ =	sdelay $0x1  }
0x2d7: {  	v35 =	vadd.s32 v7, v33;
	_ =	sdelay $0x2  }
0x2d8: {  	v34 =	vmul.f32 $8.000000000e+00, v34;
	_ =	sdelay $0x1  }
0x2d9: {  	[tilespmem:v35+s24+$0x0] =	vst.idx.msk $0xffff, v34  }
0x2da: {  	v34 =	vld [tilespmem:s18+$0xFFFFFE80];
	_ =	sdelay $0x1  }
0x2db: {  	v33 =	vadd.s32 v8, v33;
	_ =	sdelay $0x1  }
0x2dc: {  	s0 =	sadd.s32 $0x2, s5  }
0x2dd: {  	v35 =	vmov s0;
	v34 =	vmul.f32 $8.000000000e+00, v34  }
0x2de: {  	v35 =	vshrl.u32 v35, $0x3  }
0x2df: {  	[tilespmem:v33+s24+$0x0] =	vst.idx.msk $0xffff, v34;
	v33 =	vshll.u32 v35, v1  }
0x2e0: {  	v34 =	vld [tilespmem:s18+$0xFFFFFE90];
	v33 =	vbroadcast v33, $0x0;
	_ =	sdelay $0x1  }
0x2e1: {  	v35 =	vadd.s32 v9, v33;
	_ =	sdelay $0x2  }
0x2e2: {  	v34 =	vmul.f32 $8.000000000e+00, v34;
	_ =	sdelay $0x1  }
0x2e3: {  	[tilespmem:v35+s24+$0x0] =	vst.idx.msk $0xffff, v34  }
0x2e4: {  	v34 =	vld [tilespmem:s18+$0xFFFFFEA0];
	_ =	sdelay $0x1  }
0x2e5: {  	v35 =	vadd.s32 v10, v33;
	_ =	sdelay $0x2  }
0x2e6: {  	v34 =	vmul.f32 $8.000000000e+00, v34;
	_ =	sdelay $0x1  }
0x2e7: {  	[tilespmem:v35+s24+$0x0] =	vst.idx.msk $0xffff, v34  }
0x2e8: {  	v34 =	vld [tilespmem:s18+$0xFFFFFEB0];
	_ =	sdelay $0x1  }
0x2e9: {  	v35 =	vadd.s32 v11, v33;
	_ =	sdelay $0x2  }
0x2ea: {  	v34 =	vmul.f32 $8.000000000e+00, v34;
	_ =	sdelay $0x1  }
0x2eb: {  	[tilespmem:v35+s24+$0x0] =	vst.idx.msk $0xffff, v34  }
0x2ec: {  	v34 =	vld [tilespmem:s18+$0xFFFFFEC0];
	_ =	sdelay $0x1  }
0x2ed: {  	v33 =	vadd.s32 v12, v33;
	_ =	sdelay $0x1  }
0x2ee: {  	s0 =	sadd.s32 $0x3, s5  }
0x2ef: {  	v35 =	vmov s0;
	v34 =	vmul.f32 $8.000000000e+00, v34  }
0x2f0: {  	v35 =	vshrl.u32 v35, $0x3  }
0x2f1: {  	[tilespmem:v33+s24+$0x0] =	vst.idx.msk $0xffff, v34;
	v33 =	vshll.u32 v35, v1  }
0x2f2: {  	v34 =	vld [tilespmem:s18+$0xFFFFFED0];
	v33 =	vbroadcast v33, $0x0;
	_ =	sdelay $0x1  }
0x2f3: {  	v35 =	vadd.s32 v13, v33;
	_ =	sdelay $0x2  }
0x2f4: {  	v34 =	vmul.f32 $8.000000000e+00, v34;
	_ =	sdelay $0x1  }
0x2f5: {  	[tilespmem:v35+s24+$0x0] =	vst.idx.msk $0xffff, v34  }
0x2f6: {  	v34 =	vld [tilespmem:s18+$0xFFFFFEE0];
	_ =	sdelay $0x1  }
0x2f7: {  	v35 =	vadd.s32 v14, v33;
	_ =	sdelay $0x2  }
0x2f8: {  	v34 =	vmul.f32 $8.000000000e+00, v34;
	_ =	sdelay $0x1  }
0x2f9: {  	[tilespmem:v35+s24+$0x0] =	vst.idx.msk $0xffff, v34  }
0x2fa: {  	v34 =	vld [tilespmem:s18+$0xFFFFFEF0];
	_ =	sdelay $0x1  }
0x2fb: {  	v35 =	vadd.s32 v15, v33;
	_ =	sdelay $0x2  }
0x2fc: {  	v34 =	vmul.f32 $8.000000000e+00, v34;
	_ =	sdelay $0x1  }
0x2fd: {  	[tilespmem:v35+s24+$0x0] =	vst.idx.msk $0xffff, v34  }
0x2fe: {  	v34 =	vld [tilespmem:s18+$0xFFFFFF00];
	_ =	sdelay $0x1  }
0x2ff: {  	v33 =	vadd.s32 v16, v33;
	_ =	sdelay $0x1  }
0x300: {  	s0 =	sadd.s32 $0x4, s5  }
0x301: {  	v35 =	vmov s0;
	v34 =	vmul.f32 $8.000000000e+00, v34  }
0x302: {  	v35 =	vshrl.u32 v35, $0x3  }
0x303: {  	[tilespmem:v33+s24+$0x0] =	vst.idx.msk $0xffff, v34;
	v33 =	vshll.u32 v35, v1  }
0x304: {  	v34 =	vld [tilespmem:s18+$0xFFFFFF10];
	v33 =	vbroadcast v33, $0x0;
	_ =	sdelay $0x1  }
0x305: {  	v35 =	vadd.s32 v17, v33;
	_ =	sdelay $0x2  }
0x306: {  	v34 =	vmul.f32 $8.000000000e+00, v34;
	_ =	sdelay $0x1  }
0x307: {  	[tilespmem:v35+s24+$0x0] =	vst.idx.msk $0xffff, v34  }
0x308: {  	v34 =	vld [tilespmem:s18+$0xFFFFFF20];
	_ =	sdelay $0x1  }
0x309: {  	v35 =	vadd.s32 v18, v33;
	_ =	sdelay $0x2  }
0x30a: {  	v34 =	vmul.f32 $8.000000000e+00, v34;
	_ =	sdelay $0x1  }
0x30b: {  	[tilespmem:v35+s24+$0x0] =	vst.idx.msk $0xffff, v34  }
0x30c: {  	v34 =	vld [tilespmem:s18+$0xFFFFFF30];
	_ =	sdelay $0x1  }
0x30d: {  	v35 =	vadd.s32 v19, v33;
	_ =	sdelay $0x2  }
0x30e: {  	v34 =	vmul.f32 $8.000000000e+00, v34;
	_ =	sdelay $0x1  }
0x30f: {  	[tilespmem:v35+s24+$0x0] =	vst.idx.msk $0xffff, v34  }
0x310: {  	v34 =	vld [tilespmem:s18+$0xFFFFFF40];
	_ =	sdelay $0x1  }
0x311: {  	v33 =	vadd.s32 v20, v33;
	_ =	sdelay $0x1  }
0x312: {  	s0 =	sadd.s32 $0x5, s5  }
0x313: {  	v35 =	vmov s0;
	v34 =	vmul.f32 $8.000000000e+00, v34  }
0x314: {  	v35 =	vshrl.u32 v35, $0x3  }
0x315: {  	[tilespmem:v33+s24+$0x0] =	vst.idx.msk $0xffff, v34;
	v33 =	vshll.u32 v35, v1  }
0x316: {  	v34 =	vld [tilespmem:s18+$0xFFFFFF50];
	v33 =	vbroadcast v33, $0x0;
	_ =	sdelay $0x1  }
0x317: {  	v35 =	vadd.s32 v21, v33;
	_ =	sdelay $0x2  }
0x318: {  	v34 =	vmul.f32 $8.000000000e+00, v34;
	_ =	sdelay $0x1  }
0x319: {  	[tilespmem:v35+s24+$0x0] =	vst.idx.msk $0xffff, v34  }
0x31a: {  	v34 =	vld [tilespmem:s18+$0xFFFFFF60];
	_ =	sdelay $0x1  }
0x31b: {  	v35 =	vadd.s32 v22, v33;
	_ =	sdelay $0x2  }
0x31c: {  	v34 =	vmul.f32 $8.000000000e+00, v34;
	_ =	sdelay $0x1  }
0x31d: {  	[tilespmem:v35+s24+$0x0] =	vst.idx.msk $0xffff, v34  }
0x31e: {  	v34 =	vld [tilespmem:s18+$0xFFFFFF70];
	_ =	sdelay $0x1  }
0x31f: {  	v35 =	vadd.s32 v23, v33;
	_ =	sdelay $0x2  }
0x320: {  	v34 =	vmul.f32 $8.000000000e+00, v34;
	_ =	sdelay $0x1  }
0x321: {  	[tilespmem:v35+s24+$0x0] =	vst.idx.msk $0xffff, v34  }
0x322: {  	v34 =	vld [tilespmem:s18+$0xFFFFFF80];
	_ =	sdelay $0x1  }
0x323: {  	v33 =	vadd.s32 v24, v33;
	_ =	sdelay $0x1  }
0x324: {  	s0 =	sadd.s32 $0x6, s5  }
0x325: {  	v35 =	vmov s0;
	v34 =	vmul.f32 $8.000000000e+00, v34  }
0x326: {  	v35 =	vshrl.u32 v35, $0x3  }
0x327: {  	[tilespmem:v33+s24+$0x0] =	vst.idx.msk $0xffff, v34;
	v33 =	vshll.u32 v35, v1  }
0x328: {  	v34 =	vld [tilespmem:s18+$0xFFFFFF90];
	v33 =	vbroadcast v33, $0x0;
	_ =	sdelay $0x1  }
0x329: {  	v35 =	vadd.s32 v25, v33;
	_ =	sdelay $0x2  }
0x32a: {  	v34 =	vmul.f32 $8.000000000e+00, v34;
	_ =	sdelay $0x1  }
0x32b: {  	[tilespmem:v35+s24+$0x0] =	vst.idx.msk $0xffff, v34  }
0x32c: {  	v34 =	vld [tilespmem:s18+$0xFFFFFFA0];
	_ =	sdelay $0x1  }
0x32d: {  	v35 =	vadd.s32 v26, v33;
	_ =	sdelay $0x2  }
0x32e: {  	v34 =	vmul.f32 $8.000000000e+00, v34;
	_ =	sdelay $0x1  }
0x32f: {  	[tilespmem:v35+s24+$0x0] =	vst.idx.msk $0xffff, v34  }
0x330: {  	v34 =	vld [tilespmem:s18+$0xFFFFFFB0];
	_ =	sdelay $0x1  }
0x331: {  	v35 =	vadd.s32 v27, v33;
	_ =	sdelay $0x2  }
0x332: {  	v34 =	vmul.f32 $8.000000000e+00, v34;
	_ =	sdelay $0x1  }
0x333: {  	[tilespmem:v35+s24+$0x0] =	vst.idx.msk $0xffff, v34  }
0x334: {  	v34 =	vld [tilespmem:s18+$0xFFFFFFC0];
	_ =	sdelay $0x1  }
0x335: {  	v33 =	vadd.s32 v28, v33;
	_ =	sdelay $0x1  }
0x336: {  	s0 =	sadd.s32 $0x7, s5;
	s5 =	smov.u32 s13  }
0x337: {  	v35 =	vmov s0;
	v34 =	vmul.f32 $8.000000000e+00, v34  }
0x338: {  	v35 =	vshrl.u32 v35, $0x3  }
0x339: {  	[tilespmem:v33+s24+$0x0] =	vst.idx.msk $0xffff, v34;
	v33 =	vshll.u32 v35, v1  }
0x33a: {  	v34 =	vld [tilespmem:s18+$0xFFFFFFD0];
	v33 =	vbroadcast v33, $0x0;
	_ =	sdelay $0x1  }
0x33b: {  	v35 =	vadd.s32 v29, v33;
	_ =	sdelay $0x2  }
0x33c: {  	v34 =	vmul.f32 $8.000000000e+00, v34;
	_ =	sdelay $0x1  }
0x33d: {  	[tilespmem:v35+s24+$0x0] =	vst.idx.msk $0xffff, v34  }
0x33e: {  	v34 =	vld [tilespmem:s18+$0xFFFFFFE0];
	_ =	sdelay $0x1  }
0x33f: {  	v35 =	vadd.s32 v30, v33;
	_ =	sdelay $0x2  }
0x340: {  	v34 =	vmul.f32 $8.000000000e+00, v34;
	_ =	sdelay $0x1  }
0x341: {  	[tilespmem:v35+s24+$0x0] =	vst.idx.msk $0xffff, v34  }
0x342: {  	v34 =	vld [tilespmem:s18+$0xFFFFFFF0];
	_ =	sdelay $0x1  }
0x343: {  	v35 =	vadd.s32 v31, v33;
	_ =	sdelay $0x2  }
0x344: {  	v34 =	vmul.f32 $8.000000000e+00, v34;
	_ =	sdelay $0x1  }
0x345: {  	[tilespmem:v35+s24+$0x0] =	vst.idx.msk $0xffff, v34  }
0x346: {  	v34 =	vld [tilespmem:s18+$0x0];
	_ =	sdelay $0x1  }
.Ltmp7:
0x347: {  	v33 =	vadd.s32 v32, v33;
	(pc) =	sbr.rel @p2 .LBB2_11-.Ltmp7, $3  }
0x348: {  	_ =	sdelay $0x1  }
0x349: {  	v35 =	vmov s5;
	v34 =	vmul.f32 $8.000000000e+00, v34  }
0x34a: {  	v35 =	vshrl.u32 v35, $0x3  }
0x34b: {  	_ =	sdelay $0x3  }
0x34c: {  	v35 =	vshll.u32 v35, v1;
	[tilespmem:v33+s24+$0x0] =	vst.idx.msk $0xffff, v34;
	s10 =	sadd.s32 $0x200, s18  }
0x34d: {  	v33 =	vld [tilespmem:s10+$0xFFFFFE10];
	v54 =	vbroadcast v35, $0x0;
	_ =	sdelay $0x1  }
0x34e: {  	v35 =	vadd.s32 v0, v54;
	_ =	sdelay $0x2  }
0x34f: {  	v33 =	vmul.f32 $8.000000000e+00, v33;
	_ =	sdelay $0x1  }
0x350: {  	[tilespmem:v35+s24+$0x0] =	vst.idx.msk $0xffff, v33  }
0x351: {  	v33 =	vld [tilespmem:s10+$0xFFFFFE20];
	_ =	sdelay $0x1  }
0x352: {  	v55 =	vadd.s32 v2, v54;
	_ =	sdelay $0x2  }
0x353: {  	v33 =	vmul.f32 $8.000000000e+00, v33;
	_ =	sdelay $0x1  }
0x354: {  	[tilespmem:v55+s24+$0x0] =	vst.idx.msk $0xffff, v33  }
0x355: {  	v33 =	vld [tilespmem:s10+$0xFFFFFE30];
	_ =	sdelay $0x1  }
0x356: {  	v56 =	vadd.s32 v3, v54;
	_ =	sdelay $0x2  }
0x357: {  	v33 =	vmul.f32 $8.000000000e+00, v33;
	_ =	sdelay $0x1  }
0x358: {  	[tilespmem:v56+s24+$0x0] =	vst.idx.msk $0xffff, v33  }
0x359: {  	v33 =	vld [tilespmem:s10+$0xFFFFFE40];
	_ =	sdelay $0x1  }
0x35a: {  	v34 =	vadd.s32 v4, v54;
	_ =	sdelay $0x1  }
0x35b: {  	s0 =	sadd.s32 $0x1, s5  }
0x35c: {  	v57 =	vmov s0;
	v33 =	vmul.f32 $8.000000000e+00, v33  }
0x35d: {  	v35 =	vshrl.u32 v57, $0x3  }
0x35e: {  	v58 =	vshll.u32 v35, v1;
	[tilespmem:v34+s24+$0x0] =	vst.idx.msk $0xffff, v33  }
0x35f: {  	v33 =	vbroadcast v58, $0x0;
	v34 =	vld [tilespmem:s10+$0xFFFFFE50];
	_ =	sdelay $0x1  }
0x360: {  	v59 =	vadd.s32 v5, v33;
	_ =	sdelay $0x2  }
0x361: {  	v34 =	vmul.f32 $8.000000000e+00, v34;
	_ =	sdelay $0x1  }
0x362: {  	[tilespmem:v59+s24+$0x0] =	vst.idx.msk $0xffff, v34  }
0x363: {  	v34 =	vld [tilespmem:s10+$0xFFFFFE60];
	_ =	sdelay $0x1  }
0x364: {  	v60 =	vadd.s32 v6, v33;
	_ =	sdelay $0x2  }
0x365: {  	v34 =	vmul.f32 $8.000000000e+00, v34;
	_ =	sdelay $0x1  }
0x366: {  	[tilespmem:v60+s24+$0x0] =	vst.idx.msk $0xffff, v34  }
0x367: {  	v34 =	vld [tilespmem:s10+$0xFFFFFE70];
	_ =	sdelay $0x1  }
0x368: {  	v61 =	vadd.s32 v7, v33;
	_ =	sdelay $0x2  }
0x369: {  	v34 =	vmul.f32 $8.000000000e+00, v34;
	_ =	sdelay $0x1  }
0x36a: {  	[tilespmem:v61+s24+$0x0] =	vst.idx.msk $0xffff, v34  }
0x36b: {  	v34 =	vld [tilespmem:s10+$0xFFFFFE80];
	_ =	sdelay $0x1  }
0x36c: {  	v33 =	vadd.s32 v8, v33;
	_ =	sdelay $0x1  }
0x36d: {  	s1 =	sadd.s32 $0x2, s5  }
0x36e: {  	v62 =	vmov s1;
	v34 =	vmul.f32 $8.000000000e+00, v34  }
0x36f: {  	v35 =	vshrl.u32 v62, $0x3  }
0x370: {  	v63 =	vshll.u32 v35, v1;
	[tilespmem:v33+s24+$0x0] =	vst.idx.msk $0xffff, v34  }
0x371: {  	v33 =	vbroadcast v63, $0x0;
	v34 =	vld [tilespmem:s10+$0xFFFFFE90];
	_ =	sdelay $0x1  }
0x372: {  	v36 =	vadd.s32 v9, v33;
	_ =	sdelay $0x2  }
0x373: {  	v34 =	vmul.f32 $8.000000000e+00, v34;
	_ =	sdelay $0x1  }
0x374: {  	[tilespmem:v36+s24+$0x0] =	vst.idx.msk $0xffff, v34  }
0x375: {  	v34 =	vld [tilespmem:s10+$0xFFFFFEA0];
	_ =	sdelay $0x1  }
0x376: {  	v37 =	vadd.s32 v10, v33;
	_ =	sdelay $0x2  }
0x377: {  	v34 =	vmul.f32 $8.000000000e+00, v34;
	_ =	sdelay $0x1  }
0x378: {  	[tilespmem:v37+s24+$0x0] =	vst.idx.msk $0xffff, v34  }
0x379: {  	v34 =	vld [tilespmem:s10+$0xFFFFFEB0];
	_ =	sdelay $0x1  }
0x37a: {  	v38 =	vadd.s32 v11, v33;
	_ =	sdelay $0x2  }
0x37b: {  	v34 =	vmul.f32 $8.000000000e+00, v34;
	_ =	sdelay $0x1  }
0x37c: {  	[tilespmem:v38+s24+$0x0] =	vst.idx.msk $0xffff, v34  }
0x37d: {  	v34 =	vld [tilespmem:s10+$0xFFFFFEC0];
	_ =	sdelay $0x1  }
0x37e: {  	v33 =	vadd.s32 v12, v33;
	_ =	sdelay $0x1  }
0x37f: {  	s13 =	sadd.s32 $0x3, s5  }
0x380: {  	v39 =	vmov s13;
	v34 =	vmul.f32 $8.000000000e+00, v34  }
0x381: {  	v35 =	vshrl.u32 v39, $0x3  }
0x382: {  	v40 =	vshll.u32 v35, v1;
	[tilespmem:v33+s24+$0x0] =	vst.idx.msk $0xffff, v34  }
0x383: {  	v33 =	vbroadcast v40, $0x0;
	v34 =	vld [tilespmem:s10+$0xFFFFFED0];
	_ =	sdelay $0x1  }
0x384: {  	v41 =	vadd.s32 v13, v33;
	_ =	sdelay $0x2  }
0x385: {  	v34 =	vmul.f32 $8.000000000e+00, v34;
	_ =	sdelay $0x1  }
0x386: {  	[tilespmem:v41+s24+$0x0] =	vst.idx.msk $0xffff, v34  }
0x387: {  	v34 =	vld [tilespmem:s10+$0xFFFFFEE0];
	_ =	sdelay $0x1  }
0x388: {  	v42 =	vadd.s32 v14, v33;
	_ =	sdelay $0x2  }
0x389: {  	v34 =	vmul.f32 $8.000000000e+00, v34;
	_ =	sdelay $0x1  }
0x38a: {  	[tilespmem:v42+s24+$0x0] =	vst.idx.msk $0xffff, v34  }
0x38b: {  	v34 =	vld [tilespmem:s10+$0xFFFFFEF0];
	_ =	sdelay $0x1  }
0x38c: {  	v43 =	vadd.s32 v15, v33;
	_ =	sdelay $0x2  }
0x38d: {  	v34 =	vmul.f32 $8.000000000e+00, v34;
	_ =	sdelay $0x1  }
0x38e: {  	[tilespmem:v43+s24+$0x0] =	vst.idx.msk $0xffff, v34  }
0x38f: {  	v34 =	vld [tilespmem:s10+$0xFFFFFF00];
	_ =	sdelay $0x1  }
0x390: {  	v33 =	vadd.s32 v16, v33;
	_ =	sdelay $0x1  }
0x391: {  	s14 =	sadd.s32 $0x4, s5  }
0x392: {  	v44 =	vmov s14;
	v34 =	vmul.f32 $8.000000000e+00, v34  }
0x393: {  	v35 =	vshrl.u32 v44, $0x3  }
0x394: {  	v45 =	vshll.u32 v35, v1;
	[tilespmem:v33+s24+$0x0] =	vst.idx.msk $0xffff, v34  }
0x395: {  	v33 =	vbroadcast v45, $0x0;
	v34 =	vld [tilespmem:s10+$0xFFFFFF10];
	_ =	sdelay $0x1  }
0x396: {  	v46 =	vadd.s32 v17, v33;
	_ =	sdelay $0x2  }
0x397: {  	v34 =	vmul.f32 $8.000000000e+00, v34;
	_ =	sdelay $0x1  }
0x398: {  	[tilespmem:v46+s24+$0x0] =	vst.idx.msk $0xffff, v34  }
0x399: {  	v34 =	vld [tilespmem:s10+$0xFFFFFF20];
	_ =	sdelay $0x1  }
0x39a: {  	v47 =	vadd.s32 v18, v33;
	_ =	sdelay $0x2  }
0x39b: {  	v34 =	vmul.f32 $8.000000000e+00, v34;
	_ =	sdelay $0x1  }
0x39c: {  	[tilespmem:v47+s24+$0x0] =	vst.idx.msk $0xffff, v34  }
0x39d: {  	v34 =	vld [tilespmem:s10+$0xFFFFFF30];
	_ =	sdelay $0x1  }
0x39e: {  	v48 =	vadd.s32 v19, v33;
	_ =	sdelay $0x2  }
0x39f: {  	v34 =	vmul.f32 $8.000000000e+00, v34;
	_ =	sdelay $0x1  }
0x3a0: {  	[tilespmem:v48+s24+$0x0] =	vst.idx.msk $0xffff, v34  }
0x3a1: {  	v34 =	vld [tilespmem:s10+$0xFFFFFF40];
	_ =	sdelay $0x1  }
0x3a2: {  	v33 =	vadd.s32 v20, v33;
	_ =	sdelay $0x1  }
0x3a3: {  	s18 =	sadd.s32 $0x5, s5  }
0x3a4: {  	v49 =	vmov s18;
	v34 =	vmul.f32 $8.000000000e+00, v34  }
0x3a5: {  	v35 =	vshrl.u32 v49, $0x3  }
0x3a6: {  	v50 =	vshll.u32 v35, v1;
	[tilespmem:v33+s24+$0x0] =	vst.idx.msk $0xffff, v34  }
0x3a7: {  	v33 =	vbroadcast v50, $0x0;
	v34 =	vld [tilespmem:s10+$0xFFFFFF50];
	_ =	sdelay $0x1  }
0x3a8: {  	v51 =	vadd.s32 v21, v33;
	_ =	sdelay $0x2  }
0x3a9: {  	v34 =	vmul.f32 $8.000000000e+00, v34;
	_ =	sdelay $0x1  }
0x3aa: {  	[tilespmem:v51+s24+$0x0] =	vst.idx.msk $0xffff, v34  }
0x3ab: {  	v34 =	vld [tilespmem:s10+$0xFFFFFF60];
	_ =	sdelay $0x1  }
0x3ac: {  	v52 =	vadd.s32 v22, v33;
	_ =	sdelay $0x2  }
0x3ad: {  	v34 =	vmul.f32 $8.000000000e+00, v34;
	_ =	sdelay $0x1  }
0x3ae: {  	[tilespmem:v52+s24+$0x0] =	vst.idx.msk $0xffff, v34  }
0x3af: {  	v34 =	vld [tilespmem:s10+$0xFFFFFF70];
	_ =	sdelay $0x1  }
0x3b0: {  	v53 =	vadd.s32 v23, v33;
	_ =	sdelay $0x2  }
0x3b1: {  	v34 =	vmul.f32 $8.000000000e+00, v34;
	_ =	sdelay $0x1  }
0x3b2: {  	[tilespmem:v53+s24+$0x0] =	vst.idx.msk $0xffff, v34  }
0x3b3: {  	v34 =	vld [tilespmem:s10+$0xFFFFFF80];
	_ =	sdelay $0x1  }
0x3b4: {  	v33 =	vadd.s32 v24, v33;
	_ =	sdelay $0x1  }
0x3b5: {  	s1 =	sadd.s32 $0x6, s5  }
0x3b6: {  	v54 =	vmov s1;
	v34 =	vmul.f32 $8.000000000e+00, v34  }
0x3b7: {  	v35 =	vshrl.u32 v54, $0x3  }
0x3b8: {  	v55 =	vshll.u32 v35, v1;
	[tilespmem:v33+s24+$0x0] =	vst.idx.msk $0xffff, v34  }
0x3b9: {  	v33 =	vbroadcast v55, $0x0;
	v34 =	vld [tilespmem:s10+$0xFFFFFF90];
	_ =	sdelay $0x1  }
0x3ba: {  	v56 =	vadd.s32 v25, v33;
	_ =	sdelay $0x2  }
0x3bb: {  	v34 =	vmul.f32 $8.000000000e+00, v34;
	_ =	sdelay $0x1  }
0x3bc: {  	[tilespmem:v56+s24+$0x0] =	vst.idx.msk $0xffff, v34  }
0x3bd: {  	v34 =	vld [tilespmem:s10+$0xFFFFFFA0];
	_ =	sdelay $0x1  }
0x3be: {  	v57 =	vadd.s32 v26, v33;
	_ =	sdelay $0x2  }
0x3bf: {  	v34 =	vmul.f32 $8.000000000e+00, v34;
	_ =	sdelay $0x1  }
0x3c0: {  	[tilespmem:v57+s24+$0x0] =	vst.idx.msk $0xffff, v34  }
0x3c1: {  	v34 =	vld [tilespmem:s10+$0xFFFFFFB0];
	_ =	sdelay $0x1  }
0x3c2: {  	v58 =	vadd.s32 v27, v33;
	_ =	sdelay $0x2  }
0x3c3: {  	v34 =	vmul.f32 $8.000000000e+00, v34;
	_ =	sdelay $0x1  }
0x3c4: {  	[tilespmem:v58+s24+$0x0] =	vst.idx.msk $0xffff, v34  }
0x3c5: {  	v34 =	vld [tilespmem:s10+$0xFFFFFFC0];
	_ =	sdelay $0x1  }
0x3c6: {  	v33 =	vadd.s32 v28, v33;
	_ =	sdelay $0x1  }
0x3c7: {  	s5 =	sadd.s32 $0x7, s5  }
0x3c8: {  	v59 =	vmov s5;
	v34 =	vmul.f32 $8.000000000e+00, v34  }
0x3c9: {  	v35 =	vshrl.u32 v59, $0x3  }
0x3ca: {  	v60 =	vshll.u32 v35, v1;
	[tilespmem:v33+s24+$0x0] =	vst.idx.msk $0xffff, v34  }
0x3cb: {  	v33 =	vbroadcast v60, $0x0;
	v34 =	vld [tilespmem:s10+$0xFFFFFFD0];
	_ =	sdelay $0x1  }
0x3cc: {  	v61 =	vadd.s32 v29, v33;
	_ =	sdelay $0x2  }
0x3cd: {  	v34 =	vmul.f32 $8.000000000e+00, v34;
	_ =	sdelay $0x1  }
0x3ce: {  	[tilespmem:v61+s24+$0x0] =	vst.idx.msk $0xffff, v34  }
0x3cf: {  	v34 =	vld [tilespmem:s10+$0xFFFFFFE0];
	_ =	sdelay $0x1  }
0x3d0: {  	v62 =	vadd.s32 v30, v33;
	_ =	sdelay $0x2  }
0x3d1: {  	v34 =	vmul.f32 $8.000000000e+00, v34;
	_ =	sdelay $0x1  }
0x3d2: {  	[tilespmem:v62+s24+$0x0] =	vst.idx.msk $0xffff, v34  }
0x3d3: {  	v34 =	vld [tilespmem:s10+$0xFFFFFFF0];
	_ =	sdelay $0x1  }
0x3d4: {  	v63 =	vadd.s32 v31, v33;
	_ =	sdelay $0x2  }
0x3d5: {  	v34 =	vmul.f32 $8.000000000e+00, v34;
	_ =	sdelay $0x1  }
0x3d6: {  	[tilespmem:v63+s24+$0x0] =	vst.idx.msk $0xffff, v34  }
0x3d7: {  	v34 =	vld [tilespmem:s10+$0x0];
	_ =	sdelay $0x1  }
0x3d8: {  	v33 =	vadd.s32 v32, v33;
	_ =	sdelay $0x2  }
0x3d9: {  	v34 =	vmul.f32 $8.000000000e+00, v34;
	_ =	sdelay $0x1  }
0x3da: {  	s0 =	sadd.s32 s16, s7;
	s1 =	simm.s32 $0x10800;
	[tilespmem:v33+s24+$0x0] =	vst.idx.msk $0xffff, v34  }
0x3db: {  	[hbm4b:s0+s3] =	stream.linear.scatter [tilespmem:s1], [sflag:$0x6], $0x80, $0x38;
	[tilespmem:$0x17400] =	vst v63  }
0x3dc: {  	s13 =	sadd.s32 $0x10, s0;
	s10 =	simm.s32 $0x10890  }
0x3dd: {  	[hbm4b:s13+s3] =	stream.linear.scatter [tilespmem:s10], [sflag:$0x6], $0x80, $0x38;
	[tilespmem:$0x17400] =	vst v63  }
0x3de: {  	s14 =	simm.s32 $0x10920;
	s18 =	sadd.s32 $0x20, s0  }
0x3df: {  	[hbm4b:s18+s3] =	stream.linear.scatter [tilespmem:s14], [sflag:$0x6], $0x80, $0x38;
	[tilespmem:$0x17400] =	vst v63  }
0x3e0: {  	s10 =	simm.s32 $0x109B0;
	s13 =	sadd.s32 $0x30, s0  }
0x3e1: {  	[hbm4b:s13+s3] =	stream.linear.scatter [tilespmem:s10], [sflag:$0x6], $0x80, $0x38;
	[tilespmem:$0x17400] =	vst v63  }
0x3e2: {  	s14 =	simm.s32 $0x10A40;
	s18 =	sadd.s32 $0x40, s0  }
0x3e3: {  	[hbm4b:s18+s3] =	stream.linear.scatter [tilespmem:s14], [sflag:$0x6], $0x80, $0x38;
	[tilespmem:$0x17400] =	vst v63  }
0x3e4: {  	s5 =	simm.s32 $0x480;
	s10 =	simm.s32 $0x10AD0;
	s13 =	sadd.s32 $0x50, s0  }
0x3e5: {  	[hbm4b:s13+s3] =	stream.linear.scatter [tilespmem:s10], [sflag:$0x6], $0x80, $0x38;
	[tilespmem:$0x17400] =	vst v63  }
0x3e6: {  	s1 =	sadd.s32 $0x70, s0;
	s14 =	simm.s32 $0x10B60;
	s18 =	sadd.s32 $0x60, s0  }
0x3e7: {  	[hbm4b:s18+s3] =	stream.linear.scatter [tilespmem:s14], [sflag:$0x6], $0x80, $0x38;
	[tilespmem:$0x17400] =	vst v63  }
0x3e8: {  	s13 =	simm.s32 $0x2400;
	s10 =	sadd.s32 $0x1000, s0;
	s18 =	simm.s32 $0x10BF0  }
.LBB2_13:
0x3e9: {  	[hbm4b:s1+s3] =	stream.linear.scatter [tilespmem:s18], [sflag:$0x6], $0x80, $0x38;
	[tilespmem:$0x17400] =	vst v63  }
0x3ea: {  	s0 =	smov.u32 s5;
	s1 =	smov.u32 s13  }
0x3eb: {  	s14 =	sadd.s32 $0x1200, s13;
	s5 =	sshra.s32 s1, $0x2;
	s1 =	sadd.s32 $0x10800, s0  }
0x3ec: {  	[hbm4b:s10+s3] =	stream.linear.scatter [tilespmem:s1], [sflag:$0x6], $0x80, $0x38;
	[tilespmem:$0x17400] =	vst v63  }
0x3ed: {  	p2 =	sne.s32 s13, $0x7E00;
	s13 =	sadd.s32 $0x10, s10;
	s1 =	sadd.s32 $0x10890, s0  }
0x3ee: {  	[hbm4b:s13+s3] =	stream.linear.scatter [tilespmem:s1], [sflag:$0x6], $0x80, $0x38;
	[tilespmem:$0x17400] =	vst v63  }
0x3ef: {  	s1 =	sadd.s32 $0x10920, s0;
	s13 =	sadd.s32 $0x20, s10  }
0x3f0: {  	[hbm4b:s13+s3] =	stream.linear.scatter [tilespmem:s1], [sflag:$0x6], $0x80, $0x38;
	[tilespmem:$0x17400] =	vst v63  }
0x3f1: {  	s1 =	sadd.s32 $0x109B0, s0;
	s13 =	sadd.s32 $0x30, s10  }
0x3f2: {  	[hbm4b:s13+s3] =	stream.linear.scatter [tilespmem:s1], [sflag:$0x6], $0x80, $0x38;
	[tilespmem:$0x17400] =	vst v63  }
0x3f3: {  	s1 =	sadd.s32 $0x10A40, s0;
	s13 =	sadd.s32 $0x40, s10  }
0x3f4: {  	[hbm4b:s13+s3] =	stream.linear.scatter [tilespmem:s1], [sflag:$0x6], $0x80, $0x38;
	[tilespmem:$0x17400] =	vst v63  }
.Ltmp8:
0x3f5: {  	s1 =	sadd.s32 $0x10AD0, s0;
	s13 =	sadd.s32 $0x50, s10;
	(pc) =	sbr.rel @p2 .LBB2_13-.Ltmp8, $4  }
0x3f6: {  	[hbm4b:s13+s3] =	stream.linear.scatter [tilespmem:s1], [sflag:$0x6], $0x80, $0x38;
	[tilespmem:$0x17400] =	vst v63  }
0x3f7: {  	s18 =	sadd.s32 $0x10BF0, s0;
	s1 =	sadd.s32 $0x10B60, s0;
	s13 =	sadd.s32 $0x60, s10  }
0x3f8: {  	[hbm4b:s13+s3] =	stream.linear.scatter [tilespmem:s1], [sflag:$0x6], $0x80, $0x38;
	[tilespmem:$0x17400] =	vst v63  }
0x3f9: {  	s1 =	sadd.s32 $0x70, s10;
	s10 =	sadd.s32 $0x1000, s10;
	s13 =	smov.u32 s14  }
0x3fa: {  	[hbm4b:s1+s3] =	stream.linear.scatter [tilespmem:s18], [sflag:$0x6], $0x80, $0x38;
	[tilespmem:$0x17400] =	vst v63  }
0x3fb: {  	s0 =	sadd.s32 $0x10800, s5  }
0x3fc: {  	[hbm4b:s10+s3] =	stream.linear.scatter [tilespmem:s0], [sflag:$0x6], $0x80, $0x38;
	[tilespmem:$0x17400] =	vst v63  }
0x3fd: {  	s14 =	sadd.s32 $0x10890, s5;
	s18 =	sadd.s32 $0x10, s10  }
0x3fe: {  	[hbm4b:s18+s3] =	stream.linear.scatter [tilespmem:s14], [sflag:$0x6], $0x80, $0x38;
	[tilespmem:$0x17400] =	vst v63  }
0x3ff: {  	s1 =	sadd.s32 $0x10920, s5;
	s13 =	sadd.s32 $0x20, s10  }
0x400: {  	[hbm4b:s13+s3] =	stream.linear.scatter [tilespmem:s1], [sflag:$0x6], $0x80, $0x38;
	[tilespmem:$0x17400] =	vst v63  }
0x401: {  	s14 =	sadd.s32 $0x109B0, s5;
	s18 =	sadd.s32 $0x30, s10  }
0x402: {  	[hbm4b:s18+s3] =	stream.linear.scatter [tilespmem:s14], [sflag:$0x6], $0x80, $0x38;
	[tilespmem:$0x17400] =	vst v63  }
0x403: {  	s1 =	sadd.s32 $0x10A40, s5;
	s13 =	sadd.s32 $0x40, s10  }
0x404: {  	[hbm4b:s13+s3] =	stream.linear.scatter [tilespmem:s1], [sflag:$0x6], $0x80, $0x38;
	[tilespmem:$0x17400] =	vst v63  }
0x405: {  	s14 =	sadd.s32 $0x10AD0, s5;
	s18 =	sadd.s32 $0x50, s10  }
0x406: {  	[hbm4b:s18+s3] =	stream.linear.scatter [tilespmem:s14], [sflag:$0x6], $0x80, $0x38;
	[tilespmem:$0x17400] =	vst v63  }
.Ltmp9:
0x407: {  	_ = 	snop;
	(pc) =	sbr.rel @p1 .LBB2_16-.Ltmp9, $4  }
0x408: {  	s1 =	sadd.s32 $0x10B60, s5;
	s13 =	sadd.s32 $0x60, s10  }
0x409: {  	[hbm4b:s13+s3] =	stream.linear.scatter [tilespmem:s1], [sflag:$0x6], $0x80, $0x38;
	[tilespmem:$0x17400] =	vst v63  }
0x40a: {  	s14 =	sadd.s32 $0x10BF0, s5;
	s18 =	sadd.s32 $0x70, s10  }
0x40b: {  	[hbm4b:s18+s3] =	stream.linear.scatter [tilespmem:s14], [sflag:$0x6], $0x80, $0x38;
	[tilespmem:$0x17400] =	vst v63  }
.Ltmp10:
0x40c: {  	(pc) =	sbr.rel .LBB2_17-.Ltmp10, $4  }
0x40d: {  	_ = 	snop  }
0x40e: {  	_ =	swait.ge [sflag:s25], $0x2000  }
0x40f: {  	[sflag:s25] =	ssyncset.done $0x0  }
0x410: {  	[sflag:s25] =	ssyncadd.s32 $0xFFFFE000  }
.LBB2_16:
0x411: {  	s0 =	sshll.u32 s12, $0x9  }
0x412: {  	s0 =	sand.u32 $0x3FFFFE00, s0  }
.Ltmp11:
0x413: {  	s0 =	sadd.s32 $0x280, s0;
	(pc) =	sbr.rel @p0 .LBB2_18-.Ltmp11, $4  }
0x414: {  	[tilespmem:s15], [sflag:$0x2] =	stream.indirect.gather [hbm4b:s4+s11], $0x40, s0, s11, $0xb8;
	[tilespmem:$0x17400] =	vst v63  }
0x415: {  	_ =	swait.ge [sflag:s25], $0x2000  }
0x416: {  	[sflag:s25] =	ssyncset.done $0x0  }
0x417: {  	[sflag:s25] =	ssyncadd.s32 $0xFFFFE000  }
.LBB2_17:
0x418: {  	_ =	swait.ge [sflag:s26], $0x2000  }
0x419: {  	[sflag:s26] =	ssyncset.done $0x0  }
0x41a: {  	[sflag:s26] =	ssyncadd.s32 $0xFFFFE000  }
.LBB2_18:
0x41b: {  	s0 =	simm.s32 $0x0  }
0x41c: {  	v33 =	vmov s0  }
0x41d: {  	v33 =	vshrl.u32 v33, $0x3  }
0x41e: {  	s18 =	simm.s32 $0xA5F0;
	v33 =	vshll.u32 v33, v1  }
0x41f: {  	v34 =	vld [tilespmem:s18+$0xFFFFFE10];
	v33 =	vbroadcast v33, $0x0;
	_ =	sdelay $0x1  }
0x420: {  	v35 =	vadd.s32 v0, v33;
	_ =	sdelay $0x2  }
0x421: {  	v34 =	vmul.f32 $8.000000000e+00, v34;
	_ =	sdelay $0x1  }
0x422: {  	[tilespmem:v35+s28+$0x0] =	vst.idx.msk $0xffff, v34  }
0x423: {  	v34 =	vld [tilespmem:s18+$0xFFFFFE20];
	_ =	sdelay $0x1  }
0x424: {  	v54 =	vadd.s32 v2, v33;
	_ =	sdelay $0x2  }
0x425: {  	v34 =	vmul.f32 $8.000000000e+00, v34;
	_ =	sdelay $0x1  }
0x426: {  	[tilespmem:v54+s28+$0x0] =	vst.idx.msk $0xffff, v34  }
0x427: {  	v34 =	vld [tilespmem:s18+$0xFFFFFE30];
	_ =	sdelay $0x1  }
0x428: {  	v55 =	vadd.s32 v3, v33;
	_ =	sdelay $0x2  }
0x429: {  	v34 =	vmul.f32 $8.000000000e+00, v34;
	_ =	sdelay $0x1  }
0x42a: {  	[tilespmem:v55+s28+$0x0] =	vst.idx.msk $0xffff, v34  }
0x42b: {  	v34 =	vld [tilespmem:s18+$0xFFFFFE40];
	_ =	sdelay $0x1  }
0x42c: {  	v33 =	vadd.s32 v4, v33;
	_ =	sdelay $0x1  }
0x42d: {  	s13 =	simm.s32 $0x1  }
0x42e: {  	v56 =	vmov s13;
	v34 =	vmul.f32 $8.000000000e+00, v34  }
0x42f: {  	v35 =	vshrl.u32 v56, $0x3  }
0x430: {  	v57 =	vshll.u32 v35, v1;
	[tilespmem:v33+s28+$0x0] =	vst.idx.msk $0xffff, v34  }
0x431: {  	v33 =	vbroadcast v57, $0x0;
	v34 =	vld [tilespmem:s18+$0xFFFFFE50];
	_ =	sdelay $0x1  }
0x432: {  	v58 =	vadd.s32 v5, v33;
	_ =	sdelay $0x2  }
0x433: {  	v34 =	vmul.f32 $8.000000000e+00, v34;
	_ =	sdelay $0x1  }
0x434: {  	[tilespmem:v58+s28+$0x0] =	vst.idx.msk $0xffff, v34  }
0x435: {  	v34 =	vld [tilespmem:s18+$0xFFFFFE60];
	_ =	sdelay $0x1  }
0x436: {  	v59 =	vadd.s32 v6, v33;
	_ =	sdelay $0x2  }
0x437: {  	v34 =	vmul.f32 $8.000000000e+00, v34;
	_ =	sdelay $0x1  }
0x438: {  	[tilespmem:v59+s28+$0x0] =	vst.idx.msk $0xffff, v34  }
0x439: {  	v34 =	vld [tilespmem:s18+$0xFFFFFE70];
	_ =	sdelay $0x1  }
0x43a: {  	v60 =	vadd.s32 v7, v33;
	_ =	sdelay $0x2  }
0x43b: {  	v34 =	vmul.f32 $8.000000000e+00, v34;
	_ =	sdelay $0x1  }
0x43c: {  	[tilespmem:v60+s28+$0x0] =	vst.idx.msk $0xffff, v34  }
0x43d: {  	v34 =	vld [tilespmem:s18+$0xFFFFFE80];
	_ =	sdelay $0x1  }
0x43e: {  	v33 =	vadd.s32 v8, v33;
	_ =	sdelay $0x1  }
0x43f: {  	s14 =	simm.s32 $0x2  }
0x440: {  	v61 =	vmov s14;
	v34 =	vmul.f32 $8.000000000e+00, v34  }
0x441: {  	v35 =	vshrl.u32 v61, $0x3  }
0x442: {  	v62 =	vshll.u32 v35, v1;
	[tilespmem:v33+s28+$0x0] =	vst.idx.msk $0xffff, v34  }
0x443: {  	v33 =	vbroadcast v62, $0x0;
	v34 =	vld [tilespmem:s18+$0xFFFFFE90];
	_ =	sdelay $0x1  }
0x444: {  	v63 =	vadd.s32 v9, v33;
	_ =	sdelay $0x2  }
0x445: {  	v34 =	vmul.f32 $8.000000000e+00, v34;
	_ =	sdelay $0x1  }
0x446: {  	[tilespmem:v63+s28+$0x0] =	vst.idx.msk $0xffff, v34  }
0x447: {  	v34 =	vld [tilespmem:s18+$0xFFFFFEA0];
	_ =	sdelay $0x1  }
0x448: {  	v36 =	vadd.s32 v10, v33;
	_ =	sdelay $0x2  }
0x449: {  	v34 =	vmul.f32 $8.000000000e+00, v34;
	_ =	sdelay $0x1  }
0x44a: {  	[tilespmem:v36+s28+$0x0] =	vst.idx.msk $0xffff, v34  }
0x44b: {  	v34 =	vld [tilespmem:s18+$0xFFFFFEB0];
	_ =	sdelay $0x1  }
0x44c: {  	v37 =	vadd.s32 v11, v33;
	_ =	sdelay $0x2  }
0x44d: {  	v34 =	vmul.f32 $8.000000000e+00, v34;
	_ =	sdelay $0x1  }
0x44e: {  	[tilespmem:v37+s28+$0x0] =	vst.idx.msk $0xffff, v34  }
0x44f: {  	v34 =	vld [tilespmem:s18+$0xFFFFFEC0];
	_ =	sdelay $0x1  }
0x450: {  	v33 =	vadd.s32 v12, v33;
	_ =	sdelay $0x1  }
0x451: {  	s1 =	simm.s32 $0x3  }
0x452: {  	v38 =	vmov s1;
	v34 =	vmul.f32 $8.000000000e+00, v34  }
0x453: {  	v35 =	vshrl.u32 v38, $0x3  }
0x454: {  	v39 =	vshll.u32 v35, v1;
	[tilespmem:v33+s28+$0x0] =	vst.idx.msk $0xffff, v34  }
0x455: {  	v33 =	vbroadcast v39, $0x0;
	v34 =	vld [tilespmem:s18+$0xFFFFFED0];
	_ =	sdelay $0x1  }
0x456: {  	v40 =	vadd.s32 v13, v33;
	_ =	sdelay $0x2  }
0x457: {  	v34 =	vmul.f32 $8.000000000e+00, v34;
	_ =	sdelay $0x1  }
0x458: {  	[tilespmem:v40+s28+$0x0] =	vst.idx.msk $0xffff, v34  }
0x459: {  	v34 =	vld [tilespmem:s18+$0xFFFFFEE0];
	_ =	sdelay $0x1  }
0x45a: {  	v41 =	vadd.s32 v14, v33;
	_ =	sdelay $0x2  }
0x45b: {  	v34 =	vmul.f32 $8.000000000e+00, v34;
	_ =	sdelay $0x1  }
0x45c: {  	[tilespmem:v41+s28+$0x0] =	vst.idx.msk $0xffff, v34  }
0x45d: {  	v34 =	vld [tilespmem:s18+$0xFFFFFEF0];
	_ =	sdelay $0x1  }
0x45e: {  	v42 =	vadd.s32 v15, v33;
	_ =	sdelay $0x2  }
0x45f: {  	v34 =	vmul.f32 $8.000000000e+00, v34;
	_ =	sdelay $0x1  }
0x460: {  	[tilespmem:v42+s28+$0x0] =	vst.idx.msk $0xffff, v34  }
0x461: {  	v34 =	vld [tilespmem:s18+$0xFFFFFF00];
	_ =	sdelay $0x1  }
0x462: {  	v33 =	vadd.s32 v16, v33;
	_ =	sdelay $0x1  }
0x463: {  	s5 =	simm.s32 $0x4  }
0x464: {  	v43 =	vmov s5;
	v34 =	vmul.f32 $8.000000000e+00, v34  }
0x465: {  	v35 =	vshrl.u32 v43, $0x3  }
0x466: {  	v44 =	vshll.u32 v35, v1;
	[tilespmem:v33+s28+$0x0] =	vst.idx.msk $0xffff, v34  }
0x467: {  	v33 =	vbroadcast v44, $0x0;
	v34 =	vld [tilespmem:s18+$0xFFFFFF10];
	_ =	sdelay $0x1  }
0x468: {  	v45 =	vadd.s32 v17, v33;
	_ =	sdelay $0x2  }
0x469: {  	v34 =	vmul.f32 $8.000000000e+00, v34;
	_ =	sdelay $0x1  }
0x46a: {  	[tilespmem:v45+s28+$0x0] =	vst.idx.msk $0xffff, v34  }
0x46b: {  	v34 =	vld [tilespmem:s18+$0xFFFFFF20];
	_ =	sdelay $0x1  }
0x46c: {  	v46 =	vadd.s32 v18, v33;
	_ =	sdelay $0x2  }
0x46d: {  	v34 =	vmul.f32 $8.000000000e+00, v34;
	_ =	sdelay $0x1  }
0x46e: {  	[tilespmem:v46+s28+$0x0] =	vst.idx.msk $0xffff, v34  }
0x46f: {  	v34 =	vld [tilespmem:s18+$0xFFFFFF30];
	_ =	sdelay $0x1  }
0x470: {  	v47 =	vadd.s32 v19, v33;
	_ =	sdelay $0x2  }
0x471: {  	v34 =	vmul.f32 $8.000000000e+00, v34;
	_ =	sdelay $0x1  }
0x472: {  	[tilespmem:v47+s28+$0x0] =	vst.idx.msk $0xffff, v34  }
0x473: {  	v34 =	vld [tilespmem:s18+$0xFFFFFF40];
	_ =	sdelay $0x1  }
0x474: {  	v33 =	vadd.s32 v20, v33;
	_ =	sdelay $0x1  }
0x475: {  	s10 =	simm.s32 $0x5  }
0x476: {  	v48 =	vmov s10;
	v34 =	vmul.f32 $8.000000000e+00, v34  }
0x477: {  	v35 =	vshrl.u32 v48, $0x3  }
0x478: {  	v49 =	vshll.u32 v35, v1;
	[tilespmem:v33+s28+$0x0] =	vst.idx.msk $0xffff, v34  }
0x479: {  	v33 =	vbroadcast v49, $0x0;
	v34 =	vld [tilespmem:s18+$0xFFFFFF50];
	_ =	sdelay $0x1  }
0x47a: {  	v50 =	vadd.s32 v21, v33;
	_ =	sdelay $0x2  }
0x47b: {  	v34 =	vmul.f32 $8.000000000e+00, v34;
	_ =	sdelay $0x1  }
0x47c: {  	[tilespmem:v50+s28+$0x0] =	vst.idx.msk $0xffff, v34  }
0x47d: {  	v34 =	vld [tilespmem:s18+$0xFFFFFF60];
	_ =	sdelay $0x1  }
0x47e: {  	v51 =	vadd.s32 v22, v33;
	_ =	sdelay $0x2  }
0x47f: {  	v34 =	vmul.f32 $8.000000000e+00, v34;
	_ =	sdelay $0x1  }
0x480: {  	[tilespmem:v51+s28+$0x0] =	vst.idx.msk $0xffff, v34  }
0x481: {  	v34 =	vld [tilespmem:s18+$0xFFFFFF70];
	_ =	sdelay $0x1  }
0x482: {  	v52 =	vadd.s32 v23, v33;
	_ =	sdelay $0x2  }
0x483: {  	v34 =	vmul.f32 $8.000000000e+00, v34;
	_ =	sdelay $0x1  }
0x484: {  	[tilespmem:v52+s28+$0x0] =	vst.idx.msk $0xffff, v34  }
0x485: {  	v34 =	vld [tilespmem:s18+$0xFFFFFF80];
	_ =	sdelay $0x1  }
0x486: {  	v33 =	vadd.s32 v24, v33;
	_ =	sdelay $0x1  }
0x487: {  	s13 =	simm.s32 $0x6  }
0x488: {  	v53 =	vmov s13;
	v34 =	vmul.f32 $8.000000000e+00, v34  }
0x489: {  	v35 =	vshrl.u32 v53, $0x3  }
0x48a: {  	v54 =	vshll.u32 v35, v1;
	[tilespmem:v33+s28+$0x0] =	vst.idx.msk $0xffff, v34  }
0x48b: {  	v33 =	vbroadcast v54, $0x0;
	v34 =	vld [tilespmem:s18+$0xFFFFFF90];
	_ =	sdelay $0x1  }
0x48c: {  	v55 =	vadd.s32 v25, v33;
	_ =	sdelay $0x2  }
0x48d: {  	v34 =	vmul.f32 $8.000000000e+00, v34;
	_ =	sdelay $0x1  }
0x48e: {  	[tilespmem:v55+s28+$0x0] =	vst.idx.msk $0xffff, v34  }
0x48f: {  	v34 =	vld [tilespmem:s18+$0xFFFFFFA0];
	_ =	sdelay $0x1  }
0x490: {  	v56 =	vadd.s32 v26, v33;
	_ =	sdelay $0x2  }
0x491: {  	v34 =	vmul.f32 $8.000000000e+00, v34;
	_ =	sdelay $0x1  }
0x492: {  	[tilespmem:v56+s28+$0x0] =	vst.idx.msk $0xffff, v34  }
0x493: {  	v34 =	vld [tilespmem:s18+$0xFFFFFFB0];
	_ =	sdelay $0x1  }
0x494: {  	v57 =	vadd.s32 v27, v33;
	_ =	sdelay $0x2  }
0x495: {  	v34 =	vmul.f32 $8.000000000e+00, v34;
	_ =	sdelay $0x1  }
0x496: {  	[tilespmem:v57+s28+$0x0] =	vst.idx.msk $0xffff, v34  }
0x497: {  	v34 =	vld [tilespmem:s18+$0xFFFFFFC0];
	_ =	sdelay $0x1  }
0x498: {  	v33 =	vadd.s32 v28, v33;
	_ =	sdelay $0x1  }
0x499: {  	s14 =	simm.s32 $0x7  }
0x49a: {  	v58 =	vmov s14;
	v34 =	vmul.f32 $8.000000000e+00, v34  }
0x49b: {  	v35 =	vshrl.u32 v58, $0x3  }
0x49c: {  	v59 =	vshll.u32 v35, v1;
	[tilespmem:v33+s28+$0x0] =	vst.idx.msk $0xffff, v34  }
0x49d: {  	v33 =	vbroadcast v59, $0x0;
	v34 =	vld [tilespmem:s18+$0xFFFFFFD0];
	_ =	sdelay $0x1  }
0x49e: {  	v60 =	vadd.s32 v29, v33;
	_ =	sdelay $0x2  }
0x49f: {  	v34 =	vmul.f32 $8.000000000e+00, v34;
	_ =	sdelay $0x1  }
0x4a0: {  	[tilespmem:v60+s28+$0x0] =	vst.idx.msk $0xffff, v34  }
0x4a1: {  	v34 =	vld [tilespmem:s18+$0xFFFFFFE0];
	_ =	sdelay $0x1  }
0x4a2: {  	v61 =	vadd.s32 v30, v33;
	_ =	sdelay $0x2  }
0x4a3: {  	v34 =	vmul.f32 $8.000000000e+00, v34;
	_ =	sdelay $0x1  }
0x4a4: {  	[tilespmem:v61+s28+$0x0] =	vst.idx.msk $0xffff, v34  }
0x4a5: {  	v34 =	vld [tilespmem:s18+$0xFFFFFFF0];
	_ =	sdelay $0x1  }
0x4a6: {  	v62 =	vadd.s32 v31, v33;
	_ =	sdelay $0x2  }
0x4a7: {  	v34 =	vmul.f32 $8.000000000e+00, v34;
	_ =	sdelay $0x1  }
0x4a8: {  	[tilespmem:v62+s28+$0x0] =	vst.idx.msk $0xffff, v34  }
0x4a9: {  	v34 =	vld [tilespmem:s18+$0x0];
	_ =	sdelay $0x1  }
0x4aa: {  	v33 =	vadd.s32 v32, v33  }
0x4ab: {  	s5 =	simm.s32 $0x8  }
0x4ac: {  	v63 =	vmov s5  }
0x4ad: {  	s10 =	simm.s32 $0x10;
	v35 =	vshrl.u32 v63, $0x3;
	v34 =	vmul.f32 $8.000000000e+00, v34  }
.LBB2_19:
0x4ae: {  	p2 =	slt.u32 s10, $0x78  }
0x4af: {  	v35 =	vshll.u32 v35, v1;
	[tilespmem:v33+s28+$0x0] =	vst.idx.msk $0xffff, v34;
	s18 =	sadd.s32 $0x200, s18;
	s13 =	smov.u32 s10;
	s10 =	sadd.s32 $0x8, s10  }
0x4b0: {  	v33 =	vld [tilespmem:s18+$0xFFFFFE10];
	v34 =	vbroadcast v35, $0x0;
	_ =	sdelay $0x1  }
0x4b1: {  	v35 =	vadd.s32 v0, v34;
	_ =	sdelay $0x2  }
0x4b2: {  	v33 =	vmul.f32 $8.000000000e+00, v33;
	_ =	sdelay $0x1  }
0x4b3: {  	[tilespmem:v35+s28+$0x0] =	vst.idx.msk $0xffff, v33  }
0x4b4: {  	v33 =	vld [tilespmem:s18+$0xFFFFFE20];
	_ =	sdelay $0x1  }
0x4b5: {  	v35 =	vadd.s32 v2, v34;
	_ =	sdelay $0x2  }
0x4b6: {  	v33 =	vmul.f32 $8.000000000e+00, v33;
	_ =	sdelay $0x1  }
0x4b7: {  	[tilespmem:v35+s28+$0x0] =	vst.idx.msk $0xffff, v33  }
0x4b8: {  	v33 =	vld [tilespmem:s18+$0xFFFFFE30];
	_ =	sdelay $0x1  }
0x4b9: {  	v35 =	vadd.s32 v3, v34;
	_ =	sdelay $0x2  }
0x4ba: {  	v33 =	vmul.f32 $8.000000000e+00, v33;
	_ =	sdelay $0x1  }
0x4bb: {  	[tilespmem:v35+s28+$0x0] =	vst.idx.msk $0xffff, v33  }
0x4bc: {  	v33 =	vld [tilespmem:s18+$0xFFFFFE40];
	_ =	sdelay $0x1  }
0x4bd: {  	v34 =	vadd.s32 v4, v34;
	_ =	sdelay $0x1  }
0x4be: {  	s0 =	sadd.s32 $0x1, s5  }
0x4bf: {  	v35 =	vmov s0;
	v33 =	vmul.f32 $8.000000000e+00, v33  }
0x4c0: {  	v35 =	vshrl.u32 v35, $0x3  }
0x4c1: {  	[tilespmem:v34+s28+$0x0] =	vst.idx.msk $0xffff, v33;
	v33 =	vshll.u32 v35, v1  }
0x4c2: {  	v34 =	vld [tilespmem:s18+$0xFFFFFE50];
	v33 =	vbroadcast v33, $0x0;
	_ =	sdelay $0x1  }
0x4c3: {  	v35 =	vadd.s32 v5, v33;
	_ =	sdelay $0x2  }
0x4c4: {  	v34 =	vmul.f32 $8.000000000e+00, v34;
	_ =	sdelay $0x1  }
0x4c5: {  	[tilespmem:v35+s28+$0x0] =	vst.idx.msk $0xffff, v34  }
0x4c6: {  	v34 =	vld [tilespmem:s18+$0xFFFFFE60];
	_ =	sdelay $0x1  }
0x4c7: {  	v35 =	vadd.s32 v6, v33;
	_ =	sdelay $0x2  }
0x4c8: {  	v34 =	vmul.f32 $8.000000000e+00, v34;
	_ =	sdelay $0x1  }
0x4c9: {  	[tilespmem:v35+s28+$0x0] =	vst.idx.msk $0xffff, v34  }
0x4ca: {  	v34 =	vld [tilespmem:s18+$0xFFFFFE70];
	_ =	sdelay $0x1  }
0x4cb: {  	v35 =	vadd.s32 v7, v33;
	_ =	sdelay $0x2  }
0x4cc: {  	v34 =	vmul.f32 $8.000000000e+00, v34;
	_ =	sdelay $0x1  }
0x4cd: {  	[tilespmem:v35+s28+$0x0] =	vst.idx.msk $0xffff, v34  }
0x4ce: {  	v34 =	vld [tilespmem:s18+$0xFFFFFE80];
	_ =	sdelay $0x1  }
0x4cf: {  	v33 =	vadd.s32 v8, v33;
	_ =	sdelay $0x1  }
0x4d0: {  	s0 =	sadd.s32 $0x2, s5  }
0x4d1: {  	v35 =	vmov s0;
	v34 =	vmul.f32 $8.000000000e+00, v34  }
0x4d2: {  	v35 =	vshrl.u32 v35, $0x3  }
0x4d3: {  	[tilespmem:v33+s28+$0x0] =	vst.idx.msk $0xffff, v34;
	v33 =	vshll.u32 v35, v1  }
0x4d4: {  	v34 =	vld [tilespmem:s18+$0xFFFFFE90];
	v33 =	vbroadcast v33, $0x0;
	_ =	sdelay $0x1  }
0x4d5: {  	v35 =	vadd.s32 v9, v33;
	_ =	sdelay $0x2  }
0x4d6: {  	v34 =	vmul.f32 $8.000000000e+00, v34;
	_ =	sdelay $0x1  }
0x4d7: {  	[tilespmem:v35+s28+$0x0] =	vst.idx.msk $0xffff, v34  }
0x4d8: {  	v34 =	vld [tilespmem:s18+$0xFFFFFEA0];
	_ =	sdelay $0x1  }
0x4d9: {  	v35 =	vadd.s32 v10, v33;
	_ =	sdelay $0x2  }
0x4da: {  	v34 =	vmul.f32 $8.000000000e+00, v34;
	_ =	sdelay $0x1  }
0x4db: {  	[tilespmem:v35+s28+$0x0] =	vst.idx.msk $0xffff, v34  }
0x4dc: {  	v34 =	vld [tilespmem:s18+$0xFFFFFEB0];
	_ =	sdelay $0x1  }
0x4dd: {  	v35 =	vadd.s32 v11, v33;
	_ =	sdelay $0x2  }
0x4de: {  	v34 =	vmul.f32 $8.000000000e+00, v34;
	_ =	sdelay $0x1  }
0x4df: {  	[tilespmem:v35+s28+$0x0] =	vst.idx.msk $0xffff, v34  }
0x4e0: {  	v34 =	vld [tilespmem:s18+$0xFFFFFEC0];
	_ =	sdelay $0x1  }
0x4e1: {  	v33 =	vadd.s32 v12, v33;
	_ =	sdelay $0x1  }
0x4e2: {  	s0 =	sadd.s32 $0x3, s5  }
0x4e3: {  	v35 =	vmov s0;
	v34 =	vmul.f32 $8.000000000e+00, v34  }
0x4e4: {  	v35 =	vshrl.u32 v35, $0x3  }
0x4e5: {  	[tilespmem:v33+s28+$0x0] =	vst.idx.msk $0xffff, v34;
	v33 =	vshll.u32 v35, v1  }
0x4e6: {  	v34 =	vld [tilespmem:s18+$0xFFFFFED0];
	v33 =	vbroadcast v33, $0x0;
	_ =	sdelay $0x1  }
0x4e7: {  	v35 =	vadd.s32 v13, v33;
	_ =	sdelay $0x2  }
0x4e8: {  	v34 =	vmul.f32 $8.000000000e+00, v34;
	_ =	sdelay $0x1  }
0x4e9: {  	[tilespmem:v35+s28+$0x0] =	vst.idx.msk $0xffff, v34  }
0x4ea: {  	v34 =	vld [tilespmem:s18+$0xFFFFFEE0];
	_ =	sdelay $0x1  }
0x4eb: {  	v35 =	vadd.s32 v14, v33;
	_ =	sdelay $0x2  }
0x4ec: {  	v34 =	vmul.f32 $8.000000000e+00, v34;
	_ =	sdelay $0x1  }
0x4ed: {  	[tilespmem:v35+s28+$0x0] =	vst.idx.msk $0xffff, v34  }
0x4ee: {  	v34 =	vld [tilespmem:s18+$0xFFFFFEF0];
	_ =	sdelay $0x1  }
0x4ef: {  	v35 =	vadd.s32 v15, v33;
	_ =	sdelay $0x2  }
0x4f0: {  	v34 =	vmul.f32 $8.000000000e+00, v34;
	_ =	sdelay $0x1  }
0x4f1: {  	[tilespmem:v35+s28+$0x0] =	vst.idx.msk $0xffff, v34  }
0x4f2: {  	v34 =	vld [tilespmem:s18+$0xFFFFFF00];
	_ =	sdelay $0x1  }
0x4f3: {  	v33 =	vadd.s32 v16, v33;
	_ =	sdelay $0x1  }
0x4f4: {  	s0 =	sadd.s32 $0x4, s5  }
0x4f5: {  	v35 =	vmov s0;
	v34 =	vmul.f32 $8.000000000e+00, v34  }
0x4f6: {  	v35 =	vshrl.u32 v35, $0x3  }
0x4f7: {  	[tilespmem:v33+s28+$0x0] =	vst.idx.msk $0xffff, v34;
	v33 =	vshll.u32 v35, v1  }
0x4f8: {  	v34 =	vld [tilespmem:s18+$0xFFFFFF10];
	v33 =	vbroadcast v33, $0x0;
	_ =	sdelay $0x1  }
0x4f9: {  	v35 =	vadd.s32 v17, v33;
	_ =	sdelay $0x2  }
0x4fa: {  	v34 =	vmul.f32 $8.000000000e+00, v34;
	_ =	sdelay $0x1  }
0x4fb: {  	[tilespmem:v35+s28+$0x0] =	vst.idx.msk $0xffff, v34  }
0x4fc: {  	v34 =	vld [tilespmem:s18+$0xFFFFFF20];
	_ =	sdelay $0x1  }
0x4fd: {  	v35 =	vadd.s32 v18, v33;
	_ =	sdelay $0x2  }
0x4fe: {  	v34 =	vmul.f32 $8.000000000e+00, v34;
	_ =	sdelay $0x1  }
0x4ff: {  	[tilespmem:v35+s28+$0x0] =	vst.idx.msk $0xffff, v34  }
0x500: {  	v34 =	vld [tilespmem:s18+$0xFFFFFF30];
	_ =	sdelay $0x1  }
0x501: {  	v35 =	vadd.s32 v19, v33;
	_ =	sdelay $0x2  }
0x502: {  	v34 =	vmul.f32 $8.000000000e+00, v34;
	_ =	sdelay $0x1  }
0x503: {  	[tilespmem:v35+s28+$0x0] =	vst.idx.msk $0xffff, v34  }
0x504: {  	v34 =	vld [tilespmem:s18+$0xFFFFFF40];
	_ =	sdelay $0x1  }
0x505: {  	v33 =	vadd.s32 v20, v33;
	_ =	sdelay $0x1  }
0x506: {  	s0 =	sadd.s32 $0x5, s5  }
0x507: {  	v35 =	vmov s0;
	v34 =	vmul.f32 $8.000000000e+00, v34  }
0x508: {  	v35 =	vshrl.u32 v35, $0x3  }
0x509: {  	[tilespmem:v33+s28+$0x0] =	vst.idx.msk $0xffff, v34;
	v33 =	vshll.u32 v35, v1  }
0x50a: {  	v34 =	vld [tilespmem:s18+$0xFFFFFF50];
	v33 =	vbroadcast v33, $0x0;
	_ =	sdelay $0x1  }
0x50b: {  	v35 =	vadd.s32 v21, v33;
	_ =	sdelay $0x2  }
0x50c: {  	v34 =	vmul.f32 $8.000000000e+00, v34;
	_ =	sdelay $0x1  }
0x50d: {  	[tilespmem:v35+s28+$0x0] =	vst.idx.msk $0xffff, v34  }
0x50e: {  	v34 =	vld [tilespmem:s18+$0xFFFFFF60];
	_ =	sdelay $0x1  }
0x50f: {  	v35 =	vadd.s32 v22, v33;
	_ =	sdelay $0x2  }
0x510: {  	v34 =	vmul.f32 $8.000000000e+00, v34;
	_ =	sdelay $0x1  }
0x511: {  	[tilespmem:v35+s28+$0x0] =	vst.idx.msk $0xffff, v34  }
0x512: {  	v34 =	vld [tilespmem:s18+$0xFFFFFF70];
	_ =	sdelay $0x1  }
0x513: {  	v35 =	vadd.s32 v23, v33;
	_ =	sdelay $0x2  }
0x514: {  	v34 =	vmul.f32 $8.000000000e+00, v34;
	_ =	sdelay $0x1  }
0x515: {  	[tilespmem:v35+s28+$0x0] =	vst.idx.msk $0xffff, v34  }
0x516: {  	v34 =	vld [tilespmem:s18+$0xFFFFFF80];
	_ =	sdelay $0x1  }
0x517: {  	v33 =	vadd.s32 v24, v33;
	_ =	sdelay $0x1  }
0x518: {  	s0 =	sadd.s32 $0x6, s5  }
0x519: {  	v35 =	vmov s0;
	v34 =	vmul.f32 $8.000000000e+00, v34  }
0x51a: {  	v35 =	vshrl.u32 v35, $0x3  }
0x51b: {  	[tilespmem:v33+s28+$0x0] =	vst.idx.msk $0xffff, v34;
	v33 =	vshll.u32 v35, v1  }
0x51c: {  	v34 =	vld [tilespmem:s18+$0xFFFFFF90];
	v33 =	vbroadcast v33, $0x0;
	_ =	sdelay $0x1  }
0x51d: {  	v35 =	vadd.s32 v25, v33;
	_ =	sdelay $0x2  }
0x51e: {  	v34 =	vmul.f32 $8.000000000e+00, v34;
	_ =	sdelay $0x1  }
0x51f: {  	[tilespmem:v35+s28+$0x0] =	vst.idx.msk $0xffff, v34  }
0x520: {  	v34 =	vld [tilespmem:s18+$0xFFFFFFA0];
	_ =	sdelay $0x1  }
0x521: {  	v35 =	vadd.s32 v26, v33;
	_ =	sdelay $0x2  }
0x522: {  	v34 =	vmul.f32 $8.000000000e+00, v34;
	_ =	sdelay $0x1  }
0x523: {  	[tilespmem:v35+s28+$0x0] =	vst.idx.msk $0xffff, v34  }
0x524: {  	v34 =	vld [tilespmem:s18+$0xFFFFFFB0];
	_ =	sdelay $0x1  }
0x525: {  	v35 =	vadd.s32 v27, v33;
	_ =	sdelay $0x2  }
0x526: {  	v34 =	vmul.f32 $8.000000000e+00, v34;
	_ =	sdelay $0x1  }
0x527: {  	[tilespmem:v35+s28+$0x0] =	vst.idx.msk $0xffff, v34  }
0x528: {  	v34 =	vld [tilespmem:s18+$0xFFFFFFC0];
	_ =	sdelay $0x1  }
0x529: {  	v33 =	vadd.s32 v28, v33;
	_ =	sdelay $0x1  }
0x52a: {  	s0 =	sadd.s32 $0x7, s5;
	s5 =	smov.u32 s13  }
0x52b: {  	v35 =	vmov s0;
	v34 =	vmul.f32 $8.000000000e+00, v34  }
0x52c: {  	v35 =	vshrl.u32 v35, $0x3  }
0x52d: {  	[tilespmem:v33+s28+$0x0] =	vst.idx.msk $0xffff, v34;
	v33 =	vshll.u32 v35, v1  }
0x52e: {  	v34 =	vld [tilespmem:s18+$0xFFFFFFD0];
	v33 =	vbroadcast v33, $0x0;
	_ =	sdelay $0x1  }
0x52f: {  	v35 =	vadd.s32 v29, v33;
	_ =	sdelay $0x2  }
0x530: {  	v34 =	vmul.f32 $8.000000000e+00, v34;
	_ =	sdelay $0x1  }
0x531: {  	[tilespmem:v35+s28+$0x0] =	vst.idx.msk $0xffff, v34  }
0x532: {  	v34 =	vld [tilespmem:s18+$0xFFFFFFE0];
	_ =	sdelay $0x1  }
0x533: {  	v35 =	vadd.s32 v30, v33;
	_ =	sdelay $0x2  }
0x534: {  	v34 =	vmul.f32 $8.000000000e+00, v34;
	_ =	sdelay $0x1  }
0x535: {  	[tilespmem:v35+s28+$0x0] =	vst.idx.msk $0xffff, v34  }
0x536: {  	v34 =	vld [tilespmem:s18+$0xFFFFFFF0];
	_ =	sdelay $0x1  }
0x537: {  	v35 =	vadd.s32 v31, v33;
	_ =	sdelay $0x2  }
0x538: {  	v34 =	vmul.f32 $8.000000000e+00, v34;
	_ =	sdelay $0x1  }
0x539: {  	[tilespmem:v35+s28+$0x0] =	vst.idx.msk $0xffff, v34  }
0x53a: {  	v34 =	vld [tilespmem:s18+$0x0];
	_ =	sdelay $0x1  }
.Ltmp12:
0x53b: {  	v33 =	vadd.s32 v32, v33;
	(pc) =	sbr.rel @p2 .LBB2_19-.Ltmp12, $3  }
0x53c: {  	_ =	sdelay $0x1  }
0x53d: {  	v35 =	vmov s5;
	v34 =	vmul.f32 $8.000000000e+00, v34  }
0x53e: {  	v35 =	vshrl.u32 v35, $0x3  }
0x53f: {  	_ =	sdelay $0x3  }
0x540: {  	v35 =	vshll.u32 v35, v1;
	[tilespmem:v33+s28+$0x0] =	vst.idx.msk $0xffff, v34;
	s10 =	sadd.s32 $0x200, s18  }
0x541: {  	v33 =	vld [tilespmem:s10+$0xFFFFFE10];
	v54 =	vbroadcast v35, $0x0;
	_ =	sdelay $0x1  }
0x542: {  	v35 =	vadd.s32 v0, v54;
	_ =	sdelay $0x2  }
0x543: {  	v33 =	vmul.f32 $8.000000000e+00, v33;
	_ =	sdelay $0x1  }
0x544: {  	[tilespmem:v35+s28+$0x0] =	vst.idx.msk $0xffff, v33  }
0x545: {  	v33 =	vld [tilespmem:s10+$0xFFFFFE20];
	_ =	sdelay $0x1  }
0x546: {  	v55 =	vadd.s32 v2, v54;
	_ =	sdelay $0x2  }
0x547: {  	v33 =	vmul.f32 $8.000000000e+00, v33;
	_ =	sdelay $0x1  }
0x548: {  	[tilespmem:v55+s28+$0x0] =	vst.idx.msk $0xffff, v33  }
0x549: {  	v33 =	vld [tilespmem:s10+$0xFFFFFE30];
	_ =	sdelay $0x1  }
0x54a: {  	v56 =	vadd.s32 v3, v54;
	_ =	sdelay $0x2  }
0x54b: {  	v33 =	vmul.f32 $8.000000000e+00, v33;
	_ =	sdelay $0x1  }
0x54c: {  	[tilespmem:v56+s28+$0x0] =	vst.idx.msk $0xffff, v33  }
0x54d: {  	v33 =	vld [tilespmem:s10+$0xFFFFFE40];
	_ =	sdelay $0x1  }
0x54e: {  	v34 =	vadd.s32 v4, v54;
	_ =	sdelay $0x1  }
0x54f: {  	s0 =	sadd.s32 $0x1, s5  }
0x550: {  	v57 =	vmov s0;
	v33 =	vmul.f32 $8.000000000e+00, v33  }
0x551: {  	v35 =	vshrl.u32 v57, $0x3  }
0x552: {  	v58 =	vshll.u32 v35, v1;
	[tilespmem:v34+s28+$0x0] =	vst.idx.msk $0xffff, v33  }
0x553: {  	v33 =	vbroadcast v58, $0x0;
	v34 =	vld [tilespmem:s10+$0xFFFFFE50];
	_ =	sdelay $0x1  }
0x554: {  	v59 =	vadd.s32 v5, v33;
	_ =	sdelay $0x2  }
0x555: {  	v34 =	vmul.f32 $8.000000000e+00, v34;
	_ =	sdelay $0x1  }
0x556: {  	[tilespmem:v59+s28+$0x0] =	vst.idx.msk $0xffff, v34  }
0x557: {  	v34 =	vld [tilespmem:s10+$0xFFFFFE60];
	_ =	sdelay $0x1  }
0x558: {  	v60 =	vadd.s32 v6, v33;
	_ =	sdelay $0x2  }
0x559: {  	v34 =	vmul.f32 $8.000000000e+00, v34;
	_ =	sdelay $0x1  }
0x55a: {  	[tilespmem:v60+s28+$0x0] =	vst.idx.msk $0xffff, v34  }
0x55b: {  	v34 =	vld [tilespmem:s10+$0xFFFFFE70];
	_ =	sdelay $0x1  }
0x55c: {  	v61 =	vadd.s32 v7, v33;
	_ =	sdelay $0x2  }
0x55d: {  	v34 =	vmul.f32 $8.000000000e+00, v34;
	_ =	sdelay $0x1  }
0x55e: {  	[tilespmem:v61+s28+$0x0] =	vst.idx.msk $0xffff, v34  }
0x55f: {  	v34 =	vld [tilespmem:s10+$0xFFFFFE80];
	_ =	sdelay $0x1  }
0x560: {  	v33 =	vadd.s32 v8, v33;
	_ =	sdelay $0x1  }
0x561: {  	s1 =	sadd.s32 $0x2, s5  }
0x562: {  	v62 =	vmov s1;
	v34 =	vmul.f32 $8.000000000e+00, v34  }
0x563: {  	v35 =	vshrl.u32 v62, $0x3  }
0x564: {  	v63 =	vshll.u32 v35, v1;
	[tilespmem:v33+s28+$0x0] =	vst.idx.msk $0xffff, v34  }
0x565: {  	v33 =	vbroadcast v63, $0x0;
	v34 =	vld [tilespmem:s10+$0xFFFFFE90];
	_ =	sdelay $0x1  }
0x566: {  	v36 =	vadd.s32 v9, v33;
	_ =	sdelay $0x2  }
0x567: {  	v34 =	vmul.f32 $8.000000000e+00, v34;
	_ =	sdelay $0x1  }
0x568: {  	[tilespmem:v36+s28+$0x0] =	vst.idx.msk $0xffff, v34  }
0x569: {  	v34 =	vld [tilespmem:s10+$0xFFFFFEA0];
	_ =	sdelay $0x1  }
0x56a: {  	v37 =	vadd.s32 v10, v33;
	_ =	sdelay $0x2  }
0x56b: {  	v34 =	vmul.f32 $8.000000000e+00, v34;
	_ =	sdelay $0x1  }
0x56c: {  	[tilespmem:v37+s28+$0x0] =	vst.idx.msk $0xffff, v34  }
0x56d: {  	v34 =	vld [tilespmem:s10+$0xFFFFFEB0];
	_ =	sdelay $0x1  }
0x56e: {  	v38 =	vadd.s32 v11, v33;
	_ =	sdelay $0x2  }
0x56f: {  	v34 =	vmul.f32 $8.000000000e+00, v34;
	_ =	sdelay $0x1  }
0x570: {  	[tilespmem:v38+s28+$0x0] =	vst.idx.msk $0xffff, v34  }
0x571: {  	v34 =	vld [tilespmem:s10+$0xFFFFFEC0];
	_ =	sdelay $0x1  }
0x572: {  	v33 =	vadd.s32 v12, v33;
	_ =	sdelay $0x1  }
0x573: {  	s13 =	sadd.s32 $0x3, s5  }
0x574: {  	v39 =	vmov s13;
	v34 =	vmul.f32 $8.000000000e+00, v34  }
0x575: {  	v35 =	vshrl.u32 v39, $0x3  }
0x576: {  	v40 =	vshll.u32 v35, v1;
	[tilespmem:v33+s28+$0x0] =	vst.idx.msk $0xffff, v34  }
0x577: {  	v33 =	vbroadcast v40, $0x0;
	v34 =	vld [tilespmem:s10+$0xFFFFFED0];
	_ =	sdelay $0x1  }
0x578: {  	v41 =	vadd.s32 v13, v33;
	_ =	sdelay $0x2  }
0x579: {  	v34 =	vmul.f32 $8.000000000e+00, v34;
	_ =	sdelay $0x1  }
0x57a: {  	[tilespmem:v41+s28+$0x0] =	vst.idx.msk $0xffff, v34  }
0x57b: {  	v34 =	vld [tilespmem:s10+$0xFFFFFEE0];
	_ =	sdelay $0x1  }
0x57c: {  	v42 =	vadd.s32 v14, v33;
	_ =	sdelay $0x2  }
0x57d: {  	v34 =	vmul.f32 $8.000000000e+00, v34;
	_ =	sdelay $0x1  }
0x57e: {  	[tilespmem:v42+s28+$0x0] =	vst.idx.msk $0xffff, v34  }
0x57f: {  	v34 =	vld [tilespmem:s10+$0xFFFFFEF0];
	_ =	sdelay $0x1  }
0x580: {  	v43 =	vadd.s32 v15, v33;
	_ =	sdelay $0x2  }
0x581: {  	v34 =	vmul.f32 $8.000000000e+00, v34;
	_ =	sdelay $0x1  }
0x582: {  	[tilespmem:v43+s28+$0x0] =	vst.idx.msk $0xffff, v34  }
0x583: {  	v34 =	vld [tilespmem:s10+$0xFFFFFF00];
	_ =	sdelay $0x1  }
0x584: {  	v33 =	vadd.s32 v16, v33;
	_ =	sdelay $0x1  }
0x585: {  	s14 =	sadd.s32 $0x4, s5  }
0x586: {  	v44 =	vmov s14;
	v34 =	vmul.f32 $8.000000000e+00, v34  }
0x587: {  	v35 =	vshrl.u32 v44, $0x3  }
0x588: {  	v45 =	vshll.u32 v35, v1;
	[tilespmem:v33+s28+$0x0] =	vst.idx.msk $0xffff, v34  }
0x589: {  	v33 =	vbroadcast v45, $0x0;
	v34 =	vld [tilespmem:s10+$0xFFFFFF10];
	_ =	sdelay $0x1  }
0x58a: {  	v46 =	vadd.s32 v17, v33;
	_ =	sdelay $0x2  }
0x58b: {  	v34 =	vmul.f32 $8.000000000e+00, v34;
	_ =	sdelay $0x1  }
0x58c: {  	[tilespmem:v46+s28+$0x0] =	vst.idx.msk $0xffff, v34  }
0x58d: {  	v34 =	vld [tilespmem:s10+$0xFFFFFF20];
	_ =	sdelay $0x1  }
0x58e: {  	v47 =	vadd.s32 v18, v33;
	_ =	sdelay $0x2  }
0x58f: {  	v34 =	vmul.f32 $8.000000000e+00, v34;
	_ =	sdelay $0x1  }
0x590: {  	[tilespmem:v47+s28+$0x0] =	vst.idx.msk $0xffff, v34  }
0x591: {  	v34 =	vld [tilespmem:s10+$0xFFFFFF30];
	_ =	sdelay $0x1  }
0x592: {  	v48 =	vadd.s32 v19, v33;
	_ =	sdelay $0x2  }
0x593: {  	v34 =	vmul.f32 $8.000000000e+00, v34;
	_ =	sdelay $0x1  }
0x594: {  	[tilespmem:v48+s28+$0x0] =	vst.idx.msk $0xffff, v34  }
0x595: {  	v34 =	vld [tilespmem:s10+$0xFFFFFF40];
	_ =	sdelay $0x1  }
0x596: {  	v33 =	vadd.s32 v20, v33;
	_ =	sdelay $0x1  }
0x597: {  	s18 =	sadd.s32 $0x5, s5  }
0x598: {  	v49 =	vmov s18;
	v34 =	vmul.f32 $8.000000000e+00, v34  }
0x599: {  	v35 =	vshrl.u32 v49, $0x3  }
0x59a: {  	v50 =	vshll.u32 v35, v1;
	[tilespmem:v33+s28+$0x0] =	vst.idx.msk $0xffff, v34  }
0x59b: {  	v33 =	vbroadcast v50, $0x0;
	v34 =	vld [tilespmem:s10+$0xFFFFFF50];
	_ =	sdelay $0x1  }
0x59c: {  	v51 =	vadd.s32 v21, v33;
	_ =	sdelay $0x2  }
0x59d: {  	v34 =	vmul.f32 $8.000000000e+00, v34;
	_ =	sdelay $0x1  }
0x59e: {  	[tilespmem:v51+s28+$0x0] =	vst.idx.msk $0xffff, v34  }
0x59f: {  	v34 =	vld [tilespmem:s10+$0xFFFFFF60];
	_ =	sdelay $0x1  }
0x5a0: {  	v52 =	vadd.s32 v22, v33;
	_ =	sdelay $0x2  }
0x5a1: {  	v34 =	vmul.f32 $8.000000000e+00, v34;
	_ =	sdelay $0x1  }
0x5a2: {  	[tilespmem:v52+s28+$0x0] =	vst.idx.msk $0xffff, v34  }
0x5a3: {  	v34 =	vld [tilespmem:s10+$0xFFFFFF70];
	_ =	sdelay $0x1  }
0x5a4: {  	v53 =	vadd.s32 v23, v33;
	_ =	sdelay $0x2  }
0x5a5: {  	v34 =	vmul.f32 $8.000000000e+00, v34;
	_ =	sdelay $0x1  }
0x5a6: {  	[tilespmem:v53+s28+$0x0] =	vst.idx.msk $0xffff, v34  }
0x5a7: {  	v34 =	vld [tilespmem:s10+$0xFFFFFF80];
	_ =	sdelay $0x1  }
0x5a8: {  	v33 =	vadd.s32 v24, v33;
	_ =	sdelay $0x1  }
0x5a9: {  	s1 =	sadd.s32 $0x6, s5  }
0x5aa: {  	v54 =	vmov s1;
	v34 =	vmul.f32 $8.000000000e+00, v34  }
0x5ab: {  	v35 =	vshrl.u32 v54, $0x3  }
0x5ac: {  	v55 =	vshll.u32 v35, v1;
	[tilespmem:v33+s28+$0x0] =	vst.idx.msk $0xffff, v34  }
0x5ad: {  	v33 =	vbroadcast v55, $0x0;
	v34 =	vld [tilespmem:s10+$0xFFFFFF90];
	_ =	sdelay $0x1  }
0x5ae: {  	v56 =	vadd.s32 v25, v33;
	_ =	sdelay $0x2  }
0x5af: {  	v34 =	vmul.f32 $8.000000000e+00, v34;
	_ =	sdelay $0x1  }
0x5b0: {  	[tilespmem:v56+s28+$0x0] =	vst.idx.msk $0xffff, v34  }
0x5b1: {  	v34 =	vld [tilespmem:s10+$0xFFFFFFA0];
	_ =	sdelay $0x1  }
0x5b2: {  	v57 =	vadd.s32 v26, v33;
	_ =	sdelay $0x2  }
0x5b3: {  	v34 =	vmul.f32 $8.000000000e+00, v34;
	_ =	sdelay $0x1  }
0x5b4: {  	[tilespmem:v57+s28+$0x0] =	vst.idx.msk $0xffff, v34  }
0x5b5: {  	v34 =	vld [tilespmem:s10+$0xFFFFFFB0];
	_ =	sdelay $0x1  }
0x5b6: {  	v58 =	vadd.s32 v27, v33;
	_ =	sdelay $0x2  }
0x5b7: {  	v34 =	vmul.f32 $8.000000000e+00, v34;
	_ =	sdelay $0x1  }
0x5b8: {  	[tilespmem:v58+s28+$0x0] =	vst.idx.msk $0xffff, v34  }
0x5b9: {  	v34 =	vld [tilespmem:s10+$0xFFFFFFC0];
	_ =	sdelay $0x1  }
0x5ba: {  	v33 =	vadd.s32 v28, v33;
	_ =	sdelay $0x1  }
0x5bb: {  	s5 =	sadd.s32 $0x7, s5  }
0x5bc: {  	v59 =	vmov s5;
	v34 =	vmul.f32 $8.000000000e+00, v34  }
0x5bd: {  	v35 =	vshrl.u32 v59, $0x3  }
0x5be: {  	v60 =	vshll.u32 v35, v1;
	[tilespmem:v33+s28+$0x0] =	vst.idx.msk $0xffff, v34  }
0x5bf: {  	v33 =	vbroadcast v60, $0x0;
	v34 =	vld [tilespmem:s10+$0xFFFFFFD0];
	_ =	sdelay $0x1  }
0x5c0: {  	v61 =	vadd.s32 v29, v33;
	_ =	sdelay $0x2  }
0x5c1: {  	v34 =	vmul.f32 $8.000000000e+00, v34;
	_ =	sdelay $0x1  }
0x5c2: {  	[tilespmem:v61+s28+$0x0] =	vst.idx.msk $0xffff, v34  }
0x5c3: {  	v34 =	vld [tilespmem:s10+$0xFFFFFFE0];
	_ =	sdelay $0x1  }
0x5c4: {  	v62 =	vadd.s32 v30, v33;
	_ =	sdelay $0x2  }
0x5c5: {  	v34 =	vmul.f32 $8.000000000e+00, v34;
	_ =	sdelay $0x1  }
0x5c6: {  	[tilespmem:v62+s28+$0x0] =	vst.idx.msk $0xffff, v34  }
0x5c7: {  	v34 =	vld [tilespmem:s10+$0xFFFFFFF0];
	_ =	sdelay $0x1  }
0x5c8: {  	v63 =	vadd.s32 v31, v33;
	_ =	sdelay $0x2  }
0x5c9: {  	v34 =	vmul.f32 $8.000000000e+00, v34;
	_ =	sdelay $0x1  }
0x5ca: {  	[tilespmem:v63+s28+$0x0] =	vst.idx.msk $0xffff, v34  }
0x5cb: {  	v34 =	vld [tilespmem:s10+$0x0];
	_ =	sdelay $0x1  }
0x5cc: {  	v33 =	vadd.s32 v32, v33;
	_ =	sdelay $0x2  }
0x5cd: {  	v34 =	vmul.f32 $8.000000000e+00, v34;
	_ =	sdelay $0x1  }
0x5ce: {  	s0 =	sadd.s32 s16, s8;
	s1 =	simm.s32 $0x12C00;
	[tilespmem:v33+s28+$0x0] =	vst.idx.msk $0xffff, v34  }
0x5cf: {  	[hbm4b:s0+s3] =	stream.linear.scatter [tilespmem:s1], [sflag:$0x7], $0x80, $0x38;
	[tilespmem:$0x17400] =	vst v63  }
0x5d0: {  	s13 =	sadd.s32 $0x10, s0;
	s10 =	simm.s32 $0x12C90  }
0x5d1: {  	[hbm4b:s13+s3] =	stream.linear.scatter [tilespmem:s10], [sflag:$0x7], $0x80, $0x38;
	[tilespmem:$0x17400] =	vst v63  }
0x5d2: {  	s14 =	simm.s32 $0x12D20;
	s18 =	sadd.s32 $0x20, s0  }
0x5d3: {  	[hbm4b:s18+s3] =	stream.linear.scatter [tilespmem:s14], [sflag:$0x7], $0x80, $0x38;
	[tilespmem:$0x17400] =	vst v63  }
0x5d4: {  	s10 =	simm.s32 $0x12DB0;
	s13 =	sadd.s32 $0x30, s0  }
0x5d5: {  	[hbm4b:s13+s3] =	stream.linear.scatter [tilespmem:s10], [sflag:$0x7], $0x80, $0x38;
	[tilespmem:$0x17400] =	vst v63  }
0x5d6: {  	s14 =	simm.s32 $0x12E40;
	s18 =	sadd.s32 $0x40, s0  }
0x5d7: {  	[hbm4b:s18+s3] =	stream.linear.scatter [tilespmem:s14], [sflag:$0x7], $0x80, $0x38;
	[tilespmem:$0x17400] =	vst v63  }
0x5d8: {  	s5 =	simm.s32 $0x480;
	s10 =	simm.s32 $0x12ED0;
	s13 =	sadd.s32 $0x50, s0  }
0x5d9: {  	[hbm4b:s13+s3] =	stream.linear.scatter [tilespmem:s10], [sflag:$0x7], $0x80, $0x38;
	[tilespmem:$0x17400] =	vst v63  }
0x5da: {  	s1 =	sadd.s32 $0x70, s0;
	s14 =	simm.s32 $0x12F60;
	s18 =	sadd.s32 $0x60, s0  }
0x5db: {  	[hbm4b:s18+s3] =	stream.linear.scatter [tilespmem:s14], [sflag:$0x7], $0x80, $0x38;
	[tilespmem:$0x17400] =	vst v63  }
0x5dc: {  	s13 =	simm.s32 $0x2400;
	s10 =	sadd.s32 $0x1000, s0;
	s18 =	simm.s32 $0x12FF0  }
.LBB2_21:
0x5dd: {  	[hbm4b:s1+s3] =	stream.linear.scatter [tilespmem:s18], [sflag:$0x7], $0x80, $0x38;
	[tilespmem:$0x17400] =	vst v63  }
0x5de: {  	s0 =	smov.u32 s5;
	s1 =	smov.u32 s13  }
0x5df: {  	s14 =	sadd.s32 $0x1200, s13;
	s5 =	sshra.s32 s1, $0x2;
	s1 =	sadd.s32 $0x12C00, s0  }
0x5e0: {  	[hbm4b:s10+s3] =	stream.linear.scatter [tilespmem:s1], [sflag:$0x7], $0x80, $0x38;
	[tilespmem:$0x17400] =	vst v63  }
0x5e1: {  	p2 =	sne.s32 s13, $0x7E00;
	s13 =	sadd.s32 $0x10, s10;
	s1 =	sadd.s32 $0x12C90, s0  }
0x5e2: {  	[hbm4b:s13+s3] =	stream.linear.scatter [tilespmem:s1], [sflag:$0x7], $0x80, $0x38;
	[tilespmem:$0x17400] =	vst v63  }
0x5e3: {  	s1 =	sadd.s32 $0x12D20, s0;
	s13 =	sadd.s32 $0x20, s10  }
0x5e4: {  	[hbm4b:s13+s3] =	stream.linear.scatter [tilespmem:s1], [sflag:$0x7], $0x80, $0x38;
	[tilespmem:$0x17400] =	vst v63  }
0x5e5: {  	s1 =	sadd.s32 $0x12DB0, s0;
	s13 =	sadd.s32 $0x30, s10  }
0x5e6: {  	[hbm4b:s13+s3] =	stream.linear.scatter [tilespmem:s1], [sflag:$0x7], $0x80, $0x38;
	[tilespmem:$0x17400] =	vst v63  }
0x5e7: {  	s1 =	sadd.s32 $0x12E40, s0;
	s13 =	sadd.s32 $0x40, s10  }
0x5e8: {  	[hbm4b:s13+s3] =	stream.linear.scatter [tilespmem:s1], [sflag:$0x7], $0x80, $0x38;
	[tilespmem:$0x17400] =	vst v63  }
.Ltmp13:
0x5e9: {  	s1 =	sadd.s32 $0x12ED0, s0;
	s13 =	sadd.s32 $0x50, s10;
	(pc) =	sbr.rel @p2 .LBB2_21-.Ltmp13, $4  }
0x5ea: {  	[hbm4b:s13+s3] =	stream.linear.scatter [tilespmem:s1], [sflag:$0x7], $0x80, $0x38;
	[tilespmem:$0x17400] =	vst v63  }
0x5eb: {  	s18 =	sadd.s32 $0x12FF0, s0;
	s1 =	sadd.s32 $0x12F60, s0;
	s13 =	sadd.s32 $0x60, s10  }
0x5ec: {  	[hbm4b:s13+s3] =	stream.linear.scatter [tilespmem:s1], [sflag:$0x7], $0x80, $0x38;
	[tilespmem:$0x17400] =	vst v63  }
0x5ed: {  	s1 =	sadd.s32 $0x70, s10;
	s10 =	sadd.s32 $0x1000, s10;
	s13 =	smov.u32 s14  }
0x5ee: {  	[hbm4b:s1+s3] =	stream.linear.scatter [tilespmem:s18], [sflag:$0x7], $0x80, $0x38;
	[tilespmem:$0x17400] =	vst v63  }
0x5ef: {  	s0 =	sadd.s32 $0x12C00, s5  }
0x5f0: {  	[hbm4b:s10+s3] =	stream.linear.scatter [tilespmem:s0], [sflag:$0x7], $0x80, $0x38;
	[tilespmem:$0x17400] =	vst v63  }
0x5f1: {  	s14 =	sadd.s32 $0x12C90, s5;
	s18 =	sadd.s32 $0x10, s10  }
0x5f2: {  	[hbm4b:s18+s3] =	stream.linear.scatter [tilespmem:s14], [sflag:$0x7], $0x80, $0x38;
	[tilespmem:$0x17400] =	vst v63  }
0x5f3: {  	s1 =	sadd.s32 $0x12D20, s5;
	s13 =	sadd.s32 $0x20, s10  }
0x5f4: {  	[hbm4b:s13+s3] =	stream.linear.scatter [tilespmem:s1], [sflag:$0x7], $0x80, $0x38;
	[tilespmem:$0x17400] =	vst v63  }
0x5f5: {  	s14 =	sadd.s32 $0x12DB0, s5;
	s18 =	sadd.s32 $0x30, s10  }
0x5f6: {  	[hbm4b:s18+s3] =	stream.linear.scatter [tilespmem:s14], [sflag:$0x7], $0x80, $0x38;
	[tilespmem:$0x17400] =	vst v63  }
0x5f7: {  	s1 =	sadd.s32 $0x12E40, s5;
	s13 =	sadd.s32 $0x40, s10  }
0x5f8: {  	[hbm4b:s13+s3] =	stream.linear.scatter [tilespmem:s1], [sflag:$0x7], $0x80, $0x38;
	[tilespmem:$0x17400] =	vst v63  }
0x5f9: {  	s14 =	sadd.s32 $0x12ED0, s5;
	s18 =	sadd.s32 $0x50, s10  }
0x5fa: {  	[hbm4b:s18+s3] =	stream.linear.scatter [tilespmem:s14], [sflag:$0x7], $0x80, $0x38;
	[tilespmem:$0x17400] =	vst v63  }
.Ltmp14:
0x5fb: {  	_ = 	snop;
	(pc) =	sbr.rel @p1 .LBB2_24-.Ltmp14, $4  }
0x5fc: {  	s1 =	sadd.s32 $0x12F60, s5;
	s13 =	sadd.s32 $0x60, s10  }
0x5fd: {  	[hbm4b:s13+s3] =	stream.linear.scatter [tilespmem:s1], [sflag:$0x7], $0x80, $0x38;
	[tilespmem:$0x17400] =	vst v63  }
0x5fe: {  	s14 =	sadd.s32 $0x12FF0, s5;
	s18 =	sadd.s32 $0x70, s10  }
0x5ff: {  	[hbm4b:s18+s3] =	stream.linear.scatter [tilespmem:s14], [sflag:$0x7], $0x80, $0x38;
	[tilespmem:$0x17400] =	vst v63  }
.Ltmp15:
0x600: {  	(pc) =	sbr.rel .LBB2_25-.Ltmp15, $4  }
0x601: {  	_ = 	snop  }
0x602: {  	_ =	swait.ge [sflag:s29], $0x2000  }
0x603: {  	[sflag:s29] =	ssyncset.done $0x0  }
0x604: {  	[sflag:s29] =	ssyncadd.s32 $0xFFFFE000  }
.LBB2_24:
0x605: {  	s0 =	sshll.u32 s12, $0x9  }
0x606: {  	s0 =	sand.u32 $0x3FFFFE00, s0  }
.Ltmp16:
0x607: {  	s0 =	sadd.s32 $0x300, s0;
	(pc) =	sbr.rel @p0 .LBB2_26-.Ltmp16, $4  }
0x608: {  	[tilespmem:s17], [sflag:$0x3] =	stream.indirect.gather [hbm4b:s4+s11], $0x40, s0, s11, $0xb8;
	[tilespmem:$0x17400] =	vst v63  }
0x609: {  	_ =	swait.ge [sflag:s29], $0x2000  }
0x60a: {  	[sflag:s29] =	ssyncset.done $0x0  }
0x60b: {  	[sflag:s29] =	ssyncadd.s32 $0xFFFFE000  }
.LBB2_25:
0x60c: {  	_ =	swait.ge [sflag:s30], $0x2000  }
0x60d: {  	[sflag:s30] =	ssyncset.done $0x0  }
0x60e: {  	[sflag:s30] =	ssyncadd.s32 $0xFFFFE000  }
.LBB2_26:
0x60f: {  	s0 =	simm.s32 $0x0  }
0x610: {  	v33 =	vmov s0  }
0x611: {  	v33 =	vshrl.u32 v33, $0x3  }
0x612: {  	s18 =	simm.s32 $0xC5F0;
	v33 =	vshll.u32 v33, v1  }
0x613: {  	v34 =	vld [tilespmem:s18+$0xFFFFFE10];
	v33 =	vbroadcast v33, $0x0;
	_ =	sdelay $0x1  }
0x614: {  	v35 =	vadd.s32 v0, v33;
	_ =	sdelay $0x2  }
0x615: {  	v34 =	vmul.f32 $8.000000000e+00, v34;
	_ =	sdelay $0x1  }
0x616: {  	[tilespmem:v35+s31+$0x0] =	vst.idx.msk $0xffff, v34  }
0x617: {  	v34 =	vld [tilespmem:s18+$0xFFFFFE20];
	_ =	sdelay $0x1  }
0x618: {  	v54 =	vadd.s32 v2, v33;
	_ =	sdelay $0x2  }
0x619: {  	v34 =	vmul.f32 $8.000000000e+00, v34;
	_ =	sdelay $0x1  }
0x61a: {  	[tilespmem:v54+s31+$0x0] =	vst.idx.msk $0xffff, v34  }
0x61b: {  	v34 =	vld [tilespmem:s18+$0xFFFFFE30];
	_ =	sdelay $0x1  }
0x61c: {  	v55 =	vadd.s32 v3, v33;
	_ =	sdelay $0x2  }
0x61d: {  	v34 =	vmul.f32 $8.000000000e+00, v34;
	_ =	sdelay $0x1  }
0x61e: {  	[tilespmem:v55+s31+$0x0] =	vst.idx.msk $0xffff, v34  }
0x61f: {  	v34 =	vld [tilespmem:s18+$0xFFFFFE40];
	_ =	sdelay $0x1  }
0x620: {  	v33 =	vadd.s32 v4, v33;
	_ =	sdelay $0x1  }
0x621: {  	s13 =	simm.s32 $0x1  }
0x622: {  	v56 =	vmov s13;
	v34 =	vmul.f32 $8.000000000e+00, v34  }
0x623: {  	v35 =	vshrl.u32 v56, $0x3  }
0x624: {  	v57 =	vshll.u32 v35, v1;
	[tilespmem:v33+s31+$0x0] =	vst.idx.msk $0xffff, v34  }
0x625: {  	v33 =	vbroadcast v57, $0x0;
	v34 =	vld [tilespmem:s18+$0xFFFFFE50];
	_ =	sdelay $0x1  }
0x626: {  	v58 =	vadd.s32 v5, v33;
	_ =	sdelay $0x2  }
0x627: {  	v34 =	vmul.f32 $8.000000000e+00, v34;
	_ =	sdelay $0x1  }
0x628: {  	[tilespmem:v58+s31+$0x0] =	vst.idx.msk $0xffff, v34  }
0x629: {  	v34 =	vld [tilespmem:s18+$0xFFFFFE60];
	_ =	sdelay $0x1  }
0x62a: {  	v59 =	vadd.s32 v6, v33;
	_ =	sdelay $0x2  }
0x62b: {  	v34 =	vmul.f32 $8.000000000e+00, v34;
	_ =	sdelay $0x1  }
0x62c: {  	[tilespmem:v59+s31+$0x0] =	vst.idx.msk $0xffff, v34  }
0x62d: {  	v34 =	vld [tilespmem:s18+$0xFFFFFE70];
	_ =	sdelay $0x1  }
0x62e: {  	v60 =	vadd.s32 v7, v33;
	_ =	sdelay $0x2  }
0x62f: {  	v34 =	vmul.f32 $8.000000000e+00, v34;
	_ =	sdelay $0x1  }
0x630: {  	[tilespmem:v60+s31+$0x0] =	vst.idx.msk $0xffff, v34  }
0x631: {  	v34 =	vld [tilespmem:s18+$0xFFFFFE80];
	_ =	sdelay $0x1  }
0x632: {  	v33 =	vadd.s32 v8, v33;
	_ =	sdelay $0x1  }
0x633: {  	s14 =	simm.s32 $0x2  }
0x634: {  	v61 =	vmov s14;
	v34 =	vmul.f32 $8.000000000e+00, v34  }
0x635: {  	v35 =	vshrl.u32 v61, $0x3  }
0x636: {  	v62 =	vshll.u32 v35, v1;
	[tilespmem:v33+s31+$0x0] =	vst.idx.msk $0xffff, v34  }
0x637: {  	v33 =	vbroadcast v62, $0x0;
	v34 =	vld [tilespmem:s18+$0xFFFFFE90];
	_ =	sdelay $0x1  }
0x638: {  	v63 =	vadd.s32 v9, v33;
	_ =	sdelay $0x2  }
0x639: {  	v34 =	vmul.f32 $8.000000000e+00, v34;
	_ =	sdelay $0x1  }
0x63a: {  	[tilespmem:v63+s31+$0x0] =	vst.idx.msk $0xffff, v34  }
0x63b: {  	v34 =	vld [tilespmem:s18+$0xFFFFFEA0];
	_ =	sdelay $0x1  }
0x63c: {  	v36 =	vadd.s32 v10, v33;
	_ =	sdelay $0x2  }
0x63d: {  	v34 =	vmul.f32 $8.000000000e+00, v34;
	_ =	sdelay $0x1  }
0x63e: {  	[tilespmem:v36+s31+$0x0] =	vst.idx.msk $0xffff, v34  }
0x63f: {  	v34 =	vld [tilespmem:s18+$0xFFFFFEB0];
	_ =	sdelay $0x1  }
0x640: {  	v37 =	vadd.s32 v11, v33;
	_ =	sdelay $0x2  }
0x641: {  	v34 =	vmul.f32 $8.000000000e+00, v34;
	_ =	sdelay $0x1  }
0x642: {  	[tilespmem:v37+s31+$0x0] =	vst.idx.msk $0xffff, v34  }
0x643: {  	v34 =	vld [tilespmem:s18+$0xFFFFFEC0];
	_ =	sdelay $0x1  }
0x644: {  	v33 =	vadd.s32 v12, v33;
	_ =	sdelay $0x1  }
0x645: {  	s1 =	simm.s32 $0x3  }
0x646: {  	v38 =	vmov s1;
	v34 =	vmul.f32 $8.000000000e+00, v34  }
0x647: {  	v35 =	vshrl.u32 v38, $0x3  }
0x648: {  	v39 =	vshll.u32 v35, v1;
	[tilespmem:v33+s31+$0x0] =	vst.idx.msk $0xffff, v34  }
0x649: {  	v33 =	vbroadcast v39, $0x0;
	v34 =	vld [tilespmem:s18+$0xFFFFFED0];
	_ =	sdelay $0x1  }
0x64a: {  	v40 =	vadd.s32 v13, v33;
	_ =	sdelay $0x2  }
0x64b: {  	v34 =	vmul.f32 $8.000000000e+00, v34;
	_ =	sdelay $0x1  }
0x64c: {  	[tilespmem:v40+s31+$0x0] =	vst.idx.msk $0xffff, v34  }
0x64d: {  	v34 =	vld [tilespmem:s18+$0xFFFFFEE0];
	_ =	sdelay $0x1  }
0x64e: {  	v41 =	vadd.s32 v14, v33;
	_ =	sdelay $0x2  }
0x64f: {  	v34 =	vmul.f32 $8.000000000e+00, v34;
	_ =	sdelay $0x1  }
0x650: {  	[tilespmem:v41+s31+$0x0] =	vst.idx.msk $0xffff, v34  }
0x651: {  	v34 =	vld [tilespmem:s18+$0xFFFFFEF0];
	_ =	sdelay $0x1  }
0x652: {  	v42 =	vadd.s32 v15, v33;
	_ =	sdelay $0x2  }
0x653: {  	v34 =	vmul.f32 $8.000000000e+00, v34;
	_ =	sdelay $0x1  }
0x654: {  	[tilespmem:v42+s31+$0x0] =	vst.idx.msk $0xffff, v34  }
0x655: {  	v34 =	vld [tilespmem:s18+$0xFFFFFF00];
	_ =	sdelay $0x1  }
0x656: {  	v33 =	vadd.s32 v16, v33;
	_ =	sdelay $0x1  }
0x657: {  	s5 =	simm.s32 $0x4  }
0x658: {  	v43 =	vmov s5;
	v34 =	vmul.f32 $8.000000000e+00, v34  }
0x659: {  	v35 =	vshrl.u32 v43, $0x3  }
0x65a: {  	v44 =	vshll.u32 v35, v1;
	[tilespmem:v33+s31+$0x0] =	vst.idx.msk $0xffff, v34  }
0x65b: {  	v33 =	vbroadcast v44, $0x0;
	v34 =	vld [tilespmem:s18+$0xFFFFFF10];
	_ =	sdelay $0x1  }
0x65c: {  	v45 =	vadd.s32 v17, v33;
	_ =	sdelay $0x2  }
0x65d: {  	v34 =	vmul.f32 $8.000000000e+00, v34;
	_ =	sdelay $0x1  }
0x65e: {  	[tilespmem:v45+s31+$0x0] =	vst.idx.msk $0xffff, v34  }
0x65f: {  	v34 =	vld [tilespmem:s18+$0xFFFFFF20];
	_ =	sdelay $0x1  }
0x660: {  	v46 =	vadd.s32 v18, v33;
	_ =	sdelay $0x2  }
0x661: {  	v34 =	vmul.f32 $8.000000000e+00, v34;
	_ =	sdelay $0x1  }
0x662: {  	[tilespmem:v46+s31+$0x0] =	vst.idx.msk $0xffff, v34  }
0x663: {  	v34 =	vld [tilespmem:s18+$0xFFFFFF30];
	_ =	sdelay $0x1  }
0x664: {  	v47 =	vadd.s32 v19, v33;
	_ =	sdelay $0x2  }
0x665: {  	v34 =	vmul.f32 $8.000000000e+00, v34;
	_ =	sdelay $0x1  }
0x666: {  	[tilespmem:v47+s31+$0x0] =	vst.idx.msk $0xffff, v34  }
0x667: {  	v34 =	vld [tilespmem:s18+$0xFFFFFF40];
	_ =	sdelay $0x1  }
0x668: {  	v33 =	vadd.s32 v20, v33;
	_ =	sdelay $0x1  }
0x669: {  	s10 =	simm.s32 $0x5  }
0x66a: {  	v48 =	vmov s10;
	v34 =	vmul.f32 $8.000000000e+00, v34  }
0x66b: {  	v35 =	vshrl.u32 v48, $0x3  }
0x66c: {  	v49 =	vshll.u32 v35, v1;
	[tilespmem:v33+s31+$0x0] =	vst.idx.msk $0xffff, v34  }
0x66d: {  	v33 =	vbroadcast v49, $0x0;
	v34 =	vld [tilespmem:s18+$0xFFFFFF50];
	_ =	sdelay $0x1  }
0x66e: {  	v50 =	vadd.s32 v21, v33;
	_ =	sdelay $0x2  }
0x66f: {  	v34 =	vmul.f32 $8.000000000e+00, v34;
	_ =	sdelay $0x1  }
0x670: {  	[tilespmem:v50+s31+$0x0] =	vst.idx.msk $0xffff, v34  }
0x671: {  	v34 =	vld [tilespmem:s18+$0xFFFFFF60];
	_ =	sdelay $0x1  }
0x672: {  	v51 =	vadd.s32 v22, v33;
	_ =	sdelay $0x2  }
0x673: {  	v34 =	vmul.f32 $8.000000000e+00, v34;
	_ =	sdelay $0x1  }
0x674: {  	[tilespmem:v51+s31+$0x0] =	vst.idx.msk $0xffff, v34  }
0x675: {  	v34 =	vld [tilespmem:s18+$0xFFFFFF70];
	_ =	sdelay $0x1  }
0x676: {  	v52 =	vadd.s32 v23, v33;
	_ =	sdelay $0x2  }
0x677: {  	v34 =	vmul.f32 $8.000000000e+00, v34;
	_ =	sdelay $0x1  }
0x678: {  	[tilespmem:v52+s31+$0x0] =	vst.idx.msk $0xffff, v34  }
0x679: {  	v34 =	vld [tilespmem:s18+$0xFFFFFF80];
	_ =	sdelay $0x1  }
0x67a: {  	v33 =	vadd.s32 v24, v33;
	_ =	sdelay $0x1  }
0x67b: {  	s13 =	simm.s32 $0x6  }
0x67c: {  	v53 =	vmov s13;
	v34 =	vmul.f32 $8.000000000e+00, v34  }
0x67d: {  	v35 =	vshrl.u32 v53, $0x3  }
0x67e: {  	v54 =	vshll.u32 v35, v1;
	[tilespmem:v33+s31+$0x0] =	vst.idx.msk $0xffff, v34  }
0x67f: {  	v33 =	vbroadcast v54, $0x0;
	v34 =	vld [tilespmem:s18+$0xFFFFFF90];
	_ =	sdelay $0x1  }
0x680: {  	v55 =	vadd.s32 v25, v33;
	_ =	sdelay $0x2  }
0x681: {  	v34 =	vmul.f32 $8.000000000e+00, v34;
	_ =	sdelay $0x1  }
0x682: {  	[tilespmem:v55+s31+$0x0] =	vst.idx.msk $0xffff, v34  }
0x683: {  	v34 =	vld [tilespmem:s18+$0xFFFFFFA0];
	_ =	sdelay $0x1  }
0x684: {  	v56 =	vadd.s32 v26, v33;
	_ =	sdelay $0x2  }
0x685: {  	v34 =	vmul.f32 $8.000000000e+00, v34;
	_ =	sdelay $0x1  }
0x686: {  	[tilespmem:v56+s31+$0x0] =	vst.idx.msk $0xffff, v34  }
0x687: {  	v34 =	vld [tilespmem:s18+$0xFFFFFFB0];
	_ =	sdelay $0x1  }
0x688: {  	v57 =	vadd.s32 v27, v33;
	_ =	sdelay $0x2  }
0x689: {  	v34 =	vmul.f32 $8.000000000e+00, v34;
	_ =	sdelay $0x1  }
0x68a: {  	[tilespmem:v57+s31+$0x0] =	vst.idx.msk $0xffff, v34  }
0x68b: {  	v34 =	vld [tilespmem:s18+$0xFFFFFFC0];
	_ =	sdelay $0x1  }
0x68c: {  	v33 =	vadd.s32 v28, v33;
	_ =	sdelay $0x1  }
0x68d: {  	s14 =	simm.s32 $0x7  }
0x68e: {  	v58 =	vmov s14;
	v34 =	vmul.f32 $8.000000000e+00, v34  }
0x68f: {  	v35 =	vshrl.u32 v58, $0x3  }
0x690: {  	v59 =	vshll.u32 v35, v1;
	[tilespmem:v33+s31+$0x0] =	vst.idx.msk $0xffff, v34  }
0x691: {  	v33 =	vbroadcast v59, $0x0;
	v34 =	vld [tilespmem:s18+$0xFFFFFFD0];
	_ =	sdelay $0x1  }
0x692: {  	v60 =	vadd.s32 v29, v33;
	_ =	sdelay $0x2  }
0x693: {  	v34 =	vmul.f32 $8.000000000e+00, v34;
	_ =	sdelay $0x1  }
0x694: {  	[tilespmem:v60+s31+$0x0] =	vst.idx.msk $0xffff, v34  }
0x695: {  	v34 =	vld [tilespmem:s18+$0xFFFFFFE0];
	_ =	sdelay $0x1  }
0x696: {  	v61 =	vadd.s32 v30, v33;
	_ =	sdelay $0x2  }
0x697: {  	v34 =	vmul.f32 $8.000000000e+00, v34;
	_ =	sdelay $0x1  }
0x698: {  	[tilespmem:v61+s31+$0x0] =	vst.idx.msk $0xffff, v34  }
0x699: {  	v34 =	vld [tilespmem:s18+$0xFFFFFFF0];
	_ =	sdelay $0x1  }
0x69a: {  	v62 =	vadd.s32 v31, v33;
	_ =	sdelay $0x2  }
0x69b: {  	v34 =	vmul.f32 $8.000000000e+00, v34;
	_ =	sdelay $0x1  }
0x69c: {  	[tilespmem:v62+s31+$0x0] =	vst.idx.msk $0xffff, v34  }
0x69d: {  	v34 =	vld [tilespmem:s18+$0x0];
	_ =	sdelay $0x1  }
0x69e: {  	v33 =	vadd.s32 v32, v33  }
0x69f: {  	s5 =	simm.s32 $0x8  }
0x6a0: {  	v63 =	vmov s5  }
0x6a1: {  	s10 =	simm.s32 $0x10;
	v35 =	vshrl.u32 v63, $0x3;
	v34 =	vmul.f32 $8.000000000e+00, v34  }
.LBB2_27:
0x6a2: {  	p0 =	slt.u32 s10, $0x78  }
0x6a3: {  	v35 =	vshll.u32 v35, v1;
	[tilespmem:v33+s31+$0x0] =	vst.idx.msk $0xffff, v34;
	s18 =	sadd.s32 $0x200, s18;
	s13 =	smov.u32 s10;
	s10 =	sadd.s32 $0x8, s10  }
0x6a4: {  	v33 =	vld [tilespmem:s18+$0xFFFFFE10];
	v34 =	vbroadcast v35, $0x0;
	_ =	sdelay $0x1  }
0x6a5: {  	v35 =	vadd.s32 v0, v34;
	_ =	sdelay $0x2  }
0x6a6: {  	v33 =	vmul.f32 $8.000000000e+00, v33;
	_ =	sdelay $0x1  }
0x6a7: {  	[tilespmem:v35+s31+$0x0] =	vst.idx.msk $0xffff, v33  }
0x6a8: {  	v33 =	vld [tilespmem:s18+$0xFFFFFE20];
	_ =	sdelay $0x1  }
0x6a9: {  	v35 =	vadd.s32 v2, v34;
	_ =	sdelay $0x2  }
0x6aa: {  	v33 =	vmul.f32 $8.000000000e+00, v33;
	_ =	sdelay $0x1  }
0x6ab: {  	[tilespmem:v35+s31+$0x0] =	vst.idx.msk $0xffff, v33  }
0x6ac: {  	v33 =	vld [tilespmem:s18+$0xFFFFFE30];
	_ =	sdelay $0x1  }
0x6ad: {  	v35 =	vadd.s32 v3, v34;
	_ =	sdelay $0x2  }
0x6ae: {  	v33 =	vmul.f32 $8.000000000e+00, v33;
	_ =	sdelay $0x1  }
0x6af: {  	[tilespmem:v35+s31+$0x0] =	vst.idx.msk $0xffff, v33  }
0x6b0: {  	v33 =	vld [tilespmem:s18+$0xFFFFFE40];
	_ =	sdelay $0x1  }
0x6b1: {  	v34 =	vadd.s32 v4, v34;
	_ =	sdelay $0x1  }
0x6b2: {  	s0 =	sadd.s32 $0x1, s5  }
0x6b3: {  	v35 =	vmov s0;
	v33 =	vmul.f32 $8.000000000e+00, v33  }
0x6b4: {  	v35 =	vshrl.u32 v35, $0x3  }
0x6b5: {  	[tilespmem:v34+s31+$0x0] =	vst.idx.msk $0xffff, v33;
	v33 =	vshll.u32 v35, v1  }
0x6b6: {  	v34 =	vld [tilespmem:s18+$0xFFFFFE50];
	v33 =	vbroadcast v33, $0x0;
	_ =	sdelay $0x1  }
0x6b7: {  	v35 =	vadd.s32 v5, v33;
	_ =	sdelay $0x2  }
0x6b8: {  	v34 =	vmul.f32 $8.000000000e+00, v34;
	_ =	sdelay $0x1  }
0x6b9: {  	[tilespmem:v35+s31+$0x0] =	vst.idx.msk $0xffff, v34  }
0x6ba: {  	v34 =	vld [tilespmem:s18+$0xFFFFFE60];
	_ =	sdelay $0x1  }
0x6bb: {  	v35 =	vadd.s32 v6, v33;
	_ =	sdelay $0x2  }
0x6bc: {  	v34 =	vmul.f32 $8.000000000e+00, v34;
	_ =	sdelay $0x1  }
0x6bd: {  	[tilespmem:v35+s31+$0x0] =	vst.idx.msk $0xffff, v34  }
0x6be: {  	v34 =	vld [tilespmem:s18+$0xFFFFFE70];
	_ =	sdelay $0x1  }
0x6bf: {  	v35 =	vadd.s32 v7, v33;
	_ =	sdelay $0x2  }
0x6c0: {  	v34 =	vmul.f32 $8.000000000e+00, v34;
	_ =	sdelay $0x1  }
0x6c1: {  	[tilespmem:v35+s31+$0x0] =	vst.idx.msk $0xffff, v34  }
0x6c2: {  	v34 =	vld [tilespmem:s18+$0xFFFFFE80];
	_ =	sdelay $0x1  }
0x6c3: {  	v33 =	vadd.s32 v8, v33;
	_ =	sdelay $0x1  }
0x6c4: {  	s0 =	sadd.s32 $0x2, s5  }
0x6c5: {  	v35 =	vmov s0;
	v34 =	vmul.f32 $8.000000000e+00, v34  }
0x6c6: {  	v35 =	vshrl.u32 v35, $0x3  }
0x6c7: {  	[tilespmem:v33+s31+$0x0] =	vst.idx.msk $0xffff, v34;
	v33 =	vshll.u32 v35, v1  }
0x6c8: {  	v34 =	vld [tilespmem:s18+$0xFFFFFE90];
	v33 =	vbroadcast v33, $0x0;
	_ =	sdelay $0x1  }
0x6c9: {  	v35 =	vadd.s32 v9, v33;
	_ =	sdelay $0x2  }
0x6ca: {  	v34 =	vmul.f32 $8.000000000e+00, v34;
	_ =	sdelay $0x1  }
0x6cb: {  	[tilespmem:v35+s31+$0x0] =	vst.idx.msk $0xffff, v34  }
0x6cc: {  	v34 =	vld [tilespmem:s18+$0xFFFFFEA0];
	_ =	sdelay $0x1  }
0x6cd: {  	v35 =	vadd.s32 v10, v33;
	_ =	sdelay $0x2  }
0x6ce: {  	v34 =	vmul.f32 $8.000000000e+00, v34;
	_ =	sdelay $0x1  }
0x6cf: {  	[tilespmem:v35+s31+$0x0] =	vst.idx.msk $0xffff, v34  }
0x6d0: {  	v34 =	vld [tilespmem:s18+$0xFFFFFEB0];
	_ =	sdelay $0x1  }
0x6d1: {  	v35 =	vadd.s32 v11, v33;
	_ =	sdelay $0x2  }
0x6d2: {  	v34 =	vmul.f32 $8.000000000e+00, v34;
	_ =	sdelay $0x1  }
0x6d3: {  	[tilespmem:v35+s31+$0x0] =	vst.idx.msk $0xffff, v34  }
0x6d4: {  	v34 =	vld [tilespmem:s18+$0xFFFFFEC0];
	_ =	sdelay $0x1  }
0x6d5: {  	v33 =	vadd.s32 v12, v33;
	_ =	sdelay $0x1  }
0x6d6: {  	s0 =	sadd.s32 $0x3, s5  }
0x6d7: {  	v35 =	vmov s0;
	v34 =	vmul.f32 $8.000000000e+00, v34  }
0x6d8: {  	v35 =	vshrl.u32 v35, $0x3  }
0x6d9: {  	[tilespmem:v33+s31+$0x0] =	vst.idx.msk $0xffff, v34;
	v33 =	vshll.u32 v35, v1  }
0x6da: {  	v34 =	vld [tilespmem:s18+$0xFFFFFED0];
	v33 =	vbroadcast v33, $0x0;
	_ =	sdelay $0x1  }
0x6db: {  	v35 =	vadd.s32 v13, v33;
	_ =	sdelay $0x2  }
0x6dc: {  	v34 =	vmul.f32 $8.000000000e+00, v34;
	_ =	sdelay $0x1  }
0x6dd: {  	[tilespmem:v35+s31+$0x0] =	vst.idx.msk $0xffff, v34  }
0x6de: {  	v34 =	vld [tilespmem:s18+$0xFFFFFEE0];
	_ =	sdelay $0x1  }
0x6df: {  	v35 =	vadd.s32 v14, v33;
	_ =	sdelay $0x2  }
0x6e0: {  	v34 =	vmul.f32 $8.000000000e+00, v34;
	_ =	sdelay $0x1  }
0x6e1: {  	[tilespmem:v35+s31+$0x0] =	vst.idx.msk $0xffff, v34  }
0x6e2: {  	v34 =	vld [tilespmem:s18+$0xFFFFFEF0];
	_ =	sdelay $0x1  }
0x6e3: {  	v35 =	vadd.s32 v15, v33;
	_ =	sdelay $0x2  }
0x6e4: {  	v34 =	vmul.f32 $8.000000000e+00, v34;
	_ =	sdelay $0x1  }
0x6e5: {  	[tilespmem:v35+s31+$0x0] =	vst.idx.msk $0xffff, v34  }
0x6e6: {  	v34 =	vld [tilespmem:s18+$0xFFFFFF00];
	_ =	sdelay $0x1  }
0x6e7: {  	v33 =	vadd.s32 v16, v33;
	_ =	sdelay $0x1  }
0x6e8: {  	s0 =	sadd.s32 $0x4, s5  }
0x6e9: {  	v35 =	vmov s0;
	v34 =	vmul.f32 $8.000000000e+00, v34  }
0x6ea: {  	v35 =	vshrl.u32 v35, $0x3  }
0x6eb: {  	[tilespmem:v33+s31+$0x0] =	vst.idx.msk $0xffff, v34;
	v33 =	vshll.u32 v35, v1  }
0x6ec: {  	v34 =	vld [tilespmem:s18+$0xFFFFFF10];
	v33 =	vbroadcast v33, $0x0;
	_ =	sdelay $0x1  }
0x6ed: {  	v35 =	vadd.s32 v17, v33;
	_ =	sdelay $0x2  }
0x6ee: {  	v34 =	vmul.f32 $8.000000000e+00, v34;
	_ =	sdelay $0x1  }
0x6ef: {  	[tilespmem:v35+s31+$0x0] =	vst.idx.msk $0xffff, v34  }
0x6f0: {  	v34 =	vld [tilespmem:s18+$0xFFFFFF20];
	_ =	sdelay $0x1  }
0x6f1: {  	v35 =	vadd.s32 v18, v33;
	_ =	sdelay $0x2  }
0x6f2: {  	v34 =	vmul.f32 $8.000000000e+00, v34;
	_ =	sdelay $0x1  }
0x6f3: {  	[tilespmem:v35+s31+$0x0] =	vst.idx.msk $0xffff, v34  }
0x6f4: {  	v34 =	vld [tilespmem:s18+$0xFFFFFF30];
	_ =	sdelay $0x1  }
0x6f5: {  	v35 =	vadd.s32 v19, v33;
	_ =	sdelay $0x2  }
0x6f6: {  	v34 =	vmul.f32 $8.000000000e+00, v34;
	_ =	sdelay $0x1  }
0x6f7: {  	[tilespmem:v35+s31+$0x0] =	vst.idx.msk $0xffff, v34  }
0x6f8: {  	v34 =	vld [tilespmem:s18+$0xFFFFFF40];
	_ =	sdelay $0x1  }
0x6f9: {  	v33 =	vadd.s32 v20, v33;
	_ =	sdelay $0x1  }
0x6fa: {  	s0 =	sadd.s32 $0x5, s5  }
0x6fb: {  	v35 =	vmov s0;
	v34 =	vmul.f32 $8.000000000e+00, v34  }
0x6fc: {  	v35 =	vshrl.u32 v35, $0x3  }
0x6fd: {  	[tilespmem:v33+s31+$0x0] =	vst.idx.msk $0xffff, v34;
	v33 =	vshll.u32 v35, v1  }
0x6fe: {  	v34 =	vld [tilespmem:s18+$0xFFFFFF50];
	v33 =	vbroadcast v33, $0x0;
	_ =	sdelay $0x1  }
0x6ff: {  	v35 =	vadd.s32 v21, v33;
	_ =	sdelay $0x2  }
0x700: {  	v34 =	vmul.f32 $8.000000000e+00, v34;
	_ =	sdelay $0x1  }
0x701: {  	[tilespmem:v35+s31+$0x0] =	vst.idx.msk $0xffff, v34  }
0x702: {  	v34 =	vld [tilespmem:s18+$0xFFFFFF60];
	_ =	sdelay $0x1  }
0x703: {  	v35 =	vadd.s32 v22, v33;
	_ =	sdelay $0x2  }
0x704: {  	v34 =	vmul.f32 $8.000000000e+00, v34;
	_ =	sdelay $0x1  }
0x705: {  	[tilespmem:v35+s31+$0x0] =	vst.idx.msk $0xffff, v34  }
0x706: {  	v34 =	vld [tilespmem:s18+$0xFFFFFF70];
	_ =	sdelay $0x1  }
0x707: {  	v35 =	vadd.s32 v23, v33;
	_ =	sdelay $0x2  }
0x708: {  	v34 =	vmul.f32 $8.000000000e+00, v34;
	_ =	sdelay $0x1  }
0x709: {  	[tilespmem:v35+s31+$0x0] =	vst.idx.msk $0xffff, v34  }
0x70a: {  	v34 =	vld [tilespmem:s18+$0xFFFFFF80];
	_ =	sdelay $0x1  }
0x70b: {  	v33 =	vadd.s32 v24, v33;
	_ =	sdelay $0x1  }
0x70c: {  	s0 =	sadd.s32 $0x6, s5  }
0x70d: {  	v35 =	vmov s0;
	v34 =	vmul.f32 $8.000000000e+00, v34  }
0x70e: {  	v35 =	vshrl.u32 v35, $0x3  }
0x70f: {  	[tilespmem:v33+s31+$0x0] =	vst.idx.msk $0xffff, v34;
	v33 =	vshll.u32 v35, v1  }
0x710: {  	v34 =	vld [tilespmem:s18+$0xFFFFFF90];
	v33 =	vbroadcast v33, $0x0;
	_ =	sdelay $0x1  }
0x711: {  	v35 =	vadd.s32 v25, v33;
	_ =	sdelay $0x2  }
0x712: {  	v34 =	vmul.f32 $8.000000000e+00, v34;
	_ =	sdelay $0x1  }
0x713: {  	[tilespmem:v35+s31+$0x0] =	vst.idx.msk $0xffff, v34  }
0x714: {  	v34 =	vld [tilespmem:s18+$0xFFFFFFA0];
	_ =	sdelay $0x1  }
0x715: {  	v35 =	vadd.s32 v26, v33;
	_ =	sdelay $0x2  }
0x716: {  	v34 =	vmul.f32 $8.000000000e+00, v34;
	_ =	sdelay $0x1  }
0x717: {  	[tilespmem:v35+s31+$0x0] =	vst.idx.msk $0xffff, v34  }
0x718: {  	v34 =	vld [tilespmem:s18+$0xFFFFFFB0];
	_ =	sdelay $0x1  }
0x719: {  	v35 =	vadd.s32 v27, v33;
	_ =	sdelay $0x2  }
0x71a: {  	v34 =	vmul.f32 $8.000000000e+00, v34;
	_ =	sdelay $0x1  }
0x71b: {  	[tilespmem:v35+s31+$0x0] =	vst.idx.msk $0xffff, v34  }
0x71c: {  	v34 =	vld [tilespmem:s18+$0xFFFFFFC0];
	_ =	sdelay $0x1  }
0x71d: {  	v33 =	vadd.s32 v28, v33;
	_ =	sdelay $0x1  }
0x71e: {  	s0 =	sadd.s32 $0x7, s5;
	s5 =	smov.u32 s13  }
0x71f: {  	v35 =	vmov s0;
	v34 =	vmul.f32 $8.000000000e+00, v34  }
0x720: {  	v35 =	vshrl.u32 v35, $0x3  }
0x721: {  	[tilespmem:v33+s31+$0x0] =	vst.idx.msk $0xffff, v34;
	v33 =	vshll.u32 v35, v1  }
0x722: {  	v34 =	vld [tilespmem:s18+$0xFFFFFFD0];
	v33 =	vbroadcast v33, $0x0;
	_ =	sdelay $0x1  }
0x723: {  	v35 =	vadd.s32 v29, v33;
	_ =	sdelay $0x2  }
0x724: {  	v34 =	vmul.f32 $8.000000000e+00, v34;
	_ =	sdelay $0x1  }
0x725: {  	[tilespmem:v35+s31+$0x0] =	vst.idx.msk $0xffff, v34  }
0x726: {  	v34 =	vld [tilespmem:s18+$0xFFFFFFE0];
	_ =	sdelay $0x1  }
0x727: {  	v35 =	vadd.s32 v30, v33;
	_ =	sdelay $0x2  }
0x728: {  	v34 =	vmul.f32 $8.000000000e+00, v34;
	_ =	sdelay $0x1  }
0x729: {  	[tilespmem:v35+s31+$0x0] =	vst.idx.msk $0xffff, v34  }
0x72a: {  	v34 =	vld [tilespmem:s18+$0xFFFFFFF0];
	_ =	sdelay $0x1  }
0x72b: {  	v35 =	vadd.s32 v31, v33;
	_ =	sdelay $0x2  }
0x72c: {  	v34 =	vmul.f32 $8.000000000e+00, v34;
	_ =	sdelay $0x1  }
0x72d: {  	[tilespmem:v35+s31+$0x0] =	vst.idx.msk $0xffff, v34  }
0x72e: {  	v34 =	vld [tilespmem:s18+$0x0];
	_ =	sdelay $0x1  }
.Ltmp17:
0x72f: {  	v33 =	vadd.s32 v32, v33;
	(pc) =	sbr.rel @p0 .LBB2_27-.Ltmp17, $3  }
0x730: {  	_ =	sdelay $0x1  }
0x731: {  	v35 =	vmov s5;
	v34 =	vmul.f32 $8.000000000e+00, v34  }
0x732: {  	v35 =	vshrl.u32 v35, $0x3  }
0x733: {  	_ =	sdelay $0x3  }
0x734: {  	v35 =	vshll.u32 v35, v1;
	[tilespmem:v33+s31+$0x0] =	vst.idx.msk $0xffff, v34;
	s10 =	sadd.s32 $0x200, s18  }
0x735: {  	v33 =	vld [tilespmem:s10+$0xFFFFFE10];
	v54 =	vbroadcast v35, $0x0;
	_ =	sdelay $0x1  }
0x736: {  	v35 =	vadd.s32 v0, v54;
	_ =	sdelay $0x2  }
0x737: {  	v33 =	vmul.f32 $8.000000000e+00, v33;
	_ =	sdelay $0x1  }
0x738: {  	[tilespmem:v35+s31+$0x0] =	vst.idx.msk $0xffff, v33  }
0x739: {  	v33 =	vld [tilespmem:s10+$0xFFFFFE20];
	_ =	sdelay $0x1  }
0x73a: {  	v55 =	vadd.s32 v2, v54;
	_ =	sdelay $0x2  }
0x73b: {  	v33 =	vmul.f32 $8.000000000e+00, v33;
	_ =	sdelay $0x1  }
0x73c: {  	[tilespmem:v55+s31+$0x0] =	vst.idx.msk $0xffff, v33  }
0x73d: {  	v33 =	vld [tilespmem:s10+$0xFFFFFE30];
	_ =	sdelay $0x1  }
0x73e: {  	v56 =	vadd.s32 v3, v54;
	_ =	sdelay $0x2  }
0x73f: {  	v33 =	vmul.f32 $8.000000000e+00, v33;
	_ =	sdelay $0x1  }
0x740: {  	[tilespmem:v56+s31+$0x0] =	vst.idx.msk $0xffff, v33  }
0x741: {  	v33 =	vld [tilespmem:s10+$0xFFFFFE40];
	_ =	sdelay $0x1  }
0x742: {  	v34 =	vadd.s32 v4, v54;
	_ =	sdelay $0x1  }
0x743: {  	s0 =	sadd.s32 $0x1, s5  }
0x744: {  	v57 =	vmov s0;
	v33 =	vmul.f32 $8.000000000e+00, v33  }
0x745: {  	v35 =	vshrl.u32 v57, $0x3  }
0x746: {  	v58 =	vshll.u32 v35, v1;
	[tilespmem:v34+s31+$0x0] =	vst.idx.msk $0xffff, v33  }
0x747: {  	v33 =	vbroadcast v58, $0x0;
	v34 =	vld [tilespmem:s10+$0xFFFFFE50];
	_ =	sdelay $0x1  }
0x748: {  	v59 =	vadd.s32 v5, v33;
	_ =	sdelay $0x2  }
0x749: {  	v34 =	vmul.f32 $8.000000000e+00, v34;
	_ =	sdelay $0x1  }
0x74a: {  	[tilespmem:v59+s31+$0x0] =	vst.idx.msk $0xffff, v34  }
0x74b: {  	v34 =	vld [tilespmem:s10+$0xFFFFFE60];
	_ =	sdelay $0x1  }
0x74c: {  	v60 =	vadd.s32 v6, v33;
	_ =	sdelay $0x2  }
0x74d: {  	v34 =	vmul.f32 $8.000000000e+00, v34;
	_ =	sdelay $0x1  }
0x74e: {  	[tilespmem:v60+s31+$0x0] =	vst.idx.msk $0xffff, v34  }
0x74f: {  	v34 =	vld [tilespmem:s10+$0xFFFFFE70];
	_ =	sdelay $0x1  }
0x750: {  	v61 =	vadd.s32 v7, v33;
	_ =	sdelay $0x2  }
0x751: {  	v34 =	vmul.f32 $8.000000000e+00, v34;
	_ =	sdelay $0x1  }
0x752: {  	[tilespmem:v61+s31+$0x0] =	vst.idx.msk $0xffff, v34  }
0x753: {  	v34 =	vld [tilespmem:s10+$0xFFFFFE80];
	_ =	sdelay $0x1  }
0x754: {  	v33 =	vadd.s32 v8, v33;
	_ =	sdelay $0x1  }
0x755: {  	s18 =	sadd.s32 $0x2, s5  }
0x756: {  	v62 =	vmov s18;
	v34 =	vmul.f32 $8.000000000e+00, v34  }
0x757: {  	v35 =	vshrl.u32 v62, $0x3  }
0x758: {  	v63 =	vshll.u32 v35, v1;
	[tilespmem:v33+s31+$0x0] =	vst.idx.msk $0xffff, v34  }
0x759: {  	v33 =	vbroadcast v63, $0x0;
	v34 =	vld [tilespmem:s10+$0xFFFFFE90];
	_ =	sdelay $0x1  }
0x75a: {  	v36 =	vadd.s32 v9, v33;
	_ =	sdelay $0x2  }
0x75b: {  	v34 =	vmul.f32 $8.000000000e+00, v34;
	_ =	sdelay $0x1  }
0x75c: {  	[tilespmem:v36+s31+$0x0] =	vst.idx.msk $0xffff, v34  }
0x75d: {  	v34 =	vld [tilespmem:s10+$0xFFFFFEA0];
	_ =	sdelay $0x1  }
0x75e: {  	v37 =	vadd.s32 v10, v33;
	_ =	sdelay $0x2  }
0x75f: {  	v34 =	vmul.f32 $8.000000000e+00, v34;
	_ =	sdelay $0x1  }
0x760: {  	[tilespmem:v37+s31+$0x0] =	vst.idx.msk $0xffff, v34  }
0x761: {  	v34 =	vld [tilespmem:s10+$0xFFFFFEB0];
	_ =	sdelay $0x1  }
0x762: {  	v38 =	vadd.s32 v11, v33;
	_ =	sdelay $0x2  }
0x763: {  	v34 =	vmul.f32 $8.000000000e+00, v34;
	_ =	sdelay $0x1  }
0x764: {  	[tilespmem:v38+s31+$0x0] =	vst.idx.msk $0xffff, v34  }
0x765: {  	v34 =	vld [tilespmem:s10+$0xFFFFFEC0];
	_ =	sdelay $0x1  }
0x766: {  	v33 =	vadd.s32 v12, v33;
	_ =	sdelay $0x1  }
0x767: {  	s1 =	sadd.s32 $0x3, s5  }
0x768: {  	v39 =	vmov s1;
	v34 =	vmul.f32 $8.000000000e+00, v34  }
0x769: {  	v35 =	vshrl.u32 v39, $0x3  }
0x76a: {  	v40 =	vshll.u32 v35, v1;
	[tilespmem:v33+s31+$0x0] =	vst.idx.msk $0xffff, v34  }
0x76b: {  	v33 =	vbroadcast v40, $0x0;
	v34 =	vld [tilespmem:s10+$0xFFFFFED0];
	_ =	sdelay $0x1  }
0x76c: {  	v41 =	vadd.s32 v13, v33;
	_ =	sdelay $0x2  }
0x76d: {  	v34 =	vmul.f32 $8.000000000e+00, v34;
	_ =	sdelay $0x1  }
0x76e: {  	[tilespmem:v41+s31+$0x0] =	vst.idx.msk $0xffff, v34  }
0x76f: {  	v34 =	vld [tilespmem:s10+$0xFFFFFEE0];
	_ =	sdelay $0x1  }
0x770: {  	v42 =	vadd.s32 v14, v33;
	_ =	sdelay $0x2  }
0x771: {  	v34 =	vmul.f32 $8.000000000e+00, v34;
	_ =	sdelay $0x1  }
0x772: {  	[tilespmem:v42+s31+$0x0] =	vst.idx.msk $0xffff, v34  }
0x773: {  	v34 =	vld [tilespmem:s10+$0xFFFFFEF0];
	_ =	sdelay $0x1  }
0x774: {  	v43 =	vadd.s32 v15, v33;
	_ =	sdelay $0x2  }
0x775: {  	v34 =	vmul.f32 $8.000000000e+00, v34;
	_ =	sdelay $0x1  }
0x776: {  	[tilespmem:v43+s31+$0x0] =	vst.idx.msk $0xffff, v34  }
0x777: {  	v34 =	vld [tilespmem:s10+$0xFFFFFF00];
	_ =	sdelay $0x1  }
0x778: {  	v33 =	vadd.s32 v16, v33;
	_ =	sdelay $0x1  }
0x779: {  	s13 =	sadd.s32 $0x4, s5  }
0x77a: {  	v44 =	vmov s13;
	v34 =	vmul.f32 $8.000000000e+00, v34  }
0x77b: {  	v35 =	vshrl.u32 v44, $0x3  }
0x77c: {  	v45 =	vshll.u32 v35, v1;
	[tilespmem:v33+s31+$0x0] =	vst.idx.msk $0xffff, v34  }
0x77d: {  	v33 =	vbroadcast v45, $0x0;
	v34 =	vld [tilespmem:s10+$0xFFFFFF10];
	_ =	sdelay $0x1  }
0x77e: {  	v46 =	vadd.s32 v17, v33;
	_ =	sdelay $0x2  }
0x77f: {  	v34 =	vmul.f32 $8.000000000e+00, v34;
	_ =	sdelay $0x1  }
0x780: {  	[tilespmem:v46+s31+$0x0] =	vst.idx.msk $0xffff, v34  }
0x781: {  	v34 =	vld [tilespmem:s10+$0xFFFFFF20];
	_ =	sdelay $0x1  }
0x782: {  	v47 =	vadd.s32 v18, v33;
	_ =	sdelay $0x2  }
0x783: {  	v34 =	vmul.f32 $8.000000000e+00, v34;
	_ =	sdelay $0x1  }
0x784: {  	[tilespmem:v47+s31+$0x0] =	vst.idx.msk $0xffff, v34  }
0x785: {  	v34 =	vld [tilespmem:s10+$0xFFFFFF30];
	_ =	sdelay $0x1  }
0x786: {  	v48 =	vadd.s32 v19, v33;
	_ =	sdelay $0x2  }
0x787: {  	v34 =	vmul.f32 $8.000000000e+00, v34;
	_ =	sdelay $0x1  }
0x788: {  	[tilespmem:v48+s31+$0x0] =	vst.idx.msk $0xffff, v34  }
0x789: {  	v34 =	vld [tilespmem:s10+$0xFFFFFF40];
	_ =	sdelay $0x1  }
0x78a: {  	v33 =	vadd.s32 v20, v33;
	_ =	sdelay $0x1  }
0x78b: {  	s14 =	sadd.s32 $0x5, s5  }
0x78c: {  	v49 =	vmov s14;
	v34 =	vmul.f32 $8.000000000e+00, v34  }
0x78d: {  	v35 =	vshrl.u32 v49, $0x3  }
0x78e: {  	v50 =	vshll.u32 v35, v1;
	[tilespmem:v33+s31+$0x0] =	vst.idx.msk $0xffff, v34  }
0x78f: {  	v33 =	vbroadcast v50, $0x0;
	v34 =	vld [tilespmem:s10+$0xFFFFFF50];
	_ =	sdelay $0x1  }
0x790: {  	v51 =	vadd.s32 v21, v33;
	_ =	sdelay $0x2  }
0x791: {  	v34 =	vmul.f32 $8.000000000e+00, v34;
	_ =	sdelay $0x1  }
0x792: {  	[tilespmem:v51+s31+$0x0] =	vst.idx.msk $0xffff, v34  }
0x793: {  	v34 =	vld [tilespmem:s10+$0xFFFFFF60];
	_ =	sdelay $0x1  }
0x794: {  	v52 =	vadd.s32 v22, v33;
	_ =	sdelay $0x2  }
0x795: {  	v34 =	vmul.f32 $8.000000000e+00, v34;
	_ =	sdelay $0x1  }
0x796: {  	[tilespmem:v52+s31+$0x0] =	vst.idx.msk $0xffff, v34  }
0x797: {  	v34 =	vld [tilespmem:s10+$0xFFFFFF70];
	_ =	sdelay $0x1  }
0x798: {  	v53 =	vadd.s32 v23, v33;
	_ =	sdelay $0x2  }
0x799: {  	v34 =	vmul.f32 $8.000000000e+00, v34;
	_ =	sdelay $0x1  }
0x79a: {  	[tilespmem:v53+s31+$0x0] =	vst.idx.msk $0xffff, v34  }
0x79b: {  	v34 =	vld [tilespmem:s10+$0xFFFFFF80];
	_ =	sdelay $0x1  }
0x79c: {  	v33 =	vadd.s32 v24, v33;
	_ =	sdelay $0x1  }
0x79d: {  	s18 =	sadd.s32 $0x6, s5  }
0x79e: {  	v54 =	vmov s18;
	v34 =	vmul.f32 $8.000000000e+00, v34  }
0x79f: {  	v35 =	vshrl.u32 v54, $0x3  }
0x7a0: {  	v55 =	vshll.u32 v35, v1;
	[tilespmem:v33+s31+$0x0] =	vst.idx.msk $0xffff, v34  }
0x7a1: {  	v33 =	vbroadcast v55, $0x0;
	v34 =	vld [tilespmem:s10+$0xFFFFFF90];
	_ =	sdelay $0x1  }
0x7a2: {  	v56 =	vadd.s32 v25, v33;
	_ =	sdelay $0x2  }
0x7a3: {  	v34 =	vmul.f32 $8.000000000e+00, v34;
	_ =	sdelay $0x1  }
0x7a4: {  	[tilespmem:v56+s31+$0x0] =	vst.idx.msk $0xffff, v34  }
0x7a5: {  	v34 =	vld [tilespmem:s10+$0xFFFFFFA0];
	_ =	sdelay $0x1  }
0x7a6: {  	v57 =	vadd.s32 v26, v33;
	_ =	sdelay $0x2  }
0x7a7: {  	v34 =	vmul.f32 $8.000000000e+00, v34;
	_ =	sdelay $0x1  }
0x7a8: {  	[tilespmem:v57+s31+$0x0] =	vst.idx.msk $0xffff, v34  }
0x7a9: {  	v34 =	vld [tilespmem:s10+$0xFFFFFFB0];
	_ =	sdelay $0x1  }
0x7aa: {  	v58 =	vadd.s32 v27, v33;
	_ =	sdelay $0x2  }
0x7ab: {  	v34 =	vmul.f32 $8.000000000e+00, v34;
	_ =	sdelay $0x1  }
0x7ac: {  	[tilespmem:v58+s31+$0x0] =	vst.idx.msk $0xffff, v34  }
0x7ad: {  	v34 =	vld [tilespmem:s10+$0xFFFFFFC0];
	_ =	sdelay $0x1  }
0x7ae: {  	v33 =	vadd.s32 v28, v33;
	_ =	sdelay $0x1  }
0x7af: {  	s1 =	sadd.s32 $0x7, s5  }
0x7b0: {  	v59 =	vmov s1;
	v34 =	vmul.f32 $8.000000000e+00, v34  }
0x7b1: {  	v35 =	vshrl.u32 v59, $0x3  }
0x7b2: {  	v60 =	vshll.u32 v35, v1;
	[tilespmem:v33+s31+$0x0] =	vst.idx.msk $0xffff, v34  }
0x7b3: {  	v33 =	vbroadcast v60, $0x0;
	v34 =	vld [tilespmem:s10+$0xFFFFFFD0];
	_ =	sdelay $0x1  }
0x7b4: {  	v61 =	vadd.s32 v29, v33;
	_ =	sdelay $0x2  }
0x7b5: {  	v34 =	vmul.f32 $8.000000000e+00, v34;
	_ =	sdelay $0x1  }
0x7b6: {  	[tilespmem:v61+s31+$0x0] =	vst.idx.msk $0xffff, v34  }
0x7b7: {  	v34 =	vld [tilespmem:s10+$0xFFFFFFE0];
	_ =	sdelay $0x1  }
0x7b8: {  	v62 =	vadd.s32 v30, v33;
	_ =	sdelay $0x2  }
0x7b9: {  	v34 =	vmul.f32 $8.000000000e+00, v34;
	_ =	sdelay $0x1  }
0x7ba: {  	[tilespmem:v62+s31+$0x0] =	vst.idx.msk $0xffff, v34  }
0x7bb: {  	v34 =	vld [tilespmem:s10+$0xFFFFFFF0];
	_ =	sdelay $0x1  }
0x7bc: {  	v63 =	vadd.s32 v31, v33;
	_ =	sdelay $0x2  }
0x7bd: {  	v34 =	vmul.f32 $8.000000000e+00, v34;
	_ =	sdelay $0x1  }
0x7be: {  	[tilespmem:v63+s31+$0x0] =	vst.idx.msk $0xffff, v34  }
0x7bf: {  	v34 =	vld [tilespmem:s10+$0x0];
	_ =	sdelay $0x1  }
0x7c0: {  	v33 =	vadd.s32 v32, v33;
	_ =	sdelay $0x2  }
0x7c1: {  	v34 =	vmul.f32 $8.000000000e+00, v34;
	_ =	sdelay $0x1  }
0x7c2: {  	s0 =	sadd.s32 s16, s9;
	s1 =	simm.s32 $0x15000;
	[tilespmem:v33+s31+$0x0] =	vst.idx.msk $0xffff, v34  }
0x7c3: {  	[hbm4b:s0+s3] =	stream.linear.scatter [tilespmem:s1], [sflag:$0x8], $0x80, $0x38;
	[tilespmem:$0x17400] =	vst v63  }
0x7c4: {  	s5 =	simm.s32 $0x15090;
	s10 =	sadd.s32 $0x10, s0  }
0x7c5: {  	[hbm4b:s10+s3] =	stream.linear.scatter [tilespmem:s5], [sflag:$0x8], $0x80, $0x38;
	[tilespmem:$0x17400] =	vst v63  }
0x7c6: {  	s13 =	simm.s32 $0x15120;
	s14 =	sadd.s32 $0x20, s0  }
0x7c7: {  	[hbm4b:s14+s3] =	stream.linear.scatter [tilespmem:s13], [sflag:$0x8], $0x80, $0x38;
	[tilespmem:$0x17400] =	vst v63  }
0x7c8: {  	s16 =	simm.s32 $0x151B0;
	s18 =	sadd.s32 $0x30, s0  }
0x7c9: {  	[hbm4b:s18+s3] =	stream.linear.scatter [tilespmem:s16], [sflag:$0x8], $0x80, $0x38;
	[tilespmem:$0x17400] =	vst v63  }
0x7ca: {  	s5 =	simm.s32 $0x15240;
	s10 =	sadd.s32 $0x40, s0  }
0x7cb: {  	[hbm4b:s10+s3] =	stream.linear.scatter [tilespmem:s5], [sflag:$0x8], $0x80, $0x38;
	[tilespmem:$0x17400] =	vst v63  }
0x7cc: {  	s1 =	sadd.s32 $0x70, s0;
	s13 =	simm.s32 $0x152D0;
	s14 =	sadd.s32 $0x50, s0  }
0x7cd: {  	[hbm4b:s14+s3] =	stream.linear.scatter [tilespmem:s13], [sflag:$0x8], $0x80, $0x38;
	[tilespmem:$0x17400] =	vst v63  }
0x7ce: {  	s16 =	simm.s32 $0x15360;
	s18 =	sadd.s32 $0x60, s0;
	s5 =	simm.s32 $0x480  }
0x7cf: {  	[hbm4b:s18+s3] =	stream.linear.scatter [tilespmem:s16], [sflag:$0x8], $0x80, $0x38;
	[tilespmem:$0x17400] =	vst v63  }
0x7d0: {  	s10 =	sadd.s32 $0x1000, s0;
	s13 =	simm.s32 $0x2400;
	s16 =	simm.s32 $0x153F0  }
.LBB2_29:
0x7d1: {  	[hbm4b:s1+s3] =	stream.linear.scatter [tilespmem:s16], [sflag:$0x8], $0x80, $0x38;
	[tilespmem:$0x17400] =	vst v63  }
0x7d2: {  	s0 =	smov.u32 s5;
	s1 =	smov.u32 s13  }
0x7d3: {  	s14 =	sadd.s32 $0x1200, s13;
	s5 =	sshra.s32 s1, $0x2;
	s1 =	sadd.s32 $0x15000, s0  }
0x7d4: {  	[hbm4b:s10+s3] =	stream.linear.scatter [tilespmem:s1], [sflag:$0x8], $0x80, $0x38;
	[tilespmem:$0x17400] =	vst v63  }
0x7d5: {  	p0 =	sne.s32 s13, $0x7E00;
	s13 =	sadd.s32 $0x10, s10;
	s1 =	sadd.s32 $0x15090, s0  }
0x7d6: {  	[hbm4b:s13+s3] =	stream.linear.scatter [tilespmem:s1], [sflag:$0x8], $0x80, $0x38;
	[tilespmem:$0x17400] =	vst v63  }
0x7d7: {  	s1 =	sadd.s32 $0x15120, s0;
	s13 =	sadd.s32 $0x20, s10  }
0x7d8: {  	[hbm4b:s13+s3] =	stream.linear.scatter [tilespmem:s1], [sflag:$0x8], $0x80, $0x38;
	[tilespmem:$0x17400] =	vst v63  }
0x7d9: {  	s1 =	sadd.s32 $0x151B0, s0;
	s13 =	sadd.s32 $0x30, s10  }
0x7da: {  	[hbm4b:s13+s3] =	stream.linear.scatter [tilespmem:s1], [sflag:$0x8], $0x80, $0x38;
	[tilespmem:$0x17400] =	vst v63  }
0x7db: {  	s1 =	sadd.s32 $0x15240, s0;
	s13 =	sadd.s32 $0x40, s10  }
0x7dc: {  	[hbm4b:s13+s3] =	stream.linear.scatter [tilespmem:s1], [sflag:$0x8], $0x80, $0x38;
	[tilespmem:$0x17400] =	vst v63  }
.Ltmp18:
0x7dd: {  	s1 =	sadd.s32 $0x152D0, s0;
	s13 =	sadd.s32 $0x50, s10;
	(pc) =	sbr.rel @p0 .LBB2_29-.Ltmp18, $4  }
0x7de: {  	[hbm4b:s13+s3] =	stream.linear.scatter [tilespmem:s1], [sflag:$0x8], $0x80, $0x38;
	[tilespmem:$0x17400] =	vst v63  }
0x7df: {  	s16 =	sadd.s32 $0x153F0, s0;
	s1 =	sadd.s32 $0x15360, s0;
	s13 =	sadd.s32 $0x60, s10  }
0x7e0: {  	[hbm4b:s13+s3] =	stream.linear.scatter [tilespmem:s1], [sflag:$0x8], $0x80, $0x38;
	[tilespmem:$0x17400] =	vst v63  }
0x7e1: {  	s1 =	sadd.s32 $0x70, s10;
	s10 =	sadd.s32 $0x1000, s10;
	s13 =	smov.u32 s14  }
0x7e2: {  	[hbm4b:s1+s3] =	stream.linear.scatter [tilespmem:s16], [sflag:$0x8], $0x80, $0x38;
	[tilespmem:$0x17400] =	vst v63  }
0x7e3: {  	s0 =	sadd.s32 $0x15000, s5  }
0x7e4: {  	[hbm4b:s10+s3] =	stream.linear.scatter [tilespmem:s0], [sflag:$0x8], $0x80, $0x38;
	[tilespmem:$0x17400] =	vst v63  }
0x7e5: {  	s16 =	sadd.s32 $0x15090, s5;
	s18 =	sadd.s32 $0x10, s10  }
0x7e6: {  	[hbm4b:s18+s3] =	stream.linear.scatter [tilespmem:s16], [sflag:$0x8], $0x80, $0x38;
	[tilespmem:$0x17400] =	vst v63  }
0x7e7: {  	s13 =	sadd.s32 $0x15120, s5;
	s14 =	sadd.s32 $0x20, s10  }
0x7e8: {  	[hbm4b:s14+s3] =	stream.linear.scatter [tilespmem:s13], [sflag:$0x8], $0x80, $0x38;
	[tilespmem:$0x17400] =	vst v63  }
0x7e9: {  	s16 =	sadd.s32 $0x151B0, s5;
	s18 =	sadd.s32 $0x30, s10  }
0x7ea: {  	[hbm4b:s18+s3] =	stream.linear.scatter [tilespmem:s16], [sflag:$0x8], $0x80, $0x38;
	[tilespmem:$0x17400] =	vst v63  }
0x7eb: {  	s13 =	sadd.s32 $0x15240, s5;
	s14 =	sadd.s32 $0x40, s10  }
0x7ec: {  	[hbm4b:s14+s3] =	stream.linear.scatter [tilespmem:s13], [sflag:$0x8], $0x80, $0x38;
	[tilespmem:$0x17400] =	vst v63  }
0x7ed: {  	p0 =	seq.s32 s12, $0x31;
	s16 =	sadd.s32 $0x152D0, s5;
	s18 =	sadd.s32 $0x50, s10  }
0x7ee: {  	[hbm4b:s18+s3] =	stream.linear.scatter [tilespmem:s16], [sflag:$0x8], $0x80, $0x38;
	[tilespmem:$0x17400] =	vst v63  }
.Ltmp19:
0x7ef: {  	_ = 	snop;
	(pc) =	sbr.rel @p0 .LBB2_32-.Ltmp19, $4  }
0x7f0: {  	s13 =	sadd.s32 $0x15360, s5;
	s14 =	sadd.s32 $0x60, s10  }
0x7f1: {  	[hbm4b:s14+s3] =	stream.linear.scatter [tilespmem:s13], [sflag:$0x8], $0x80, $0x38;
	[tilespmem:$0x17400] =	vst v63  }
0x7f2: {  	s16 =	sadd.s32 $0x153F0, s5;
	s18 =	sadd.s32 $0x70, s10  }
0x7f3: {  	[hbm4b:s18+s3] =	stream.linear.scatter [tilespmem:s16], [sflag:$0x8], $0x80, $0x38;
	[tilespmem:$0x17400] =	vst v63  }
.Ltmp20:
0x7f4: {  	(pc) =	sbr.rel .LBB2_2-.Ltmp20, $4  }
0x7f5: {  	s0 =	sshll.u32 s12, $0x9  }
0x7f6: {  	s0 =	sand.u32 $0x3FFFFE00, s0  }
0x7f7: {  	s12 =	sadd.s32 $0x1, s12;
	s0 =	sadd.s32 $0x380, s0  }
0x7f8: {  	[tilespmem:s19], [sflag:$0x4] =	stream.indirect.gather [hbm4b:s4+s11], $0x40, s0, s11, $0xb8;
	[tilespmem:$0x17400] =	vst v63  }
.LBB2_33:
0x7f9: {  	_ =	sfence.sel $0x180000  }
0x7fa: {  	[bflag:$0x0] =	sbarrier.arrive $0xFFFF  }
0x7fb: {  	_ =	strace $0x90000047  }
0x7fc: {  	s0 =	stileid.u32;
	[bflag:$0x2] =	sbarrier.arrive $0xFFFF  }
0x7fd: {  	p0 =	sne.s32 s0, $0x0;
	s0 =	rddreg [dreg:$0x2]  }
0x7fe: {  	s0 =	sadd.s32 @!p0 $0x100000, s0  }
0x7ff: {  	[sflag:s0] =	ssyncadd.tile.s32 @!p0 $0x1;
	_ =	shalt  }
.Lfunc_end2:
_tile_overlayer_lowered:
.L_overlay_start_2:
0x800: {  	(tag) =	ssettag $0x2  }
0x801: {  	s0 =	rddreg [dreg:$0x0];
	s2 =	stileid.u32  }
0x802: {  	s1 =	rddreg [dreg:$0x1];
	p0 =	sne.s32 s2, $0x0  }
0x803: {  	s3 =	rddreg [dreg:$0x2];
	[bflag:$0x3] =	sbarrier.arrive $0xFFFF;
	s2 =	simm.s32 @!p0 $0x1C09  }
0x804: {  	[timem:s3], [sflag:s2] =	dma.local @!p0 [hbm:s0], s1  }
0x805: {  	s0 =	simm.s32 @!p0 $0x9  }
0x806: {  	_ =	swait.ge @!p0 [sflag:s0], s1  }
0x807: {  	s1 =	ssub.s32 @!p0 $0x0, s1;
	[sflag:s0] =	ssyncset.done @!p0 $0x0  }
0x808: {  	[sflag:s0] =	ssyncadd.s32 @!p0 s1  }
0x809: {  	[bflag:$0x3] =	sbarrier.arrive $0xFFFF  }
0x80a: {  	_ =	shalt  }

</sc_bundles>
